<compile_context>
chip_gen: v7x
topology: tpu7x:2x2x1
jax: 0.10.2.dev20260603
libtpu: 0.0.44.dev20260713+nightly
codegen_flags: <defaults>
</compile_context>

<pallas_src>
import functools

import jax
import jax.numpy as jnp
from jax import lax
from jax.experimental import pallas as pl
from jax.experimental.pallas import tpu as pltpu
from jax.experimental.pallas import tpu_sc as plsc

N_ENTITY = 1000000
N_RELATION = 1000
DIM = 128
HALF = DIM // 2
BATCH = 16384

NUM_CORES = 2
NUM_SUBCORES = 16
NUM_WORKERS = NUM_CORES * NUM_SUBCORES
B_PER_W = BATCH // NUM_WORKERS
CHUNK = 64
N_CHUNKS = B_PER_W // CHUNK
NBUF = 4
LANES = 16
UNROLL = 1


def _score_body(h_hbm, r_hbm, t_hbm, ent_hbm, rel_hbm, out_hbm,
                idxht, idxr, hts, rels,
                out_v, sem_i, sems, sems_r):
    wid = lax.axis_index("c") * NUM_SUBCORES + lax.axis_index("s")
    base = wid * B_PER_W

    idx_cps = []
    for c in range(N_CHUNKS):
        off = base + c * CHUNK
        idx_cps.append(pltpu.async_copy(h_hbm.at[pl.ds(off, CHUNK)],
                                        idxht.at[c, pl.ds(0, CHUNK)], sem_i))
        idx_cps.append(pltpu.async_copy(t_hbm.at[pl.ds(off, CHUNK)],
                                        idxht.at[c, pl.ds(CHUNK, CHUNK)], sem_i))
    for sc in range(N_CHUNKS // 2):
        idx_cps.append(pltpu.async_copy(
            r_hbm.at[pl.ds(base + sc * 2 * CHUNK, 2 * CHUNK)], idxr.at[sc], sem_i))
    for cp in idx_cps:
        cp.wait()

    def fire(c):
        b = c % NBUF
        return pltpu.async_copy(ent_hbm.at[idxht.at[c]], hts[b], sems[b])

    def fire_rel(s):
        return pltpu.async_copy(rel_hbm.at[idxr.at[s]], rels[s % 2], sems_r[s % 2])

    inflight = {c: fire(c) for c in range(NBUF - 1)}
    relflight = {s: fire_rel(s) for s in range(min(2, N_CHUNKS // 2))}
    for c in range(N_CHUNKS):
        sc = c // 2
        if c + NBUF - 1 < N_CHUNKS:
            inflight[c + NBUF - 1] = fire(c + NBUF - 1)
        if c % 2 == 0:
            relflight.pop(sc).wait()
        inflight.pop(c).wait()
        head, rel = hts[c % NBUF], rels[sc % 2]
        tail = head

        for gi in range(CHUNK // LANES):
            rows = lax.iota(jnp.int32, LANES) + (gi * LANES)
            rows_t = rows + CHUNK
            rows_r = rows + ((c % 2) * CHUNK)

            def dim_step(q, acc):
                for u in range(UNROLL):
                    g = q * UNROLL + u
                    cr = (jnp.full((LANES,), g, jnp.int32)
                          + lax.iota(jnp.int32, LANES)) & (HALF - 1)
                    ci = cr + HALF
                    hr = plsc.load_gather(head, [rows, cr])
                    hi = plsc.load_gather(head, [rows, ci])
                    rr = plsc.load_gather(rel, [rows_r, cr])
                    ri = plsc.load_gather(rel, [rows_r, ci])
                    tr = plsc.load_gather(tail, [rows_t, cr])
                    ti = plsc.load_gather(tail, [rows_t, ci])
                    acc = acc + (hr * (rr * tr + ri * ti)
                                 + hi * (rr * ti - ri * tr))
                return acc

            acc = lax.fori_loop(0, HALF // UNROLL, dim_step,
                                jnp.zeros((LANES,), jnp.float32))
            out_v[pl.ds(c * CHUNK + gi * LANES, LANES)] = acc

        if c % 2 == 1 and sc + 2 < N_CHUNKS // 2:
            relflight[sc + 2] = fire_rel(sc + 2)

    pltpu.sync_copy(out_v, out_hbm.at[pl.ds(base, B_PER_W)])


def _body_wrapper(h_hbm, r_hbm, t_hbm, ent_hbm, rel_hbm, out_hbm, *scratch):
    idxht, idxr = scratch[0:2]
    hts = scratch[2:2 + NBUF]
    rels = scratch[2 + NBUF:4 + NBUF]
    out_v = scratch[4 + NBUF]
    sem_i = scratch[5 + NBUF]
    sems = scratch[6 + NBUF:6 + 2 * NBUF]
    sems_r = scratch[6 + 2 * NBUF:]
    _score_body(h_hbm, r_hbm, t_hbm, ent_hbm, rel_hbm, out_hbm,
                idxht, idxr, hts, rels, out_v, sem_i, sems, sems_r)


@jax.jit
def _scores(h, r, t, entity_embedding, relation_embedding):
    mesh = plsc.VectorSubcoreMesh(core_axis_name="c", subcore_axis_name="s")
    k = functools.partial(
        pl.kernel,
        mesh=mesh,
        compiler_params=pltpu.CompilerParams(
            needs_layout_passes=False,
            disable_bounds_checks=True,
            disable_semaphore_checks=True,
            skip_device_barrier=True,
        ),
        out_type=jax.ShapeDtypeStruct((BATCH,), jnp.float32),
        scratch_types=[
            pltpu.VMEM((N_CHUNKS, 2 * CHUNK), jnp.int32),
            pltpu.VMEM((N_CHUNKS // 2, 2 * CHUNK), jnp.int32),
            *([pltpu.VMEM((2 * CHUNK, DIM), jnp.float32)] * NBUF),
            *([pltpu.VMEM((2 * CHUNK, DIM), jnp.float32)] * 2),
            pltpu.VMEM((B_PER_W,), jnp.float32),
            *([pltpu.SemaphoreType.DMA] * (3 + NBUF)),
        ],
    )(_body_wrapper)
    return k(h, r, t, entity_embedding, relation_embedding)


def kernel(h, r, t, entity_embedding, relation_embedding):
    scores = _scores(h.astype(jnp.int32), r.astype(jnp.int32),
                     t.astype(jnp.int32), entity_embedding, relation_embedding)
    return scores.reshape(BATCH, 1)

# --- scband reference (transcript-rebuilt; emitter-appended) ---
"""Pipeline reference for scband-compl-ex-38474317038435 (READ-ONLY COPY).

The authoritative reference and input builder live on the scoring server;
editing this copy changes nothing except your own understanding.
"""

import jax, jax.numpy as jnp
import numpy as np

N_ENTITY = 1000000
N_RELATION = 1000
DIM = 128
GAMMA = 12
EMB_RANGE = (GAMMA + 2) / DIM  # uniform init range, matches torch init
BATCH = 16384


def setup_inputs(seed: int = 0) -> dict:
    key = jax.random.key(seed)
    k1, k2, k3, k4, k5 = jax.random.split(key, 5)
    entity_embedding = jax.random.uniform(
        k1, (N_ENTITY, DIM), dtype=jnp.float32,
        minval=-EMB_RANGE, maxval=EMB_RANGE)
    relation_embedding = jax.random.uniform(
        k2, (N_RELATION, DIM), dtype=jnp.float32,
        minval=-EMB_RANGE, maxval=EMB_RANGE)
    h = jax.random.randint(k3, (BATCH,), 0, N_ENTITY, dtype=jnp.int64 if jax.config.jax_enable_x64 else jnp.int32)
    r = jax.random.randint(k4, (BATCH,), 0, N_RELATION, dtype=jnp.int64 if jax.config.jax_enable_x64 else jnp.int32)
    t = jax.random.randint(k5, (BATCH,), 0, N_ENTITY, dtype=jnp.int64 if jax.config.jax_enable_x64 else jnp.int32)
    return {
        "h": h,
        "r": r,
        "t": t,
        "entity_embedding": entity_embedding,
        "relation_embedding": relation_embedding,
    }


def _complex_score(head, relation, tail):
    head_re, head_im = jnp.split(head, 2, axis=-1)
    relation_re, relation_im = jnp.split(relation, 2, axis=-1)
    tail_re, tail_im = jnp.split(tail, 2, axis=-1)
    score_re = head_re * relation_re - head_im * relation_im
    score_im = head_re * relation_im + head_im * relation_re
    result = score_re * tail_re + score_im * tail_im
    score = jnp.sum(result, axis=-1)
    return score


def reference(h, r, t, entity_embedding, relation_embedding):
    # h, r, t are 1-D -> unsqueeze(1) after lookup, as in the torch forward
    relation = jnp.take(relation_embedding, r, axis=0)[:, None, :]
    head = jnp.take(entity_embedding, h, axis=0)[:, None, :]
    tail = jnp.take(entity_embedding, t, axis=0)[:, None, :]
    return _complex_score(head, relation, tail)  # shape [B, 1]

if __name__ == "__main__":
    import jax
    _d = setup_inputs()
    print(jax.jit(kernel)(*tuple(_d.values())))

</pallas_src>

<mosaic_0001>
#map = affine_map<(d0, d1) -> (0)>
#map1 = affine_map<(d0, d1) -> (0, 0)>
module attributes {stable_mosaic.version = 14 : i64} {
  func.func @_body_wrapper(%arg0: i32, %arg1: i32, %arg2: memref<16384xi32, #tpu.memory_space<hbm>>, %arg3: memref<16384xi32, #tpu.memory_space<hbm>>, %arg4: memref<16384xi32, #tpu.memory_space<hbm>>, %arg5: memref<1000000x128xf32, #tpu.memory_space<hbm>>, %arg6: memref<1000x128xf32, #tpu.memory_space<hbm>>, %arg7: memref<16384xf32, #tpu.memory_space<hbm>>, %arg8: memref<8x128xi32, #tpu.memory_space<vmem>>, %arg9: memref<4x128xi32, #tpu.memory_space<vmem>>, %arg10: memref<128x128xf32, #tpu.memory_space<vmem>>, %arg11: memref<128x128xf32, #tpu.memory_space<vmem>>, %arg12: memref<128x128xf32, #tpu.memory_space<vmem>>, %arg13: memref<128x128xf32, #tpu.memory_space<vmem>>, %arg14: memref<128x128xf32, #tpu.memory_space<vmem>>, %arg15: memref<128x128xf32, #tpu.memory_space<vmem>>, %arg16: memref<512xf32, #tpu.memory_space<vmem>>, %arg17: memref<!tpu.dma_semaphore, #tpu.memory_space<semaphore_mem>>, %arg18: memref<!tpu.dma_semaphore, #tpu.memory_space<semaphore_mem>>, %arg19: memref<!tpu.dma_semaphore, #tpu.memory_space<semaphore_mem>>, %arg20: memref<!tpu.dma_semaphore, #tpu.memory_space<semaphore_mem>>, %arg21: memref<!tpu.dma_semaphore, #tpu.memory_space<semaphore_mem>>, %arg22: memref<!tpu.dma_semaphore, #tpu.memory_space<semaphore_mem>>, %arg23: memref<!tpu.dma_semaphore, #tpu.memory_space<semaphore_mem>>) attributes {dimension_semantics = [#tpu.dimension_semantics<core_parallel>, #tpu.dimension_semantics<subcore_parallel>], iteration_bounds = array<i64: 2, 16>, scalar_prefetch = 0 : i64, scratch_operands = 16 : i64, tpu.core_type = #tpu.core_type<sc_vector_subcore>, window_params = [{transform_indices = #map}, {transform_indices = #map}, {transform_indices = #map}, {transform_indices = #map1}, {transform_indices = #map1}, {transform_indices = #map}]} {
    %mul3A = arith.constant 16 : i32
    %mul3A_0 = arith.muli %arg0, %mul3A : i32
    %add3A = arith.addi %mul3A_0, %arg1 : i32
    %mul3A_1 = arith.constant 512 : i32
    %mul3A_2 = arith.muli %add3A, %mul3A_1 : i32
    %add3A_3 = arith.constant 0 : i32
    %add3A_4 = arith.addi %mul3A_2, %add3A_3 : i32
    %dma_start3A = arith.constant 0 : i32
    %dma_start3A_5 = arith.constant 0 : i32
    %dma_start3A_6 = tpu.memref_slice %arg8[%dma_start3A, %dma_start3A_5] : memref<8x128xi32, #tpu.memory_space<vmem>> -> memref<1x64xi32, #tpu.memory_space<vmem>>
    %dma_start3A_7 = tpu.memref_squeeze %dma_start3A_6 : memref<1x64xi32, #tpu.memory_space<vmem>> -> memref<64xi32, #tpu.memory_space<vmem>>
    %dma_start3A_8 = tpu.memref_slice %arg2[%add3A_4] : memref<16384xi32, #tpu.memory_space<hbm>> -> memref<64xi32, #tpu.memory_space<hbm>>
    %dma_start3A_9 = arith.constant 0 : i32
    %dma_start3A_10 = tpu.memref_slice %arg8[%dma_start3A, %dma_start3A_9] : memref<8x128xi32, #tpu.memory_space<vmem>> -> memref<1x64xi32, #tpu.memory_space<vmem>>
    %dma_start3A_11 = tpu.memref_squeeze %dma_start3A_10 : memref<1x64xi32, #tpu.memory_space<vmem>> -> memref<64xi32, #tpu.memory_space<vmem>>
    %dma_start3A_12 = tpu.memref_slice %arg2[%add3A_4] : memref<16384xi32, #tpu.memory_space<hbm>> -> memref<64xi32, #tpu.memory_space<hbm>>
    tpu.enqueue_dma source(%dma_start3A_12 : memref<64xi32, #tpu.memory_space<hbm>>) target(%dma_start3A_11 : memref<64xi32, #tpu.memory_space<vmem>>) target_semaphore(%arg17 : memref<!tpu.dma_semaphore, #tpu.memory_space<semaphore_mem>>)
    %dma_start3A_13 = arith.constant 0 : i32
    %dma_start3A_14 = arith.constant 64 : i32
    %dma_start3A_15 = tpu.memref_slice %arg8[%dma_start3A_13, %dma_start3A_14] : memref<8x128xi32, #tpu.memory_space<vmem>> -> memref<1x64xi32, #tpu.memory_space<vmem>>
    %dma_start3A_16 = tpu.memref_squeeze %dma_start3A_15 : memref<1x64xi32, #tpu.memory_space<vmem>> -> memref<64xi32, #tpu.memory_space<vmem>>
    %dma_start3A_17 = tpu.memref_slice %arg4[%add3A_4] : memref<16384xi32, #tpu.memory_space<hbm>> -> memref<64xi32, #tpu.memory_space<hbm>>
    %dma_start3A_18 = arith.constant 64 : i32
    %dma_start3A_19 = tpu.memref_slice %arg8[%dma_start3A_13, %dma_start3A_18] : memref<8x128xi32, #tpu.memory_space<vmem>> -> memref<1x64xi32, #tpu.memory_space<vmem>>
    %dma_start3A_20 = tpu.memref_squeeze %dma_start3A_19 : memref<1x64xi32, #tpu.memory_space<vmem>> -> memref<64xi32, #tpu.memory_space<vmem>>
    %dma_start3A_21 = tpu.memref_slice %arg4[%add3A_4] : memref<16384xi32, #tpu.memory_space<hbm>> -> memref<64xi32, #tpu.memory_space<hbm>>
    tpu.enqueue_dma source(%dma_start3A_21 : memref<64xi32, #tpu.memory_space<hbm>>) target(%dma_start3A_20 : memref<64xi32, #tpu.memory_space<vmem>>) target_semaphore(%arg17 : memref<!tpu.dma_semaphore, #tpu.memory_space<semaphore_mem>>)
    %add3A_22 = arith.constant 64 : i32
    %add3A_23 = arith.addi %mul3A_2, %add3A_22 : i32
    %dma_start3A_24 = arith.constant 1 : i32
    %dma_start3A_25 = arith.constant 0 : i32
    %dma_start3A_26 = tpu.memref_slice %arg8[%dma_start3A_24, %dma_start3A_25] : memref<8x128xi32, #tpu.memory_space<vmem>> -> memref<1x64xi32, #tpu.memory_space<vmem>>
    %dma_start3A_27 = tpu.memref_squeeze %dma_start3A_26 : memref<1x64xi32, #tpu.memory_space<vmem>> -> memref<64xi32, #tpu.memory_space<vmem>>
    %dma_start3A_28 = tpu.memref_slice %arg2[%add3A_23] : memref<16384xi32, #tpu.memory_space<hbm>> -> memref<64xi32, #tpu.memory_space<hbm>>
    %dma_start3A_29 = arith.constant 0 : i32
    %dma_start3A_30 = tpu.memref_slice %arg8[%dma_start3A_24, %dma_start3A_29] : memref<8x128xi32, #tpu.memory_space<vmem>> -> memref<1x64xi32, #tpu.memory_space<vmem>>
    %dma_start3A_31 = tpu.memref_squeeze %dma_start3A_30 : memref<1x64xi32, #tpu.memory_space<vmem>> -> memref<64xi32, #tpu.memory_space<vmem>>
    %dma_start3A_32 = tpu.memref_slice %arg2[%add3A_23] : memref<16384xi32, #tpu.memory_space<hbm>> -> memref<64xi32, #tpu.memory_space<hbm>>
    tpu.enqueue_dma source(%dma_start3A_32 : memref<64xi32, #tpu.memory_space<hbm>>) target(%dma_start3A_31 : memref<64xi32, #tpu.memory_space<vmem>>) target_semaphore(%arg17 : memref<!tpu.dma_semaphore, #tpu.memory_space<semaphore_mem>>)
    %dma_start3A_33 = arith.constant 1 : i32
    %dma_start3A_34 = arith.constant 64 : i32
    %dma_start3A_35 = tpu.memref_slice %arg8[%dma_start3A_33, %dma_start3A_34] : memref<8x128xi32, #tpu.memory_space<vmem>> -> memref<1x64xi32, #tpu.memory_space<vmem>>
    %dma_start3A_36 = tpu.memref_squeeze %dma_start3A_35 : memref<1x64xi32, #tpu.memory_space<vmem>> -> memref<64xi32, #tpu.memory_space<vmem>>
    %dma_start3A_37 = tpu.memref_slice %arg4[%add3A_23] : memref<16384xi32, #tpu.memory_space<hbm>> -> memref<64xi32, #tpu.memory_space<hbm>>
    %dma_start3A_38 = arith.constant 64 : i32
    %dma_start3A_39 = tpu.memref_slice %arg8[%dma_start3A_33, %dma_start3A_38] : memref<8x128xi32, #tpu.memory_space<vmem>> -> memref<1x64xi32, #tpu.memory_space<vmem>>
    %dma_start3A_40 = tpu.memref_squeeze %dma_start3A_39 : memref<1x64xi32, #tpu.memory_space<vmem>> -> memref<64xi32, #tpu.memory_space<vmem>>
    %dma_start3A_41 = tpu.memref_slice %arg4[%add3A_23] : memref<16384xi32, #tpu.memory_space<hbm>> -> memref<64xi32, #tpu.memory_space<hbm>>
    tpu.enqueue_dma source(%dma_start3A_41 : memref<64xi32, #tpu.memory_space<hbm>>) target(%dma_start3A_40 : memref<64xi32, #tpu.memory_space<vmem>>) target_semaphore(%arg17 : memref<!tpu.dma_semaphore, #tpu.memory_space<semaphore_mem>>)
    %add3A_42 = arith.constant 128 : i32
    %add3A_43 = arith.addi %mul3A_2, %add3A_42 : i32
    %dma_start3A_44 = arith.constant 2 : i32
    %dma_start3A_45 = arith.constant 0 : i32
    %dma_start3A_46 = tpu.memref_slice %arg8[%dma_start3A_44, %dma_start3A_45] : memref<8x128xi32, #tpu.memory_space<vmem>> -> memref<1x64xi32, #tpu.memory_space<vmem>>
    %dma_start3A_47 = tpu.memref_squeeze %dma_start3A_46 : memref<1x64xi32, #tpu.memory_space<vmem>> -> memref<64xi32, #tpu.memory_space<vmem>>
    %dma_start3A_48 = tpu.memref_slice %arg2[%add3A_43] : memref<16384xi32, #tpu.memory_space<hbm>> -> memref<64xi32, #tpu.memory_space<hbm>>
    %dma_start3A_49 = arith.constant 0 : i32
    %dma_start3A_50 = tpu.memref_slice %arg8[%dma_start3A_44, %dma_start3A_49] : memref<8x128xi32, #tpu.memory_space<vmem>> -> memref<1x64xi32, #tpu.memory_space<vmem>>
    %dma_start3A_51 = tpu.memref_squeeze %dma_start3A_50 : memref<1x64xi32, #tpu.memory_space<vmem>> -> memref<64xi32, #tpu.memory_space<vmem>>
    %dma_start3A_52 = tpu.memref_slice %arg2[%add3A_43] : memref<16384xi32, #tpu.memory_space<hbm>> -> memref<64xi32, #tpu.memory_space<hbm>>
    tpu.enqueue_dma source(%dma_start3A_52 : memref<64xi32, #tpu.memory_space<hbm>>) target(%dma_start3A_51 : memref<64xi32, #tpu.memory_space<vmem>>) target_semaphore(%arg17 : memref<!tpu.dma_semaphore, #tpu.memory_space<semaphore_mem>>)
    %dma_start3A_53 = arith.constant 2 : i32
    %dma_start3A_54 = arith.constant 64 : i32
    %dma_start3A_55 = tpu.memref_slice %arg8[%dma_start3A_53, %dma_start3A_54] : memref<8x128xi32, #tpu.memory_space<vmem>> -> memref<1x64xi32, #tpu.memory_space<vmem>>
    %dma_start3A_56 = tpu.memref_squeeze %dma_start3A_55 : memref<1x64xi32, #tpu.memory_space<vmem>> -> memref<64xi32, #tpu.memory_space<vmem>>
    %dma_start3A_57 = tpu.memref_slice %arg4[%add3A_43] : memref<16384xi32, #tpu.memory_space<hbm>> -> memref<64xi32, #tpu.memory_space<hbm>>
    %dma_start3A_58 = arith.constant 64 : i32
    %dma_start3A_59 = tpu.memref_slice %arg8[%dma_start3A_53, %dma_start3A_58] : memref<8x128xi32, #tpu.memory_space<vmem>> -> memref<1x64xi32, #tpu.memory_space<vmem>>
    %dma_start3A_60 = tpu.memref_squeeze %dma_start3A_59 : memref<1x64xi32, #tpu.memory_space<vmem>> -> memref<64xi32, #tpu.memory_space<vmem>>
    %dma_start3A_61 = tpu.memref_slice %arg4[%add3A_43] : memref<16384xi32, #tpu.memory_space<hbm>> -> memref<64xi32, #tpu.memory_space<hbm>>
    tpu.enqueue_dma source(%dma_start3A_61 : memref<64xi32, #tpu.memory_space<hbm>>) target(%dma_start3A_60 : memref<64xi32, #tpu.memory_space<vmem>>) target_semaphore(%arg17 : memref<!tpu.dma_semaphore, #tpu.memory_space<semaphore_mem>>)
    %add3A_62 = arith.constant 192 : i32
    %add3A_63 = arith.addi %mul3A_2, %add3A_62 : i32
    %dma_start3A_64 = arith.constant 3 : i32
    %dma_start3A_65 = arith.constant 0 : i32
    %dma_start3A_66 = tpu.memref_slice %arg8[%dma_start3A_64, %dma_start3A_65] : memref<8x128xi32, #tpu.memory_space<vmem>> -> memref<1x64xi32, #tpu.memory_space<vmem>>
    %dma_start3A_67 = tpu.memref_squeeze %dma_start3A_66 : memref<1x64xi32, #tpu.memory_space<vmem>> -> memref<64xi32, #tpu.memory_space<vmem>>
    %dma_start3A_68 = tpu.memref_slice %arg2[%add3A_63] : memref<16384xi32, #tpu.memory_space<hbm>> -> memref<64xi32, #tpu.memory_space<hbm>>
    %dma_start3A_69 = arith.constant 0 : i32
    %dma_start3A_70 = tpu.memref_slice %arg8[%dma_start3A_64, %dma_start3A_69] : memref<8x128xi32, #tpu.memory_space<vmem>> -> memref<1x64xi32, #tpu.memory_space<vmem>>
    %dma_start3A_71 = tpu.memref_squeeze %dma_start3A_70 : memref<1x64xi32, #tpu.memory_space<vmem>> -> memref<64xi32, #tpu.memory_space<vmem>>
    %dma_start3A_72 = tpu.memref_slice %arg2[%add3A_63] : memref<16384xi32, #tpu.memory_space<hbm>> -> memref<64xi32, #tpu.memory_space<hbm>>
    tpu.enqueue_dma source(%dma_start3A_72 : memref<64xi32, #tpu.memory_space<hbm>>) target(%dma_start3A_71 : memref<64xi32, #tpu.memory_space<vmem>>) target_semaphore(%arg17 : memref<!tpu.dma_semaphore, #tpu.memory_space<semaphore_mem>>)
    %dma_start3A_73 = arith.constant 3 : i32
    %dma_start3A_74 = arith.constant 64 : i32
    %dma_start3A_75 = tpu.memref_slice %arg8[%dma_start3A_73, %dma_start3A_74] : memref<8x128xi32, #tpu.memory_space<vmem>> -> memref<1x64xi32, #tpu.memory_space<vmem>>
    %dma_start3A_76 = tpu.memref_squeeze %dma_start3A_75 : memref<1x64xi32, #tpu.memory_space<vmem>> -> memref<64xi32, #tpu.memory_space<vmem>>
    %dma_start3A_77 = tpu.memref_slice %arg4[%add3A_63] : memref<16384xi32, #tpu.memory_space<hbm>> -> memref<64xi32, #tpu.memory_space<hbm>>
    %dma_start3A_78 = arith.constant 64 : i32
    %dma_start3A_79 = tpu.memref_slice %arg8[%dma_start3A_73, %dma_start3A_78] : memref<8x128xi32, #tpu.memory_space<vmem>> -> memref<1x64xi32, #tpu.memory_space<vmem>>
    %dma_start3A_80 = tpu.memref_squeeze %dma_start3A_79 : memref<1x64xi32, #tpu.memory_space<vmem>> -> memref<64xi32, #tpu.memory_space<vmem>>
    %dma_start3A_81 = tpu.memref_slice %arg4[%add3A_63] : memref<16384xi32, #tpu.memory_space<hbm>> -> memref<64xi32, #tpu.memory_space<hbm>>
    tpu.enqueue_dma source(%dma_start3A_81 : memref<64xi32, #tpu.memory_space<hbm>>) target(%dma_start3A_80 : memref<64xi32, #tpu.memory_space<vmem>>) target_semaphore(%arg17 : memref<!tpu.dma_semaphore, #tpu.memory_space<semaphore_mem>>)
    %add3A_82 = arith.constant 256 : i32
    %add3A_83 = arith.addi %mul3A_2, %add3A_82 : i32
    %dma_start3A_84 = arith.constant 4 : i32
    %dma_start3A_85 = arith.constant 0 : i32
    %dma_start3A_86 = tpu.memref_slice %arg8[%dma_start3A_84, %dma_start3A_85] : memref<8x128xi32, #tpu.memory_space<vmem>> -> memref<1x64xi32, #tpu.memory_space<vmem>>
    %dma_start3A_87 = tpu.memref_squeeze %dma_start3A_86 : memref<1x64xi32, #tpu.memory_space<vmem>> -> memref<64xi32, #tpu.memory_space<vmem>>
    %dma_start3A_88 = tpu.memref_slice %arg2[%add3A_83] : memref<16384xi32, #tpu.memory_space<hbm>> -> memref<64xi32, #tpu.memory_space<hbm>>
    %dma_start3A_89 = arith.constant 0 : i32
    %dma_start3A_90 = tpu.memref_slice %arg8[%dma_start3A_84, %dma_start3A_89] : memref<8x128xi32, #tpu.memory_space<vmem>> -> memref<1x64xi32, #tpu.memory_space<vmem>>
    %dma_start3A_91 = tpu.memref_squeeze %dma_start3A_90 : memref<1x64xi32, #tpu.memory_space<vmem>> -> memref<64xi32, #tpu.memory_space<vmem>>
    %dma_start3A_92 = tpu.memref_slice %arg2[%add3A_83] : memref<16384xi32, #tpu.memory_space<hbm>> -> memref<64xi32, #tpu.memory_space<hbm>>
    tpu.enqueue_dma source(%dma_start3A_92 : memref<64xi32, #tpu.memory_space<hbm>>) target(%dma_start3A_91 : memref<64xi32, #tpu.memory_space<vmem>>) target_semaphore(%arg17 : memref<!tpu.dma_semaphore, #tpu.memory_space<semaphore_mem>>)
    %dma_start3A_93 = arith.constant 4 : i32
    %dma_start3A_94 = arith.constant 64 : i32
    %dma_start3A_95 = tpu.memref_slice %arg8[%dma_start3A_93, %dma_start3A_94] : memref<8x128xi32, #tpu.memory_space<vmem>> -> memref<1x64xi32, #tpu.memory_space<vmem>>
    %dma_start3A_96 = tpu.memref_squeeze %dma_start3A_95 : memref<1x64xi32, #tpu.memory_space<vmem>> -> memref<64xi32, #tpu.memory_space<vmem>>
    %dma_start3A_97 = tpu.memref_slice %arg4[%add3A_83] : memref<16384xi32, #tpu.memory_space<hbm>> -> memref<64xi32, #tpu.memory_space<hbm>>
    %dma_start3A_98 = arith.constant 64 : i32
    %dma_start3A_99 = tpu.memref_slice %arg8[%dma_start3A_93, %dma_start3A_98] : memref<8x128xi32, #tpu.memory_space<vmem>> -> memref<1x64xi32, #tpu.memory_space<vmem>>
    %dma_start3A_100 = tpu.memref_squeeze %dma_start3A_99 : memref<1x64xi32, #tpu.memory_space<vmem>> -> memref<64xi32, #tpu.memory_space<vmem>>
    %dma_start3A_101 = tpu.memref_slice %arg4[%add3A_83] : memref<16384xi32, #tpu.memory_space<hbm>> -> memref<64xi32, #tpu.memory_space<hbm>>
    tpu.enqueue_dma source(%dma_start3A_101 : memref<64xi32, #tpu.memory_space<hbm>>) target(%dma_start3A_100 : memref<64xi32, #tpu.memory_space<vmem>>) target_semaphore(%arg17 : memref<!tpu.dma_semaphore, #tpu.memory_space<semaphore_mem>>)
    %add3A_102 = arith.constant 320 : i32
    %add3A_103 = arith.addi %mul3A_2, %add3A_102 : i32
    %dma_start3A_104 = arith.constant 5 : i32
    %dma_start3A_105 = arith.constant 0 : i32
    %dma_start3A_106 = tpu.memref_slice %arg8[%dma_start3A_104, %dma_start3A_105] : memref<8x128xi32, #tpu.memory_space<vmem>> -> memref<1x64xi32, #tpu.memory_space<vmem>>
    %dma_start3A_107 = tpu.memref_squeeze %dma_start3A_106 : memref<1x64xi32, #tpu.memory_space<vmem>> -> memref<64xi32, #tpu.memory_space<vmem>>
    %dma_start3A_108 = tpu.memref_slice %arg2[%add3A_103] : memref<16384xi32, #tpu.memory_space<hbm>> -> memref<64xi32, #tpu.memory_space<hbm>>
    %dma_start3A_109 = arith.constant 0 : i32
    %dma_start3A_110 = tpu.memref_slice %arg8[%dma_start3A_104, %dma_start3A_109] : memref<8x128xi32, #tpu.memory_space<vmem>> -> memref<1x64xi32, #tpu.memory_space<vmem>>
    %dma_start3A_111 = tpu.memref_squeeze %dma_start3A_110 : memref<1x64xi32, #tpu.memory_space<vmem>> -> memref<64xi32, #tpu.memory_space<vmem>>
    %dma_start3A_112 = tpu.memref_slice %arg2[%add3A_103] : memref<16384xi32, #tpu.memory_space<hbm>> -> memref<64xi32, #tpu.memory_space<hbm>>
    tpu.enqueue_dma source(%dma_start3A_112 : memref<64xi32, #tpu.memory_space<hbm>>) target(%dma_start3A_111 : memref<64xi32, #tpu.memory_space<vmem>>) target_semaphore(%arg17 : memref<!tpu.dma_semaphore, #tpu.memory_space<semaphore_mem>>)
    %dma_start3A_113 = arith.constant 5 : i32
    %dma_start3A_114 = arith.constant 64 : i32
    %dma_start3A_115 = tpu.memref_slice %arg8[%dma_start3A_113, %dma_start3A_114] : memref<8x128xi32, #tpu.memory_space<vmem>> -> memref<1x64xi32, #tpu.memory_space<vmem>>
    %dma_start3A_116 = tpu.memref_squeeze %dma_start3A_115 : memref<1x64xi32, #tpu.memory_space<vmem>> -> memref<64xi32, #tpu.memory_space<vmem>>
    %dma_start3A_117 = tpu.memref_slice %arg4[%add3A_103] : memref<16384xi32, #tpu.memory_space<hbm>> -> memref<64xi32, #tpu.memory_space<hbm>>
    %dma_start3A_118 = arith.constant 64 : i32
    %dma_start3A_119 = tpu.memref_slice %arg8[%dma_start3A_113, %dma_start3A_118] : memref<8x128xi32, #tpu.memory_space<vmem>> -> memref<1x64xi32, #tpu.memory_space<vmem>>
    %dma_start3A_120 = tpu.memref_squeeze %dma_start3A_119 : memref<1x64xi32, #tpu.memory_space<vmem>> -> memref<64xi32, #tpu.memory_space<vmem>>
    %dma_start3A_121 = tpu.memref_slice %arg4[%add3A_103] : memref<16384xi32, #tpu.memory_space<hbm>> -> memref<64xi32, #tpu.memory_space<hbm>>
    tpu.enqueue_dma source(%dma_start3A_121 : memref<64xi32, #tpu.memory_space<hbm>>) target(%dma_start3A_120 : memref<64xi32, #tpu.memory_space<vmem>>) target_semaphore(%arg17 : memref<!tpu.dma_semaphore, #tpu.memory_space<semaphore_mem>>)
    %add3A_122 = arith.constant 384 : i32
    %add3A_123 = arith.addi %mul3A_2, %add3A_122 : i32
    %dma_start3A_124 = arith.constant 6 : i32
    %dma_start3A_125 = arith.constant 0 : i32
    %dma_start3A_126 = tpu.memref_slice %arg8[%dma_start3A_124, %dma_start3A_125] : memref<8x128xi32, #tpu.memory_space<vmem>> -> memref<1x64xi32, #tpu.memory_space<vmem>>
    %dma_start3A_127 = tpu.memref_squeeze %dma_start3A_126 : memref<1x64xi32, #tpu.memory_space<vmem>> -> memref<64xi32, #tpu.memory_space<vmem>>
    %dma_start3A_128 = tpu.memref_slice %arg2[%add3A_123] : memref<16384xi32, #tpu.memory_space<hbm>> -> memref<64xi32, #tpu.memory_space<hbm>>
    %dma_start3A_129 = arith.constant 0 : i32
    %dma_start3A_130 = tpu.memref_slice %arg8[%dma_start3A_124, %dma_start3A_129] : memref<8x128xi32, #tpu.memory_space<vmem>> -> memref<1x64xi32, #tpu.memory_space<vmem>>
    %dma_start3A_131 = tpu.memref_squeeze %dma_start3A_130 : memref<1x64xi32, #tpu.memory_space<vmem>> -> memref<64xi32, #tpu.memory_space<vmem>>
    %dma_start3A_132 = tpu.memref_slice %arg2[%add3A_123] : memref<16384xi32, #tpu.memory_space<hbm>> -> memref<64xi32, #tpu.memory_space<hbm>>
    tpu.enqueue_dma source(%dma_start3A_132 : memref<64xi32, #tpu.memory_space<hbm>>) target(%dma_start3A_131 : memref<64xi32, #tpu.memory_space<vmem>>) target_semaphore(%arg17 : memref<!tpu.dma_semaphore, #tpu.memory_space<semaphore_mem>>)
    %dma_start3A_133 = arith.constant 6 : i32
    %dma_start3A_134 = arith.constant 64 : i32
    %dma_start3A_135 = tpu.memref_slice %arg8[%dma_start3A_133, %dma_start3A_134] : memref<8x128xi32, #tpu.memory_space<vmem>> -> memref<1x64xi32, #tpu.memory_space<vmem>>
    %dma_start3A_136 = tpu.memref_squeeze %dma_start3A_135 : memref<1x64xi32, #tpu.memory_space<vmem>> -> memref<64xi32, #tpu.memory_space<vmem>>
    %dma_start3A_137 = tpu.memref_slice %arg4[%add3A_123] : memref<16384xi32, #tpu.memory_space<hbm>> -> memref<64xi32, #tpu.memory_space<hbm>>
    %dma_start3A_138 = arith.constant 64 : i32
    %dma_start3A_139 = tpu.memref_slice %arg8[%dma_start3A_133, %dma_start3A_138] : memref<8x128xi32, #tpu.memory_space<vmem>> -> memref<1x64xi32, #tpu.memory_space<vmem>>
    %dma_start3A_140 = tpu.memref_squeeze %dma_start3A_139 : memref<1x64xi32, #tpu.memory_space<vmem>> -> memref<64xi32, #tpu.memory_space<vmem>>
    %dma_start3A_141 = tpu.memref_slice %arg4[%add3A_123] : memref<16384xi32, #tpu.memory_space<hbm>> -> memref<64xi32, #tpu.memory_space<hbm>>
    tpu.enqueue_dma source(%dma_start3A_141 : memref<64xi32, #tpu.memory_space<hbm>>) target(%dma_start3A_140 : memref<64xi32, #tpu.memory_space<vmem>>) target_semaphore(%arg17 : memref<!tpu.dma_semaphore, #tpu.memory_space<semaphore_mem>>)
    %add3A_142 = arith.constant 448 : i32
    %add3A_143 = arith.addi %mul3A_2, %add3A_142 : i32
    %dma_start3A_144 = arith.constant 7 : i32
    %dma_start3A_145 = arith.constant 0 : i32
    %dma_start3A_146 = tpu.memref_slice %arg8[%dma_start3A_144, %dma_start3A_145] : memref<8x128xi32, #tpu.memory_space<vmem>> -> memref<1x64xi32, #tpu.memory_space<vmem>>
    %dma_start3A_147 = tpu.memref_squeeze %dma_start3A_146 : memref<1x64xi32, #tpu.memory_space<vmem>> -> memref<64xi32, #tpu.memory_space<vmem>>
    %dma_start3A_148 = tpu.memref_slice %arg2[%add3A_143] : memref<16384xi32, #tpu.memory_space<hbm>> -> memref<64xi32, #tpu.memory_space<hbm>>
    %dma_start3A_149 = arith.constant 0 : i32
    %dma_start3A_150 = tpu.memref_slice %arg8[%dma_start3A_144, %dma_start3A_149] : memref<8x128xi32, #tpu.memory_space<vmem>> -> memref<1x64xi32, #tpu.memory_space<vmem>>
    %dma_start3A_151 = tpu.memref_squeeze %dma_start3A_150 : memref<1x64xi32, #tpu.memory_space<vmem>> -> memref<64xi32, #tpu.memory_space<vmem>>
    %dma_start3A_152 = tpu.memref_slice %arg2[%add3A_143] : memref<16384xi32, #tpu.memory_space<hbm>> -> memref<64xi32, #tpu.memory_space<hbm>>
    tpu.enqueue_dma source(%dma_start3A_152 : memref<64xi32, #tpu.memory_space<hbm>>) target(%dma_start3A_151 : memref<64xi32, #tpu.memory_space<vmem>>) target_semaphore(%arg17 : memref<!tpu.dma_semaphore, #tpu.memory_space<semaphore_mem>>)
    %dma_start3A_153 = arith.constant 7 : i32
    %dma_start3A_154 = arith.constant 64 : i32
    %dma_start3A_155 = tpu.memref_slice %arg8[%dma_start3A_153, %dma_start3A_154] : memref<8x128xi32, #tpu.memory_space<vmem>> -> memref<1x64xi32, #tpu.memory_space<vmem>>
    %dma_start3A_156 = tpu.memref_squeeze %dma_start3A_155 : memref<1x64xi32, #tpu.memory_space<vmem>> -> memref<64xi32, #tpu.memory_space<vmem>>
    %dma_start3A_157 = tpu.memref_slice %arg4[%add3A_143] : memref<16384xi32, #tpu.memory_space<hbm>> -> memref<64xi32, #tpu.memory_space<hbm>>
    %dma_start3A_158 = arith.constant 64 : i32
    %dma_start3A_159 = tpu.memref_slice %arg8[%dma_start3A_153, %dma_start3A_158] : memref<8x128xi32, #tpu.memory_space<vmem>> -> memref<1x64xi32, #tpu.memory_space<vmem>>
    %dma_start3A_160 = tpu.memref_squeeze %dma_start3A_159 : memref<1x64xi32, #tpu.memory_space<vmem>> -> memref<64xi32, #tpu.memory_space<vmem>>
    %dma_start3A_161 = tpu.memref_slice %arg4[%add3A_143] : memref<16384xi32, #tpu.memory_space<hbm>> -> memref<64xi32, #tpu.memory_space<hbm>>
    tpu.enqueue_dma source(%dma_start3A_161 : memref<64xi32, #tpu.memory_space<hbm>>) target(%dma_start3A_160 : memref<64xi32, #tpu.memory_space<vmem>>) target_semaphore(%arg17 : memref<!tpu.dma_semaphore, #tpu.memory_space<semaphore_mem>>)
    %add3A_162 = arith.constant 0 : i32
    %add3A_163 = arith.addi %mul3A_2, %add3A_162 : i32
    %dma_start3A_164 = arith.constant 0 : i32
    %dma_start3A_165 = arith.constant 0 : i32
    %dma_start3A_166 = tpu.memref_slice %arg9[%dma_start3A_164, %dma_start3A_165] : memref<4x128xi32, #tpu.memory_space<vmem>> -> memref<1x128xi32, #tpu.memory_space<vmem>>
    %dma_start3A_167 = tpu.memref_squeeze %dma_start3A_166 : memref<1x128xi32, #tpu.memory_space<vmem>> -> memref<128xi32, #tpu.memory_space<vmem>>
    %dma_start3A_168 = tpu.memref_slice %arg3[%add3A_163] : memref<16384xi32, #tpu.memory_space<hbm>> -> memref<128xi32, #tpu.memory_space<hbm>>
    %dma_start3A_169 = arith.constant 0 : i32
    %dma_start3A_170 = tpu.memref_slice %arg9[%dma_start3A_164, %dma_start3A_169] : memref<4x128xi32, #tpu.memory_space<vmem>> -> memref<1x128xi32, #tpu.memory_space<vmem>>
    %dma_start3A_171 = tpu.memref_squeeze %dma_start3A_170 : memref<1x128xi32, #tpu.memory_space<vmem>> -> memref<128xi32, #tpu.memory_space<vmem>>
    %dma_start3A_172 = tpu.memref_slice %arg3[%add3A_163] : memref<16384xi32, #tpu.memory_space<hbm>> -> memref<128xi32, #tpu.memory_space<hbm>>
    tpu.enqueue_dma source(%dma_start3A_172 : memref<128xi32, #tpu.memory_space<hbm>>) target(%dma_start3A_171 : memref<128xi32, #tpu.memory_space<vmem>>) target_semaphore(%arg17 : memref<!tpu.dma_semaphore, #tpu.memory_space<semaphore_mem>>)
    %add3A_173 = arith.constant 128 : i32
    %add3A_174 = arith.addi %mul3A_2, %add3A_173 : i32
    %dma_start3A_175 = arith.constant 1 : i32
    %dma_start3A_176 = arith.constant 0 : i32
    %dma_start3A_177 = tpu.memref_slice %arg9[%dma_start3A_175, %dma_start3A_176] : memref<4x128xi32, #tpu.memory_space<vmem>> -> memref<1x128xi32, #tpu.memory_space<vmem>>
    %dma_start3A_178 = tpu.memref_squeeze %dma_start3A_177 : memref<1x128xi32, #tpu.memory_space<vmem>> -> memref<128xi32, #tpu.memory_space<vmem>>
    %dma_start3A_179 = tpu.memref_slice %arg3[%add3A_174] : memref<16384xi32, #tpu.memory_space<hbm>> -> memref<128xi32, #tpu.memory_space<hbm>>
    %dma_start3A_180 = arith.constant 0 : i32
    %dma_start3A_181 = tpu.memref_slice %arg9[%dma_start3A_175, %dma_start3A_180] : memref<4x128xi32, #tpu.memory_space<vmem>> -> memref<1x128xi32, #tpu.memory_space<vmem>>
    %dma_start3A_182 = tpu.memref_squeeze %dma_start3A_181 : memref<1x128xi32, #tpu.memory_space<vmem>> -> memref<128xi32, #tpu.memory_space<vmem>>
    %dma_start3A_183 = tpu.memref_slice %arg3[%add3A_174] : memref<16384xi32, #tpu.memory_space<hbm>> -> memref<128xi32, #tpu.memory_space<hbm>>
    tpu.enqueue_dma source(%dma_start3A_183 : memref<128xi32, #tpu.memory_space<hbm>>) target(%dma_start3A_182 : memref<128xi32, #tpu.memory_space<vmem>>) target_semaphore(%arg17 : memref<!tpu.dma_semaphore, #tpu.memory_space<semaphore_mem>>)
    %add3A_184 = arith.constant 256 : i32
    %add3A_185 = arith.addi %mul3A_2, %add3A_184 : i32
    %dma_start3A_186 = arith.constant 2 : i32
    %dma_start3A_187 = arith.constant 0 : i32
    %dma_start3A_188 = tpu.memref_slice %arg9[%dma_start3A_186, %dma_start3A_187] : memref<4x128xi32, #tpu.memory_space<vmem>> -> memref<1x128xi32, #tpu.memory_space<vmem>>
    %dma_start3A_189 = tpu.memref_squeeze %dma_start3A_188 : memref<1x128xi32, #tpu.memory_space<vmem>> -> memref<128xi32, #tpu.memory_space<vmem>>
    %dma_start3A_190 = tpu.memref_slice %arg3[%add3A_185] : memref<16384xi32, #tpu.memory_space<hbm>> -> memref<128xi32, #tpu.memory_space<hbm>>
    %dma_start3A_191 = arith.constant 0 : i32
    %dma_start3A_192 = tpu.memref_slice %arg9[%dma_start3A_186, %dma_start3A_191] : memref<4x128xi32, #tpu.memory_space<vmem>> -> memref<1x128xi32, #tpu.memory_space<vmem>>
    %dma_start3A_193 = tpu.memref_squeeze %dma_start3A_192 : memref<1x128xi32, #tpu.memory_space<vmem>> -> memref<128xi32, #tpu.memory_space<vmem>>
    %dma_start3A_194 = tpu.memref_slice %arg3[%add3A_185] : memref<16384xi32, #tpu.memory_space<hbm>> -> memref<128xi32, #tpu.memory_space<hbm>>
    tpu.enqueue_dma source(%dma_start3A_194 : memref<128xi32, #tpu.memory_space<hbm>>) target(%dma_start3A_193 : memref<128xi32, #tpu.memory_space<vmem>>) target_semaphore(%arg17 : memref<!tpu.dma_semaphore, #tpu.memory_space<semaphore_mem>>)
    %add3A_195 = arith.constant 384 : i32
    %add3A_196 = arith.addi %mul3A_2, %add3A_195 : i32
    %dma_start3A_197 = arith.constant 3 : i32
    %dma_start3A_198 = arith.constant 0 : i32
    %dma_start3A_199 = tpu.memref_slice %arg9[%dma_start3A_197, %dma_start3A_198] : memref<4x128xi32, #tpu.memory_space<vmem>> -> memref<1x128xi32, #tpu.memory_space<vmem>>
    %dma_start3A_200 = tpu.memref_squeeze %dma_start3A_199 : memref<1x128xi32, #tpu.memory_space<vmem>> -> memref<128xi32, #tpu.memory_space<vmem>>
    %dma_start3A_201 = tpu.memref_slice %arg3[%add3A_196] : memref<16384xi32, #tpu.memory_space<hbm>> -> memref<128xi32, #tpu.memory_space<hbm>>
    %dma_start3A_202 = arith.constant 0 : i32
    %dma_start3A_203 = tpu.memref_slice %arg9[%dma_start3A_197, %dma_start3A_202] : memref<4x128xi32, #tpu.memory_space<vmem>> -> memref<1x128xi32, #tpu.memory_space<vmem>>
    %dma_start3A_204 = tpu.memref_squeeze %dma_start3A_203 : memref<1x128xi32, #tpu.memory_space<vmem>> -> memref<128xi32, #tpu.memory_space<vmem>>
    %dma_start3A_205 = tpu.memref_slice %arg3[%add3A_196] : memref<16384xi32, #tpu.memory_space<hbm>> -> memref<128xi32, #tpu.memory_space<hbm>>
    tpu.enqueue_dma source(%dma_start3A_205 : memref<128xi32, #tpu.memory_space<hbm>>) target(%dma_start3A_204 : memref<128xi32, #tpu.memory_space<vmem>>) target_semaphore(%arg17 : memref<!tpu.dma_semaphore, #tpu.memory_space<semaphore_mem>>)
    %dma_wait3A = arith.constant 0 : i32
    %dma_wait3A_206 = arith.constant 0 : i32
    %dma_wait3A_207 = tpu.memref_slice %arg8[%dma_wait3A, %dma_wait3A_206] : memref<8x128xi32, #tpu.memory_space<vmem>> -> memref<1x64xi32, #tpu.memory_space<vmem>>
    %dma_wait3A_208 = tpu.memref_squeeze %dma_wait3A_207 : memref<1x64xi32, #tpu.memory_space<vmem>> -> memref<64xi32, #tpu.memory_space<vmem>>
    %dma_wait3A_209 = tpu.memref_slice %arg2[%add3A_4] : memref<16384xi32, #tpu.memory_space<hbm>> -> memref<64xi32, #tpu.memory_space<hbm>>
    %dma_wait3A_210 = arith.constant 0 : i32
    %dma_wait3A_211 = tpu.memref_slice %arg8[%dma_wait3A, %dma_wait3A_210] : memref<8x128xi32, #tpu.memory_space<vmem>> -> memref<1x64xi32, #tpu.memory_space<vmem>>
    %dma_wait3A_212 = tpu.memref_squeeze %dma_wait3A_211 : memref<1x64xi32, #tpu.memory_space<vmem>> -> memref<64xi32, #tpu.memory_space<vmem>>
    %dma_wait3A_213 = tpu.memref_slice %arg2[%add3A_4] : memref<16384xi32, #tpu.memory_space<hbm>> -> memref<64xi32, #tpu.memory_space<hbm>>
    tpu.wait_dma2 semaphore(%arg17 : memref<!tpu.dma_semaphore, #tpu.memory_space<semaphore_mem>>) src(%dma_wait3A_213 : memref<64xi32, #tpu.memory_space<hbm>>) dst(%dma_wait3A_212 : memref<64xi32, #tpu.memory_space<vmem>>)
    %dma_wait3A_214 = arith.constant 0 : i32
    %dma_wait3A_215 = arith.constant 64 : i32
    %dma_wait3A_216 = tpu.memref_slice %arg8[%dma_wait3A_214, %dma_wait3A_215] : memref<8x128xi32, #tpu.memory_space<vmem>> -> memref<1x64xi32, #tpu.memory_space<vmem>>
    %dma_wait3A_217 = tpu.memref_squeeze %dma_wait3A_216 : memref<1x64xi32, #tpu.memory_space<vmem>> -> memref<64xi32, #tpu.memory_space<vmem>>
    %dma_wait3A_218 = tpu.memref_slice %arg4[%add3A_4] : memref<16384xi32, #tpu.memory_space<hbm>> -> memref<64xi32, #tpu.memory_space<hbm>>
    %dma_wait3A_219 = arith.constant 64 : i32
    %dma_wait3A_220 = tpu.memref_slice %arg8[%dma_wait3A_214, %dma_wait3A_219] : memref<8x128xi32, #tpu.memory_space<vmem>> -> memref<1x64xi32, #tpu.memory_space<vmem>>
    %dma_wait3A_221 = tpu.memref_squeeze %dma_wait3A_220 : memref<1x64xi32, #tpu.memory_space<vmem>> -> memref<64xi32, #tpu.memory_space<vmem>>
    %dma_wait3A_222 = tpu.memref_slice %arg4[%add3A_4] : memref<16384xi32, #tpu.memory_space<hbm>> -> memref<64xi32, #tpu.memory_space<hbm>>
    tpu.wait_dma2 semaphore(%arg17 : memref<!tpu.dma_semaphore, #tpu.memory_space<semaphore_mem>>) src(%dma_wait3A_222 : memref<64xi32, #tpu.memory_space<hbm>>) dst(%dma_wait3A_221 : memref<64xi32, #tpu.memory_space<vmem>>)
    %dma_wait3A_223 = arith.constant 1 : i32
    %dma_wait3A_224 = arith.constant 0 : i32
    %dma_wait3A_225 = tpu.memref_slice %arg8[%dma_wait3A_223, %dma_wait3A_224] : memref<8x128xi32, #tpu.memory_space<vmem>> -> memref<1x64xi32, #tpu.memory_space<vmem>>
    %dma_wait3A_226 = tpu.memref_squeeze %dma_wait3A_225 : memref<1x64xi32, #tpu.memory_space<vmem>> -> memref<64xi32, #tpu.memory_space<vmem>>
    %dma_wait3A_227 = tpu.memref_slice %arg2[%add3A_23] : memref<16384xi32, #tpu.memory_space<hbm>> -> memref<64xi32, #tpu.memory_space<hbm>>
    %dma_wait3A_228 = arith.constant 0 : i32
    %dma_wait3A_229 = tpu.memref_slice %arg8[%dma_wait3A_223, %dma_wait3A_228] : memref<8x128xi32, #tpu.memory_space<vmem>> -> memref<1x64xi32, #tpu.memory_space<vmem>>
    %dma_wait3A_230 = tpu.memref_squeeze %dma_wait3A_229 : memref<1x64xi32, #tpu.memory_space<vmem>> -> memref<64xi32, #tpu.memory_space<vmem>>
    %dma_wait3A_231 = tpu.memref_slice %arg2[%add3A_23] : memref<16384xi32, #tpu.memory_space<hbm>> -> memref<64xi32, #tpu.memory_space<hbm>>
    tpu.wait_dma2 semaphore(%arg17 : memref<!tpu.dma_semaphore, #tpu.memory_space<semaphore_mem>>) src(%dma_wait3A_231 : memref<64xi32, #tpu.memory_space<hbm>>) dst(%dma_wait3A_230 : memref<64xi32, #tpu.memory_space<vmem>>)
    %dma_wait3A_232 = arith.constant 1 : i32
    %dma_wait3A_233 = arith.constant 64 : i32
    %dma_wait3A_234 = tpu.memref_slice %arg8[%dma_wait3A_232, %dma_wait3A_233] : memref<8x128xi32, #tpu.memory_space<vmem>> -> memref<1x64xi32, #tpu.memory_space<vmem>>
    %dma_wait3A_235 = tpu.memref_squeeze %dma_wait3A_234 : memref<1x64xi32, #tpu.memory_space<vmem>> -> memref<64xi32, #tpu.memory_space<vmem>>
    %dma_wait3A_236 = tpu.memref_slice %arg4[%add3A_23] : memref<16384xi32, #tpu.memory_space<hbm>> -> memref<64xi32, #tpu.memory_space<hbm>>
    %dma_wait3A_237 = arith.constant 64 : i32
    %dma_wait3A_238 = tpu.memref_slice %arg8[%dma_wait3A_232, %dma_wait3A_237] : memref<8x128xi32, #tpu.memory_space<vmem>> -> memref<1x64xi32, #tpu.memory_space<vmem>>
    %dma_wait3A_239 = tpu.memref_squeeze %dma_wait3A_238 : memref<1x64xi32, #tpu.memory_space<vmem>> -> memref<64xi32, #tpu.memory_space<vmem>>
    %dma_wait3A_240 = tpu.memref_slice %arg4[%add3A_23] : memref<16384xi32, #tpu.memory_space<hbm>> -> memref<64xi32, #tpu.memory_space<hbm>>
    tpu.wait_dma2 semaphore(%arg17 : memref<!tpu.dma_semaphore, #tpu.memory_space<semaphore_mem>>) src(%dma_wait3A_240 : memref<64xi32, #tpu.memory_space<hbm>>) dst(%dma_wait3A_239 : memref<64xi32, #tpu.memory_space<vmem>>)
    %dma_wait3A_241 = arith.constant 2 : i32
    %dma_wait3A_242 = arith.constant 0 : i32
    %dma_wait3A_243 = tpu.memref_slice %arg8[%dma_wait3A_241, %dma_wait3A_242] : memref<8x128xi32, #tpu.memory_space<vmem>> -> memref<1x64xi32, #tpu.memory_space<vmem>>
    %dma_wait3A_244 = tpu.memref_squeeze %dma_wait3A_243 : memref<1x64xi32, #tpu.memory_space<vmem>> -> memref<64xi32, #tpu.memory_space<vmem>>
    %dma_wait3A_245 = tpu.memref_slice %arg2[%add3A_43] : memref<16384xi32, #tpu.memory_space<hbm>> -> memref<64xi32, #tpu.memory_space<hbm>>
    %dma_wait3A_246 = arith.constant 0 : i32
    %dma_wait3A_247 = tpu.memref_slice %arg8[%dma_wait3A_241, %dma_wait3A_246] : memref<8x128xi32, #tpu.memory_space<vmem>> -> memref<1x64xi32, #tpu.memory_space<vmem>>
    %dma_wait3A_248 = tpu.memref_squeeze %dma_wait3A_247 : memref<1x64xi32, #tpu.memory_space<vmem>> -> memref<64xi32, #tpu.memory_space<vmem>>
    %dma_wait3A_249 = tpu.memref_slice %arg2[%add3A_43] : memref<16384xi32, #tpu.memory_space<hbm>> -> memref<64xi32, #tpu.memory_space<hbm>>
    tpu.wait_dma2 semaphore(%arg17 : memref<!tpu.dma_semaphore, #tpu.memory_space<semaphore_mem>>) src(%dma_wait3A_249 : memref<64xi32, #tpu.memory_space<hbm>>) dst(%dma_wait3A_248 : memref<64xi32, #tpu.memory_space<vmem>>)
    %dma_wait3A_250 = arith.constant 2 : i32
    %dma_wait3A_251 = arith.constant 64 : i32
    %dma_wait3A_252 = tpu.memref_slice %arg8[%dma_wait3A_250, %dma_wait3A_251] : memref<8x128xi32, #tpu.memory_space<vmem>> -> memref<1x64xi32, #tpu.memory_space<vmem>>
    %dma_wait3A_253 = tpu.memref_squeeze %dma_wait3A_252 : memref<1x64xi32, #tpu.memory_space<vmem>> -> memref<64xi32, #tpu.memory_space<vmem>>
    %dma_wait3A_254 = tpu.memref_slice %arg4[%add3A_43] : memref<16384xi32, #tpu.memory_space<hbm>> -> memref<64xi32, #tpu.memory_space<hbm>>
    %dma_wait3A_255 = arith.constant 64 : i32
    %dma_wait3A_256 = tpu.memref_slice %arg8[%dma_wait3A_250, %dma_wait3A_255] : memref<8x128xi32, #tpu.memory_space<vmem>> -> memref<1x64xi32, #tpu.memory_space<vmem>>
    %dma_wait3A_257 = tpu.memref_squeeze %dma_wait3A_256 : memref<1x64xi32, #tpu.memory_space<vmem>> -> memref<64xi32, #tpu.memory_space<vmem>>
    %dma_wait3A_258 = tpu.memref_slice %arg4[%add3A_43] : memref<16384xi32, #tpu.memory_space<hbm>> -> memref<64xi32, #tpu.memory_space<hbm>>
    tpu.wait_dma2 semaphore(%arg17 : memref<!tpu.dma_semaphore, #tpu.memory_space<semaphore_mem>>) src(%dma_wait3A_258 : memref<64xi32, #tpu.memory_space<hbm>>) dst(%dma_wait3A_257 : memref<64xi32, #tpu.memory_space<vmem>>)
    %dma_wait3A_259 = arith.constant 3 : i32
    %dma_wait3A_260 = arith.constant 0 : i32
    %dma_wait3A_261 = tpu.memref_slice %arg8[%dma_wait3A_259, %dma_wait3A_260] : memref<8x128xi32, #tpu.memory_space<vmem>> -> memref<1x64xi32, #tpu.memory_space<vmem>>
    %dma_wait3A_262 = tpu.memref_squeeze %dma_wait3A_261 : memref<1x64xi32, #tpu.memory_space<vmem>> -> memref<64xi32, #tpu.memory_space<vmem>>
    %dma_wait3A_263 = tpu.memref_slice %arg2[%add3A_63] : memref<16384xi32, #tpu.memory_space<hbm>> -> memref<64xi32, #tpu.memory_space<hbm>>
    %dma_wait3A_264 = arith.constant 0 : i32
    %dma_wait3A_265 = tpu.memref_slice %arg8[%dma_wait3A_259, %dma_wait3A_264] : memref<8x128xi32, #tpu.memory_space<vmem>> -> memref<1x64xi32, #tpu.memory_space<vmem>>
    %dma_wait3A_266 = tpu.memref_squeeze %dma_wait3A_265 : memref<1x64xi32, #tpu.memory_space<vmem>> -> memref<64xi32, #tpu.memory_space<vmem>>
    %dma_wait3A_267 = tpu.memref_slice %arg2[%add3A_63] : memref<16384xi32, #tpu.memory_space<hbm>> -> memref<64xi32, #tpu.memory_space<hbm>>
    tpu.wait_dma2 semaphore(%arg17 : memref<!tpu.dma_semaphore, #tpu.memory_space<semaphore_mem>>) src(%dma_wait3A_267 : memref<64xi32, #tpu.memory_space<hbm>>) dst(%dma_wait3A_266 : memref<64xi32, #tpu.memory_space<vmem>>)
    %dma_wait3A_268 = arith.constant 3 : i32
    %dma_wait3A_269 = arith.constant 64 : i32
    %dma_wait3A_270 = tpu.memref_slice %arg8[%dma_wait3A_268, %dma_wait3A_269] : memref<8x128xi32, #tpu.memory_space<vmem>> -> memref<1x64xi32, #tpu.memory_space<vmem>>
    %dma_wait3A_271 = tpu.memref_squeeze %dma_wait3A_270 : memref<1x64xi32, #tpu.memory_space<vmem>> -> memref<64xi32, #tpu.memory_space<vmem>>
    %dma_wait3A_272 = tpu.memref_slice %arg4[%add3A_63] : memref<16384xi32, #tpu.memory_space<hbm>> -> memref<64xi32, #tpu.memory_space<hbm>>
    %dma_wait3A_273 = arith.constant 64 : i32
    %dma_wait3A_274 = tpu.memref_slice %arg8[%dma_wait3A_268, %dma_wait3A_273] : memref<8x128xi32, #tpu.memory_space<vmem>> -> memref<1x64xi32, #tpu.memory_space<vmem>>
    %dma_wait3A_275 = tpu.memref_squeeze %dma_wait3A_274 : memref<1x64xi32, #tpu.memory_space<vmem>> -> memref<64xi32, #tpu.memory_space<vmem>>
    %dma_wait3A_276 = tpu.memref_slice %arg4[%add3A_63] : memref<16384xi32, #tpu.memory_space<hbm>> -> memref<64xi32, #tpu.memory_space<hbm>>
    tpu.wait_dma2 semaphore(%arg17 : memref<!tpu.dma_semaphore, #tpu.memory_space<semaphore_mem>>) src(%dma_wait3A_276 : memref<64xi32, #tpu.memory_space<hbm>>) dst(%dma_wait3A_275 : memref<64xi32, #tpu.memory_space<vmem>>)
    %dma_wait3A_277 = arith.constant 4 : i32
    %dma_wait3A_278 = arith.constant 0 : i32
    %dma_wait3A_279 = tpu.memref_slice %arg8[%dma_wait3A_277, %dma_wait3A_278] : memref<8x128xi32, #tpu.memory_space<vmem>> -> memref<1x64xi32, #tpu.memory_space<vmem>>
    %dma_wait3A_280 = tpu.memref_squeeze %dma_wait3A_279 : memref<1x64xi32, #tpu.memory_space<vmem>> -> memref<64xi32, #tpu.memory_space<vmem>>
    %dma_wait3A_281 = tpu.memref_slice %arg2[%add3A_83] : memref<16384xi32, #tpu.memory_space<hbm>> -> memref<64xi32, #tpu.memory_space<hbm>>
    %dma_wait3A_282 = arith.constant 0 : i32
    %dma_wait3A_283 = tpu.memref_slice %arg8[%dma_wait3A_277, %dma_wait3A_282] : memref<8x128xi32, #tpu.memory_space<vmem>> -> memref<1x64xi32, #tpu.memory_space<vmem>>
    %dma_wait3A_284 = tpu.memref_squeeze %dma_wait3A_283 : memref<1x64xi32, #tpu.memory_space<vmem>> -> memref<64xi32, #tpu.memory_space<vmem>>
    %dma_wait3A_285 = tpu.memref_slice %arg2[%add3A_83] : memref<16384xi32, #tpu.memory_space<hbm>> -> memref<64xi32, #tpu.memory_space<hbm>>
    tpu.wait_dma2 semaphore(%arg17 : memref<!tpu.dma_semaphore, #tpu.memory_space<semaphore_mem>>) src(%dma_wait3A_285 : memref<64xi32, #tpu.memory_space<hbm>>) dst(%dma_wait3A_284 : memref<64xi32, #tpu.memory_space<vmem>>)
    %dma_wait3A_286 = arith.constant 4 : i32
    %dma_wait3A_287 = arith.constant 64 : i32
    %dma_wait3A_288 = tpu.memref_slice %arg8[%dma_wait3A_286, %dma_wait3A_287] : memref<8x128xi32, #tpu.memory_space<vmem>> -> memref<1x64xi32, #tpu.memory_space<vmem>>
    %dma_wait3A_289 = tpu.memref_squeeze %dma_wait3A_288 : memref<1x64xi32, #tpu.memory_space<vmem>> -> memref<64xi32, #tpu.memory_space<vmem>>
    %dma_wait3A_290 = tpu.memref_slice %arg4[%add3A_83] : memref<16384xi32, #tpu.memory_space<hbm>> -> memref<64xi32, #tpu.memory_space<hbm>>
    %dma_wait3A_291 = arith.constant 64 : i32
    %dma_wait3A_292 = tpu.memref_slice %arg8[%dma_wait3A_286, %dma_wait3A_291] : memref<8x128xi32, #tpu.memory_space<vmem>> -> memref<1x64xi32, #tpu.memory_space<vmem>>
    %dma_wait3A_293 = tpu.memref_squeeze %dma_wait3A_292 : memref<1x64xi32, #tpu.memory_space<vmem>> -> memref<64xi32, #tpu.memory_space<vmem>>
    %dma_wait3A_294 = tpu.memref_slice %arg4[%add3A_83] : memref<16384xi32, #tpu.memory_space<hbm>> -> memref<64xi32, #tpu.memory_space<hbm>>
    tpu.wait_dma2 semaphore(%arg17 : memref<!tpu.dma_semaphore, #tpu.memory_space<semaphore_mem>>) src(%dma_wait3A_294 : memref<64xi32, #tpu.memory_space<hbm>>) dst(%dma_wait3A_293 : memref<64xi32, #tpu.memory_space<vmem>>)
    %dma_wait3A_295 = arith.constant 5 : i32
    %dma_wait3A_296 = arith.constant 0 : i32
    %dma_wait3A_297 = tpu.memref_slice %arg8[%dma_wait3A_295, %dma_wait3A_296] : memref<8x128xi32, #tpu.memory_space<vmem>> -> memref<1x64xi32, #tpu.memory_space<vmem>>
    %dma_wait3A_298 = tpu.memref_squeeze %dma_wait3A_297 : memref<1x64xi32, #tpu.memory_space<vmem>> -> memref<64xi32, #tpu.memory_space<vmem>>
    %dma_wait3A_299 = tpu.memref_slice %arg2[%add3A_103] : memref<16384xi32, #tpu.memory_space<hbm>> -> memref<64xi32, #tpu.memory_space<hbm>>
    %dma_wait3A_300 = arith.constant 0 : i32
    %dma_wait3A_301 = tpu.memref_slice %arg8[%dma_wait3A_295, %dma_wait3A_300] : memref<8x128xi32, #tpu.memory_space<vmem>> -> memref<1x64xi32, #tpu.memory_space<vmem>>
    %dma_wait3A_302 = tpu.memref_squeeze %dma_wait3A_301 : memref<1x64xi32, #tpu.memory_space<vmem>> -> memref<64xi32, #tpu.memory_space<vmem>>
    %dma_wait3A_303 = tpu.memref_slice %arg2[%add3A_103] : memref<16384xi32, #tpu.memory_space<hbm>> -> memref<64xi32, #tpu.memory_space<hbm>>
    tpu.wait_dma2 semaphore(%arg17 : memref<!tpu.dma_semaphore, #tpu.memory_space<semaphore_mem>>) src(%dma_wait3A_303 : memref<64xi32, #tpu.memory_space<hbm>>) dst(%dma_wait3A_302 : memref<64xi32, #tpu.memory_space<vmem>>)
    %dma_wait3A_304 = arith.constant 5 : i32
    %dma_wait3A_305 = arith.constant 64 : i32
    %dma_wait3A_306 = tpu.memref_slice %arg8[%dma_wait3A_304, %dma_wait3A_305] : memref<8x128xi32, #tpu.memory_space<vmem>> -> memref<1x64xi32, #tpu.memory_space<vmem>>
    %dma_wait3A_307 = tpu.memref_squeeze %dma_wait3A_306 : memref<1x64xi32, #tpu.memory_space<vmem>> -> memref<64xi32, #tpu.memory_space<vmem>>
    %dma_wait3A_308 = tpu.memref_slice %arg4[%add3A_103] : memref<16384xi32, #tpu.memory_space<hbm>> -> memref<64xi32, #tpu.memory_space<hbm>>
    %dma_wait3A_309 = arith.constant 64 : i32
    %dma_wait3A_310 = tpu.memref_slice %arg8[%dma_wait3A_304, %dma_wait3A_309] : memref<8x128xi32, #tpu.memory_space<vmem>> -> memref<1x64xi32, #tpu.memory_space<vmem>>
    %dma_wait3A_311 = tpu.memref_squeeze %dma_wait3A_310 : memref<1x64xi32, #tpu.memory_space<vmem>> -> memref<64xi32, #tpu.memory_space<vmem>>
    %dma_wait3A_312 = tpu.memref_slice %arg4[%add3A_103] : memref<16384xi32, #tpu.memory_space<hbm>> -> memref<64xi32, #tpu.memory_space<hbm>>
    tpu.wait_dma2 semaphore(%arg17 : memref<!tpu.dma_semaphore, #tpu.memory_space<semaphore_mem>>) src(%dma_wait3A_312 : memref<64xi32, #tpu.memory_space<hbm>>) dst(%dma_wait3A_311 : memref<64xi32, #tpu.memory_space<vmem>>)
    %dma_wait3A_313 = arith.constant 6 : i32
    %dma_wait3A_314 = arith.constant 0 : i32
    %dma_wait3A_315 = tpu.memref_slice %arg8[%dma_wait3A_313, %dma_wait3A_314] : memref<8x128xi32, #tpu.memory_space<vmem>> -> memref<1x64xi32, #tpu.memory_space<vmem>>
    %dma_wait3A_316 = tpu.memref_squeeze %dma_wait3A_315 : memref<1x64xi32, #tpu.memory_space<vmem>> -> memref<64xi32, #tpu.memory_space<vmem>>
    %dma_wait3A_317 = tpu.memref_slice %arg2[%add3A_123] : memref<16384xi32, #tpu.memory_space<hbm>> -> memref<64xi32, #tpu.memory_space<hbm>>
    %dma_wait3A_318 = arith.constant 0 : i32
    %dma_wait3A_319 = tpu.memref_slice %arg8[%dma_wait3A_313, %dma_wait3A_318] : memref<8x128xi32, #tpu.memory_space<vmem>> -> memref<1x64xi32, #tpu.memory_space<vmem>>
    %dma_wait3A_320 = tpu.memref_squeeze %dma_wait3A_319 : memref<1x64xi32, #tpu.memory_space<vmem>> -> memref<64xi32, #tpu.memory_space<vmem>>
    %dma_wait3A_321 = tpu.memref_slice %arg2[%add3A_123] : memref<16384xi32, #tpu.memory_space<hbm>> -> memref<64xi32, #tpu.memory_space<hbm>>
    tpu.wait_dma2 semaphore(%arg17 : memref<!tpu.dma_semaphore, #tpu.memory_space<semaphore_mem>>) src(%dma_wait3A_321 : memref<64xi32, #tpu.memory_space<hbm>>) dst(%dma_wait3A_320 : memref<64xi32, #tpu.memory_space<vmem>>)
    %dma_wait3A_322 = arith.constant 6 : i32
    %dma_wait3A_323 = arith.constant 64 : i32
    %dma_wait3A_324 = tpu.memref_slice %arg8[%dma_wait3A_322, %dma_wait3A_323] : memref<8x128xi32, #tpu.memory_space<vmem>> -> memref<1x64xi32, #tpu.memory_space<vmem>>
    %dma_wait3A_325 = tpu.memref_squeeze %dma_wait3A_324 : memref<1x64xi32, #tpu.memory_space<vmem>> -> memref<64xi32, #tpu.memory_space<vmem>>
    %dma_wait3A_326 = tpu.memref_slice %arg4[%add3A_123] : memref<16384xi32, #tpu.memory_space<hbm>> -> memref<64xi32, #tpu.memory_space<hbm>>
    %dma_wait3A_327 = arith.constant 64 : i32
    %dma_wait3A_328 = tpu.memref_slice %arg8[%dma_wait3A_322, %dma_wait3A_327] : memref<8x128xi32, #tpu.memory_space<vmem>> -> memref<1x64xi32, #tpu.memory_space<vmem>>
    %dma_wait3A_329 = tpu.memref_squeeze %dma_wait3A_328 : memref<1x64xi32, #tpu.memory_space<vmem>> -> memref<64xi32, #tpu.memory_space<vmem>>
    %dma_wait3A_330 = tpu.memref_slice %arg4[%add3A_123] : memref<16384xi32, #tpu.memory_space<hbm>> -> memref<64xi32, #tpu.memory_space<hbm>>
    tpu.wait_dma2 semaphore(%arg17 : memref<!tpu.dma_semaphore, #tpu.memory_space<semaphore_mem>>) src(%dma_wait3A_330 : memref<64xi32, #tpu.memory_space<hbm>>) dst(%dma_wait3A_329 : memref<64xi32, #tpu.memory_space<vmem>>)
    %dma_wait3A_331 = arith.constant 7 : i32
    %dma_wait3A_332 = arith.constant 0 : i32
    %dma_wait3A_333 = tpu.memref_slice %arg8[%dma_wait3A_331, %dma_wait3A_332] : memref<8x128xi32, #tpu.memory_space<vmem>> -> memref<1x64xi32, #tpu.memory_space<vmem>>
    %dma_wait3A_334 = tpu.memref_squeeze %dma_wait3A_333 : memref<1x64xi32, #tpu.memory_space<vmem>> -> memref<64xi32, #tpu.memory_space<vmem>>
    %dma_wait3A_335 = tpu.memref_slice %arg2[%add3A_143] : memref<16384xi32, #tpu.memory_space<hbm>> -> memref<64xi32, #tpu.memory_space<hbm>>
    %dma_wait3A_336 = arith.constant 0 : i32
    %dma_wait3A_337 = tpu.memref_slice %arg8[%dma_wait3A_331, %dma_wait3A_336] : memref<8x128xi32, #tpu.memory_space<vmem>> -> memref<1x64xi32, #tpu.memory_space<vmem>>
    %dma_wait3A_338 = tpu.memref_squeeze %dma_wait3A_337 : memref<1x64xi32, #tpu.memory_space<vmem>> -> memref<64xi32, #tpu.memory_space<vmem>>
    %dma_wait3A_339 = tpu.memref_slice %arg2[%add3A_143] : memref<16384xi32, #tpu.memory_space<hbm>> -> memref<64xi32, #tpu.memory_space<hbm>>
    tpu.wait_dma2 semaphore(%arg17 : memref<!tpu.dma_semaphore, #tpu.memory_space<semaphore_mem>>) src(%dma_wait3A_339 : memref<64xi32, #tpu.memory_space<hbm>>) dst(%dma_wait3A_338 : memref<64xi32, #tpu.memory_space<vmem>>)
    %dma_wait3A_340 = arith.constant 7 : i32
    %dma_wait3A_341 = arith.constant 64 : i32
    %dma_wait3A_342 = tpu.memref_slice %arg8[%dma_wait3A_340, %dma_wait3A_341] : memref<8x128xi32, #tpu.memory_space<vmem>> -> memref<1x64xi32, #tpu.memory_space<vmem>>
    %dma_wait3A_343 = tpu.memref_squeeze %dma_wait3A_342 : memref<1x64xi32, #tpu.memory_space<vmem>> -> memref<64xi32, #tpu.memory_space<vmem>>
    %dma_wait3A_344 = tpu.memref_slice %arg4[%add3A_143] : memref<16384xi32, #tpu.memory_space<hbm>> -> memref<64xi32, #tpu.memory_space<hbm>>
    %dma_wait3A_345 = arith.constant 64 : i32
    %dma_wait3A_346 = tpu.memref_slice %arg8[%dma_wait3A_340, %dma_wait3A_345] : memref<8x128xi32, #tpu.memory_space<vmem>> -> memref<1x64xi32, #tpu.memory_space<vmem>>
    %dma_wait3A_347 = tpu.memref_squeeze %dma_wait3A_346 : memref<1x64xi32, #tpu.memory_space<vmem>> -> memref<64xi32, #tpu.memory_space<vmem>>
    %dma_wait3A_348 = tpu.memref_slice %arg4[%add3A_143] : memref<16384xi32, #tpu.memory_space<hbm>> -> memref<64xi32, #tpu.memory_space<hbm>>
    tpu.wait_dma2 semaphore(%arg17 : memref<!tpu.dma_semaphore, #tpu.memory_space<semaphore_mem>>) src(%dma_wait3A_348 : memref<64xi32, #tpu.memory_space<hbm>>) dst(%dma_wait3A_347 : memref<64xi32, #tpu.memory_space<vmem>>)
    %dma_wait3A_349 = arith.constant 0 : i32
    %dma_wait3A_350 = arith.constant 0 : i32
    %dma_wait3A_351 = tpu.memref_slice %arg9[%dma_wait3A_349, %dma_wait3A_350] : memref<4x128xi32, #tpu.memory_space<vmem>> -> memref<1x128xi32, #tpu.memory_space<vmem>>
    %dma_wait3A_352 = tpu.memref_squeeze %dma_wait3A_351 : memref<1x128xi32, #tpu.memory_space<vmem>> -> memref<128xi32, #tpu.memory_space<vmem>>
    %dma_wait3A_353 = tpu.memref_slice %arg3[%add3A_163] : memref<16384xi32, #tpu.memory_space<hbm>> -> memref<128xi32, #tpu.memory_space<hbm>>
    %dma_wait3A_354 = arith.constant 0 : i32
    %dma_wait3A_355 = tpu.memref_slice %arg9[%dma_wait3A_349, %dma_wait3A_354] : memref<4x128xi32, #tpu.memory_space<vmem>> -> memref<1x128xi32, #tpu.memory_space<vmem>>
    %dma_wait3A_356 = tpu.memref_squeeze %dma_wait3A_355 : memref<1x128xi32, #tpu.memory_space<vmem>> -> memref<128xi32, #tpu.memory_space<vmem>>
    %dma_wait3A_357 = tpu.memref_slice %arg3[%add3A_163] : memref<16384xi32, #tpu.memory_space<hbm>> -> memref<128xi32, #tpu.memory_space<hbm>>
    tpu.wait_dma2 semaphore(%arg17 : memref<!tpu.dma_semaphore, #tpu.memory_space<semaphore_mem>>) src(%dma_wait3A_357 : memref<128xi32, #tpu.memory_space<hbm>>) dst(%dma_wait3A_356 : memref<128xi32, #tpu.memory_space<vmem>>)
    %dma_wait3A_358 = arith.constant 1 : i32
    %dma_wait3A_359 = arith.constant 0 : i32
    %dma_wait3A_360 = tpu.memref_slice %arg9[%dma_wait3A_358, %dma_wait3A_359] : memref<4x128xi32, #tpu.memory_space<vmem>> -> memref<1x128xi32, #tpu.memory_space<vmem>>
    %dma_wait3A_361 = tpu.memref_squeeze %dma_wait3A_360 : memref<1x128xi32, #tpu.memory_space<vmem>> -> memref<128xi32, #tpu.memory_space<vmem>>
    %dma_wait3A_362 = tpu.memref_slice %arg3[%add3A_174] : memref<16384xi32, #tpu.memory_space<hbm>> -> memref<128xi32, #tpu.memory_space<hbm>>
    %dma_wait3A_363 = arith.constant 0 : i32
    %dma_wait3A_364 = tpu.memref_slice %arg9[%dma_wait3A_358, %dma_wait3A_363] : memref<4x128xi32, #tpu.memory_space<vmem>> -> memref<1x128xi32, #tpu.memory_space<vmem>>
    %dma_wait3A_365 = tpu.memref_squeeze %dma_wait3A_364 : memref<1x128xi32, #tpu.memory_space<vmem>> -> memref<128xi32, #tpu.memory_space<vmem>>
    %dma_wait3A_366 = tpu.memref_slice %arg3[%add3A_174] : memref<16384xi32, #tpu.memory_space<hbm>> -> memref<128xi32, #tpu.memory_space<hbm>>
    tpu.wait_dma2 semaphore(%arg17 : memref<!tpu.dma_semaphore, #tpu.memory_space<semaphore_mem>>) src(%dma_wait3A_366 : memref<128xi32, #tpu.memory_space<hbm>>) dst(%dma_wait3A_365 : memref<128xi32, #tpu.memory_space<vmem>>)
    %dma_wait3A_367 = arith.constant 2 : i32
    %dma_wait3A_368 = arith.constant 0 : i32
    %dma_wait3A_369 = tpu.memref_slice %arg9[%dma_wait3A_367, %dma_wait3A_368] : memref<4x128xi32, #tpu.memory_space<vmem>> -> memref<1x128xi32, #tpu.memory_space<vmem>>
    %dma_wait3A_370 = tpu.memref_squeeze %dma_wait3A_369 : memref<1x128xi32, #tpu.memory_space<vmem>> -> memref<128xi32, #tpu.memory_space<vmem>>
    %dma_wait3A_371 = tpu.memref_slice %arg3[%add3A_185] : memref<16384xi32, #tpu.memory_space<hbm>> -> memref<128xi32, #tpu.memory_space<hbm>>
    %dma_wait3A_372 = arith.constant 0 : i32
    %dma_wait3A_373 = tpu.memref_slice %arg9[%dma_wait3A_367, %dma_wait3A_372] : memref<4x128xi32, #tpu.memory_space<vmem>> -> memref<1x128xi32, #tpu.memory_space<vmem>>
    %dma_wait3A_374 = tpu.memref_squeeze %dma_wait3A_373 : memref<1x128xi32, #tpu.memory_space<vmem>> -> memref<128xi32, #tpu.memory_space<vmem>>
    %dma_wait3A_375 = tpu.memref_slice %arg3[%add3A_185] : memref<16384xi32, #tpu.memory_space<hbm>> -> memref<128xi32, #tpu.memory_space<hbm>>
    tpu.wait_dma2 semaphore(%arg17 : memref<!tpu.dma_semaphore, #tpu.memory_space<semaphore_mem>>) src(%dma_wait3A_375 : memref<128xi32, #tpu.memory_space<hbm>>) dst(%dma_wait3A_374 : memref<128xi32, #tpu.memory_space<vmem>>)
    %dma_wait3A_376 = arith.constant 3 : i32
    %dma_wait3A_377 = arith.constant 0 : i32
    %dma_wait3A_378 = tpu.memref_slice %arg9[%dma_wait3A_376, %dma_wait3A_377] : memref<4x128xi32, #tpu.memory_space<vmem>> -> memref<1x128xi32, #tpu.memory_space<vmem>>
    %dma_wait3A_379 = tpu.memref_squeeze %dma_wait3A_378 : memref<1x128xi32, #tpu.memory_space<vmem>> -> memref<128xi32, #tpu.memory_space<vmem>>
    %dma_wait3A_380 = tpu.memref_slice %arg3[%add3A_196] : memref<16384xi32, #tpu.memory_space<hbm>> -> memref<128xi32, #tpu.memory_space<hbm>>
    %dma_wait3A_381 = arith.constant 0 : i32
    %dma_wait3A_382 = tpu.memref_slice %arg9[%dma_wait3A_376, %dma_wait3A_381] : memref<4x128xi32, #tpu.memory_space<vmem>> -> memref<1x128xi32, #tpu.memory_space<vmem>>
    %dma_wait3A_383 = tpu.memref_squeeze %dma_wait3A_382 : memref<1x128xi32, #tpu.memory_space<vmem>> -> memref<128xi32, #tpu.memory_space<vmem>>
    %dma_wait3A_384 = tpu.memref_slice %arg3[%add3A_196] : memref<16384xi32, #tpu.memory_space<hbm>> -> memref<128xi32, #tpu.memory_space<hbm>>
    tpu.wait_dma2 semaphore(%arg17 : memref<!tpu.dma_semaphore, #tpu.memory_space<semaphore_mem>>) src(%dma_wait3A_384 : memref<128xi32, #tpu.memory_space<hbm>>) dst(%dma_wait3A_383 : memref<128xi32, #tpu.memory_space<vmem>>)
    %dma_start3A_385 = arith.constant 0 : i32
    %dma_start3A_386 = arith.constant 0 : i32
    %dma_start3A_387 = tpu.memref_slice %arg8[%dma_start3A_385, %dma_start3A_386] : memref<8x128xi32, #tpu.memory_space<vmem>> -> memref<1x128xi32, #tpu.memory_space<vmem>>
    %dma_start3A_388 = tpu.memref_squeeze %dma_start3A_387 : memref<1x128xi32, #tpu.memory_space<vmem>> -> memref<128xi32, #tpu.memory_space<vmem>>
    %dma_start3A_389 = arith.constant 0 : i32
    %dma_start3A_390 = arith.constant 0 : i32
    %dma_start3A_391 = tpu.memref_slice %arg5[%dma_start3A_389, %dma_start3A_390] : memref<1000000x128xf32, #tpu.memory_space<hbm>> -> memref<1000000x128xf32, #tpu.memory_space<hbm>>
    tpu.enqueue_indirect_dma source(%dma_start3A_391 : memref<1000000x128xf32, #tpu.memory_space<hbm>>) target(%arg10 : memref<128x128xf32, #tpu.memory_space<vmem>>) offsets(%dma_start3A_388 : memref<128xi32, #tpu.memory_space<vmem>>) semaphore(%arg18 : memref<!tpu.dma_semaphore, #tpu.memory_space<semaphore_mem>>)
    %dma_start3A_392 = arith.constant 1 : i32
    %dma_start3A_393 = arith.constant 0 : i32
    %dma_start3A_394 = tpu.memref_slice %arg8[%dma_start3A_392, %dma_start3A_393] : memref<8x128xi32, #tpu.memory_space<vmem>> -> memref<1x128xi32, #tpu.memory_space<vmem>>
    %dma_start3A_395 = tpu.memref_squeeze %dma_start3A_394 : memref<1x128xi32, #tpu.memory_space<vmem>> -> memref<128xi32, #tpu.memory_space<vmem>>
    %dma_start3A_396 = arith.constant 0 : i32
    %dma_start3A_397 = arith.constant 0 : i32
    %dma_start3A_398 = tpu.memref_slice %arg5[%dma_start3A_396, %dma_start3A_397] : memref<1000000x128xf32, #tpu.memory_space<hbm>> -> memref<1000000x128xf32, #tpu.memory_space<hbm>>
    tpu.enqueue_indirect_dma source(%dma_start3A_398 : memref<1000000x128xf32, #tpu.memory_space<hbm>>) target(%arg11 : memref<128x128xf32, #tpu.memory_space<vmem>>) offsets(%dma_start3A_395 : memref<128xi32, #tpu.memory_space<vmem>>) semaphore(%arg19 : memref<!tpu.dma_semaphore, #tpu.memory_space<semaphore_mem>>)
    %dma_start3A_399 = arith.constant 2 : i32
    %dma_start3A_400 = arith.constant 0 : i32
    %dma_start3A_401 = tpu.memref_slice %arg8[%dma_start3A_399, %dma_start3A_400] : memref<8x128xi32, #tpu.memory_space<vmem>> -> memref<1x128xi32, #tpu.memory_space<vmem>>
    %dma_start3A_402 = tpu.memref_squeeze %dma_start3A_401 : memref<1x128xi32, #tpu.memory_space<vmem>> -> memref<128xi32, #tpu.memory_space<vmem>>
    %dma_start3A_403 = arith.constant 0 : i32
    %dma_start3A_404 = arith.constant 0 : i32
    %dma_start3A_405 = tpu.memref_slice %arg5[%dma_start3A_403, %dma_start3A_404] : memref<1000000x128xf32, #tpu.memory_space<hbm>> -> memref<1000000x128xf32, #tpu.memory_space<hbm>>
    tpu.enqueue_indirect_dma source(%dma_start3A_405 : memref<1000000x128xf32, #tpu.memory_space<hbm>>) target(%arg12 : memref<128x128xf32, #tpu.memory_space<vmem>>) offsets(%dma_start3A_402 : memref<128xi32, #tpu.memory_space<vmem>>) semaphore(%arg20 : memref<!tpu.dma_semaphore, #tpu.memory_space<semaphore_mem>>)
    %dma_start3A_406 = arith.constant 0 : i32
    %dma_start3A_407 = arith.constant 0 : i32
    %dma_start3A_408 = tpu.memref_slice %arg9[%dma_start3A_406, %dma_start3A_407] : memref<4x128xi32, #tpu.memory_space<vmem>> -> memref<1x128xi32, #tpu.memory_space<vmem>>
    %dma_start3A_409 = tpu.memref_squeeze %dma_start3A_408 : memref<1x128xi32, #tpu.memory_space<vmem>> -> memref<128xi32, #tpu.memory_space<vmem>>
    %dma_start3A_410 = arith.constant 0 : i32
    %dma_start3A_411 = arith.constant 0 : i32
    %dma_start3A_412 = tpu.memref_slice %arg6[%dma_start3A_410, %dma_start3A_411] : memref<1000x128xf32, #tpu.memory_space<hbm>> -> memref<1000x128xf32, #tpu.memory_space<hbm>>
    tpu.enqueue_indirect_dma source(%dma_start3A_412 : memref<1000x128xf32, #tpu.memory_space<hbm>>) target(%arg14 : memref<128x128xf32, #tpu.memory_space<vmem>>) offsets(%dma_start3A_409 : memref<128xi32, #tpu.memory_space<vmem>>) semaphore(%arg22 : memref<!tpu.dma_semaphore, #tpu.memory_space<semaphore_mem>>)
    %dma_start3A_413 = arith.constant 1 : i32
    %dma_start3A_414 = arith.constant 0 : i32
    %dma_start3A_415 = tpu.memref_slice %arg9[%dma_start3A_413, %dma_start3A_414] : memref<4x128xi32, #tpu.memory_space<vmem>> -> memref<1x128xi32, #tpu.memory_space<vmem>>
    %dma_start3A_416 = tpu.memref_squeeze %dma_start3A_415 : memref<1x128xi32, #tpu.memory_space<vmem>> -> memref<128xi32, #tpu.memory_space<vmem>>
    %dma_start3A_417 = arith.constant 0 : i32
    %dma_start3A_418 = arith.constant 0 : i32
    %dma_start3A_419 = tpu.memref_slice %arg6[%dma_start3A_417, %dma_start3A_418] : memref<1000x128xf32, #tpu.memory_space<hbm>> -> memref<1000x128xf32, #tpu.memory_space<hbm>>
    tpu.enqueue_indirect_dma source(%dma_start3A_419 : memref<1000x128xf32, #tpu.memory_space<hbm>>) target(%arg15 : memref<128x128xf32, #tpu.memory_space<vmem>>) offsets(%dma_start3A_416 : memref<128xi32, #tpu.memory_space<vmem>>) semaphore(%arg23 : memref<!tpu.dma_semaphore, #tpu.memory_space<semaphore_mem>>)
    %dma_start3A_420 = arith.constant 3 : i32
    %dma_start3A_421 = arith.constant 0 : i32
    %dma_start3A_422 = tpu.memref_slice %arg8[%dma_start3A_420, %dma_start3A_421] : memref<8x128xi32, #tpu.memory_space<vmem>> -> memref<1x128xi32, #tpu.memory_space<vmem>>
    %dma_start3A_423 = tpu.memref_squeeze %dma_start3A_422 : memref<1x128xi32, #tpu.memory_space<vmem>> -> memref<128xi32, #tpu.memory_space<vmem>>
    %dma_start3A_424 = arith.constant 0 : i32
    %dma_start3A_425 = arith.constant 0 : i32
    %dma_start3A_426 = tpu.memref_slice %arg5[%dma_start3A_424, %dma_start3A_425] : memref<1000000x128xf32, #tpu.memory_space<hbm>> -> memref<1000000x128xf32, #tpu.memory_space<hbm>>
    tpu.enqueue_indirect_dma source(%dma_start3A_426 : memref<1000000x128xf32, #tpu.memory_space<hbm>>) target(%arg13 : memref<128x128xf32, #tpu.memory_space<vmem>>) offsets(%dma_start3A_423 : memref<128xi32, #tpu.memory_space<vmem>>) semaphore(%arg21 : memref<!tpu.dma_semaphore, #tpu.memory_space<semaphore_mem>>)
    %dma_wait3A_427 = arith.constant 0 : i32
    %dma_wait3A_428 = arith.constant 0 : i32
    %dma_wait3A_429 = tpu.memref_slice %arg9[%dma_wait3A_427, %dma_wait3A_428] : memref<4x128xi32, #tpu.memory_space<vmem>> -> memref<1x128xi32, #tpu.memory_space<vmem>>
    %dma_wait3A_430 = tpu.memref_squeeze %dma_wait3A_429 : memref<1x128xi32, #tpu.memory_space<vmem>> -> memref<128xi32, #tpu.memory_space<vmem>>
    %dma_wait3A_431 = arith.constant 0 : i32
    %dma_wait3A_432 = arith.constant 0 : i32
    %dma_wait3A_433 = tpu.memref_slice %arg6[%dma_wait3A_431, %dma_wait3A_432] : memref<1000x128xf32, #tpu.memory_space<hbm>> -> memref<1000x128xf32, #tpu.memory_space<hbm>>
    tpu.wait_indirect_dma semaphore(%arg22 : memref<!tpu.dma_semaphore, #tpu.memory_space<semaphore_mem>>) src(%dma_wait3A_433 : memref<1000x128xf32, #tpu.memory_space<hbm>>) dst(%arg14 : memref<128x128xf32, #tpu.memory_space<vmem>>)
    %dma_wait3A_434 = arith.constant 0 : i32
    %dma_wait3A_435 = arith.constant 0 : i32
    %dma_wait3A_436 = tpu.memref_slice %arg8[%dma_wait3A_434, %dma_wait3A_435] : memref<8x128xi32, #tpu.memory_space<vmem>> -> memref<1x128xi32, #tpu.memory_space<vmem>>
    %dma_wait3A_437 = tpu.memref_squeeze %dma_wait3A_436 : memref<1x128xi32, #tpu.memory_space<vmem>> -> memref<128xi32, #tpu.memory_space<vmem>>
    %dma_wait3A_438 = arith.constant 0 : i32
    %dma_wait3A_439 = arith.constant 0 : i32
    %dma_wait3A_440 = tpu.memref_slice %arg5[%dma_wait3A_438, %dma_wait3A_439] : memref<1000000x128xf32, #tpu.memory_space<hbm>> -> memref<1000000x128xf32, #tpu.memory_space<hbm>>
    tpu.wait_indirect_dma semaphore(%arg18 : memref<!tpu.dma_semaphore, #tpu.memory_space<semaphore_mem>>) src(%dma_wait3A_440 : memref<1000000x128xf32, #tpu.memory_space<hbm>>) dst(%arg10 : memref<128x128xf32, #tpu.memory_space<vmem>>)
    %iota3A = tpu.iota {dimensions = array<i32: 0>} : vector<16xi32>
    %add3A_441 = arith.constant 0 : i32
    %add3A_442 = vector.broadcast %add3A_441 : i32 to vector<16xi32>
    %add3A_443 = arith.addi %iota3A, %add3A_442 : vector<16xi32>
    %add3A_444 = arith.constant 64 : i32
    %add3A_445 = vector.broadcast %add3A_444 : i32 to vector<16xi32>
    %add3A_446 = arith.addi %add3A_443, %add3A_445 : vector<16xi32>
    %add3A_447 = arith.constant 0 : i32
    %add3A_448 = vector.broadcast %add3A_447 : i32 to vector<16xi32>
    %add3A_449 = arith.addi %add3A_443, %add3A_448 : vector<16xi32>
    %broadcast_in_dim3A = arith.constant 0.000000e+00 : f32
    %broadcast_in_dim3A_450 = vector.broadcast %broadcast_in_dim3A : f32 to vector<16xf32>
    %scan3A = arith.constant 0 : i32
    %scan3A_451 = arith.constant 64 : i32
    %scan3A_452 = arith.addi %scan3A, %scan3A_451 : i32
    %scan3A_453 = arith.constant 1 : i32
    %scan3A_454 = scf.for %scan3A_1189 = %scan3A to %scan3A_452 step %scan3A_453 iter_args(%scan3A_1190 = %broadcast_in_dim3A_450) -> (vector<16xf32>)  : i32 {
      %mul3A_1191 = arith.constant 1 : i32
      %mul3A_1192 = arith.muli %scan3A_1189, %mul3A_1191 : i32
      %add3A_1193 = arith.constant 0 : i32
      %add3A_1194 = arith.addi %mul3A_1192, %add3A_1193 : i32
      %broadcast_in_dim3A_1195 = vector.broadcast %add3A_1194 : i32 to vector<16xi32>
      %iota3A_1196 = tpu.iota {dimensions = array<i32: 0>} : vector<16xi32>
      %add3A_1197 = arith.addi %broadcast_in_dim3A_1195, %iota3A_1196 : vector<16xi32>
      %and3A = arith.constant 63 : i32
      %and3A_1198 = vector.broadcast %and3A : i32 to vector<16xi32>
      %and3A_1199 = arith.andi %add3A_1197, %and3A_1198 : vector<16xi32>
      %add3A_1200 = arith.constant 64 : i32
      %add3A_1201 = vector.broadcast %add3A_1200 : i32 to vector<16xi32>
      %add3A_1202 = arith.addi %and3A_1199, %add3A_1201 : vector<16xi32>
      %gather3A = tpu.vector_load_idx %arg10[%add3A_443, %and3A_1199] : memref<128x128xf32, #tpu.memory_space<vmem>>[vector<16xi32>, vector<16xi32>], vector<16xf32>,
      %gather3A_1203 = tpu.vector_load_idx %arg10[%add3A_443, %add3A_1202] : memref<128x128xf32, #tpu.memory_space<vmem>>[vector<16xi32>, vector<16xi32>], vector<16xf32>,
      %gather3A_1204 = tpu.vector_load_idx %arg14[%add3A_449, %and3A_1199] : memref<128x128xf32, #tpu.memory_space<vmem>>[vector<16xi32>, vector<16xi32>], vector<16xf32>,
      %gather3A_1205 = tpu.vector_load_idx %arg14[%add3A_449, %add3A_1202] : memref<128x128xf32, #tpu.memory_space<vmem>>[vector<16xi32>, vector<16xi32>], vector<16xf32>,
      %gather3A_1206 = tpu.vector_load_idx %arg10[%add3A_446, %and3A_1199] : memref<128x128xf32, #tpu.memory_space<vmem>>[vector<16xi32>, vector<16xi32>], vector<16xf32>,
      %gather3A_1207 = tpu.vector_load_idx %arg10[%add3A_446, %add3A_1202] : memref<128x128xf32, #tpu.memory_space<vmem>>[vector<16xi32>, vector<16xi32>], vector<16xf32>,
      %mul3A_1208 = arith.mulf %gather3A_1204, %gather3A_1206 : vector<16xf32>
      %mul3A_1209 = arith.mulf %gather3A_1205, %gather3A_1207 : vector<16xf32>
      %add3A_1210 = arith.addf %mul3A_1208, %mul3A_1209 : vector<16xf32>
      %mul3A_1211 = arith.mulf %gather3A, %add3A_1210 : vector<16xf32>
      %mul3A_1212 = arith.mulf %gather3A_1204, %gather3A_1207 : vector<16xf32>
      %mul3A_1213 = arith.mulf %gather3A_1205, %gather3A_1206 : vector<16xf32>
      %sub3A = arith.subf %mul3A_1212, %mul3A_1213 : vector<16xf32>
      %mul3A_1214 = arith.mulf %gather3A_1203, %sub3A : vector<16xf32>
      %add3A_1215 = arith.addf %mul3A_1211, %mul3A_1214 : vector<16xf32>
      %add3A_1216 = arith.addf %scan3A_1190, %add3A_1215 : vector<16xf32>
      scf.yield %add3A_1216 : vector<16xf32>
    }
    %scan3A_455 = arith.constant 64 : i32
    %swap3A = arith.constant 0 : index
    %swap3A_456 = tpu.vector_load %arg16[%swap3A] {strides = array<i32>} : memref<512xf32, #tpu.memory_space<vmem>>, vector<16xf32>,
    tpu.vector_store %arg16[%swap3A], %scan3A_454 {strides = array<i32>} : memref<512xf32, #tpu.memory_space<vmem>>, vector<16xf32>,
    %iota3A_457 = tpu.iota {dimensions = array<i32: 0>} : vector<16xi32>
    %add3A_458 = arith.constant 16 : i32
    %add3A_459 = vector.broadcast %add3A_458 : i32 to vector<16xi32>
    %add3A_460 = arith.addi %iota3A_457, %add3A_459 : vector<16xi32>
    %add3A_461 = arith.constant 64 : i32
    %add3A_462 = vector.broadcast %add3A_461 : i32 to vector<16xi32>
    %add3A_463 = arith.addi %add3A_460, %add3A_462 : vector<16xi32>
    %add3A_464 = arith.constant 0 : i32
    %add3A_465 = vector.broadcast %add3A_464 : i32 to vector<16xi32>
    %add3A_466 = arith.addi %add3A_460, %add3A_465 : vector<16xi32>
    %broadcast_in_dim3A_467 = arith.constant 0.000000e+00 : f32
    %broadcast_in_dim3A_468 = vector.broadcast %broadcast_in_dim3A_467 : f32 to vector<16xf32>
    %scan3A_469 = arith.constant 0 : i32
    %scan3A_470 = arith.constant 64 : i32
    %scan3A_471 = arith.addi %scan3A_469, %scan3A_470 : i32
    %scan3A_472 = arith.constant 1 : i32
    %scan3A_473 = scf.for %scan3A_1189 = %scan3A_469 to %scan3A_471 step %scan3A_472 iter_args(%scan3A_1190 = %broadcast_in_dim3A_468) -> (vector<16xf32>)  : i32 {
      %mul3A_1191 = arith.constant 1 : i32
      %mul3A_1192 = arith.muli %scan3A_1189, %mul3A_1191 : i32
      %add3A_1193 = arith.constant 0 : i32
      %add3A_1194 = arith.addi %mul3A_1192, %add3A_1193 : i32
      %broadcast_in_dim3A_1195 = vector.broadcast %add3A_1194 : i32 to vector<16xi32>
      %iota3A_1196 = tpu.iota {dimensions = array<i32: 0>} : vector<16xi32>
      %add3A_1197 = arith.addi %broadcast_in_dim3A_1195, %iota3A_1196 : vector<16xi32>
      %and3A = arith.constant 63 : i32
      %and3A_1198 = vector.broadcast %and3A : i32 to vector<16xi32>
      %and3A_1199 = arith.andi %add3A_1197, %and3A_1198 : vector<16xi32>
      %add3A_1200 = arith.constant 64 : i32
      %add3A_1201 = vector.broadcast %add3A_1200 : i32 to vector<16xi32>
      %add3A_1202 = arith.addi %and3A_1199, %add3A_1201 : vector<16xi32>
      %gather3A = tpu.vector_load_idx %arg10[%add3A_460, %and3A_1199] : memref<128x128xf32, #tpu.memory_space<vmem>>[vector<16xi32>, vector<16xi32>], vector<16xf32>,
      %gather3A_1203 = tpu.vector_load_idx %arg10[%add3A_460, %add3A_1202] : memref<128x128xf32, #tpu.memory_space<vmem>>[vector<16xi32>, vector<16xi32>], vector<16xf32>,
      %gather3A_1204 = tpu.vector_load_idx %arg14[%add3A_466, %and3A_1199] : memref<128x128xf32, #tpu.memory_space<vmem>>[vector<16xi32>, vector<16xi32>], vector<16xf32>,
      %gather3A_1205 = tpu.vector_load_idx %arg14[%add3A_466, %add3A_1202] : memref<128x128xf32, #tpu.memory_space<vmem>>[vector<16xi32>, vector<16xi32>], vector<16xf32>,
      %gather3A_1206 = tpu.vector_load_idx %arg10[%add3A_463, %and3A_1199] : memref<128x128xf32, #tpu.memory_space<vmem>>[vector<16xi32>, vector<16xi32>], vector<16xf32>,
      %gather3A_1207 = tpu.vector_load_idx %arg10[%add3A_463, %add3A_1202] : memref<128x128xf32, #tpu.memory_space<vmem>>[vector<16xi32>, vector<16xi32>], vector<16xf32>,
      %mul3A_1208 = arith.mulf %gather3A_1204, %gather3A_1206 : vector<16xf32>
      %mul3A_1209 = arith.mulf %gather3A_1205, %gather3A_1207 : vector<16xf32>
      %add3A_1210 = arith.addf %mul3A_1208, %mul3A_1209 : vector<16xf32>
      %mul3A_1211 = arith.mulf %gather3A, %add3A_1210 : vector<16xf32>
      %mul3A_1212 = arith.mulf %gather3A_1204, %gather3A_1207 : vector<16xf32>
      %mul3A_1213 = arith.mulf %gather3A_1205, %gather3A_1206 : vector<16xf32>
      %sub3A = arith.subf %mul3A_1212, %mul3A_1213 : vector<16xf32>
      %mul3A_1214 = arith.mulf %gather3A_1203, %sub3A : vector<16xf32>
      %add3A_1215 = arith.addf %mul3A_1211, %mul3A_1214 : vector<16xf32>
      %add3A_1216 = arith.addf %scan3A_1190, %add3A_1215 : vector<16xf32>
      scf.yield %add3A_1216 : vector<16xf32>
    }
    %scan3A_474 = arith.constant 64 : i32
    %swap3A_475 = arith.constant 16 : index
    %swap3A_476 = tpu.vector_load %arg16[%swap3A_475] {strides = array<i32>} : memref<512xf32, #tpu.memory_space<vmem>>, vector<16xf32>,
    tpu.vector_store %arg16[%swap3A_475], %scan3A_473 {strides = array<i32>} : memref<512xf32, #tpu.memory_space<vmem>>, vector<16xf32>,
    %iota3A_477 = tpu.iota {dimensions = array<i32: 0>} : vector<16xi32>
    %add3A_478 = arith.constant 32 : i32
    %add3A_479 = vector.broadcast %add3A_478 : i32 to vector<16xi32>
    %add3A_480 = arith.addi %iota3A_477, %add3A_479 : vector<16xi32>
    %add3A_481 = arith.constant 64 : i32
    %add3A_482 = vector.broadcast %add3A_481 : i32 to vector<16xi32>
    %add3A_483 = arith.addi %add3A_480, %add3A_482 : vector<16xi32>
    %add3A_484 = arith.constant 0 : i32
    %add3A_485 = vector.broadcast %add3A_484 : i32 to vector<16xi32>
    %add3A_486 = arith.addi %add3A_480, %add3A_485 : vector<16xi32>
    %broadcast_in_dim3A_487 = arith.constant 0.000000e+00 : f32
    %broadcast_in_dim3A_488 = vector.broadcast %broadcast_in_dim3A_487 : f32 to vector<16xf32>
    %scan3A_489 = arith.constant 0 : i32
    %scan3A_490 = arith.constant 64 : i32
    %scan3A_491 = arith.addi %scan3A_489, %scan3A_490 : i32
    %scan3A_492 = arith.constant 1 : i32
    %scan3A_493 = scf.for %scan3A_1189 = %scan3A_489 to %scan3A_491 step %scan3A_492 iter_args(%scan3A_1190 = %broadcast_in_dim3A_488) -> (vector<16xf32>)  : i32 {
      %mul3A_1191 = arith.constant 1 : i32
      %mul3A_1192 = arith.muli %scan3A_1189, %mul3A_1191 : i32
      %add3A_1193 = arith.constant 0 : i32
      %add3A_1194 = arith.addi %mul3A_1192, %add3A_1193 : i32
      %broadcast_in_dim3A_1195 = vector.broadcast %add3A_1194 : i32 to vector<16xi32>
      %iota3A_1196 = tpu.iota {dimensions = array<i32: 0>} : vector<16xi32>
      %add3A_1197 = arith.addi %broadcast_in_dim3A_1195, %iota3A_1196 : vector<16xi32>
      %and3A = arith.constant 63 : i32
      %and3A_1198 = vector.broadcast %and3A : i32 to vector<16xi32>
      %and3A_1199 = arith.andi %add3A_1197, %and3A_1198 : vector<16xi32>
      %add3A_1200 = arith.constant 64 : i32
      %add3A_1201 = vector.broadcast %add3A_1200 : i32 to vector<16xi32>
      %add3A_1202 = arith.addi %and3A_1199, %add3A_1201 : vector<16xi32>
      %gather3A = tpu.vector_load_idx %arg10[%add3A_480, %and3A_1199] : memref<128x128xf32, #tpu.memory_space<vmem>>[vector<16xi32>, vector<16xi32>], vector<16xf32>,
      %gather3A_1203 = tpu.vector_load_idx %arg10[%add3A_480, %add3A_1202] : memref<128x128xf32, #tpu.memory_space<vmem>>[vector<16xi32>, vector<16xi32>], vector<16xf32>,
      %gather3A_1204 = tpu.vector_load_idx %arg14[%add3A_486, %and3A_1199] : memref<128x128xf32, #tpu.memory_space<vmem>>[vector<16xi32>, vector<16xi32>], vector<16xf32>,
      %gather3A_1205 = tpu.vector_load_idx %arg14[%add3A_486, %add3A_1202] : memref<128x128xf32, #tpu.memory_space<vmem>>[vector<16xi32>, vector<16xi32>], vector<16xf32>,
      %gather3A_1206 = tpu.vector_load_idx %arg10[%add3A_483, %and3A_1199] : memref<128x128xf32, #tpu.memory_space<vmem>>[vector<16xi32>, vector<16xi32>], vector<16xf32>,
      %gather3A_1207 = tpu.vector_load_idx %arg10[%add3A_483, %add3A_1202] : memref<128x128xf32, #tpu.memory_space<vmem>>[vector<16xi32>, vector<16xi32>], vector<16xf32>,
      %mul3A_1208 = arith.mulf %gather3A_1204, %gather3A_1206 : vector<16xf32>
      %mul3A_1209 = arith.mulf %gather3A_1205, %gather3A_1207 : vector<16xf32>
      %add3A_1210 = arith.addf %mul3A_1208, %mul3A_1209 : vector<16xf32>
      %mul3A_1211 = arith.mulf %gather3A, %add3A_1210 : vector<16xf32>
      %mul3A_1212 = arith.mulf %gather3A_1204, %gather3A_1207 : vector<16xf32>
      %mul3A_1213 = arith.mulf %gather3A_1205, %gather3A_1206 : vector<16xf32>
      %sub3A = arith.subf %mul3A_1212, %mul3A_1213 : vector<16xf32>
      %mul3A_1214 = arith.mulf %gather3A_1203, %sub3A : vector<16xf32>
      %add3A_1215 = arith.addf %mul3A_1211, %mul3A_1214 : vector<16xf32>
      %add3A_1216 = arith.addf %scan3A_1190, %add3A_1215 : vector<16xf32>
      scf.yield %add3A_1216 : vector<16xf32>
    }
    %scan3A_494 = arith.constant 64 : i32
    %swap3A_495 = arith.constant 32 : index
    %swap3A_496 = tpu.vector_load %arg16[%swap3A_495] {strides = array<i32>} : memref<512xf32, #tpu.memory_space<vmem>>, vector<16xf32>,
    tpu.vector_store %arg16[%swap3A_495], %scan3A_493 {strides = array<i32>} : memref<512xf32, #tpu.memory_space<vmem>>, vector<16xf32>,
    %iota3A_497 = tpu.iota {dimensions = array<i32: 0>} : vector<16xi32>
    %add3A_498 = arith.constant 48 : i32
    %add3A_499 = vector.broadcast %add3A_498 : i32 to vector<16xi32>
    %add3A_500 = arith.addi %iota3A_497, %add3A_499 : vector<16xi32>
    %add3A_501 = arith.constant 64 : i32
    %add3A_502 = vector.broadcast %add3A_501 : i32 to vector<16xi32>
    %add3A_503 = arith.addi %add3A_500, %add3A_502 : vector<16xi32>
    %add3A_504 = arith.constant 0 : i32
    %add3A_505 = vector.broadcast %add3A_504 : i32 to vector<16xi32>
    %add3A_506 = arith.addi %add3A_500, %add3A_505 : vector<16xi32>
    %broadcast_in_dim3A_507 = arith.constant 0.000000e+00 : f32
    %broadcast_in_dim3A_508 = vector.broadcast %broadcast_in_dim3A_507 : f32 to vector<16xf32>
    %scan3A_509 = arith.constant 0 : i32
    %scan3A_510 = arith.constant 64 : i32
    %scan3A_511 = arith.addi %scan3A_509, %scan3A_510 : i32
    %scan3A_512 = arith.constant 1 : i32
    %scan3A_513 = scf.for %scan3A_1189 = %scan3A_509 to %scan3A_511 step %scan3A_512 iter_args(%scan3A_1190 = %broadcast_in_dim3A_508) -> (vector<16xf32>)  : i32 {
      %mul3A_1191 = arith.constant 1 : i32
      %mul3A_1192 = arith.muli %scan3A_1189, %mul3A_1191 : i32
      %add3A_1193 = arith.constant 0 : i32
      %add3A_1194 = arith.addi %mul3A_1192, %add3A_1193 : i32
      %broadcast_in_dim3A_1195 = vector.broadcast %add3A_1194 : i32 to vector<16xi32>
      %iota3A_1196 = tpu.iota {dimensions = array<i32: 0>} : vector<16xi32>
      %add3A_1197 = arith.addi %broadcast_in_dim3A_1195, %iota3A_1196 : vector<16xi32>
      %and3A = arith.constant 63 : i32
      %and3A_1198 = vector.broadcast %and3A : i32 to vector<16xi32>
      %and3A_1199 = arith.andi %add3A_1197, %and3A_1198 : vector<16xi32>
      %add3A_1200 = arith.constant 64 : i32
      %add3A_1201 = vector.broadcast %add3A_1200 : i32 to vector<16xi32>
      %add3A_1202 = arith.addi %and3A_1199, %add3A_1201 : vector<16xi32>
      %gather3A = tpu.vector_load_idx %arg10[%add3A_500, %and3A_1199] : memref<128x128xf32, #tpu.memory_space<vmem>>[vector<16xi32>, vector<16xi32>], vector<16xf32>,
      %gather3A_1203 = tpu.vector_load_idx %arg10[%add3A_500, %add3A_1202] : memref<128x128xf32, #tpu.memory_space<vmem>>[vector<16xi32>, vector<16xi32>], vector<16xf32>,
      %gather3A_1204 = tpu.vector_load_idx %arg14[%add3A_506, %and3A_1199] : memref<128x128xf32, #tpu.memory_space<vmem>>[vector<16xi32>, vector<16xi32>], vector<16xf32>,
      %gather3A_1205 = tpu.vector_load_idx %arg14[%add3A_506, %add3A_1202] : memref<128x128xf32, #tpu.memory_space<vmem>>[vector<16xi32>, vector<16xi32>], vector<16xf32>,
      %gather3A_1206 = tpu.vector_load_idx %arg10[%add3A_503, %and3A_1199] : memref<128x128xf32, #tpu.memory_space<vmem>>[vector<16xi32>, vector<16xi32>], vector<16xf32>,
      %gather3A_1207 = tpu.vector_load_idx %arg10[%add3A_503, %add3A_1202] : memref<128x128xf32, #tpu.memory_space<vmem>>[vector<16xi32>, vector<16xi32>], vector<16xf32>,
      %mul3A_1208 = arith.mulf %gather3A_1204, %gather3A_1206 : vector<16xf32>
      %mul3A_1209 = arith.mulf %gather3A_1205, %gather3A_1207 : vector<16xf32>
      %add3A_1210 = arith.addf %mul3A_1208, %mul3A_1209 : vector<16xf32>
      %mul3A_1211 = arith.mulf %gather3A, %add3A_1210 : vector<16xf32>
      %mul3A_1212 = arith.mulf %gather3A_1204, %gather3A_1207 : vector<16xf32>
      %mul3A_1213 = arith.mulf %gather3A_1205, %gather3A_1206 : vector<16xf32>
      %sub3A = arith.subf %mul3A_1212, %mul3A_1213 : vector<16xf32>
      %mul3A_1214 = arith.mulf %gather3A_1203, %sub3A : vector<16xf32>
      %add3A_1215 = arith.addf %mul3A_1211, %mul3A_1214 : vector<16xf32>
      %add3A_1216 = arith.addf %scan3A_1190, %add3A_1215 : vector<16xf32>
      scf.yield %add3A_1216 : vector<16xf32>
    }
    %scan3A_514 = arith.constant 64 : i32
    %swap3A_515 = arith.constant 48 : index
    %swap3A_516 = tpu.vector_load %arg16[%swap3A_515] {strides = array<i32>} : memref<512xf32, #tpu.memory_space<vmem>>, vector<16xf32>,
    tpu.vector_store %arg16[%swap3A_515], %scan3A_513 {strides = array<i32>} : memref<512xf32, #tpu.memory_space<vmem>>, vector<16xf32>,
    %dma_start3A_517 = arith.constant 4 : i32
    %dma_start3A_518 = arith.constant 0 : i32
    %dma_start3A_519 = tpu.memref_slice %arg8[%dma_start3A_517, %dma_start3A_518] : memref<8x128xi32, #tpu.memory_space<vmem>> -> memref<1x128xi32, #tpu.memory_space<vmem>>
    %dma_start3A_520 = tpu.memref_squeeze %dma_start3A_519 : memref<1x128xi32, #tpu.memory_space<vmem>> -> memref<128xi32, #tpu.memory_space<vmem>>
    %dma_start3A_521 = arith.constant 0 : i32
    %dma_start3A_522 = arith.constant 0 : i32
    %dma_start3A_523 = tpu.memref_slice %arg5[%dma_start3A_521, %dma_start3A_522] : memref<1000000x128xf32, #tpu.memory_space<hbm>> -> memref<1000000x128xf32, #tpu.memory_space<hbm>>
    tpu.enqueue_indirect_dma source(%dma_start3A_523 : memref<1000000x128xf32, #tpu.memory_space<hbm>>) target(%arg10 : memref<128x128xf32, #tpu.memory_space<vmem>>) offsets(%dma_start3A_520 : memref<128xi32, #tpu.memory_space<vmem>>) semaphore(%arg18 : memref<!tpu.dma_semaphore, #tpu.memory_space<semaphore_mem>>)
    %dma_wait3A_524 = arith.constant 1 : i32
    %dma_wait3A_525 = arith.constant 0 : i32
    %dma_wait3A_526 = tpu.memref_slice %arg8[%dma_wait3A_524, %dma_wait3A_525] : memref<8x128xi32, #tpu.memory_space<vmem>> -> memref<1x128xi32, #tpu.memory_space<vmem>>
    %dma_wait3A_527 = tpu.memref_squeeze %dma_wait3A_526 : memref<1x128xi32, #tpu.memory_space<vmem>> -> memref<128xi32, #tpu.memory_space<vmem>>
    %dma_wait3A_528 = arith.constant 0 : i32
    %dma_wait3A_529 = arith.constant 0 : i32
    %dma_wait3A_530 = tpu.memref_slice %arg5[%dma_wait3A_528, %dma_wait3A_529] : memref<1000000x128xf32, #tpu.memory_space<hbm>> -> memref<1000000x128xf32, #tpu.memory_space<hbm>>
    tpu.wait_indirect_dma semaphore(%arg19 : memref<!tpu.dma_semaphore, #tpu.memory_space<semaphore_mem>>) src(%dma_wait3A_530 : memref<1000000x128xf32, #tpu.memory_space<hbm>>) dst(%arg11 : memref<128x128xf32, #tpu.memory_space<vmem>>)
    %iota3A_531 = tpu.iota {dimensions = array<i32: 0>} : vector<16xi32>
    %add3A_532 = arith.constant 0 : i32
    %add3A_533 = vector.broadcast %add3A_532 : i32 to vector<16xi32>
    %add3A_534 = arith.addi %iota3A_531, %add3A_533 : vector<16xi32>
    %add3A_535 = arith.constant 64 : i32
    %add3A_536 = vector.broadcast %add3A_535 : i32 to vector<16xi32>
    %add3A_537 = arith.addi %add3A_534, %add3A_536 : vector<16xi32>
    %add3A_538 = arith.constant 64 : i32
    %add3A_539 = vector.broadcast %add3A_538 : i32 to vector<16xi32>
    %add3A_540 = arith.addi %add3A_534, %add3A_539 : vector<16xi32>
    %broadcast_in_dim3A_541 = arith.constant 0.000000e+00 : f32
    %broadcast_in_dim3A_542 = vector.broadcast %broadcast_in_dim3A_541 : f32 to vector<16xf32>
    %scan3A_543 = arith.constant 0 : i32
    %scan3A_544 = arith.constant 64 : i32
    %scan3A_545 = arith.addi %scan3A_543, %scan3A_544 : i32
    %scan3A_546 = arith.constant 1 : i32
    %scan3A_547 = scf.for %scan3A_1189 = %scan3A_543 to %scan3A_545 step %scan3A_546 iter_args(%scan3A_1190 = %broadcast_in_dim3A_542) -> (vector<16xf32>)  : i32 {
      %mul3A_1191 = arith.constant 1 : i32
      %mul3A_1192 = arith.muli %scan3A_1189, %mul3A_1191 : i32
      %add3A_1193 = arith.constant 0 : i32
      %add3A_1194 = arith.addi %mul3A_1192, %add3A_1193 : i32
      %broadcast_in_dim3A_1195 = vector.broadcast %add3A_1194 : i32 to vector<16xi32>
      %iota3A_1196 = tpu.iota {dimensions = array<i32: 0>} : vector<16xi32>
      %add3A_1197 = arith.addi %broadcast_in_dim3A_1195, %iota3A_1196 : vector<16xi32>
      %and3A = arith.constant 63 : i32
      %and3A_1198 = vector.broadcast %and3A : i32 to vector<16xi32>
      %and3A_1199 = arith.andi %add3A_1197, %and3A_1198 : vector<16xi32>
      %add3A_1200 = arith.constant 64 : i32
      %add3A_1201 = vector.broadcast %add3A_1200 : i32 to vector<16xi32>
      %add3A_1202 = arith.addi %and3A_1199, %add3A_1201 : vector<16xi32>
      %gather3A = tpu.vector_load_idx %arg11[%add3A_534, %and3A_1199] : memref<128x128xf32, #tpu.memory_space<vmem>>[vector<16xi32>, vector<16xi32>], vector<16xf32>,
      %gather3A_1203 = tpu.vector_load_idx %arg11[%add3A_534, %add3A_1202] : memref<128x128xf32, #tpu.memory_space<vmem>>[vector<16xi32>, vector<16xi32>], vector<16xf32>,
      %gather3A_1204 = tpu.vector_load_idx %arg14[%add3A_540, %and3A_1199] : memref<128x128xf32, #tpu.memory_space<vmem>>[vector<16xi32>, vector<16xi32>], vector<16xf32>,
      %gather3A_1205 = tpu.vector_load_idx %arg14[%add3A_540, %add3A_1202] : memref<128x128xf32, #tpu.memory_space<vmem>>[vector<16xi32>, vector<16xi32>], vector<16xf32>,
      %gather3A_1206 = tpu.vector_load_idx %arg11[%add3A_537, %and3A_1199] : memref<128x128xf32, #tpu.memory_space<vmem>>[vector<16xi32>, vector<16xi32>], vector<16xf32>,
      %gather3A_1207 = tpu.vector_load_idx %arg11[%add3A_537, %add3A_1202] : memref<128x128xf32, #tpu.memory_space<vmem>>[vector<16xi32>, vector<16xi32>], vector<16xf32>,
      %mul3A_1208 = arith.mulf %gather3A_1204, %gather3A_1206 : vector<16xf32>
      %mul3A_1209 = arith.mulf %gather3A_1205, %gather3A_1207 : vector<16xf32>
      %add3A_1210 = arith.addf %mul3A_1208, %mul3A_1209 : vector<16xf32>
      %mul3A_1211 = arith.mulf %gather3A, %add3A_1210 : vector<16xf32>
      %mul3A_1212 = arith.mulf %gather3A_1204, %gather3A_1207 : vector<16xf32>
      %mul3A_1213 = arith.mulf %gather3A_1205, %gather3A_1206 : vector<16xf32>
      %sub3A = arith.subf %mul3A_1212, %mul3A_1213 : vector<16xf32>
      %mul3A_1214 = arith.mulf %gather3A_1203, %sub3A : vector<16xf32>
      %add3A_1215 = arith.addf %mul3A_1211, %mul3A_1214 : vector<16xf32>
      %add3A_1216 = arith.addf %scan3A_1190, %add3A_1215 : vector<16xf32>
      scf.yield %add3A_1216 : vector<16xf32>
    }
    %scan3A_548 = arith.constant 64 : i32
    %swap3A_549 = arith.constant 64 : index
    %swap3A_550 = tpu.vector_load %arg16[%swap3A_549] {strides = array<i32>} : memref<512xf32, #tpu.memory_space<vmem>>, vector<16xf32>,
    tpu.vector_store %arg16[%swap3A_549], %scan3A_547 {strides = array<i32>} : memref<512xf32, #tpu.memory_space<vmem>>, vector<16xf32>,
    %iota3A_551 = tpu.iota {dimensions = array<i32: 0>} : vector<16xi32>
    %add3A_552 = arith.constant 16 : i32
    %add3A_553 = vector.broadcast %add3A_552 : i32 to vector<16xi32>
    %add3A_554 = arith.addi %iota3A_551, %add3A_553 : vector<16xi32>
    %add3A_555 = arith.constant 64 : i32
    %add3A_556 = vector.broadcast %add3A_555 : i32 to vector<16xi32>
    %add3A_557 = arith.addi %add3A_554, %add3A_556 : vector<16xi32>
    %add3A_558 = arith.constant 64 : i32
    %add3A_559 = vector.broadcast %add3A_558 : i32 to vector<16xi32>
    %add3A_560 = arith.addi %add3A_554, %add3A_559 : vector<16xi32>
    %broadcast_in_dim3A_561 = arith.constant 0.000000e+00 : f32
    %broadcast_in_dim3A_562 = vector.broadcast %broadcast_in_dim3A_561 : f32 to vector<16xf32>
    %scan3A_563 = arith.constant 0 : i32
    %scan3A_564 = arith.constant 64 : i32
    %scan3A_565 = arith.addi %scan3A_563, %scan3A_564 : i32
    %scan3A_566 = arith.constant 1 : i32
    %scan3A_567 = scf.for %scan3A_1189 = %scan3A_563 to %scan3A_565 step %scan3A_566 iter_args(%scan3A_1190 = %broadcast_in_dim3A_562) -> (vector<16xf32>)  : i32 {
      %mul3A_1191 = arith.constant 1 : i32
      %mul3A_1192 = arith.muli %scan3A_1189, %mul3A_1191 : i32
      %add3A_1193 = arith.constant 0 : i32
      %add3A_1194 = arith.addi %mul3A_1192, %add3A_1193 : i32
      %broadcast_in_dim3A_1195 = vector.broadcast %add3A_1194 : i32 to vector<16xi32>
      %iota3A_1196 = tpu.iota {dimensions = array<i32: 0>} : vector<16xi32>
      %add3A_1197 = arith.addi %broadcast_in_dim3A_1195, %iota3A_1196 : vector<16xi32>
      %and3A = arith.constant 63 : i32
      %and3A_1198 = vector.broadcast %and3A : i32 to vector<16xi32>
      %and3A_1199 = arith.andi %add3A_1197, %and3A_1198 : vector<16xi32>
      %add3A_1200 = arith.constant 64 : i32
      %add3A_1201 = vector.broadcast %add3A_1200 : i32 to vector<16xi32>
      %add3A_1202 = arith.addi %and3A_1199, %add3A_1201 : vector<16xi32>
      %gather3A = tpu.vector_load_idx %arg11[%add3A_554, %and3A_1199] : memref<128x128xf32, #tpu.memory_space<vmem>>[vector<16xi32>, vector<16xi32>], vector<16xf32>,
      %gather3A_1203 = tpu.vector_load_idx %arg11[%add3A_554, %add3A_1202] : memref<128x128xf32, #tpu.memory_space<vmem>>[vector<16xi32>, vector<16xi32>], vector<16xf32>,
      %gather3A_1204 = tpu.vector_load_idx %arg14[%add3A_560, %and3A_1199] : memref<128x128xf32, #tpu.memory_space<vmem>>[vector<16xi32>, vector<16xi32>], vector<16xf32>,
      %gather3A_1205 = tpu.vector_load_idx %arg14[%add3A_560, %add3A_1202] : memref<128x128xf32, #tpu.memory_space<vmem>>[vector<16xi32>, vector<16xi32>], vector<16xf32>,
      %gather3A_1206 = tpu.vector_load_idx %arg11[%add3A_557, %and3A_1199] : memref<128x128xf32, #tpu.memory_space<vmem>>[vector<16xi32>, vector<16xi32>], vector<16xf32>,
      %gather3A_1207 = tpu.vector_load_idx %arg11[%add3A_557, %add3A_1202] : memref<128x128xf32, #tpu.memory_space<vmem>>[vector<16xi32>, vector<16xi32>], vector<16xf32>,
      %mul3A_1208 = arith.mulf %gather3A_1204, %gather3A_1206 : vector<16xf32>
      %mul3A_1209 = arith.mulf %gather3A_1205, %gather3A_1207 : vector<16xf32>
      %add3A_1210 = arith.addf %mul3A_1208, %mul3A_1209 : vector<16xf32>
      %mul3A_1211 = arith.mulf %gather3A, %add3A_1210 : vector<16xf32>
      %mul3A_1212 = arith.mulf %gather3A_1204, %gather3A_1207 : vector<16xf32>
      %mul3A_1213 = arith.mulf %gather3A_1205, %gather3A_1206 : vector<16xf32>
      %sub3A = arith.subf %mul3A_1212, %mul3A_1213 : vector<16xf32>
      %mul3A_1214 = arith.mulf %gather3A_1203, %sub3A : vector<16xf32>
      %add3A_1215 = arith.addf %mul3A_1211, %mul3A_1214 : vector<16xf32>
      %add3A_1216 = arith.addf %scan3A_1190, %add3A_1215 : vector<16xf32>
      scf.yield %add3A_1216 : vector<16xf32>
    }
    %scan3A_568 = arith.constant 64 : i32
    %swap3A_569 = arith.constant 80 : index
    %swap3A_570 = tpu.vector_load %arg16[%swap3A_569] {strides = array<i32>} : memref<512xf32, #tpu.memory_space<vmem>>, vector<16xf32>,
    tpu.vector_store %arg16[%swap3A_569], %scan3A_567 {strides = array<i32>} : memref<512xf32, #tpu.memory_space<vmem>>, vector<16xf32>,
    %iota3A_571 = tpu.iota {dimensions = array<i32: 0>} : vector<16xi32>
    %add3A_572 = arith.constant 32 : i32
    %add3A_573 = vector.broadcast %add3A_572 : i32 to vector<16xi32>
    %add3A_574 = arith.addi %iota3A_571, %add3A_573 : vector<16xi32>
    %add3A_575 = arith.constant 64 : i32
    %add3A_576 = vector.broadcast %add3A_575 : i32 to vector<16xi32>
    %add3A_577 = arith.addi %add3A_574, %add3A_576 : vector<16xi32>
    %add3A_578 = arith.constant 64 : i32
    %add3A_579 = vector.broadcast %add3A_578 : i32 to vector<16xi32>
    %add3A_580 = arith.addi %add3A_574, %add3A_579 : vector<16xi32>
    %broadcast_in_dim3A_581 = arith.constant 0.000000e+00 : f32
    %broadcast_in_dim3A_582 = vector.broadcast %broadcast_in_dim3A_581 : f32 to vector<16xf32>
    %scan3A_583 = arith.constant 0 : i32
    %scan3A_584 = arith.constant 64 : i32
    %scan3A_585 = arith.addi %scan3A_583, %scan3A_584 : i32
    %scan3A_586 = arith.constant 1 : i32
    %scan3A_587 = scf.for %scan3A_1189 = %scan3A_583 to %scan3A_585 step %scan3A_586 iter_args(%scan3A_1190 = %broadcast_in_dim3A_582) -> (vector<16xf32>)  : i32 {
      %mul3A_1191 = arith.constant 1 : i32
      %mul3A_1192 = arith.muli %scan3A_1189, %mul3A_1191 : i32
      %add3A_1193 = arith.constant 0 : i32
      %add3A_1194 = arith.addi %mul3A_1192, %add3A_1193 : i32
      %broadcast_in_dim3A_1195 = vector.broadcast %add3A_1194 : i32 to vector<16xi32>
      %iota3A_1196 = tpu.iota {dimensions = array<i32: 0>} : vector<16xi32>
      %add3A_1197 = arith.addi %broadcast_in_dim3A_1195, %iota3A_1196 : vector<16xi32>
      %and3A = arith.constant 63 : i32
      %and3A_1198 = vector.broadcast %and3A : i32 to vector<16xi32>
      %and3A_1199 = arith.andi %add3A_1197, %and3A_1198 : vector<16xi32>
      %add3A_1200 = arith.constant 64 : i32
      %add3A_1201 = vector.broadcast %add3A_1200 : i32 to vector<16xi32>
      %add3A_1202 = arith.addi %and3A_1199, %add3A_1201 : vector<16xi32>
      %gather3A = tpu.vector_load_idx %arg11[%add3A_574, %and3A_1199] : memref<128x128xf32, #tpu.memory_space<vmem>>[vector<16xi32>, vector<16xi32>], vector<16xf32>,
      %gather3A_1203 = tpu.vector_load_idx %arg11[%add3A_574, %add3A_1202] : memref<128x128xf32, #tpu.memory_space<vmem>>[vector<16xi32>, vector<16xi32>], vector<16xf32>,
      %gather3A_1204 = tpu.vector_load_idx %arg14[%add3A_580, %and3A_1199] : memref<128x128xf32, #tpu.memory_space<vmem>>[vector<16xi32>, vector<16xi32>], vector<16xf32>,
      %gather3A_1205 = tpu.vector_load_idx %arg14[%add3A_580, %add3A_1202] : memref<128x128xf32, #tpu.memory_space<vmem>>[vector<16xi32>, vector<16xi32>], vector<16xf32>,
      %gather3A_1206 = tpu.vector_load_idx %arg11[%add3A_577, %and3A_1199] : memref<128x128xf32, #tpu.memory_space<vmem>>[vector<16xi32>, vector<16xi32>], vector<16xf32>,
      %gather3A_1207 = tpu.vector_load_idx %arg11[%add3A_577, %add3A_1202] : memref<128x128xf32, #tpu.memory_space<vmem>>[vector<16xi32>, vector<16xi32>], vector<16xf32>,
      %mul3A_1208 = arith.mulf %gather3A_1204, %gather3A_1206 : vector<16xf32>
      %mul3A_1209 = arith.mulf %gather3A_1205, %gather3A_1207 : vector<16xf32>
      %add3A_1210 = arith.addf %mul3A_1208, %mul3A_1209 : vector<16xf32>
      %mul3A_1211 = arith.mulf %gather3A, %add3A_1210 : vector<16xf32>
      %mul3A_1212 = arith.mulf %gather3A_1204, %gather3A_1207 : vector<16xf32>
      %mul3A_1213 = arith.mulf %gather3A_1205, %gather3A_1206 : vector<16xf32>
      %sub3A = arith.subf %mul3A_1212, %mul3A_1213 : vector<16xf32>
      %mul3A_1214 = arith.mulf %gather3A_1203, %sub3A : vector<16xf32>
      %add3A_1215 = arith.addf %mul3A_1211, %mul3A_1214 : vector<16xf32>
      %add3A_1216 = arith.addf %scan3A_1190, %add3A_1215 : vector<16xf32>
      scf.yield %add3A_1216 : vector<16xf32>
    }
    %scan3A_588 = arith.constant 64 : i32
    %swap3A_589 = arith.constant 96 : index
    %swap3A_590 = tpu.vector_load %arg16[%swap3A_589] {strides = array<i32>} : memref<512xf32, #tpu.memory_space<vmem>>, vector<16xf32>,
    tpu.vector_store %arg16[%swap3A_589], %scan3A_587 {strides = array<i32>} : memref<512xf32, #tpu.memory_space<vmem>>, vector<16xf32>,
    %iota3A_591 = tpu.iota {dimensions = array<i32: 0>} : vector<16xi32>
    %add3A_592 = arith.constant 48 : i32
    %add3A_593 = vector.broadcast %add3A_592 : i32 to vector<16xi32>
    %add3A_594 = arith.addi %iota3A_591, %add3A_593 : vector<16xi32>
    %add3A_595 = arith.constant 64 : i32
    %add3A_596 = vector.broadcast %add3A_595 : i32 to vector<16xi32>
    %add3A_597 = arith.addi %add3A_594, %add3A_596 : vector<16xi32>
    %add3A_598 = arith.constant 64 : i32
    %add3A_599 = vector.broadcast %add3A_598 : i32 to vector<16xi32>
    %add3A_600 = arith.addi %add3A_594, %add3A_599 : vector<16xi32>
    %broadcast_in_dim3A_601 = arith.constant 0.000000e+00 : f32
    %broadcast_in_dim3A_602 = vector.broadcast %broadcast_in_dim3A_601 : f32 to vector<16xf32>
    %scan3A_603 = arith.constant 0 : i32
    %scan3A_604 = arith.constant 64 : i32
    %scan3A_605 = arith.addi %scan3A_603, %scan3A_604 : i32
    %scan3A_606 = arith.constant 1 : i32
    %scan3A_607 = scf.for %scan3A_1189 = %scan3A_603 to %scan3A_605 step %scan3A_606 iter_args(%scan3A_1190 = %broadcast_in_dim3A_602) -> (vector<16xf32>)  : i32 {
      %mul3A_1191 = arith.constant 1 : i32
      %mul3A_1192 = arith.muli %scan3A_1189, %mul3A_1191 : i32
      %add3A_1193 = arith.constant 0 : i32
      %add3A_1194 = arith.addi %mul3A_1192, %add3A_1193 : i32
      %broadcast_in_dim3A_1195 = vector.broadcast %add3A_1194 : i32 to vector<16xi32>
      %iota3A_1196 = tpu.iota {dimensions = array<i32: 0>} : vector<16xi32>
      %add3A_1197 = arith.addi %broadcast_in_dim3A_1195, %iota3A_1196 : vector<16xi32>
      %and3A = arith.constant 63 : i32
      %and3A_1198 = vector.broadcast %and3A : i32 to vector<16xi32>
      %and3A_1199 = arith.andi %add3A_1197, %and3A_1198 : vector<16xi32>
      %add3A_1200 = arith.constant 64 : i32
      %add3A_1201 = vector.broadcast %add3A_1200 : i32 to vector<16xi32>
      %add3A_1202 = arith.addi %and3A_1199, %add3A_1201 : vector<16xi32>
      %gather3A = tpu.vector_load_idx %arg11[%add3A_594, %and3A_1199] : memref<128x128xf32, #tpu.memory_space<vmem>>[vector<16xi32>, vector<16xi32>], vector<16xf32>,
      %gather3A_1203 = tpu.vector_load_idx %arg11[%add3A_594, %add3A_1202] : memref<128x128xf32, #tpu.memory_space<vmem>>[vector<16xi32>, vector<16xi32>], vector<16xf32>,
      %gather3A_1204 = tpu.vector_load_idx %arg14[%add3A_600, %and3A_1199] : memref<128x128xf32, #tpu.memory_space<vmem>>[vector<16xi32>, vector<16xi32>], vector<16xf32>,
      %gather3A_1205 = tpu.vector_load_idx %arg14[%add3A_600, %add3A_1202] : memref<128x128xf32, #tpu.memory_space<vmem>>[vector<16xi32>, vector<16xi32>], vector<16xf32>,
      %gather3A_1206 = tpu.vector_load_idx %arg11[%add3A_597, %and3A_1199] : memref<128x128xf32, #tpu.memory_space<vmem>>[vector<16xi32>, vector<16xi32>], vector<16xf32>,
      %gather3A_1207 = tpu.vector_load_idx %arg11[%add3A_597, %add3A_1202] : memref<128x128xf32, #tpu.memory_space<vmem>>[vector<16xi32>, vector<16xi32>], vector<16xf32>,
      %mul3A_1208 = arith.mulf %gather3A_1204, %gather3A_1206 : vector<16xf32>
      %mul3A_1209 = arith.mulf %gather3A_1205, %gather3A_1207 : vector<16xf32>
      %add3A_1210 = arith.addf %mul3A_1208, %mul3A_1209 : vector<16xf32>
      %mul3A_1211 = arith.mulf %gather3A, %add3A_1210 : vector<16xf32>
      %mul3A_1212 = arith.mulf %gather3A_1204, %gather3A_1207 : vector<16xf32>
      %mul3A_1213 = arith.mulf %gather3A_1205, %gather3A_1206 : vector<16xf32>
      %sub3A = arith.subf %mul3A_1212, %mul3A_1213 : vector<16xf32>
      %mul3A_1214 = arith.mulf %gather3A_1203, %sub3A : vector<16xf32>
      %add3A_1215 = arith.addf %mul3A_1211, %mul3A_1214 : vector<16xf32>
      %add3A_1216 = arith.addf %scan3A_1190, %add3A_1215 : vector<16xf32>
      scf.yield %add3A_1216 : vector<16xf32>
    }
    %scan3A_608 = arith.constant 64 : i32
    %swap3A_609 = arith.constant 112 : index
    %swap3A_610 = tpu.vector_load %arg16[%swap3A_609] {strides = array<i32>} : memref<512xf32, #tpu.memory_space<vmem>>, vector<16xf32>,
    tpu.vector_store %arg16[%swap3A_609], %scan3A_607 {strides = array<i32>} : memref<512xf32, #tpu.memory_space<vmem>>, vector<16xf32>,
    %dma_start3A_611 = arith.constant 2 : i32
    %dma_start3A_612 = arith.constant 0 : i32
    %dma_start3A_613 = tpu.memref_slice %arg9[%dma_start3A_611, %dma_start3A_612] : memref<4x128xi32, #tpu.memory_space<vmem>> -> memref<1x128xi32, #tpu.memory_space<vmem>>
    %dma_start3A_614 = tpu.memref_squeeze %dma_start3A_613 : memref<1x128xi32, #tpu.memory_space<vmem>> -> memref<128xi32, #tpu.memory_space<vmem>>
    %dma_start3A_615 = arith.constant 0 : i32
    %dma_start3A_616 = arith.constant 0 : i32
    %dma_start3A_617 = tpu.memref_slice %arg6[%dma_start3A_615, %dma_start3A_616] : memref<1000x128xf32, #tpu.memory_space<hbm>> -> memref<1000x128xf32, #tpu.memory_space<hbm>>
    tpu.enqueue_indirect_dma source(%dma_start3A_617 : memref<1000x128xf32, #tpu.memory_space<hbm>>) target(%arg14 : memref<128x128xf32, #tpu.memory_space<vmem>>) offsets(%dma_start3A_614 : memref<128xi32, #tpu.memory_space<vmem>>) semaphore(%arg22 : memref<!tpu.dma_semaphore, #tpu.memory_space<semaphore_mem>>)
    %dma_start3A_618 = arith.constant 5 : i32
    %dma_start3A_619 = arith.constant 0 : i32
    %dma_start3A_620 = tpu.memref_slice %arg8[%dma_start3A_618, %dma_start3A_619] : memref<8x128xi32, #tpu.memory_space<vmem>> -> memref<1x128xi32, #tpu.memory_space<vmem>>
    %dma_start3A_621 = tpu.memref_squeeze %dma_start3A_620 : memref<1x128xi32, #tpu.memory_space<vmem>> -> memref<128xi32, #tpu.memory_space<vmem>>
    %dma_start3A_622 = arith.constant 0 : i32
    %dma_start3A_623 = arith.constant 0 : i32
    %dma_start3A_624 = tpu.memref_slice %arg5[%dma_start3A_622, %dma_start3A_623] : memref<1000000x128xf32, #tpu.memory_space<hbm>> -> memref<1000000x128xf32, #tpu.memory_space<hbm>>
    tpu.enqueue_indirect_dma source(%dma_start3A_624 : memref<1000000x128xf32, #tpu.memory_space<hbm>>) target(%arg11 : memref<128x128xf32, #tpu.memory_space<vmem>>) offsets(%dma_start3A_621 : memref<128xi32, #tpu.memory_space<vmem>>) semaphore(%arg19 : memref<!tpu.dma_semaphore, #tpu.memory_space<semaphore_mem>>)
    %dma_wait3A_625 = arith.constant 1 : i32
    %dma_wait3A_626 = arith.constant 0 : i32
    %dma_wait3A_627 = tpu.memref_slice %arg9[%dma_wait3A_625, %dma_wait3A_626] : memref<4x128xi32, #tpu.memory_space<vmem>> -> memref<1x128xi32, #tpu.memory_space<vmem>>
    %dma_wait3A_628 = tpu.memref_squeeze %dma_wait3A_627 : memref<1x128xi32, #tpu.memory_space<vmem>> -> memref<128xi32, #tpu.memory_space<vmem>>
    %dma_wait3A_629 = arith.constant 0 : i32
    %dma_wait3A_630 = arith.constant 0 : i32
    %dma_wait3A_631 = tpu.memref_slice %arg6[%dma_wait3A_629, %dma_wait3A_630] : memref<1000x128xf32, #tpu.memory_space<hbm>> -> memref<1000x128xf32, #tpu.memory_space<hbm>>
    tpu.wait_indirect_dma semaphore(%arg23 : memref<!tpu.dma_semaphore, #tpu.memory_space<semaphore_mem>>) src(%dma_wait3A_631 : memref<1000x128xf32, #tpu.memory_space<hbm>>) dst(%arg15 : memref<128x128xf32, #tpu.memory_space<vmem>>)
    %dma_wait3A_632 = arith.constant 2 : i32
    %dma_wait3A_633 = arith.constant 0 : i32
    %dma_wait3A_634 = tpu.memref_slice %arg8[%dma_wait3A_632, %dma_wait3A_633] : memref<8x128xi32, #tpu.memory_space<vmem>> -> memref<1x128xi32, #tpu.memory_space<vmem>>
    %dma_wait3A_635 = tpu.memref_squeeze %dma_wait3A_634 : memref<1x128xi32, #tpu.memory_space<vmem>> -> memref<128xi32, #tpu.memory_space<vmem>>
    %dma_wait3A_636 = arith.constant 0 : i32
    %dma_wait3A_637 = arith.constant 0 : i32
    %dma_wait3A_638 = tpu.memref_slice %arg5[%dma_wait3A_636, %dma_wait3A_637] : memref<1000000x128xf32, #tpu.memory_space<hbm>> -> memref<1000000x128xf32, #tpu.memory_space<hbm>>
    tpu.wait_indirect_dma semaphore(%arg20 : memref<!tpu.dma_semaphore, #tpu.memory_space<semaphore_mem>>) src(%dma_wait3A_638 : memref<1000000x128xf32, #tpu.memory_space<hbm>>) dst(%arg12 : memref<128x128xf32, #tpu.memory_space<vmem>>)
    %iota3A_639 = tpu.iota {dimensions = array<i32: 0>} : vector<16xi32>
    %add3A_640 = arith.constant 0 : i32
    %add3A_641 = vector.broadcast %add3A_640 : i32 to vector<16xi32>
    %add3A_642 = arith.addi %iota3A_639, %add3A_641 : vector<16xi32>
    %add3A_643 = arith.constant 64 : i32
    %add3A_644 = vector.broadcast %add3A_643 : i32 to vector<16xi32>
    %add3A_645 = arith.addi %add3A_642, %add3A_644 : vector<16xi32>
    %add3A_646 = arith.constant 0 : i32
    %add3A_647 = vector.broadcast %add3A_646 : i32 to vector<16xi32>
    %add3A_648 = arith.addi %add3A_642, %add3A_647 : vector<16xi32>
    %broadcast_in_dim3A_649 = arith.constant 0.000000e+00 : f32
    %broadcast_in_dim3A_650 = vector.broadcast %broadcast_in_dim3A_649 : f32 to vector<16xf32>
    %scan3A_651 = arith.constant 0 : i32
    %scan3A_652 = arith.constant 64 : i32
    %scan3A_653 = arith.addi %scan3A_651, %scan3A_652 : i32
    %scan3A_654 = arith.constant 1 : i32
    %scan3A_655 = scf.for %scan3A_1189 = %scan3A_651 to %scan3A_653 step %scan3A_654 iter_args(%scan3A_1190 = %broadcast_in_dim3A_650) -> (vector<16xf32>)  : i32 {
      %mul3A_1191 = arith.constant 1 : i32
      %mul3A_1192 = arith.muli %scan3A_1189, %mul3A_1191 : i32
      %add3A_1193 = arith.constant 0 : i32
      %add3A_1194 = arith.addi %mul3A_1192, %add3A_1193 : i32
      %broadcast_in_dim3A_1195 = vector.broadcast %add3A_1194 : i32 to vector<16xi32>
      %iota3A_1196 = tpu.iota {dimensions = array<i32: 0>} : vector<16xi32>
      %add3A_1197 = arith.addi %broadcast_in_dim3A_1195, %iota3A_1196 : vector<16xi32>
      %and3A = arith.constant 63 : i32
      %and3A_1198 = vector.broadcast %and3A : i32 to vector<16xi32>
      %and3A_1199 = arith.andi %add3A_1197, %and3A_1198 : vector<16xi32>
      %add3A_1200 = arith.constant 64 : i32
      %add3A_1201 = vector.broadcast %add3A_1200 : i32 to vector<16xi32>
      %add3A_1202 = arith.addi %and3A_1199, %add3A_1201 : vector<16xi32>
      %gather3A = tpu.vector_load_idx %arg12[%add3A_642, %and3A_1199] : memref<128x128xf32, #tpu.memory_space<vmem>>[vector<16xi32>, vector<16xi32>], vector<16xf32>,
      %gather3A_1203 = tpu.vector_load_idx %arg12[%add3A_642, %add3A_1202] : memref<128x128xf32, #tpu.memory_space<vmem>>[vector<16xi32>, vector<16xi32>], vector<16xf32>,
      %gather3A_1204 = tpu.vector_load_idx %arg15[%add3A_648, %and3A_1199] : memref<128x128xf32, #tpu.memory_space<vmem>>[vector<16xi32>, vector<16xi32>], vector<16xf32>,
      %gather3A_1205 = tpu.vector_load_idx %arg15[%add3A_648, %add3A_1202] : memref<128x128xf32, #tpu.memory_space<vmem>>[vector<16xi32>, vector<16xi32>], vector<16xf32>,
      %gather3A_1206 = tpu.vector_load_idx %arg12[%add3A_645, %and3A_1199] : memref<128x128xf32, #tpu.memory_space<vmem>>[vector<16xi32>, vector<16xi32>], vector<16xf32>,
      %gather3A_1207 = tpu.vector_load_idx %arg12[%add3A_645, %add3A_1202] : memref<128x128xf32, #tpu.memory_space<vmem>>[vector<16xi32>, vector<16xi32>], vector<16xf32>,
      %mul3A_1208 = arith.mulf %gather3A_1204, %gather3A_1206 : vector<16xf32>
      %mul3A_1209 = arith.mulf %gather3A_1205, %gather3A_1207 : vector<16xf32>
      %add3A_1210 = arith.addf %mul3A_1208, %mul3A_1209 : vector<16xf32>
      %mul3A_1211 = arith.mulf %gather3A, %add3A_1210 : vector<16xf32>
      %mul3A_1212 = arith.mulf %gather3A_1204, %gather3A_1207 : vector<16xf32>
      %mul3A_1213 = arith.mulf %gather3A_1205, %gather3A_1206 : vector<16xf32>
      %sub3A = arith.subf %mul3A_1212, %mul3A_1213 : vector<16xf32>
      %mul3A_1214 = arith.mulf %gather3A_1203, %sub3A : vector<16xf32>
      %add3A_1215 = arith.addf %mul3A_1211, %mul3A_1214 : vector<16xf32>
      %add3A_1216 = arith.addf %scan3A_1190, %add3A_1215 : vector<16xf32>
      scf.yield %add3A_1216 : vector<16xf32>
    }
    %scan3A_656 = arith.constant 64 : i32
    %swap3A_657 = arith.constant 128 : index
    %swap3A_658 = tpu.vector_load %arg16[%swap3A_657] {strides = array<i32>} : memref<512xf32, #tpu.memory_space<vmem>>, vector<16xf32>,
    tpu.vector_store %arg16[%swap3A_657], %scan3A_655 {strides = array<i32>} : memref<512xf32, #tpu.memory_space<vmem>>, vector<16xf32>,
    %iota3A_659 = tpu.iota {dimensions = array<i32: 0>} : vector<16xi32>
    %add3A_660 = arith.constant 16 : i32
    %add3A_661 = vector.broadcast %add3A_660 : i32 to vector<16xi32>
    %add3A_662 = arith.addi %iota3A_659, %add3A_661 : vector<16xi32>
    %add3A_663 = arith.constant 64 : i32
    %add3A_664 = vector.broadcast %add3A_663 : i32 to vector<16xi32>
    %add3A_665 = arith.addi %add3A_662, %add3A_664 : vector<16xi32>
    %add3A_666 = arith.constant 0 : i32
    %add3A_667 = vector.broadcast %add3A_666 : i32 to vector<16xi32>
    %add3A_668 = arith.addi %add3A_662, %add3A_667 : vector<16xi32>
    %broadcast_in_dim3A_669 = arith.constant 0.000000e+00 : f32
    %broadcast_in_dim3A_670 = vector.broadcast %broadcast_in_dim3A_669 : f32 to vector<16xf32>
    %scan3A_671 = arith.constant 0 : i32
    %scan3A_672 = arith.constant 64 : i32
    %scan3A_673 = arith.addi %scan3A_671, %scan3A_672 : i32
    %scan3A_674 = arith.constant 1 : i32
    %scan3A_675 = scf.for %scan3A_1189 = %scan3A_671 to %scan3A_673 step %scan3A_674 iter_args(%scan3A_1190 = %broadcast_in_dim3A_670) -> (vector<16xf32>)  : i32 {
      %mul3A_1191 = arith.constant 1 : i32
      %mul3A_1192 = arith.muli %scan3A_1189, %mul3A_1191 : i32
      %add3A_1193 = arith.constant 0 : i32
      %add3A_1194 = arith.addi %mul3A_1192, %add3A_1193 : i32
      %broadcast_in_dim3A_1195 = vector.broadcast %add3A_1194 : i32 to vector<16xi32>
      %iota3A_1196 = tpu.iota {dimensions = array<i32: 0>} : vector<16xi32>
      %add3A_1197 = arith.addi %broadcast_in_dim3A_1195, %iota3A_1196 : vector<16xi32>
      %and3A = arith.constant 63 : i32
      %and3A_1198 = vector.broadcast %and3A : i32 to vector<16xi32>
      %and3A_1199 = arith.andi %add3A_1197, %and3A_1198 : vector<16xi32>
      %add3A_1200 = arith.constant 64 : i32
      %add3A_1201 = vector.broadcast %add3A_1200 : i32 to vector<16xi32>
      %add3A_1202 = arith.addi %and3A_1199, %add3A_1201 : vector<16xi32>
      %gather3A = tpu.vector_load_idx %arg12[%add3A_662, %and3A_1199] : memref<128x128xf32, #tpu.memory_space<vmem>>[vector<16xi32>, vector<16xi32>], vector<16xf32>,
      %gather3A_1203 = tpu.vector_load_idx %arg12[%add3A_662, %add3A_1202] : memref<128x128xf32, #tpu.memory_space<vmem>>[vector<16xi32>, vector<16xi32>], vector<16xf32>,
      %gather3A_1204 = tpu.vector_load_idx %arg15[%add3A_668, %and3A_1199] : memref<128x128xf32, #tpu.memory_space<vmem>>[vector<16xi32>, vector<16xi32>], vector<16xf32>,
      %gather3A_1205 = tpu.vector_load_idx %arg15[%add3A_668, %add3A_1202] : memref<128x128xf32, #tpu.memory_space<vmem>>[vector<16xi32>, vector<16xi32>], vector<16xf32>,
      %gather3A_1206 = tpu.vector_load_idx %arg12[%add3A_665, %and3A_1199] : memref<128x128xf32, #tpu.memory_space<vmem>>[vector<16xi32>, vector<16xi32>], vector<16xf32>,
      %gather3A_1207 = tpu.vector_load_idx %arg12[%add3A_665, %add3A_1202] : memref<128x128xf32, #tpu.memory_space<vmem>>[vector<16xi32>, vector<16xi32>], vector<16xf32>,
      %mul3A_1208 = arith.mulf %gather3A_1204, %gather3A_1206 : vector<16xf32>
      %mul3A_1209 = arith.mulf %gather3A_1205, %gather3A_1207 : vector<16xf32>
      %add3A_1210 = arith.addf %mul3A_1208, %mul3A_1209 : vector<16xf32>
      %mul3A_1211 = arith.mulf %gather3A, %add3A_1210 : vector<16xf32>
      %mul3A_1212 = arith.mulf %gather3A_1204, %gather3A_1207 : vector<16xf32>
      %mul3A_1213 = arith.mulf %gather3A_1205, %gather3A_1206 : vector<16xf32>
      %sub3A = arith.subf %mul3A_1212, %mul3A_1213 : vector<16xf32>
      %mul3A_1214 = arith.mulf %gather3A_1203, %sub3A : vector<16xf32>
      %add3A_1215 = arith.addf %mul3A_1211, %mul3A_1214 : vector<16xf32>
      %add3A_1216 = arith.addf %scan3A_1190, %add3A_1215 : vector<16xf32>
      scf.yield %add3A_1216 : vector<16xf32>
    }
    %scan3A_676 = arith.constant 64 : i32
    %swap3A_677 = arith.constant 144 : index
    %swap3A_678 = tpu.vector_load %arg16[%swap3A_677] {strides = array<i32>} : memref<512xf32, #tpu.memory_space<vmem>>, vector<16xf32>,
    tpu.vector_store %arg16[%swap3A_677], %scan3A_675 {strides = array<i32>} : memref<512xf32, #tpu.memory_space<vmem>>, vector<16xf32>,
    %iota3A_679 = tpu.iota {dimensions = array<i32: 0>} : vector<16xi32>
    %add3A_680 = arith.constant 32 : i32
    %add3A_681 = vector.broadcast %add3A_680 : i32 to vector<16xi32>
    %add3A_682 = arith.addi %iota3A_679, %add3A_681 : vector<16xi32>
    %add3A_683 = arith.constant 64 : i32
    %add3A_684 = vector.broadcast %add3A_683 : i32 to vector<16xi32>
    %add3A_685 = arith.addi %add3A_682, %add3A_684 : vector<16xi32>
    %add3A_686 = arith.constant 0 : i32
    %add3A_687 = vector.broadcast %add3A_686 : i32 to vector<16xi32>
    %add3A_688 = arith.addi %add3A_682, %add3A_687 : vector<16xi32>
    %broadcast_in_dim3A_689 = arith.constant 0.000000e+00 : f32
    %broadcast_in_dim3A_690 = vector.broadcast %broadcast_in_dim3A_689 : f32 to vector<16xf32>
    %scan3A_691 = arith.constant 0 : i32
    %scan3A_692 = arith.constant 64 : i32
    %scan3A_693 = arith.addi %scan3A_691, %scan3A_692 : i32
    %scan3A_694 = arith.constant 1 : i32
    %scan3A_695 = scf.for %scan3A_1189 = %scan3A_691 to %scan3A_693 step %scan3A_694 iter_args(%scan3A_1190 = %broadcast_in_dim3A_690) -> (vector<16xf32>)  : i32 {
      %mul3A_1191 = arith.constant 1 : i32
      %mul3A_1192 = arith.muli %scan3A_1189, %mul3A_1191 : i32
      %add3A_1193 = arith.constant 0 : i32
      %add3A_1194 = arith.addi %mul3A_1192, %add3A_1193 : i32
      %broadcast_in_dim3A_1195 = vector.broadcast %add3A_1194 : i32 to vector<16xi32>
      %iota3A_1196 = tpu.iota {dimensions = array<i32: 0>} : vector<16xi32>
      %add3A_1197 = arith.addi %broadcast_in_dim3A_1195, %iota3A_1196 : vector<16xi32>
      %and3A = arith.constant 63 : i32
      %and3A_1198 = vector.broadcast %and3A : i32 to vector<16xi32>
      %and3A_1199 = arith.andi %add3A_1197, %and3A_1198 : vector<16xi32>
      %add3A_1200 = arith.constant 64 : i32
      %add3A_1201 = vector.broadcast %add3A_1200 : i32 to vector<16xi32>
      %add3A_1202 = arith.addi %and3A_1199, %add3A_1201 : vector<16xi32>
      %gather3A = tpu.vector_load_idx %arg12[%add3A_682, %and3A_1199] : memref<128x128xf32, #tpu.memory_space<vmem>>[vector<16xi32>, vector<16xi32>], vector<16xf32>,
      %gather3A_1203 = tpu.vector_load_idx %arg12[%add3A_682, %add3A_1202] : memref<128x128xf32, #tpu.memory_space<vmem>>[vector<16xi32>, vector<16xi32>], vector<16xf32>,
      %gather3A_1204 = tpu.vector_load_idx %arg15[%add3A_688, %and3A_1199] : memref<128x128xf32, #tpu.memory_space<vmem>>[vector<16xi32>, vector<16xi32>], vector<16xf32>,
      %gather3A_1205 = tpu.vector_load_idx %arg15[%add3A_688, %add3A_1202] : memref<128x128xf32, #tpu.memory_space<vmem>>[vector<16xi32>, vector<16xi32>], vector<16xf32>,
      %gather3A_1206 = tpu.vector_load_idx %arg12[%add3A_685, %and3A_1199] : memref<128x128xf32, #tpu.memory_space<vmem>>[vector<16xi32>, vector<16xi32>], vector<16xf32>,
      %gather3A_1207 = tpu.vector_load_idx %arg12[%add3A_685, %add3A_1202] : memref<128x128xf32, #tpu.memory_space<vmem>>[vector<16xi32>, vector<16xi32>], vector<16xf32>,
      %mul3A_1208 = arith.mulf %gather3A_1204, %gather3A_1206 : vector<16xf32>
      %mul3A_1209 = arith.mulf %gather3A_1205, %gather3A_1207 : vector<16xf32>
      %add3A_1210 = arith.addf %mul3A_1208, %mul3A_1209 : vector<16xf32>
      %mul3A_1211 = arith.mulf %gather3A, %add3A_1210 : vector<16xf32>
      %mul3A_1212 = arith.mulf %gather3A_1204, %gather3A_1207 : vector<16xf32>
      %mul3A_1213 = arith.mulf %gather3A_1205, %gather3A_1206 : vector<16xf32>
      %sub3A = arith.subf %mul3A_1212, %mul3A_1213 : vector<16xf32>
      %mul3A_1214 = arith.mulf %gather3A_1203, %sub3A : vector<16xf32>
      %add3A_1215 = arith.addf %mul3A_1211, %mul3A_1214 : vector<16xf32>
      %add3A_1216 = arith.addf %scan3A_1190, %add3A_1215 : vector<16xf32>
      scf.yield %add3A_1216 : vector<16xf32>
    }
    %scan3A_696 = arith.constant 64 : i32
    %swap3A_697 = arith.constant 160 : index
    %swap3A_698 = tpu.vector_load %arg16[%swap3A_697] {strides = array<i32>} : memref<512xf32, #tpu.memory_space<vmem>>, vector<16xf32>,
    tpu.vector_store %arg16[%swap3A_697], %scan3A_695 {strides = array<i32>} : memref<512xf32, #tpu.memory_space<vmem>>, vector<16xf32>,
    %iota3A_699 = tpu.iota {dimensions = array<i32: 0>} : vector<16xi32>
    %add3A_700 = arith.constant 48 : i32
    %add3A_701 = vector.broadcast %add3A_700 : i32 to vector<16xi32>
    %add3A_702 = arith.addi %iota3A_699, %add3A_701 : vector<16xi32>
    %add3A_703 = arith.constant 64 : i32
    %add3A_704 = vector.broadcast %add3A_703 : i32 to vector<16xi32>
    %add3A_705 = arith.addi %add3A_702, %add3A_704 : vector<16xi32>
    %add3A_706 = arith.constant 0 : i32
    %add3A_707 = vector.broadcast %add3A_706 : i32 to vector<16xi32>
    %add3A_708 = arith.addi %add3A_702, %add3A_707 : vector<16xi32>
    %broadcast_in_dim3A_709 = arith.constant 0.000000e+00 : f32
    %broadcast_in_dim3A_710 = vector.broadcast %broadcast_in_dim3A_709 : f32 to vector<16xf32>
    %scan3A_711 = arith.constant 0 : i32
    %scan3A_712 = arith.constant 64 : i32
    %scan3A_713 = arith.addi %scan3A_711, %scan3A_712 : i32
    %scan3A_714 = arith.constant 1 : i32
    %scan3A_715 = scf.for %scan3A_1189 = %scan3A_711 to %scan3A_713 step %scan3A_714 iter_args(%scan3A_1190 = %broadcast_in_dim3A_710) -> (vector<16xf32>)  : i32 {
      %mul3A_1191 = arith.constant 1 : i32
      %mul3A_1192 = arith.muli %scan3A_1189, %mul3A_1191 : i32
      %add3A_1193 = arith.constant 0 : i32
      %add3A_1194 = arith.addi %mul3A_1192, %add3A_1193 : i32
      %broadcast_in_dim3A_1195 = vector.broadcast %add3A_1194 : i32 to vector<16xi32>
      %iota3A_1196 = tpu.iota {dimensions = array<i32: 0>} : vector<16xi32>
      %add3A_1197 = arith.addi %broadcast_in_dim3A_1195, %iota3A_1196 : vector<16xi32>
      %and3A = arith.constant 63 : i32
      %and3A_1198 = vector.broadcast %and3A : i32 to vector<16xi32>
      %and3A_1199 = arith.andi %add3A_1197, %and3A_1198 : vector<16xi32>
      %add3A_1200 = arith.constant 64 : i32
      %add3A_1201 = vector.broadcast %add3A_1200 : i32 to vector<16xi32>
      %add3A_1202 = arith.addi %and3A_1199, %add3A_1201 : vector<16xi32>
      %gather3A = tpu.vector_load_idx %arg12[%add3A_702, %and3A_1199] : memref<128x128xf32, #tpu.memory_space<vmem>>[vector<16xi32>, vector<16xi32>], vector<16xf32>,
      %gather3A_1203 = tpu.vector_load_idx %arg12[%add3A_702, %add3A_1202] : memref<128x128xf32, #tpu.memory_space<vmem>>[vector<16xi32>, vector<16xi32>], vector<16xf32>,
      %gather3A_1204 = tpu.vector_load_idx %arg15[%add3A_708, %and3A_1199] : memref<128x128xf32, #tpu.memory_space<vmem>>[vector<16xi32>, vector<16xi32>], vector<16xf32>,
      %gather3A_1205 = tpu.vector_load_idx %arg15[%add3A_708, %add3A_1202] : memref<128x128xf32, #tpu.memory_space<vmem>>[vector<16xi32>, vector<16xi32>], vector<16xf32>,
      %gather3A_1206 = tpu.vector_load_idx %arg12[%add3A_705, %and3A_1199] : memref<128x128xf32, #tpu.memory_space<vmem>>[vector<16xi32>, vector<16xi32>], vector<16xf32>,
      %gather3A_1207 = tpu.vector_load_idx %arg12[%add3A_705, %add3A_1202] : memref<128x128xf32, #tpu.memory_space<vmem>>[vector<16xi32>, vector<16xi32>], vector<16xf32>,
      %mul3A_1208 = arith.mulf %gather3A_1204, %gather3A_1206 : vector<16xf32>
      %mul3A_1209 = arith.mulf %gather3A_1205, %gather3A_1207 : vector<16xf32>
      %add3A_1210 = arith.addf %mul3A_1208, %mul3A_1209 : vector<16xf32>
      %mul3A_1211 = arith.mulf %gather3A, %add3A_1210 : vector<16xf32>
      %mul3A_1212 = arith.mulf %gather3A_1204, %gather3A_1207 : vector<16xf32>
      %mul3A_1213 = arith.mulf %gather3A_1205, %gather3A_1206 : vector<16xf32>
      %sub3A = arith.subf %mul3A_1212, %mul3A_1213 : vector<16xf32>
      %mul3A_1214 = arith.mulf %gather3A_1203, %sub3A : vector<16xf32>
      %add3A_1215 = arith.addf %mul3A_1211, %mul3A_1214 : vector<16xf32>
      %add3A_1216 = arith.addf %scan3A_1190, %add3A_1215 : vector<16xf32>
      scf.yield %add3A_1216 : vector<16xf32>
    }
    %scan3A_716 = arith.constant 64 : i32
    %swap3A_717 = arith.constant 176 : index
    %swap3A_718 = tpu.vector_load %arg16[%swap3A_717] {strides = array<i32>} : memref<512xf32, #tpu.memory_space<vmem>>, vector<16xf32>,
    tpu.vector_store %arg16[%swap3A_717], %scan3A_715 {strides = array<i32>} : memref<512xf32, #tpu.memory_space<vmem>>, vector<16xf32>,
    %dma_start3A_719 = arith.constant 6 : i32
    %dma_start3A_720 = arith.constant 0 : i32
    %dma_start3A_721 = tpu.memref_slice %arg8[%dma_start3A_719, %dma_start3A_720] : memref<8x128xi32, #tpu.memory_space<vmem>> -> memref<1x128xi32, #tpu.memory_space<vmem>>
    %dma_start3A_722 = tpu.memref_squeeze %dma_start3A_721 : memref<1x128xi32, #tpu.memory_space<vmem>> -> memref<128xi32, #tpu.memory_space<vmem>>
    %dma_start3A_723 = arith.constant 0 : i32
    %dma_start3A_724 = arith.constant 0 : i32
    %dma_start3A_725 = tpu.memref_slice %arg5[%dma_start3A_723, %dma_start3A_724] : memref<1000000x128xf32, #tpu.memory_space<hbm>> -> memref<1000000x128xf32, #tpu.memory_space<hbm>>
    tpu.enqueue_indirect_dma source(%dma_start3A_725 : memref<1000000x128xf32, #tpu.memory_space<hbm>>) target(%arg12 : memref<128x128xf32, #tpu.memory_space<vmem>>) offsets(%dma_start3A_722 : memref<128xi32, #tpu.memory_space<vmem>>) semaphore(%arg20 : memref<!tpu.dma_semaphore, #tpu.memory_space<semaphore_mem>>)
    %dma_wait3A_726 = arith.constant 3 : i32
    %dma_wait3A_727 = arith.constant 0 : i32
    %dma_wait3A_728 = tpu.memref_slice %arg8[%dma_wait3A_726, %dma_wait3A_727] : memref<8x128xi32, #tpu.memory_space<vmem>> -> memref<1x128xi32, #tpu.memory_space<vmem>>
    %dma_wait3A_729 = tpu.memref_squeeze %dma_wait3A_728 : memref<1x128xi32, #tpu.memory_space<vmem>> -> memref<128xi32, #tpu.memory_space<vmem>>
    %dma_wait3A_730 = arith.constant 0 : i32
    %dma_wait3A_731 = arith.constant 0 : i32
    %dma_wait3A_732 = tpu.memref_slice %arg5[%dma_wait3A_730, %dma_wait3A_731] : memref<1000000x128xf32, #tpu.memory_space<hbm>> -> memref<1000000x128xf32, #tpu.memory_space<hbm>>
    tpu.wait_indirect_dma semaphore(%arg21 : memref<!tpu.dma_semaphore, #tpu.memory_space<semaphore_mem>>) src(%dma_wait3A_732 : memref<1000000x128xf32, #tpu.memory_space<hbm>>) dst(%arg13 : memref<128x128xf32, #tpu.memory_space<vmem>>)
    %iota3A_733 = tpu.iota {dimensions = array<i32: 0>} : vector<16xi32>
    %add3A_734 = arith.constant 0 : i32
    %add3A_735 = vector.broadcast %add3A_734 : i32 to vector<16xi32>
    %add3A_736 = arith.addi %iota3A_733, %add3A_735 : vector<16xi32>
    %add3A_737 = arith.constant 64 : i32
    %add3A_738 = vector.broadcast %add3A_737 : i32 to vector<16xi32>
    %add3A_739 = arith.addi %add3A_736, %add3A_738 : vector<16xi32>
    %add3A_740 = arith.constant 64 : i32
    %add3A_741 = vector.broadcast %add3A_740 : i32 to vector<16xi32>
    %add3A_742 = arith.addi %add3A_736, %add3A_741 : vector<16xi32>
    %broadcast_in_dim3A_743 = arith.constant 0.000000e+00 : f32
    %broadcast_in_dim3A_744 = vector.broadcast %broadcast_in_dim3A_743 : f32 to vector<16xf32>
    %scan3A_745 = arith.constant 0 : i32
    %scan3A_746 = arith.constant 64 : i32
    %scan3A_747 = arith.addi %scan3A_745, %scan3A_746 : i32
    %scan3A_748 = arith.constant 1 : i32
    %scan3A_749 = scf.for %scan3A_1189 = %scan3A_745 to %scan3A_747 step %scan3A_748 iter_args(%scan3A_1190 = %broadcast_in_dim3A_744) -> (vector<16xf32>)  : i32 {
      %mul3A_1191 = arith.constant 1 : i32
      %mul3A_1192 = arith.muli %scan3A_1189, %mul3A_1191 : i32
      %add3A_1193 = arith.constant 0 : i32
      %add3A_1194 = arith.addi %mul3A_1192, %add3A_1193 : i32
      %broadcast_in_dim3A_1195 = vector.broadcast %add3A_1194 : i32 to vector<16xi32>
      %iota3A_1196 = tpu.iota {dimensions = array<i32: 0>} : vector<16xi32>
      %add3A_1197 = arith.addi %broadcast_in_dim3A_1195, %iota3A_1196 : vector<16xi32>
      %and3A = arith.constant 63 : i32
      %and3A_1198 = vector.broadcast %and3A : i32 to vector<16xi32>
      %and3A_1199 = arith.andi %add3A_1197, %and3A_1198 : vector<16xi32>
      %add3A_1200 = arith.constant 64 : i32
      %add3A_1201 = vector.broadcast %add3A_1200 : i32 to vector<16xi32>
      %add3A_1202 = arith.addi %and3A_1199, %add3A_1201 : vector<16xi32>
      %gather3A = tpu.vector_load_idx %arg13[%add3A_736, %and3A_1199] : memref<128x128xf32, #tpu.memory_space<vmem>>[vector<16xi32>, vector<16xi32>], vector<16xf32>,
      %gather3A_1203 = tpu.vector_load_idx %arg13[%add3A_736, %add3A_1202] : memref<128x128xf32, #tpu.memory_space<vmem>>[vector<16xi32>, vector<16xi32>], vector<16xf32>,
      %gather3A_1204 = tpu.vector_load_idx %arg15[%add3A_742, %and3A_1199] : memref<128x128xf32, #tpu.memory_space<vmem>>[vector<16xi32>, vector<16xi32>], vector<16xf32>,
      %gather3A_1205 = tpu.vector_load_idx %arg15[%add3A_742, %add3A_1202] : memref<128x128xf32, #tpu.memory_space<vmem>>[vector<16xi32>, vector<16xi32>], vector<16xf32>,
      %gather3A_1206 = tpu.vector_load_idx %arg13[%add3A_739, %and3A_1199] : memref<128x128xf32, #tpu.memory_space<vmem>>[vector<16xi32>, vector<16xi32>], vector<16xf32>,
      %gather3A_1207 = tpu.vector_load_idx %arg13[%add3A_739, %add3A_1202] : memref<128x128xf32, #tpu.memory_space<vmem>>[vector<16xi32>, vector<16xi32>], vector<16xf32>,
      %mul3A_1208 = arith.mulf %gather3A_1204, %gather3A_1206 : vector<16xf32>
      %mul3A_1209 = arith.mulf %gather3A_1205, %gather3A_1207 : vector<16xf32>
      %add3A_1210 = arith.addf %mul3A_1208, %mul3A_1209 : vector<16xf32>
      %mul3A_1211 = arith.mulf %gather3A, %add3A_1210 : vector<16xf32>
      %mul3A_1212 = arith.mulf %gather3A_1204, %gather3A_1207 : vector<16xf32>
      %mul3A_1213 = arith.mulf %gather3A_1205, %gather3A_1206 : vector<16xf32>
      %sub3A = arith.subf %mul3A_1212, %mul3A_1213 : vector<16xf32>
      %mul3A_1214 = arith.mulf %gather3A_1203, %sub3A : vector<16xf32>
      %add3A_1215 = arith.addf %mul3A_1211, %mul3A_1214 : vector<16xf32>
      %add3A_1216 = arith.addf %scan3A_1190, %add3A_1215 : vector<16xf32>
      scf.yield %add3A_1216 : vector<16xf32>
    }
    %scan3A_750 = arith.constant 64 : i32
    %swap3A_751 = arith.constant 192 : index
    %swap3A_752 = tpu.vector_load %arg16[%swap3A_751] {strides = array<i32>} : memref<512xf32, #tpu.memory_space<vmem>>, vector<16xf32>,
    tpu.vector_store %arg16[%swap3A_751], %scan3A_749 {strides = array<i32>} : memref<512xf32, #tpu.memory_space<vmem>>, vector<16xf32>,
    %iota3A_753 = tpu.iota {dimensions = array<i32: 0>} : vector<16xi32>
    %add3A_754 = arith.constant 16 : i32
    %add3A_755 = vector.broadcast %add3A_754 : i32 to vector<16xi32>
    %add3A_756 = arith.addi %iota3A_753, %add3A_755 : vector<16xi32>
    %add3A_757 = arith.constant 64 : i32
    %add3A_758 = vector.broadcast %add3A_757 : i32 to vector<16xi32>
    %add3A_759 = arith.addi %add3A_756, %add3A_758 : vector<16xi32>
    %add3A_760 = arith.constant 64 : i32
    %add3A_761 = vector.broadcast %add3A_760 : i32 to vector<16xi32>
    %add3A_762 = arith.addi %add3A_756, %add3A_761 : vector<16xi32>
    %broadcast_in_dim3A_763 = arith.constant 0.000000e+00 : f32
    %broadcast_in_dim3A_764 = vector.broadcast %broadcast_in_dim3A_763 : f32 to vector<16xf32>
    %scan3A_765 = arith.constant 0 : i32
    %scan3A_766 = arith.constant 64 : i32
    %scan3A_767 = arith.addi %scan3A_765, %scan3A_766 : i32
    %scan3A_768 = arith.constant 1 : i32
    %scan3A_769 = scf.for %scan3A_1189 = %scan3A_765 to %scan3A_767 step %scan3A_768 iter_args(%scan3A_1190 = %broadcast_in_dim3A_764) -> (vector<16xf32>)  : i32 {
      %mul3A_1191 = arith.constant 1 : i32
      %mul3A_1192 = arith.muli %scan3A_1189, %mul3A_1191 : i32
      %add3A_1193 = arith.constant 0 : i32
      %add3A_1194 = arith.addi %mul3A_1192, %add3A_1193 : i32
      %broadcast_in_dim3A_1195 = vector.broadcast %add3A_1194 : i32 to vector<16xi32>
      %iota3A_1196 = tpu.iota {dimensions = array<i32: 0>} : vector<16xi32>
      %add3A_1197 = arith.addi %broadcast_in_dim3A_1195, %iota3A_1196 : vector<16xi32>
      %and3A = arith.constant 63 : i32
      %and3A_1198 = vector.broadcast %and3A : i32 to vector<16xi32>
      %and3A_1199 = arith.andi %add3A_1197, %and3A_1198 : vector<16xi32>
      %add3A_1200 = arith.constant 64 : i32
      %add3A_1201 = vector.broadcast %add3A_1200 : i32 to vector<16xi32>
      %add3A_1202 = arith.addi %and3A_1199, %add3A_1201 : vector<16xi32>
      %gather3A = tpu.vector_load_idx %arg13[%add3A_756, %and3A_1199] : memref<128x128xf32, #tpu.memory_space<vmem>>[vector<16xi32>, vector<16xi32>], vector<16xf32>,
      %gather3A_1203 = tpu.vector_load_idx %arg13[%add3A_756, %add3A_1202] : memref<128x128xf32, #tpu.memory_space<vmem>>[vector<16xi32>, vector<16xi32>], vector<16xf32>,
      %gather3A_1204 = tpu.vector_load_idx %arg15[%add3A_762, %and3A_1199] : memref<128x128xf32, #tpu.memory_space<vmem>>[vector<16xi32>, vector<16xi32>], vector<16xf32>,
      %gather3A_1205 = tpu.vector_load_idx %arg15[%add3A_762, %add3A_1202] : memref<128x128xf32, #tpu.memory_space<vmem>>[vector<16xi32>, vector<16xi32>], vector<16xf32>,
      %gather3A_1206 = tpu.vector_load_idx %arg13[%add3A_759, %and3A_1199] : memref<128x128xf32, #tpu.memory_space<vmem>>[vector<16xi32>, vector<16xi32>], vector<16xf32>,
      %gather3A_1207 = tpu.vector_load_idx %arg13[%add3A_759, %add3A_1202] : memref<128x128xf32, #tpu.memory_space<vmem>>[vector<16xi32>, vector<16xi32>], vector<16xf32>,
      %mul3A_1208 = arith.mulf %gather3A_1204, %gather3A_1206 : vector<16xf32>
      %mul3A_1209 = arith.mulf %gather3A_1205, %gather3A_1207 : vector<16xf32>
      %add3A_1210 = arith.addf %mul3A_1208, %mul3A_1209 : vector<16xf32>
      %mul3A_1211 = arith.mulf %gather3A, %add3A_1210 : vector<16xf32>
      %mul3A_1212 = arith.mulf %gather3A_1204, %gather3A_1207 : vector<16xf32>
      %mul3A_1213 = arith.mulf %gather3A_1205, %gather3A_1206 : vector<16xf32>
      %sub3A = arith.subf %mul3A_1212, %mul3A_1213 : vector<16xf32>
      %mul3A_1214 = arith.mulf %gather3A_1203, %sub3A : vector<16xf32>
      %add3A_1215 = arith.addf %mul3A_1211, %mul3A_1214 : vector<16xf32>
      %add3A_1216 = arith.addf %scan3A_1190, %add3A_1215 : vector<16xf32>
      scf.yield %add3A_1216 : vector<16xf32>
    }
    %scan3A_770 = arith.constant 64 : i32
    %swap3A_771 = arith.constant 208 : index
    %swap3A_772 = tpu.vector_load %arg16[%swap3A_771] {strides = array<i32>} : memref<512xf32, #tpu.memory_space<vmem>>, vector<16xf32>,
    tpu.vector_store %arg16[%swap3A_771], %scan3A_769 {strides = array<i32>} : memref<512xf32, #tpu.memory_space<vmem>>, vector<16xf32>,
    %iota3A_773 = tpu.iota {dimensions = array<i32: 0>} : vector<16xi32>
    %add3A_774 = arith.constant 32 : i32
    %add3A_775 = vector.broadcast %add3A_774 : i32 to vector<16xi32>
    %add3A_776 = arith.addi %iota3A_773, %add3A_775 : vector<16xi32>
    %add3A_777 = arith.constant 64 : i32
    %add3A_778 = vector.broadcast %add3A_777 : i32 to vector<16xi32>
    %add3A_779 = arith.addi %add3A_776, %add3A_778 : vector<16xi32>
    %add3A_780 = arith.constant 64 : i32
    %add3A_781 = vector.broadcast %add3A_780 : i32 to vector<16xi32>
    %add3A_782 = arith.addi %add3A_776, %add3A_781 : vector<16xi32>
    %broadcast_in_dim3A_783 = arith.constant 0.000000e+00 : f32
    %broadcast_in_dim3A_784 = vector.broadcast %broadcast_in_dim3A_783 : f32 to vector<16xf32>
    %scan3A_785 = arith.constant 0 : i32
    %scan3A_786 = arith.constant 64 : i32
    %scan3A_787 = arith.addi %scan3A_785, %scan3A_786 : i32
    %scan3A_788 = arith.constant 1 : i32
    %scan3A_789 = scf.for %scan3A_1189 = %scan3A_785 to %scan3A_787 step %scan3A_788 iter_args(%scan3A_1190 = %broadcast_in_dim3A_784) -> (vector<16xf32>)  : i32 {
      %mul3A_1191 = arith.constant 1 : i32
      %mul3A_1192 = arith.muli %scan3A_1189, %mul3A_1191 : i32
      %add3A_1193 = arith.constant 0 : i32
      %add3A_1194 = arith.addi %mul3A_1192, %add3A_1193 : i32
      %broadcast_in_dim3A_1195 = vector.broadcast %add3A_1194 : i32 to vector<16xi32>
      %iota3A_1196 = tpu.iota {dimensions = array<i32: 0>} : vector<16xi32>
      %add3A_1197 = arith.addi %broadcast_in_dim3A_1195, %iota3A_1196 : vector<16xi32>
      %and3A = arith.constant 63 : i32
      %and3A_1198 = vector.broadcast %and3A : i32 to vector<16xi32>
      %and3A_1199 = arith.andi %add3A_1197, %and3A_1198 : vector<16xi32>
      %add3A_1200 = arith.constant 64 : i32
      %add3A_1201 = vector.broadcast %add3A_1200 : i32 to vector<16xi32>
      %add3A_1202 = arith.addi %and3A_1199, %add3A_1201 : vector<16xi32>
      %gather3A = tpu.vector_load_idx %arg13[%add3A_776, %and3A_1199] : memref<128x128xf32, #tpu.memory_space<vmem>>[vector<16xi32>, vector<16xi32>], vector<16xf32>,
      %gather3A_1203 = tpu.vector_load_idx %arg13[%add3A_776, %add3A_1202] : memref<128x128xf32, #tpu.memory_space<vmem>>[vector<16xi32>, vector<16xi32>], vector<16xf32>,
      %gather3A_1204 = tpu.vector_load_idx %arg15[%add3A_782, %and3A_1199] : memref<128x128xf32, #tpu.memory_space<vmem>>[vector<16xi32>, vector<16xi32>], vector<16xf32>,
      %gather3A_1205 = tpu.vector_load_idx %arg15[%add3A_782, %add3A_1202] : memref<128x128xf32, #tpu.memory_space<vmem>>[vector<16xi32>, vector<16xi32>], vector<16xf32>,
      %gather3A_1206 = tpu.vector_load_idx %arg13[%add3A_779, %and3A_1199] : memref<128x128xf32, #tpu.memory_space<vmem>>[vector<16xi32>, vector<16xi32>], vector<16xf32>,
      %gather3A_1207 = tpu.vector_load_idx %arg13[%add3A_779, %add3A_1202] : memref<128x128xf32, #tpu.memory_space<vmem>>[vector<16xi32>, vector<16xi32>], vector<16xf32>,
      %mul3A_1208 = arith.mulf %gather3A_1204, %gather3A_1206 : vector<16xf32>
      %mul3A_1209 = arith.mulf %gather3A_1205, %gather3A_1207 : vector<16xf32>
      %add3A_1210 = arith.addf %mul3A_1208, %mul3A_1209 : vector<16xf32>
      %mul3A_1211 = arith.mulf %gather3A, %add3A_1210 : vector<16xf32>
      %mul3A_1212 = arith.mulf %gather3A_1204, %gather3A_1207 : vector<16xf32>
      %mul3A_1213 = arith.mulf %gather3A_1205, %gather3A_1206 : vector<16xf32>
      %sub3A = arith.subf %mul3A_1212, %mul3A_1213 : vector<16xf32>
      %mul3A_1214 = arith.mulf %gather3A_1203, %sub3A : vector<16xf32>
      %add3A_1215 = arith.addf %mul3A_1211, %mul3A_1214 : vector<16xf32>
      %add3A_1216 = arith.addf %scan3A_1190, %add3A_1215 : vector<16xf32>
      scf.yield %add3A_1216 : vector<16xf32>
    }
    %scan3A_790 = arith.constant 64 : i32
    %swap3A_791 = arith.constant 224 : index
    %swap3A_792 = tpu.vector_load %arg16[%swap3A_791] {strides = array<i32>} : memref<512xf32, #tpu.memory_space<vmem>>, vector<16xf32>,
    tpu.vector_store %arg16[%swap3A_791], %scan3A_789 {strides = array<i32>} : memref<512xf32, #tpu.memory_space<vmem>>, vector<16xf32>,
    %iota3A_793 = tpu.iota {dimensions = array<i32: 0>} : vector<16xi32>
    %add3A_794 = arith.constant 48 : i32
    %add3A_795 = vector.broadcast %add3A_794 : i32 to vector<16xi32>
    %add3A_796 = arith.addi %iota3A_793, %add3A_795 : vector<16xi32>
    %add3A_797 = arith.constant 64 : i32
    %add3A_798 = vector.broadcast %add3A_797 : i32 to vector<16xi32>
    %add3A_799 = arith.addi %add3A_796, %add3A_798 : vector<16xi32>
    %add3A_800 = arith.constant 64 : i32
    %add3A_801 = vector.broadcast %add3A_800 : i32 to vector<16xi32>
    %add3A_802 = arith.addi %add3A_796, %add3A_801 : vector<16xi32>
    %broadcast_in_dim3A_803 = arith.constant 0.000000e+00 : f32
    %broadcast_in_dim3A_804 = vector.broadcast %broadcast_in_dim3A_803 : f32 to vector<16xf32>
    %scan3A_805 = arith.constant 0 : i32
    %scan3A_806 = arith.constant 64 : i32
    %scan3A_807 = arith.addi %scan3A_805, %scan3A_806 : i32
    %scan3A_808 = arith.constant 1 : i32
    %scan3A_809 = scf.for %scan3A_1189 = %scan3A_805 to %scan3A_807 step %scan3A_808 iter_args(%scan3A_1190 = %broadcast_in_dim3A_804) -> (vector<16xf32>)  : i32 {
      %mul3A_1191 = arith.constant 1 : i32
      %mul3A_1192 = arith.muli %scan3A_1189, %mul3A_1191 : i32
      %add3A_1193 = arith.constant 0 : i32
      %add3A_1194 = arith.addi %mul3A_1192, %add3A_1193 : i32
      %broadcast_in_dim3A_1195 = vector.broadcast %add3A_1194 : i32 to vector<16xi32>
      %iota3A_1196 = tpu.iota {dimensions = array<i32: 0>} : vector<16xi32>
      %add3A_1197 = arith.addi %broadcast_in_dim3A_1195, %iota3A_1196 : vector<16xi32>
      %and3A = arith.constant 63 : i32
      %and3A_1198 = vector.broadcast %and3A : i32 to vector<16xi32>
      %and3A_1199 = arith.andi %add3A_1197, %and3A_1198 : vector<16xi32>
      %add3A_1200 = arith.constant 64 : i32
      %add3A_1201 = vector.broadcast %add3A_1200 : i32 to vector<16xi32>
      %add3A_1202 = arith.addi %and3A_1199, %add3A_1201 : vector<16xi32>
      %gather3A = tpu.vector_load_idx %arg13[%add3A_796, %and3A_1199] : memref<128x128xf32, #tpu.memory_space<vmem>>[vector<16xi32>, vector<16xi32>], vector<16xf32>,
      %gather3A_1203 = tpu.vector_load_idx %arg13[%add3A_796, %add3A_1202] : memref<128x128xf32, #tpu.memory_space<vmem>>[vector<16xi32>, vector<16xi32>], vector<16xf32>,
      %gather3A_1204 = tpu.vector_load_idx %arg15[%add3A_802, %and3A_1199] : memref<128x128xf32, #tpu.memory_space<vmem>>[vector<16xi32>, vector<16xi32>], vector<16xf32>,
      %gather3A_1205 = tpu.vector_load_idx %arg15[%add3A_802, %add3A_1202] : memref<128x128xf32, #tpu.memory_space<vmem>>[vector<16xi32>, vector<16xi32>], vector<16xf32>,
      %gather3A_1206 = tpu.vector_load_idx %arg13[%add3A_799, %and3A_1199] : memref<128x128xf32, #tpu.memory_space<vmem>>[vector<16xi32>, vector<16xi32>], vector<16xf32>,
      %gather3A_1207 = tpu.vector_load_idx %arg13[%add3A_799, %add3A_1202] : memref<128x128xf32, #tpu.memory_space<vmem>>[vector<16xi32>, vector<16xi32>], vector<16xf32>,
      %mul3A_1208 = arith.mulf %gather3A_1204, %gather3A_1206 : vector<16xf32>
      %mul3A_1209 = arith.mulf %gather3A_1205, %gather3A_1207 : vector<16xf32>
      %add3A_1210 = arith.addf %mul3A_1208, %mul3A_1209 : vector<16xf32>
      %mul3A_1211 = arith.mulf %gather3A, %add3A_1210 : vector<16xf32>
      %mul3A_1212 = arith.mulf %gather3A_1204, %gather3A_1207 : vector<16xf32>
      %mul3A_1213 = arith.mulf %gather3A_1205, %gather3A_1206 : vector<16xf32>
      %sub3A = arith.subf %mul3A_1212, %mul3A_1213 : vector<16xf32>
      %mul3A_1214 = arith.mulf %gather3A_1203, %sub3A : vector<16xf32>
      %add3A_1215 = arith.addf %mul3A_1211, %mul3A_1214 : vector<16xf32>
      %add3A_1216 = arith.addf %scan3A_1190, %add3A_1215 : vector<16xf32>
      scf.yield %add3A_1216 : vector<16xf32>
    }
    %scan3A_810 = arith.constant 64 : i32
    %swap3A_811 = arith.constant 240 : index
    %swap3A_812 = tpu.vector_load %arg16[%swap3A_811] {strides = array<i32>} : memref<512xf32, #tpu.memory_space<vmem>>, vector<16xf32>,
    tpu.vector_store %arg16[%swap3A_811], %scan3A_809 {strides = array<i32>} : memref<512xf32, #tpu.memory_space<vmem>>, vector<16xf32>,
    %dma_start3A_813 = arith.constant 3 : i32
    %dma_start3A_814 = arith.constant 0 : i32
    %dma_start3A_815 = tpu.memref_slice %arg9[%dma_start3A_813, %dma_start3A_814] : memref<4x128xi32, #tpu.memory_space<vmem>> -> memref<1x128xi32, #tpu.memory_space<vmem>>
    %dma_start3A_816 = tpu.memref_squeeze %dma_start3A_815 : memref<1x128xi32, #tpu.memory_space<vmem>> -> memref<128xi32, #tpu.memory_space<vmem>>
    %dma_start3A_817 = arith.constant 0 : i32
    %dma_start3A_818 = arith.constant 0 : i32
    %dma_start3A_819 = tpu.memref_slice %arg6[%dma_start3A_817, %dma_start3A_818] : memref<1000x128xf32, #tpu.memory_space<hbm>> -> memref<1000x128xf32, #tpu.memory_space<hbm>>
    tpu.enqueue_indirect_dma source(%dma_start3A_819 : memref<1000x128xf32, #tpu.memory_space<hbm>>) target(%arg15 : memref<128x128xf32, #tpu.memory_space<vmem>>) offsets(%dma_start3A_816 : memref<128xi32, #tpu.memory_space<vmem>>) semaphore(%arg23 : memref<!tpu.dma_semaphore, #tpu.memory_space<semaphore_mem>>)
    %dma_start3A_820 = arith.constant 7 : i32
    %dma_start3A_821 = arith.constant 0 : i32
    %dma_start3A_822 = tpu.memref_slice %arg8[%dma_start3A_820, %dma_start3A_821] : memref<8x128xi32, #tpu.memory_space<vmem>> -> memref<1x128xi32, #tpu.memory_space<vmem>>
    %dma_start3A_823 = tpu.memref_squeeze %dma_start3A_822 : memref<1x128xi32, #tpu.memory_space<vmem>> -> memref<128xi32, #tpu.memory_space<vmem>>
    %dma_start3A_824 = arith.constant 0 : i32
    %dma_start3A_825 = arith.constant 0 : i32
    %dma_start3A_826 = tpu.memref_slice %arg5[%dma_start3A_824, %dma_start3A_825] : memref<1000000x128xf32, #tpu.memory_space<hbm>> -> memref<1000000x128xf32, #tpu.memory_space<hbm>>
    tpu.enqueue_indirect_dma source(%dma_start3A_826 : memref<1000000x128xf32, #tpu.memory_space<hbm>>) target(%arg13 : memref<128x128xf32, #tpu.memory_space<vmem>>) offsets(%dma_start3A_823 : memref<128xi32, #tpu.memory_space<vmem>>) semaphore(%arg21 : memref<!tpu.dma_semaphore, #tpu.memory_space<semaphore_mem>>)
    %dma_wait3A_827 = arith.constant 2 : i32
    %dma_wait3A_828 = arith.constant 0 : i32
    %dma_wait3A_829 = tpu.memref_slice %arg9[%dma_wait3A_827, %dma_wait3A_828] : memref<4x128xi32, #tpu.memory_space<vmem>> -> memref<1x128xi32, #tpu.memory_space<vmem>>
    %dma_wait3A_830 = tpu.memref_squeeze %dma_wait3A_829 : memref<1x128xi32, #tpu.memory_space<vmem>> -> memref<128xi32, #tpu.memory_space<vmem>>
    %dma_wait3A_831 = arith.constant 0 : i32
    %dma_wait3A_832 = arith.constant 0 : i32
    %dma_wait3A_833 = tpu.memref_slice %arg6[%dma_wait3A_831, %dma_wait3A_832] : memref<1000x128xf32, #tpu.memory_space<hbm>> -> memref<1000x128xf32, #tpu.memory_space<hbm>>
    tpu.wait_indirect_dma semaphore(%arg22 : memref<!tpu.dma_semaphore, #tpu.memory_space<semaphore_mem>>) src(%dma_wait3A_833 : memref<1000x128xf32, #tpu.memory_space<hbm>>) dst(%arg14 : memref<128x128xf32, #tpu.memory_space<vmem>>)
    %dma_wait3A_834 = arith.constant 4 : i32
    %dma_wait3A_835 = arith.constant 0 : i32
    %dma_wait3A_836 = tpu.memref_slice %arg8[%dma_wait3A_834, %dma_wait3A_835] : memref<8x128xi32, #tpu.memory_space<vmem>> -> memref<1x128xi32, #tpu.memory_space<vmem>>
    %dma_wait3A_837 = tpu.memref_squeeze %dma_wait3A_836 : memref<1x128xi32, #tpu.memory_space<vmem>> -> memref<128xi32, #tpu.memory_space<vmem>>
    %dma_wait3A_838 = arith.constant 0 : i32
    %dma_wait3A_839 = arith.constant 0 : i32
    %dma_wait3A_840 = tpu.memref_slice %arg5[%dma_wait3A_838, %dma_wait3A_839] : memref<1000000x128xf32, #tpu.memory_space<hbm>> -> memref<1000000x128xf32, #tpu.memory_space<hbm>>
    tpu.wait_indirect_dma semaphore(%arg18 : memref<!tpu.dma_semaphore, #tpu.memory_space<semaphore_mem>>) src(%dma_wait3A_840 : memref<1000000x128xf32, #tpu.memory_space<hbm>>) dst(%arg10 : memref<128x128xf32, #tpu.memory_space<vmem>>)
    %iota3A_841 = tpu.iota {dimensions = array<i32: 0>} : vector<16xi32>
    %add3A_842 = arith.constant 0 : i32
    %add3A_843 = vector.broadcast %add3A_842 : i32 to vector<16xi32>
    %add3A_844 = arith.addi %iota3A_841, %add3A_843 : vector<16xi32>
    %add3A_845 = arith.constant 64 : i32
    %add3A_846 = vector.broadcast %add3A_845 : i32 to vector<16xi32>
    %add3A_847 = arith.addi %add3A_844, %add3A_846 : vector<16xi32>
    %add3A_848 = arith.constant 0 : i32
    %add3A_849 = vector.broadcast %add3A_848 : i32 to vector<16xi32>
    %add3A_850 = arith.addi %add3A_844, %add3A_849 : vector<16xi32>
    %broadcast_in_dim3A_851 = arith.constant 0.000000e+00 : f32
    %broadcast_in_dim3A_852 = vector.broadcast %broadcast_in_dim3A_851 : f32 to vector<16xf32>
    %scan3A_853 = arith.constant 0 : i32
    %scan3A_854 = arith.constant 64 : i32
    %scan3A_855 = arith.addi %scan3A_853, %scan3A_854 : i32
    %scan3A_856 = arith.constant 1 : i32
    %scan3A_857 = scf.for %scan3A_1189 = %scan3A_853 to %scan3A_855 step %scan3A_856 iter_args(%scan3A_1190 = %broadcast_in_dim3A_852) -> (vector<16xf32>)  : i32 {
      %mul3A_1191 = arith.constant 1 : i32
      %mul3A_1192 = arith.muli %scan3A_1189, %mul3A_1191 : i32
      %add3A_1193 = arith.constant 0 : i32
      %add3A_1194 = arith.addi %mul3A_1192, %add3A_1193 : i32
      %broadcast_in_dim3A_1195 = vector.broadcast %add3A_1194 : i32 to vector<16xi32>
      %iota3A_1196 = tpu.iota {dimensions = array<i32: 0>} : vector<16xi32>
      %add3A_1197 = arith.addi %broadcast_in_dim3A_1195, %iota3A_1196 : vector<16xi32>
      %and3A = arith.constant 63 : i32
      %and3A_1198 = vector.broadcast %and3A : i32 to vector<16xi32>
      %and3A_1199 = arith.andi %add3A_1197, %and3A_1198 : vector<16xi32>
      %add3A_1200 = arith.constant 64 : i32
      %add3A_1201 = vector.broadcast %add3A_1200 : i32 to vector<16xi32>
      %add3A_1202 = arith.addi %and3A_1199, %add3A_1201 : vector<16xi32>
      %gather3A = tpu.vector_load_idx %arg10[%add3A_844, %and3A_1199] : memref<128x128xf32, #tpu.memory_space<vmem>>[vector<16xi32>, vector<16xi32>], vector<16xf32>,
      %gather3A_1203 = tpu.vector_load_idx %arg10[%add3A_844, %add3A_1202] : memref<128x128xf32, #tpu.memory_space<vmem>>[vector<16xi32>, vector<16xi32>], vector<16xf32>,
      %gather3A_1204 = tpu.vector_load_idx %arg14[%add3A_850, %and3A_1199] : memref<128x128xf32, #tpu.memory_space<vmem>>[vector<16xi32>, vector<16xi32>], vector<16xf32>,
      %gather3A_1205 = tpu.vector_load_idx %arg14[%add3A_850, %add3A_1202] : memref<128x128xf32, #tpu.memory_space<vmem>>[vector<16xi32>, vector<16xi32>], vector<16xf32>,
      %gather3A_1206 = tpu.vector_load_idx %arg10[%add3A_847, %and3A_1199] : memref<128x128xf32, #tpu.memory_space<vmem>>[vector<16xi32>, vector<16xi32>], vector<16xf32>,
      %gather3A_1207 = tpu.vector_load_idx %arg10[%add3A_847, %add3A_1202] : memref<128x128xf32, #tpu.memory_space<vmem>>[vector<16xi32>, vector<16xi32>], vector<16xf32>,
      %mul3A_1208 = arith.mulf %gather3A_1204, %gather3A_1206 : vector<16xf32>
      %mul3A_1209 = arith.mulf %gather3A_1205, %gather3A_1207 : vector<16xf32>
      %add3A_1210 = arith.addf %mul3A_1208, %mul3A_1209 : vector<16xf32>
      %mul3A_1211 = arith.mulf %gather3A, %add3A_1210 : vector<16xf32>
      %mul3A_1212 = arith.mulf %gather3A_1204, %gather3A_1207 : vector<16xf32>
      %mul3A_1213 = arith.mulf %gather3A_1205, %gather3A_1206 : vector<16xf32>
      %sub3A = arith.subf %mul3A_1212, %mul3A_1213 : vector<16xf32>
      %mul3A_1214 = arith.mulf %gather3A_1203, %sub3A : vector<16xf32>
      %add3A_1215 = arith.addf %mul3A_1211, %mul3A_1214 : vector<16xf32>
      %add3A_1216 = arith.addf %scan3A_1190, %add3A_1215 : vector<16xf32>
      scf.yield %add3A_1216 : vector<16xf32>
    }
    %scan3A_858 = arith.constant 64 : i32
    %swap3A_859 = arith.constant 256 : index
    %swap3A_860 = tpu.vector_load %arg16[%swap3A_859] {strides = array<i32>} : memref<512xf32, #tpu.memory_space<vmem>>, vector<16xf32>,
    tpu.vector_store %arg16[%swap3A_859], %scan3A_857 {strides = array<i32>} : memref<512xf32, #tpu.memory_space<vmem>>, vector<16xf32>,
    %iota3A_861 = tpu.iota {dimensions = array<i32: 0>} : vector<16xi32>
    %add3A_862 = arith.constant 16 : i32
    %add3A_863 = vector.broadcast %add3A_862 : i32 to vector<16xi32>
    %add3A_864 = arith.addi %iota3A_861, %add3A_863 : vector<16xi32>
    %add3A_865 = arith.constant 64 : i32
    %add3A_866 = vector.broadcast %add3A_865 : i32 to vector<16xi32>
    %add3A_867 = arith.addi %add3A_864, %add3A_866 : vector<16xi32>
    %add3A_868 = arith.constant 0 : i32
    %add3A_869 = vector.broadcast %add3A_868 : i32 to vector<16xi32>
    %add3A_870 = arith.addi %add3A_864, %add3A_869 : vector<16xi32>
    %broadcast_in_dim3A_871 = arith.constant 0.000000e+00 : f32
    %broadcast_in_dim3A_872 = vector.broadcast %broadcast_in_dim3A_871 : f32 to vector<16xf32>
    %scan3A_873 = arith.constant 0 : i32
    %scan3A_874 = arith.constant 64 : i32
    %scan3A_875 = arith.addi %scan3A_873, %scan3A_874 : i32
    %scan3A_876 = arith.constant 1 : i32
    %scan3A_877 = scf.for %scan3A_1189 = %scan3A_873 to %scan3A_875 step %scan3A_876 iter_args(%scan3A_1190 = %broadcast_in_dim3A_872) -> (vector<16xf32>)  : i32 {
      %mul3A_1191 = arith.constant 1 : i32
      %mul3A_1192 = arith.muli %scan3A_1189, %mul3A_1191 : i32
      %add3A_1193 = arith.constant 0 : i32
      %add3A_1194 = arith.addi %mul3A_1192, %add3A_1193 : i32
      %broadcast_in_dim3A_1195 = vector.broadcast %add3A_1194 : i32 to vector<16xi32>
      %iota3A_1196 = tpu.iota {dimensions = array<i32: 0>} : vector<16xi32>
      %add3A_1197 = arith.addi %broadcast_in_dim3A_1195, %iota3A_1196 : vector<16xi32>
      %and3A = arith.constant 63 : i32
      %and3A_1198 = vector.broadcast %and3A : i32 to vector<16xi32>
      %and3A_1199 = arith.andi %add3A_1197, %and3A_1198 : vector<16xi32>
      %add3A_1200 = arith.constant 64 : i32
      %add3A_1201 = vector.broadcast %add3A_1200 : i32 to vector<16xi32>
      %add3A_1202 = arith.addi %and3A_1199, %add3A_1201 : vector<16xi32>
      %gather3A = tpu.vector_load_idx %arg10[%add3A_864, %and3A_1199] : memref<128x128xf32, #tpu.memory_space<vmem>>[vector<16xi32>, vector<16xi32>], vector<16xf32>,
      %gather3A_1203 = tpu.vector_load_idx %arg10[%add3A_864, %add3A_1202] : memref<128x128xf32, #tpu.memory_space<vmem>>[vector<16xi32>, vector<16xi32>], vector<16xf32>,
      %gather3A_1204 = tpu.vector_load_idx %arg14[%add3A_870, %and3A_1199] : memref<128x128xf32, #tpu.memory_space<vmem>>[vector<16xi32>, vector<16xi32>], vector<16xf32>,
      %gather3A_1205 = tpu.vector_load_idx %arg14[%add3A_870, %add3A_1202] : memref<128x128xf32, #tpu.memory_space<vmem>>[vector<16xi32>, vector<16xi32>], vector<16xf32>,
      %gather3A_1206 = tpu.vector_load_idx %arg10[%add3A_867, %and3A_1199] : memref<128x128xf32, #tpu.memory_space<vmem>>[vector<16xi32>, vector<16xi32>], vector<16xf32>,
      %gather3A_1207 = tpu.vector_load_idx %arg10[%add3A_867, %add3A_1202] : memref<128x128xf32, #tpu.memory_space<vmem>>[vector<16xi32>, vector<16xi32>], vector<16xf32>,
      %mul3A_1208 = arith.mulf %gather3A_1204, %gather3A_1206 : vector<16xf32>
      %mul3A_1209 = arith.mulf %gather3A_1205, %gather3A_1207 : vector<16xf32>
      %add3A_1210 = arith.addf %mul3A_1208, %mul3A_1209 : vector<16xf32>
      %mul3A_1211 = arith.mulf %gather3A, %add3A_1210 : vector<16xf32>
      %mul3A_1212 = arith.mulf %gather3A_1204, %gather3A_1207 : vector<16xf32>
      %mul3A_1213 = arith.mulf %gather3A_1205, %gather3A_1206 : vector<16xf32>
      %sub3A = arith.subf %mul3A_1212, %mul3A_1213 : vector<16xf32>
      %mul3A_1214 = arith.mulf %gather3A_1203, %sub3A : vector<16xf32>
      %add3A_1215 = arith.addf %mul3A_1211, %mul3A_1214 : vector<16xf32>
      %add3A_1216 = arith.addf %scan3A_1190, %add3A_1215 : vector<16xf32>
      scf.yield %add3A_1216 : vector<16xf32>
    }
    %scan3A_878 = arith.constant 64 : i32
    %swap3A_879 = arith.constant 272 : index
    %swap3A_880 = tpu.vector_load %arg16[%swap3A_879] {strides = array<i32>} : memref<512xf32, #tpu.memory_space<vmem>>, vector<16xf32>,
    tpu.vector_store %arg16[%swap3A_879], %scan3A_877 {strides = array<i32>} : memref<512xf32, #tpu.memory_space<vmem>>, vector<16xf32>,
    %iota3A_881 = tpu.iota {dimensions = array<i32: 0>} : vector<16xi32>
    %add3A_882 = arith.constant 32 : i32
    %add3A_883 = vector.broadcast %add3A_882 : i32 to vector<16xi32>
    %add3A_884 = arith.addi %iota3A_881, %add3A_883 : vector<16xi32>
    %add3A_885 = arith.constant 64 : i32
    %add3A_886 = vector.broadcast %add3A_885 : i32 to vector<16xi32>
    %add3A_887 = arith.addi %add3A_884, %add3A_886 : vector<16xi32>
    %add3A_888 = arith.constant 0 : i32
    %add3A_889 = vector.broadcast %add3A_888 : i32 to vector<16xi32>
    %add3A_890 = arith.addi %add3A_884, %add3A_889 : vector<16xi32>
    %broadcast_in_dim3A_891 = arith.constant 0.000000e+00 : f32
    %broadcast_in_dim3A_892 = vector.broadcast %broadcast_in_dim3A_891 : f32 to vector<16xf32>
    %scan3A_893 = arith.constant 0 : i32
    %scan3A_894 = arith.constant 64 : i32
    %scan3A_895 = arith.addi %scan3A_893, %scan3A_894 : i32
    %scan3A_896 = arith.constant 1 : i32
    %scan3A_897 = scf.for %scan3A_1189 = %scan3A_893 to %scan3A_895 step %scan3A_896 iter_args(%scan3A_1190 = %broadcast_in_dim3A_892) -> (vector<16xf32>)  : i32 {
      %mul3A_1191 = arith.constant 1 : i32
      %mul3A_1192 = arith.muli %scan3A_1189, %mul3A_1191 : i32
      %add3A_1193 = arith.constant 0 : i32
      %add3A_1194 = arith.addi %mul3A_1192, %add3A_1193 : i32
      %broadcast_in_dim3A_1195 = vector.broadcast %add3A_1194 : i32 to vector<16xi32>
      %iota3A_1196 = tpu.iota {dimensions = array<i32: 0>} : vector<16xi32>
      %add3A_1197 = arith.addi %broadcast_in_dim3A_1195, %iota3A_1196 : vector<16xi32>
      %and3A = arith.constant 63 : i32
      %and3A_1198 = vector.broadcast %and3A : i32 to vector<16xi32>
      %and3A_1199 = arith.andi %add3A_1197, %and3A_1198 : vector<16xi32>
      %add3A_1200 = arith.constant 64 : i32
      %add3A_1201 = vector.broadcast %add3A_1200 : i32 to vector<16xi32>
      %add3A_1202 = arith.addi %and3A_1199, %add3A_1201 : vector<16xi32>
      %gather3A = tpu.vector_load_idx %arg10[%add3A_884, %and3A_1199] : memref<128x128xf32, #tpu.memory_space<vmem>>[vector<16xi32>, vector<16xi32>], vector<16xf32>,
      %gather3A_1203 = tpu.vector_load_idx %arg10[%add3A_884, %add3A_1202] : memref<128x128xf32, #tpu.memory_space<vmem>>[vector<16xi32>, vector<16xi32>], vector<16xf32>,
      %gather3A_1204 = tpu.vector_load_idx %arg14[%add3A_890, %and3A_1199] : memref<128x128xf32, #tpu.memory_space<vmem>>[vector<16xi32>, vector<16xi32>], vector<16xf32>,
      %gather3A_1205 = tpu.vector_load_idx %arg14[%add3A_890, %add3A_1202] : memref<128x128xf32, #tpu.memory_space<vmem>>[vector<16xi32>, vector<16xi32>], vector<16xf32>,
      %gather3A_1206 = tpu.vector_load_idx %arg10[%add3A_887, %and3A_1199] : memref<128x128xf32, #tpu.memory_space<vmem>>[vector<16xi32>, vector<16xi32>], vector<16xf32>,
      %gather3A_1207 = tpu.vector_load_idx %arg10[%add3A_887, %add3A_1202] : memref<128x128xf32, #tpu.memory_space<vmem>>[vector<16xi32>, vector<16xi32>], vector<16xf32>,
      %mul3A_1208 = arith.mulf %gather3A_1204, %gather3A_1206 : vector<16xf32>
      %mul3A_1209 = arith.mulf %gather3A_1205, %gather3A_1207 : vector<16xf32>
      %add3A_1210 = arith.addf %mul3A_1208, %mul3A_1209 : vector<16xf32>
      %mul3A_1211 = arith.mulf %gather3A, %add3A_1210 : vector<16xf32>
      %mul3A_1212 = arith.mulf %gather3A_1204, %gather3A_1207 : vector<16xf32>
      %mul3A_1213 = arith.mulf %gather3A_1205, %gather3A_1206 : vector<16xf32>
      %sub3A = arith.subf %mul3A_1212, %mul3A_1213 : vector<16xf32>
      %mul3A_1214 = arith.mulf %gather3A_1203, %sub3A : vector<16xf32>
      %add3A_1215 = arith.addf %mul3A_1211, %mul3A_1214 : vector<16xf32>
      %add3A_1216 = arith.addf %scan3A_1190, %add3A_1215 : vector<16xf32>
      scf.yield %add3A_1216 : vector<16xf32>
    }
    %scan3A_898 = arith.constant 64 : i32
    %swap3A_899 = arith.constant 288 : index
    %swap3A_900 = tpu.vector_load %arg16[%swap3A_899] {strides = array<i32>} : memref<512xf32, #tpu.memory_space<vmem>>, vector<16xf32>,
    tpu.vector_store %arg16[%swap3A_899], %scan3A_897 {strides = array<i32>} : memref<512xf32, #tpu.memory_space<vmem>>, vector<16xf32>,
    %iota3A_901 = tpu.iota {dimensions = array<i32: 0>} : vector<16xi32>
    %add3A_902 = arith.constant 48 : i32
    %add3A_903 = vector.broadcast %add3A_902 : i32 to vector<16xi32>
    %add3A_904 = arith.addi %iota3A_901, %add3A_903 : vector<16xi32>
    %add3A_905 = arith.constant 64 : i32
    %add3A_906 = vector.broadcast %add3A_905 : i32 to vector<16xi32>
    %add3A_907 = arith.addi %add3A_904, %add3A_906 : vector<16xi32>
    %add3A_908 = arith.constant 0 : i32
    %add3A_909 = vector.broadcast %add3A_908 : i32 to vector<16xi32>
    %add3A_910 = arith.addi %add3A_904, %add3A_909 : vector<16xi32>
    %broadcast_in_dim3A_911 = arith.constant 0.000000e+00 : f32
    %broadcast_in_dim3A_912 = vector.broadcast %broadcast_in_dim3A_911 : f32 to vector<16xf32>
    %scan3A_913 = arith.constant 0 : i32
    %scan3A_914 = arith.constant 64 : i32
    %scan3A_915 = arith.addi %scan3A_913, %scan3A_914 : i32
    %scan3A_916 = arith.constant 1 : i32
    %scan3A_917 = scf.for %scan3A_1189 = %scan3A_913 to %scan3A_915 step %scan3A_916 iter_args(%scan3A_1190 = %broadcast_in_dim3A_912) -> (vector<16xf32>)  : i32 {
      %mul3A_1191 = arith.constant 1 : i32
      %mul3A_1192 = arith.muli %scan3A_1189, %mul3A_1191 : i32
      %add3A_1193 = arith.constant 0 : i32
      %add3A_1194 = arith.addi %mul3A_1192, %add3A_1193 : i32
      %broadcast_in_dim3A_1195 = vector.broadcast %add3A_1194 : i32 to vector<16xi32>
      %iota3A_1196 = tpu.iota {dimensions = array<i32: 0>} : vector<16xi32>
      %add3A_1197 = arith.addi %broadcast_in_dim3A_1195, %iota3A_1196 : vector<16xi32>
      %and3A = arith.constant 63 : i32
      %and3A_1198 = vector.broadcast %and3A : i32 to vector<16xi32>
      %and3A_1199 = arith.andi %add3A_1197, %and3A_1198 : vector<16xi32>
      %add3A_1200 = arith.constant 64 : i32
      %add3A_1201 = vector.broadcast %add3A_1200 : i32 to vector<16xi32>
      %add3A_1202 = arith.addi %and3A_1199, %add3A_1201 : vector<16xi32>
      %gather3A = tpu.vector_load_idx %arg10[%add3A_904, %and3A_1199] : memref<128x128xf32, #tpu.memory_space<vmem>>[vector<16xi32>, vector<16xi32>], vector<16xf32>,
      %gather3A_1203 = tpu.vector_load_idx %arg10[%add3A_904, %add3A_1202] : memref<128x128xf32, #tpu.memory_space<vmem>>[vector<16xi32>, vector<16xi32>], vector<16xf32>,
      %gather3A_1204 = tpu.vector_load_idx %arg14[%add3A_910, %and3A_1199] : memref<128x128xf32, #tpu.memory_space<vmem>>[vector<16xi32>, vector<16xi32>], vector<16xf32>,
      %gather3A_1205 = tpu.vector_load_idx %arg14[%add3A_910, %add3A_1202] : memref<128x128xf32, #tpu.memory_space<vmem>>[vector<16xi32>, vector<16xi32>], vector<16xf32>,
      %gather3A_1206 = tpu.vector_load_idx %arg10[%add3A_907, %and3A_1199] : memref<128x128xf32, #tpu.memory_space<vmem>>[vector<16xi32>, vector<16xi32>], vector<16xf32>,
      %gather3A_1207 = tpu.vector_load_idx %arg10[%add3A_907, %add3A_1202] : memref<128x128xf32, #tpu.memory_space<vmem>>[vector<16xi32>, vector<16xi32>], vector<16xf32>,
      %mul3A_1208 = arith.mulf %gather3A_1204, %gather3A_1206 : vector<16xf32>
      %mul3A_1209 = arith.mulf %gather3A_1205, %gather3A_1207 : vector<16xf32>
      %add3A_1210 = arith.addf %mul3A_1208, %mul3A_1209 : vector<16xf32>
      %mul3A_1211 = arith.mulf %gather3A, %add3A_1210 : vector<16xf32>
      %mul3A_1212 = arith.mulf %gather3A_1204, %gather3A_1207 : vector<16xf32>
      %mul3A_1213 = arith.mulf %gather3A_1205, %gather3A_1206 : vector<16xf32>
      %sub3A = arith.subf %mul3A_1212, %mul3A_1213 : vector<16xf32>
      %mul3A_1214 = arith.mulf %gather3A_1203, %sub3A : vector<16xf32>
      %add3A_1215 = arith.addf %mul3A_1211, %mul3A_1214 : vector<16xf32>
      %add3A_1216 = arith.addf %scan3A_1190, %add3A_1215 : vector<16xf32>
      scf.yield %add3A_1216 : vector<16xf32>
    }
    %scan3A_918 = arith.constant 64 : i32
    %swap3A_919 = arith.constant 304 : index
    %swap3A_920 = tpu.vector_load %arg16[%swap3A_919] {strides = array<i32>} : memref<512xf32, #tpu.memory_space<vmem>>, vector<16xf32>,
    tpu.vector_store %arg16[%swap3A_919], %scan3A_917 {strides = array<i32>} : memref<512xf32, #tpu.memory_space<vmem>>, vector<16xf32>,
    %dma_wait3A_921 = arith.constant 5 : i32
    %dma_wait3A_922 = arith.constant 0 : i32
    %dma_wait3A_923 = tpu.memref_slice %arg8[%dma_wait3A_921, %dma_wait3A_922] : memref<8x128xi32, #tpu.memory_space<vmem>> -> memref<1x128xi32, #tpu.memory_space<vmem>>
    %dma_wait3A_924 = tpu.memref_squeeze %dma_wait3A_923 : memref<1x128xi32, #tpu.memory_space<vmem>> -> memref<128xi32, #tpu.memory_space<vmem>>
    %dma_wait3A_925 = arith.constant 0 : i32
    %dma_wait3A_926 = arith.constant 0 : i32
    %dma_wait3A_927 = tpu.memref_slice %arg5[%dma_wait3A_925, %dma_wait3A_926] : memref<1000000x128xf32, #tpu.memory_space<hbm>> -> memref<1000000x128xf32, #tpu.memory_space<hbm>>
    tpu.wait_indirect_dma semaphore(%arg19 : memref<!tpu.dma_semaphore, #tpu.memory_space<semaphore_mem>>) src(%dma_wait3A_927 : memref<1000000x128xf32, #tpu.memory_space<hbm>>) dst(%arg11 : memref<128x128xf32, #tpu.memory_space<vmem>>)
    %iota3A_928 = tpu.iota {dimensions = array<i32: 0>} : vector<16xi32>
    %add3A_929 = arith.constant 0 : i32
    %add3A_930 = vector.broadcast %add3A_929 : i32 to vector<16xi32>
    %add3A_931 = arith.addi %iota3A_928, %add3A_930 : vector<16xi32>
    %add3A_932 = arith.constant 64 : i32
    %add3A_933 = vector.broadcast %add3A_932 : i32 to vector<16xi32>
    %add3A_934 = arith.addi %add3A_931, %add3A_933 : vector<16xi32>
    %add3A_935 = arith.constant 64 : i32
    %add3A_936 = vector.broadcast %add3A_935 : i32 to vector<16xi32>
    %add3A_937 = arith.addi %add3A_931, %add3A_936 : vector<16xi32>
    %broadcast_in_dim3A_938 = arith.constant 0.000000e+00 : f32
    %broadcast_in_dim3A_939 = vector.broadcast %broadcast_in_dim3A_938 : f32 to vector<16xf32>
    %scan3A_940 = arith.constant 0 : i32
    %scan3A_941 = arith.constant 64 : i32
    %scan3A_942 = arith.addi %scan3A_940, %scan3A_941 : i32
    %scan3A_943 = arith.constant 1 : i32
    %scan3A_944 = scf.for %scan3A_1189 = %scan3A_940 to %scan3A_942 step %scan3A_943 iter_args(%scan3A_1190 = %broadcast_in_dim3A_939) -> (vector<16xf32>)  : i32 {
      %mul3A_1191 = arith.constant 1 : i32
      %mul3A_1192 = arith.muli %scan3A_1189, %mul3A_1191 : i32
      %add3A_1193 = arith.constant 0 : i32
      %add3A_1194 = arith.addi %mul3A_1192, %add3A_1193 : i32
      %broadcast_in_dim3A_1195 = vector.broadcast %add3A_1194 : i32 to vector<16xi32>
      %iota3A_1196 = tpu.iota {dimensions = array<i32: 0>} : vector<16xi32>
      %add3A_1197 = arith.addi %broadcast_in_dim3A_1195, %iota3A_1196 : vector<16xi32>
      %and3A = arith.constant 63 : i32
      %and3A_1198 = vector.broadcast %and3A : i32 to vector<16xi32>
      %and3A_1199 = arith.andi %add3A_1197, %and3A_1198 : vector<16xi32>
      %add3A_1200 = arith.constant 64 : i32
      %add3A_1201 = vector.broadcast %add3A_1200 : i32 to vector<16xi32>
      %add3A_1202 = arith.addi %and3A_1199, %add3A_1201 : vector<16xi32>
      %gather3A = tpu.vector_load_idx %arg11[%add3A_931, %and3A_1199] : memref<128x128xf32, #tpu.memory_space<vmem>>[vector<16xi32>, vector<16xi32>], vector<16xf32>,
      %gather3A_1203 = tpu.vector_load_idx %arg11[%add3A_931, %add3A_1202] : memref<128x128xf32, #tpu.memory_space<vmem>>[vector<16xi32>, vector<16xi32>], vector<16xf32>,
      %gather3A_1204 = tpu.vector_load_idx %arg14[%add3A_937, %and3A_1199] : memref<128x128xf32, #tpu.memory_space<vmem>>[vector<16xi32>, vector<16xi32>], vector<16xf32>,
      %gather3A_1205 = tpu.vector_load_idx %arg14[%add3A_937, %add3A_1202] : memref<128x128xf32, #tpu.memory_space<vmem>>[vector<16xi32>, vector<16xi32>], vector<16xf32>,
      %gather3A_1206 = tpu.vector_load_idx %arg11[%add3A_934, %and3A_1199] : memref<128x128xf32, #tpu.memory_space<vmem>>[vector<16xi32>, vector<16xi32>], vector<16xf32>,
      %gather3A_1207 = tpu.vector_load_idx %arg11[%add3A_934, %add3A_1202] : memref<128x128xf32, #tpu.memory_space<vmem>>[vector<16xi32>, vector<16xi32>], vector<16xf32>,
      %mul3A_1208 = arith.mulf %gather3A_1204, %gather3A_1206 : vector<16xf32>
      %mul3A_1209 = arith.mulf %gather3A_1205, %gather3A_1207 : vector<16xf32>
      %add3A_1210 = arith.addf %mul3A_1208, %mul3A_1209 : vector<16xf32>
      %mul3A_1211 = arith.mulf %gather3A, %add3A_1210 : vector<16xf32>
      %mul3A_1212 = arith.mulf %gather3A_1204, %gather3A_1207 : vector<16xf32>
      %mul3A_1213 = arith.mulf %gather3A_1205, %gather3A_1206 : vector<16xf32>
      %sub3A = arith.subf %mul3A_1212, %mul3A_1213 : vector<16xf32>
      %mul3A_1214 = arith.mulf %gather3A_1203, %sub3A : vector<16xf32>
      %add3A_1215 = arith.addf %mul3A_1211, %mul3A_1214 : vector<16xf32>
      %add3A_1216 = arith.addf %scan3A_1190, %add3A_1215 : vector<16xf32>
      scf.yield %add3A_1216 : vector<16xf32>
    }
    %scan3A_945 = arith.constant 64 : i32
    %swap3A_946 = arith.constant 320 : index
    %swap3A_947 = tpu.vector_load %arg16[%swap3A_946] {strides = array<i32>} : memref<512xf32, #tpu.memory_space<vmem>>, vector<16xf32>,
    tpu.vector_store %arg16[%swap3A_946], %scan3A_944 {strides = array<i32>} : memref<512xf32, #tpu.memory_space<vmem>>, vector<16xf32>,
    %iota3A_948 = tpu.iota {dimensions = array<i32: 0>} : vector<16xi32>
    %add3A_949 = arith.constant 16 : i32
    %add3A_950 = vector.broadcast %add3A_949 : i32 to vector<16xi32>
    %add3A_951 = arith.addi %iota3A_948, %add3A_950 : vector<16xi32>
    %add3A_952 = arith.constant 64 : i32
    %add3A_953 = vector.broadcast %add3A_952 : i32 to vector<16xi32>
    %add3A_954 = arith.addi %add3A_951, %add3A_953 : vector<16xi32>
    %add3A_955 = arith.constant 64 : i32
    %add3A_956 = vector.broadcast %add3A_955 : i32 to vector<16xi32>
    %add3A_957 = arith.addi %add3A_951, %add3A_956 : vector<16xi32>
    %broadcast_in_dim3A_958 = arith.constant 0.000000e+00 : f32
    %broadcast_in_dim3A_959 = vector.broadcast %broadcast_in_dim3A_958 : f32 to vector<16xf32>
    %scan3A_960 = arith.constant 0 : i32
    %scan3A_961 = arith.constant 64 : i32
    %scan3A_962 = arith.addi %scan3A_960, %scan3A_961 : i32
    %scan3A_963 = arith.constant 1 : i32
    %scan3A_964 = scf.for %scan3A_1189 = %scan3A_960 to %scan3A_962 step %scan3A_963 iter_args(%scan3A_1190 = %broadcast_in_dim3A_959) -> (vector<16xf32>)  : i32 {
      %mul3A_1191 = arith.constant 1 : i32
      %mul3A_1192 = arith.muli %scan3A_1189, %mul3A_1191 : i32
      %add3A_1193 = arith.constant 0 : i32
      %add3A_1194 = arith.addi %mul3A_1192, %add3A_1193 : i32
      %broadcast_in_dim3A_1195 = vector.broadcast %add3A_1194 : i32 to vector<16xi32>
      %iota3A_1196 = tpu.iota {dimensions = array<i32: 0>} : vector<16xi32>
      %add3A_1197 = arith.addi %broadcast_in_dim3A_1195, %iota3A_1196 : vector<16xi32>
      %and3A = arith.constant 63 : i32
      %and3A_1198 = vector.broadcast %and3A : i32 to vector<16xi32>
      %and3A_1199 = arith.andi %add3A_1197, %and3A_1198 : vector<16xi32>
      %add3A_1200 = arith.constant 64 : i32
      %add3A_1201 = vector.broadcast %add3A_1200 : i32 to vector<16xi32>
      %add3A_1202 = arith.addi %and3A_1199, %add3A_1201 : vector<16xi32>
      %gather3A = tpu.vector_load_idx %arg11[%add3A_951, %and3A_1199] : memref<128x128xf32, #tpu.memory_space<vmem>>[vector<16xi32>, vector<16xi32>], vector<16xf32>,
      %gather3A_1203 = tpu.vector_load_idx %arg11[%add3A_951, %add3A_1202] : memref<128x128xf32, #tpu.memory_space<vmem>>[vector<16xi32>, vector<16xi32>], vector<16xf32>,
      %gather3A_1204 = tpu.vector_load_idx %arg14[%add3A_957, %and3A_1199] : memref<128x128xf32, #tpu.memory_space<vmem>>[vector<16xi32>, vector<16xi32>], vector<16xf32>,
      %gather3A_1205 = tpu.vector_load_idx %arg14[%add3A_957, %add3A_1202] : memref<128x128xf32, #tpu.memory_space<vmem>>[vector<16xi32>, vector<16xi32>], vector<16xf32>,
      %gather3A_1206 = tpu.vector_load_idx %arg11[%add3A_954, %and3A_1199] : memref<128x128xf32, #tpu.memory_space<vmem>>[vector<16xi32>, vector<16xi32>], vector<16xf32>,
      %gather3A_1207 = tpu.vector_load_idx %arg11[%add3A_954, %add3A_1202] : memref<128x128xf32, #tpu.memory_space<vmem>>[vector<16xi32>, vector<16xi32>], vector<16xf32>,
      %mul3A_1208 = arith.mulf %gather3A_1204, %gather3A_1206 : vector<16xf32>
      %mul3A_1209 = arith.mulf %gather3A_1205, %gather3A_1207 : vector<16xf32>
      %add3A_1210 = arith.addf %mul3A_1208, %mul3A_1209 : vector<16xf32>
      %mul3A_1211 = arith.mulf %gather3A, %add3A_1210 : vector<16xf32>
      %mul3A_1212 = arith.mulf %gather3A_1204, %gather3A_1207 : vector<16xf32>
      %mul3A_1213 = arith.mulf %gather3A_1205, %gather3A_1206 : vector<16xf32>
      %sub3A = arith.subf %mul3A_1212, %mul3A_1213 : vector<16xf32>
      %mul3A_1214 = arith.mulf %gather3A_1203, %sub3A : vector<16xf32>
      %add3A_1215 = arith.addf %mul3A_1211, %mul3A_1214 : vector<16xf32>
      %add3A_1216 = arith.addf %scan3A_1190, %add3A_1215 : vector<16xf32>
      scf.yield %add3A_1216 : vector<16xf32>
    }
    %scan3A_965 = arith.constant 64 : i32
    %swap3A_966 = arith.constant 336 : index
    %swap3A_967 = tpu.vector_load %arg16[%swap3A_966] {strides = array<i32>} : memref<512xf32, #tpu.memory_space<vmem>>, vector<16xf32>,
    tpu.vector_store %arg16[%swap3A_966], %scan3A_964 {strides = array<i32>} : memref<512xf32, #tpu.memory_space<vmem>>, vector<16xf32>,
    %iota3A_968 = tpu.iota {dimensions = array<i32: 0>} : vector<16xi32>
    %add3A_969 = arith.constant 32 : i32
    %add3A_970 = vector.broadcast %add3A_969 : i32 to vector<16xi32>
    %add3A_971 = arith.addi %iota3A_968, %add3A_970 : vector<16xi32>
    %add3A_972 = arith.constant 64 : i32
    %add3A_973 = vector.broadcast %add3A_972 : i32 to vector<16xi32>
    %add3A_974 = arith.addi %add3A_971, %add3A_973 : vector<16xi32>
    %add3A_975 = arith.constant 64 : i32
    %add3A_976 = vector.broadcast %add3A_975 : i32 to vector<16xi32>
    %add3A_977 = arith.addi %add3A_971, %add3A_976 : vector<16xi32>
    %broadcast_in_dim3A_978 = arith.constant 0.000000e+00 : f32
    %broadcast_in_dim3A_979 = vector.broadcast %broadcast_in_dim3A_978 : f32 to vector<16xf32>
    %scan3A_980 = arith.constant 0 : i32
    %scan3A_981 = arith.constant 64 : i32
    %scan3A_982 = arith.addi %scan3A_980, %scan3A_981 : i32
    %scan3A_983 = arith.constant 1 : i32
    %scan3A_984 = scf.for %scan3A_1189 = %scan3A_980 to %scan3A_982 step %scan3A_983 iter_args(%scan3A_1190 = %broadcast_in_dim3A_979) -> (vector<16xf32>)  : i32 {
      %mul3A_1191 = arith.constant 1 : i32
      %mul3A_1192 = arith.muli %scan3A_1189, %mul3A_1191 : i32
      %add3A_1193 = arith.constant 0 : i32
      %add3A_1194 = arith.addi %mul3A_1192, %add3A_1193 : i32
      %broadcast_in_dim3A_1195 = vector.broadcast %add3A_1194 : i32 to vector<16xi32>
      %iota3A_1196 = tpu.iota {dimensions = array<i32: 0>} : vector<16xi32>
      %add3A_1197 = arith.addi %broadcast_in_dim3A_1195, %iota3A_1196 : vector<16xi32>
      %and3A = arith.constant 63 : i32
      %and3A_1198 = vector.broadcast %and3A : i32 to vector<16xi32>
      %and3A_1199 = arith.andi %add3A_1197, %and3A_1198 : vector<16xi32>
      %add3A_1200 = arith.constant 64 : i32
      %add3A_1201 = vector.broadcast %add3A_1200 : i32 to vector<16xi32>
      %add3A_1202 = arith.addi %and3A_1199, %add3A_1201 : vector<16xi32>
      %gather3A = tpu.vector_load_idx %arg11[%add3A_971, %and3A_1199] : memref<128x128xf32, #tpu.memory_space<vmem>>[vector<16xi32>, vector<16xi32>], vector<16xf32>,
      %gather3A_1203 = tpu.vector_load_idx %arg11[%add3A_971, %add3A_1202] : memref<128x128xf32, #tpu.memory_space<vmem>>[vector<16xi32>, vector<16xi32>], vector<16xf32>,
      %gather3A_1204 = tpu.vector_load_idx %arg14[%add3A_977, %and3A_1199] : memref<128x128xf32, #tpu.memory_space<vmem>>[vector<16xi32>, vector<16xi32>], vector<16xf32>,
      %gather3A_1205 = tpu.vector_load_idx %arg14[%add3A_977, %add3A_1202] : memref<128x128xf32, #tpu.memory_space<vmem>>[vector<16xi32>, vector<16xi32>], vector<16xf32>,
      %gather3A_1206 = tpu.vector_load_idx %arg11[%add3A_974, %and3A_1199] : memref<128x128xf32, #tpu.memory_space<vmem>>[vector<16xi32>, vector<16xi32>], vector<16xf32>,
      %gather3A_1207 = tpu.vector_load_idx %arg11[%add3A_974, %add3A_1202] : memref<128x128xf32, #tpu.memory_space<vmem>>[vector<16xi32>, vector<16xi32>], vector<16xf32>,
      %mul3A_1208 = arith.mulf %gather3A_1204, %gather3A_1206 : vector<16xf32>
      %mul3A_1209 = arith.mulf %gather3A_1205, %gather3A_1207 : vector<16xf32>
      %add3A_1210 = arith.addf %mul3A_1208, %mul3A_1209 : vector<16xf32>
      %mul3A_1211 = arith.mulf %gather3A, %add3A_1210 : vector<16xf32>
      %mul3A_1212 = arith.mulf %gather3A_1204, %gather3A_1207 : vector<16xf32>
      %mul3A_1213 = arith.mulf %gather3A_1205, %gather3A_1206 : vector<16xf32>
      %sub3A = arith.subf %mul3A_1212, %mul3A_1213 : vector<16xf32>
      %mul3A_1214 = arith.mulf %gather3A_1203, %sub3A : vector<16xf32>
      %add3A_1215 = arith.addf %mul3A_1211, %mul3A_1214 : vector<16xf32>
      %add3A_1216 = arith.addf %scan3A_1190, %add3A_1215 : vector<16xf32>
      scf.yield %add3A_1216 : vector<16xf32>
    }
    %scan3A_985 = arith.constant 64 : i32
    %swap3A_986 = arith.constant 352 : index
    %swap3A_987 = tpu.vector_load %arg16[%swap3A_986] {strides = array<i32>} : memref<512xf32, #tpu.memory_space<vmem>>, vector<16xf32>,
    tpu.vector_store %arg16[%swap3A_986], %scan3A_984 {strides = array<i32>} : memref<512xf32, #tpu.memory_space<vmem>>, vector<16xf32>,
    %iota3A_988 = tpu.iota {dimensions = array<i32: 0>} : vector<16xi32>
    %add3A_989 = arith.constant 48 : i32
    %add3A_990 = vector.broadcast %add3A_989 : i32 to vector<16xi32>
    %add3A_991 = arith.addi %iota3A_988, %add3A_990 : vector<16xi32>
    %add3A_992 = arith.constant 64 : i32
    %add3A_993 = vector.broadcast %add3A_992 : i32 to vector<16xi32>
    %add3A_994 = arith.addi %add3A_991, %add3A_993 : vector<16xi32>
    %add3A_995 = arith.constant 64 : i32
    %add3A_996 = vector.broadcast %add3A_995 : i32 to vector<16xi32>
    %add3A_997 = arith.addi %add3A_991, %add3A_996 : vector<16xi32>
    %broadcast_in_dim3A_998 = arith.constant 0.000000e+00 : f32
    %broadcast_in_dim3A_999 = vector.broadcast %broadcast_in_dim3A_998 : f32 to vector<16xf32>
    %scan3A_1000 = arith.constant 0 : i32
    %scan3A_1001 = arith.constant 64 : i32
    %scan3A_1002 = arith.addi %scan3A_1000, %scan3A_1001 : i32
    %scan3A_1003 = arith.constant 1 : i32
    %scan3A_1004 = scf.for %scan3A_1189 = %scan3A_1000 to %scan3A_1002 step %scan3A_1003 iter_args(%scan3A_1190 = %broadcast_in_dim3A_999) -> (vector<16xf32>)  : i32 {
      %mul3A_1191 = arith.constant 1 : i32
      %mul3A_1192 = arith.muli %scan3A_1189, %mul3A_1191 : i32
      %add3A_1193 = arith.constant 0 : i32
      %add3A_1194 = arith.addi %mul3A_1192, %add3A_1193 : i32
      %broadcast_in_dim3A_1195 = vector.broadcast %add3A_1194 : i32 to vector<16xi32>
      %iota3A_1196 = tpu.iota {dimensions = array<i32: 0>} : vector<16xi32>
      %add3A_1197 = arith.addi %broadcast_in_dim3A_1195, %iota3A_1196 : vector<16xi32>
      %and3A = arith.constant 63 : i32
      %and3A_1198 = vector.broadcast %and3A : i32 to vector<16xi32>
      %and3A_1199 = arith.andi %add3A_1197, %and3A_1198 : vector<16xi32>
      %add3A_1200 = arith.constant 64 : i32
      %add3A_1201 = vector.broadcast %add3A_1200 : i32 to vector<16xi32>
      %add3A_1202 = arith.addi %and3A_1199, %add3A_1201 : vector<16xi32>
      %gather3A = tpu.vector_load_idx %arg11[%add3A_991, %and3A_1199] : memref<128x128xf32, #tpu.memory_space<vmem>>[vector<16xi32>, vector<16xi32>], vector<16xf32>,
      %gather3A_1203 = tpu.vector_load_idx %arg11[%add3A_991, %add3A_1202] : memref<128x128xf32, #tpu.memory_space<vmem>>[vector<16xi32>, vector<16xi32>], vector<16xf32>,
      %gather3A_1204 = tpu.vector_load_idx %arg14[%add3A_997, %and3A_1199] : memref<128x128xf32, #tpu.memory_space<vmem>>[vector<16xi32>, vector<16xi32>], vector<16xf32>,
      %gather3A_1205 = tpu.vector_load_idx %arg14[%add3A_997, %add3A_1202] : memref<128x128xf32, #tpu.memory_space<vmem>>[vector<16xi32>, vector<16xi32>], vector<16xf32>,
      %gather3A_1206 = tpu.vector_load_idx %arg11[%add3A_994, %and3A_1199] : memref<128x128xf32, #tpu.memory_space<vmem>>[vector<16xi32>, vector<16xi32>], vector<16xf32>,
      %gather3A_1207 = tpu.vector_load_idx %arg11[%add3A_994, %add3A_1202] : memref<128x128xf32, #tpu.memory_space<vmem>>[vector<16xi32>, vector<16xi32>], vector<16xf32>,
      %mul3A_1208 = arith.mulf %gather3A_1204, %gather3A_1206 : vector<16xf32>
      %mul3A_1209 = arith.mulf %gather3A_1205, %gather3A_1207 : vector<16xf32>
      %add3A_1210 = arith.addf %mul3A_1208, %mul3A_1209 : vector<16xf32>
      %mul3A_1211 = arith.mulf %gather3A, %add3A_1210 : vector<16xf32>
      %mul3A_1212 = arith.mulf %gather3A_1204, %gather3A_1207 : vector<16xf32>
      %mul3A_1213 = arith.mulf %gather3A_1205, %gather3A_1206 : vector<16xf32>
      %sub3A = arith.subf %mul3A_1212, %mul3A_1213 : vector<16xf32>
      %mul3A_1214 = arith.mulf %gather3A_1203, %sub3A : vector<16xf32>
      %add3A_1215 = arith.addf %mul3A_1211, %mul3A_1214 : vector<16xf32>
      %add3A_1216 = arith.addf %scan3A_1190, %add3A_1215 : vector<16xf32>
      scf.yield %add3A_1216 : vector<16xf32>
    }
    %scan3A_1005 = arith.constant 64 : i32
    %swap3A_1006 = arith.constant 368 : index
    %swap3A_1007 = tpu.vector_load %arg16[%swap3A_1006] {strides = array<i32>} : memref<512xf32, #tpu.memory_space<vmem>>, vector<16xf32>,
    tpu.vector_store %arg16[%swap3A_1006], %scan3A_1004 {strides = array<i32>} : memref<512xf32, #tpu.memory_space<vmem>>, vector<16xf32>,
    %dma_wait3A_1008 = arith.constant 3 : i32
    %dma_wait3A_1009 = arith.constant 0 : i32
    %dma_wait3A_1010 = tpu.memref_slice %arg9[%dma_wait3A_1008, %dma_wait3A_1009] : memref<4x128xi32, #tpu.memory_space<vmem>> -> memref<1x128xi32, #tpu.memory_space<vmem>>
    %dma_wait3A_1011 = tpu.memref_squeeze %dma_wait3A_1010 : memref<1x128xi32, #tpu.memory_space<vmem>> -> memref<128xi32, #tpu.memory_space<vmem>>
    %dma_wait3A_1012 = arith.constant 0 : i32
    %dma_wait3A_1013 = arith.constant 0 : i32
    %dma_wait3A_1014 = tpu.memref_slice %arg6[%dma_wait3A_1012, %dma_wait3A_1013] : memref<1000x128xf32, #tpu.memory_space<hbm>> -> memref<1000x128xf32, #tpu.memory_space<hbm>>
    tpu.wait_indirect_dma semaphore(%arg23 : memref<!tpu.dma_semaphore, #tpu.memory_space<semaphore_mem>>) src(%dma_wait3A_1014 : memref<1000x128xf32, #tpu.memory_space<hbm>>) dst(%arg15 : memref<128x128xf32, #tpu.memory_space<vmem>>)
    %dma_wait3A_1015 = arith.constant 6 : i32
    %dma_wait3A_1016 = arith.constant 0 : i32
    %dma_wait3A_1017 = tpu.memref_slice %arg8[%dma_wait3A_1015, %dma_wait3A_1016] : memref<8x128xi32, #tpu.memory_space<vmem>> -> memref<1x128xi32, #tpu.memory_space<vmem>>
    %dma_wait3A_1018 = tpu.memref_squeeze %dma_wait3A_1017 : memref<1x128xi32, #tpu.memory_space<vmem>> -> memref<128xi32, #tpu.memory_space<vmem>>
    %dma_wait3A_1019 = arith.constant 0 : i32
    %dma_wait3A_1020 = arith.constant 0 : i32
    %dma_wait3A_1021 = tpu.memref_slice %arg5[%dma_wait3A_1019, %dma_wait3A_1020] : memref<1000000x128xf32, #tpu.memory_space<hbm>> -> memref<1000000x128xf32, #tpu.memory_space<hbm>>
    tpu.wait_indirect_dma semaphore(%arg20 : memref<!tpu.dma_semaphore, #tpu.memory_space<semaphore_mem>>) src(%dma_wait3A_1021 : memref<1000000x128xf32, #tpu.memory_space<hbm>>) dst(%arg12 : memref<128x128xf32, #tpu.memory_space<vmem>>)
    %iota3A_1022 = tpu.iota {dimensions = array<i32: 0>} : vector<16xi32>
    %add3A_1023 = arith.constant 0 : i32
    %add3A_1024 = vector.broadcast %add3A_1023 : i32 to vector<16xi32>
    %add3A_1025 = arith.addi %iota3A_1022, %add3A_1024 : vector<16xi32>
    %add3A_1026 = arith.constant 64 : i32
    %add3A_1027 = vector.broadcast %add3A_1026 : i32 to vector<16xi32>
    %add3A_1028 = arith.addi %add3A_1025, %add3A_1027 : vector<16xi32>
    %add3A_1029 = arith.constant 0 : i32
    %add3A_1030 = vector.broadcast %add3A_1029 : i32 to vector<16xi32>
    %add3A_1031 = arith.addi %add3A_1025, %add3A_1030 : vector<16xi32>
    %broadcast_in_dim3A_1032 = arith.constant 0.000000e+00 : f32
    %broadcast_in_dim3A_1033 = vector.broadcast %broadcast_in_dim3A_1032 : f32 to vector<16xf32>
    %scan3A_1034 = arith.constant 0 : i32
    %scan3A_1035 = arith.constant 64 : i32
    %scan3A_1036 = arith.addi %scan3A_1034, %scan3A_1035 : i32
    %scan3A_1037 = arith.constant 1 : i32
    %scan3A_1038 = scf.for %scan3A_1189 = %scan3A_1034 to %scan3A_1036 step %scan3A_1037 iter_args(%scan3A_1190 = %broadcast_in_dim3A_1033) -> (vector<16xf32>)  : i32 {
      %mul3A_1191 = arith.constant 1 : i32
      %mul3A_1192 = arith.muli %scan3A_1189, %mul3A_1191 : i32
      %add3A_1193 = arith.constant 0 : i32
      %add3A_1194 = arith.addi %mul3A_1192, %add3A_1193 : i32
      %broadcast_in_dim3A_1195 = vector.broadcast %add3A_1194 : i32 to vector<16xi32>
      %iota3A_1196 = tpu.iota {dimensions = array<i32: 0>} : vector<16xi32>
      %add3A_1197 = arith.addi %broadcast_in_dim3A_1195, %iota3A_1196 : vector<16xi32>
      %and3A = arith.constant 63 : i32
      %and3A_1198 = vector.broadcast %and3A : i32 to vector<16xi32>
      %and3A_1199 = arith.andi %add3A_1197, %and3A_1198 : vector<16xi32>
      %add3A_1200 = arith.constant 64 : i32
      %add3A_1201 = vector.broadcast %add3A_1200 : i32 to vector<16xi32>
      %add3A_1202 = arith.addi %and3A_1199, %add3A_1201 : vector<16xi32>
      %gather3A = tpu.vector_load_idx %arg12[%add3A_1025, %and3A_1199] : memref<128x128xf32, #tpu.memory_space<vmem>>[vector<16xi32>, vector<16xi32>], vector<16xf32>,
      %gather3A_1203 = tpu.vector_load_idx %arg12[%add3A_1025, %add3A_1202] : memref<128x128xf32, #tpu.memory_space<vmem>>[vector<16xi32>, vector<16xi32>], vector<16xf32>,
      %gather3A_1204 = tpu.vector_load_idx %arg15[%add3A_1031, %and3A_1199] : memref<128x128xf32, #tpu.memory_space<vmem>>[vector<16xi32>, vector<16xi32>], vector<16xf32>,
      %gather3A_1205 = tpu.vector_load_idx %arg15[%add3A_1031, %add3A_1202] : memref<128x128xf32, #tpu.memory_space<vmem>>[vector<16xi32>, vector<16xi32>], vector<16xf32>,
      %gather3A_1206 = tpu.vector_load_idx %arg12[%add3A_1028, %and3A_1199] : memref<128x128xf32, #tpu.memory_space<vmem>>[vector<16xi32>, vector<16xi32>], vector<16xf32>,
      %gather3A_1207 = tpu.vector_load_idx %arg12[%add3A_1028, %add3A_1202] : memref<128x128xf32, #tpu.memory_space<vmem>>[vector<16xi32>, vector<16xi32>], vector<16xf32>,
      %mul3A_1208 = arith.mulf %gather3A_1204, %gather3A_1206 : vector<16xf32>
      %mul3A_1209 = arith.mulf %gather3A_1205, %gather3A_1207 : vector<16xf32>
      %add3A_1210 = arith.addf %mul3A_1208, %mul3A_1209 : vector<16xf32>
      %mul3A_1211 = arith.mulf %gather3A, %add3A_1210 : vector<16xf32>
      %mul3A_1212 = arith.mulf %gather3A_1204, %gather3A_1207 : vector<16xf32>
      %mul3A_1213 = arith.mulf %gather3A_1205, %gather3A_1206 : vector<16xf32>
      %sub3A = arith.subf %mul3A_1212, %mul3A_1213 : vector<16xf32>
      %mul3A_1214 = arith.mulf %gather3A_1203, %sub3A : vector<16xf32>
      %add3A_1215 = arith.addf %mul3A_1211, %mul3A_1214 : vector<16xf32>
      %add3A_1216 = arith.addf %scan3A_1190, %add3A_1215 : vector<16xf32>
      scf.yield %add3A_1216 : vector<16xf32>
    }
    %scan3A_1039 = arith.constant 64 : i32
    %swap3A_1040 = arith.constant 384 : index
    %swap3A_1041 = tpu.vector_load %arg16[%swap3A_1040] {strides = array<i32>} : memref<512xf32, #tpu.memory_space<vmem>>, vector<16xf32>,
    tpu.vector_store %arg16[%swap3A_1040], %scan3A_1038 {strides = array<i32>} : memref<512xf32, #tpu.memory_space<vmem>>, vector<16xf32>,
    %iota3A_1042 = tpu.iota {dimensions = array<i32: 0>} : vector<16xi32>
    %add3A_1043 = arith.constant 16 : i32
    %add3A_1044 = vector.broadcast %add3A_1043 : i32 to vector<16xi32>
    %add3A_1045 = arith.addi %iota3A_1042, %add3A_1044 : vector<16xi32>
    %add3A_1046 = arith.constant 64 : i32
    %add3A_1047 = vector.broadcast %add3A_1046 : i32 to vector<16xi32>
    %add3A_1048 = arith.addi %add3A_1045, %add3A_1047 : vector<16xi32>
    %add3A_1049 = arith.constant 0 : i32
    %add3A_1050 = vector.broadcast %add3A_1049 : i32 to vector<16xi32>
    %add3A_1051 = arith.addi %add3A_1045, %add3A_1050 : vector<16xi32>
    %broadcast_in_dim3A_1052 = arith.constant 0.000000e+00 : f32
    %broadcast_in_dim3A_1053 = vector.broadcast %broadcast_in_dim3A_1052 : f32 to vector<16xf32>
    %scan3A_1054 = arith.constant 0 : i32
    %scan3A_1055 = arith.constant 64 : i32
    %scan3A_1056 = arith.addi %scan3A_1054, %scan3A_1055 : i32
    %scan3A_1057 = arith.constant 1 : i32
    %scan3A_1058 = scf.for %scan3A_1189 = %scan3A_1054 to %scan3A_1056 step %scan3A_1057 iter_args(%scan3A_1190 = %broadcast_in_dim3A_1053) -> (vector<16xf32>)  : i32 {
      %mul3A_1191 = arith.constant 1 : i32
      %mul3A_1192 = arith.muli %scan3A_1189, %mul3A_1191 : i32
      %add3A_1193 = arith.constant 0 : i32
      %add3A_1194 = arith.addi %mul3A_1192, %add3A_1193 : i32
      %broadcast_in_dim3A_1195 = vector.broadcast %add3A_1194 : i32 to vector<16xi32>
      %iota3A_1196 = tpu.iota {dimensions = array<i32: 0>} : vector<16xi32>
      %add3A_1197 = arith.addi %broadcast_in_dim3A_1195, %iota3A_1196 : vector<16xi32>
      %and3A = arith.constant 63 : i32
      %and3A_1198 = vector.broadcast %and3A : i32 to vector<16xi32>
      %and3A_1199 = arith.andi %add3A_1197, %and3A_1198 : vector<16xi32>
      %add3A_1200 = arith.constant 64 : i32
      %add3A_1201 = vector.broadcast %add3A_1200 : i32 to vector<16xi32>
      %add3A_1202 = arith.addi %and3A_1199, %add3A_1201 : vector<16xi32>
      %gather3A = tpu.vector_load_idx %arg12[%add3A_1045, %and3A_1199] : memref<128x128xf32, #tpu.memory_space<vmem>>[vector<16xi32>, vector<16xi32>], vector<16xf32>,
      %gather3A_1203 = tpu.vector_load_idx %arg12[%add3A_1045, %add3A_1202] : memref<128x128xf32, #tpu.memory_space<vmem>>[vector<16xi32>, vector<16xi32>], vector<16xf32>,
      %gather3A_1204 = tpu.vector_load_idx %arg15[%add3A_1051, %and3A_1199] : memref<128x128xf32, #tpu.memory_space<vmem>>[vector<16xi32>, vector<16xi32>], vector<16xf32>,
      %gather3A_1205 = tpu.vector_load_idx %arg15[%add3A_1051, %add3A_1202] : memref<128x128xf32, #tpu.memory_space<vmem>>[vector<16xi32>, vector<16xi32>], vector<16xf32>,
      %gather3A_1206 = tpu.vector_load_idx %arg12[%add3A_1048, %and3A_1199] : memref<128x128xf32, #tpu.memory_space<vmem>>[vector<16xi32>, vector<16xi32>], vector<16xf32>,
      %gather3A_1207 = tpu.vector_load_idx %arg12[%add3A_1048, %add3A_1202] : memref<128x128xf32, #tpu.memory_space<vmem>>[vector<16xi32>, vector<16xi32>], vector<16xf32>,
      %mul3A_1208 = arith.mulf %gather3A_1204, %gather3A_1206 : vector<16xf32>
      %mul3A_1209 = arith.mulf %gather3A_1205, %gather3A_1207 : vector<16xf32>
      %add3A_1210 = arith.addf %mul3A_1208, %mul3A_1209 : vector<16xf32>
      %mul3A_1211 = arith.mulf %gather3A, %add3A_1210 : vector<16xf32>
      %mul3A_1212 = arith.mulf %gather3A_1204, %gather3A_1207 : vector<16xf32>
      %mul3A_1213 = arith.mulf %gather3A_1205, %gather3A_1206 : vector<16xf32>
      %sub3A = arith.subf %mul3A_1212, %mul3A_1213 : vector<16xf32>
      %mul3A_1214 = arith.mulf %gather3A_1203, %sub3A : vector<16xf32>
      %add3A_1215 = arith.addf %mul3A_1211, %mul3A_1214 : vector<16xf32>
      %add3A_1216 = arith.addf %scan3A_1190, %add3A_1215 : vector<16xf32>
      scf.yield %add3A_1216 : vector<16xf32>
    }
    %scan3A_1059 = arith.constant 64 : i32
    %swap3A_1060 = arith.constant 400 : index
    %swap3A_1061 = tpu.vector_load %arg16[%swap3A_1060] {strides = array<i32>} : memref<512xf32, #tpu.memory_space<vmem>>, vector<16xf32>,
    tpu.vector_store %arg16[%swap3A_1060], %scan3A_1058 {strides = array<i32>} : memref<512xf32, #tpu.memory_space<vmem>>, vector<16xf32>,
    %iota3A_1062 = tpu.iota {dimensions = array<i32: 0>} : vector<16xi32>
    %add3A_1063 = arith.constant 32 : i32
    %add3A_1064 = vector.broadcast %add3A_1063 : i32 to vector<16xi32>
    %add3A_1065 = arith.addi %iota3A_1062, %add3A_1064 : vector<16xi32>
    %add3A_1066 = arith.constant 64 : i32
    %add3A_1067 = vector.broadcast %add3A_1066 : i32 to vector<16xi32>
    %add3A_1068 = arith.addi %add3A_1065, %add3A_1067 : vector<16xi32>
    %add3A_1069 = arith.constant 0 : i32
    %add3A_1070 = vector.broadcast %add3A_1069 : i32 to vector<16xi32>
    %add3A_1071 = arith.addi %add3A_1065, %add3A_1070 : vector<16xi32>
    %broadcast_in_dim3A_1072 = arith.constant 0.000000e+00 : f32
    %broadcast_in_dim3A_1073 = vector.broadcast %broadcast_in_dim3A_1072 : f32 to vector<16xf32>
    %scan3A_1074 = arith.constant 0 : i32
    %scan3A_1075 = arith.constant 64 : i32
    %scan3A_1076 = arith.addi %scan3A_1074, %scan3A_1075 : i32
    %scan3A_1077 = arith.constant 1 : i32
    %scan3A_1078 = scf.for %scan3A_1189 = %scan3A_1074 to %scan3A_1076 step %scan3A_1077 iter_args(%scan3A_1190 = %broadcast_in_dim3A_1073) -> (vector<16xf32>)  : i32 {
      %mul3A_1191 = arith.constant 1 : i32
      %mul3A_1192 = arith.muli %scan3A_1189, %mul3A_1191 : i32
      %add3A_1193 = arith.constant 0 : i32
      %add3A_1194 = arith.addi %mul3A_1192, %add3A_1193 : i32
      %broadcast_in_dim3A_1195 = vector.broadcast %add3A_1194 : i32 to vector<16xi32>
      %iota3A_1196 = tpu.iota {dimensions = array<i32: 0>} : vector<16xi32>
      %add3A_1197 = arith.addi %broadcast_in_dim3A_1195, %iota3A_1196 : vector<16xi32>
      %and3A = arith.constant 63 : i32
      %and3A_1198 = vector.broadcast %and3A : i32 to vector<16xi32>
      %and3A_1199 = arith.andi %add3A_1197, %and3A_1198 : vector<16xi32>
      %add3A_1200 = arith.constant 64 : i32
      %add3A_1201 = vector.broadcast %add3A_1200 : i32 to vector<16xi32>
      %add3A_1202 = arith.addi %and3A_1199, %add3A_1201 : vector<16xi32>
      %gather3A = tpu.vector_load_idx %arg12[%add3A_1065, %and3A_1199] : memref<128x128xf32, #tpu.memory_space<vmem>>[vector<16xi32>, vector<16xi32>], vector<16xf32>,
      %gather3A_1203 = tpu.vector_load_idx %arg12[%add3A_1065, %add3A_1202] : memref<128x128xf32, #tpu.memory_space<vmem>>[vector<16xi32>, vector<16xi32>], vector<16xf32>,
      %gather3A_1204 = tpu.vector_load_idx %arg15[%add3A_1071, %and3A_1199] : memref<128x128xf32, #tpu.memory_space<vmem>>[vector<16xi32>, vector<16xi32>], vector<16xf32>,
      %gather3A_1205 = tpu.vector_load_idx %arg15[%add3A_1071, %add3A_1202] : memref<128x128xf32, #tpu.memory_space<vmem>>[vector<16xi32>, vector<16xi32>], vector<16xf32>,
      %gather3A_1206 = tpu.vector_load_idx %arg12[%add3A_1068, %and3A_1199] : memref<128x128xf32, #tpu.memory_space<vmem>>[vector<16xi32>, vector<16xi32>], vector<16xf32>,
      %gather3A_1207 = tpu.vector_load_idx %arg12[%add3A_1068, %add3A_1202] : memref<128x128xf32, #tpu.memory_space<vmem>>[vector<16xi32>, vector<16xi32>], vector<16xf32>,
      %mul3A_1208 = arith.mulf %gather3A_1204, %gather3A_1206 : vector<16xf32>
      %mul3A_1209 = arith.mulf %gather3A_1205, %gather3A_1207 : vector<16xf32>
      %add3A_1210 = arith.addf %mul3A_1208, %mul3A_1209 : vector<16xf32>
      %mul3A_1211 = arith.mulf %gather3A, %add3A_1210 : vector<16xf32>
      %mul3A_1212 = arith.mulf %gather3A_1204, %gather3A_1207 : vector<16xf32>
      %mul3A_1213 = arith.mulf %gather3A_1205, %gather3A_1206 : vector<16xf32>
      %sub3A = arith.subf %mul3A_1212, %mul3A_1213 : vector<16xf32>
      %mul3A_1214 = arith.mulf %gather3A_1203, %sub3A : vector<16xf32>
      %add3A_1215 = arith.addf %mul3A_1211, %mul3A_1214 : vector<16xf32>
      %add3A_1216 = arith.addf %scan3A_1190, %add3A_1215 : vector<16xf32>
      scf.yield %add3A_1216 : vector<16xf32>
    }
    %scan3A_1079 = arith.constant 64 : i32
    %swap3A_1080 = arith.constant 416 : index
    %swap3A_1081 = tpu.vector_load %arg16[%swap3A_1080] {strides = array<i32>} : memref<512xf32, #tpu.memory_space<vmem>>, vector<16xf32>,
    tpu.vector_store %arg16[%swap3A_1080], %scan3A_1078 {strides = array<i32>} : memref<512xf32, #tpu.memory_space<vmem>>, vector<16xf32>,
    %iota3A_1082 = tpu.iota {dimensions = array<i32: 0>} : vector<16xi32>
    %add3A_1083 = arith.constant 48 : i32
    %add3A_1084 = vector.broadcast %add3A_1083 : i32 to vector<16xi32>
    %add3A_1085 = arith.addi %iota3A_1082, %add3A_1084 : vector<16xi32>
    %add3A_1086 = arith.constant 64 : i32
    %add3A_1087 = vector.broadcast %add3A_1086 : i32 to vector<16xi32>
    %add3A_1088 = arith.addi %add3A_1085, %add3A_1087 : vector<16xi32>
    %add3A_1089 = arith.constant 0 : i32
    %add3A_1090 = vector.broadcast %add3A_1089 : i32 to vector<16xi32>
    %add3A_1091 = arith.addi %add3A_1085, %add3A_1090 : vector<16xi32>
    %broadcast_in_dim3A_1092 = arith.constant 0.000000e+00 : f32
    %broadcast_in_dim3A_1093 = vector.broadcast %broadcast_in_dim3A_1092 : f32 to vector<16xf32>
    %scan3A_1094 = arith.constant 0 : i32
    %scan3A_1095 = arith.constant 64 : i32
    %scan3A_1096 = arith.addi %scan3A_1094, %scan3A_1095 : i32
    %scan3A_1097 = arith.constant 1 : i32
    %scan3A_1098 = scf.for %scan3A_1189 = %scan3A_1094 to %scan3A_1096 step %scan3A_1097 iter_args(%scan3A_1190 = %broadcast_in_dim3A_1093) -> (vector<16xf32>)  : i32 {
      %mul3A_1191 = arith.constant 1 : i32
      %mul3A_1192 = arith.muli %scan3A_1189, %mul3A_1191 : i32
      %add3A_1193 = arith.constant 0 : i32
      %add3A_1194 = arith.addi %mul3A_1192, %add3A_1193 : i32
      %broadcast_in_dim3A_1195 = vector.broadcast %add3A_1194 : i32 to vector<16xi32>
      %iota3A_1196 = tpu.iota {dimensions = array<i32: 0>} : vector<16xi32>
      %add3A_1197 = arith.addi %broadcast_in_dim3A_1195, %iota3A_1196 : vector<16xi32>
      %and3A = arith.constant 63 : i32
      %and3A_1198 = vector.broadcast %and3A : i32 to vector<16xi32>
      %and3A_1199 = arith.andi %add3A_1197, %and3A_1198 : vector<16xi32>
      %add3A_1200 = arith.constant 64 : i32
      %add3A_1201 = vector.broadcast %add3A_1200 : i32 to vector<16xi32>
      %add3A_1202 = arith.addi %and3A_1199, %add3A_1201 : vector<16xi32>
      %gather3A = tpu.vector_load_idx %arg12[%add3A_1085, %and3A_1199] : memref<128x128xf32, #tpu.memory_space<vmem>>[vector<16xi32>, vector<16xi32>], vector<16xf32>,
      %gather3A_1203 = tpu.vector_load_idx %arg12[%add3A_1085, %add3A_1202] : memref<128x128xf32, #tpu.memory_space<vmem>>[vector<16xi32>, vector<16xi32>], vector<16xf32>,
      %gather3A_1204 = tpu.vector_load_idx %arg15[%add3A_1091, %and3A_1199] : memref<128x128xf32, #tpu.memory_space<vmem>>[vector<16xi32>, vector<16xi32>], vector<16xf32>,
      %gather3A_1205 = tpu.vector_load_idx %arg15[%add3A_1091, %add3A_1202] : memref<128x128xf32, #tpu.memory_space<vmem>>[vector<16xi32>, vector<16xi32>], vector<16xf32>,
      %gather3A_1206 = tpu.vector_load_idx %arg12[%add3A_1088, %and3A_1199] : memref<128x128xf32, #tpu.memory_space<vmem>>[vector<16xi32>, vector<16xi32>], vector<16xf32>,
      %gather3A_1207 = tpu.vector_load_idx %arg12[%add3A_1088, %add3A_1202] : memref<128x128xf32, #tpu.memory_space<vmem>>[vector<16xi32>, vector<16xi32>], vector<16xf32>,
      %mul3A_1208 = arith.mulf %gather3A_1204, %gather3A_1206 : vector<16xf32>
      %mul3A_1209 = arith.mulf %gather3A_1205, %gather3A_1207 : vector<16xf32>
      %add3A_1210 = arith.addf %mul3A_1208, %mul3A_1209 : vector<16xf32>
      %mul3A_1211 = arith.mulf %gather3A, %add3A_1210 : vector<16xf32>
      %mul3A_1212 = arith.mulf %gather3A_1204, %gather3A_1207 : vector<16xf32>
      %mul3A_1213 = arith.mulf %gather3A_1205, %gather3A_1206 : vector<16xf32>
      %sub3A = arith.subf %mul3A_1212, %mul3A_1213 : vector<16xf32>
      %mul3A_1214 = arith.mulf %gather3A_1203, %sub3A : vector<16xf32>
      %add3A_1215 = arith.addf %mul3A_1211, %mul3A_1214 : vector<16xf32>
      %add3A_1216 = arith.addf %scan3A_1190, %add3A_1215 : vector<16xf32>
      scf.yield %add3A_1216 : vector<16xf32>
    }
    %scan3A_1099 = arith.constant 64 : i32
    %swap3A_1100 = arith.constant 432 : index
    %swap3A_1101 = tpu.vector_load %arg16[%swap3A_1100] {strides = array<i32>} : memref<512xf32, #tpu.memory_space<vmem>>, vector<16xf32>,
    tpu.vector_store %arg16[%swap3A_1100], %scan3A_1098 {strides = array<i32>} : memref<512xf32, #tpu.memory_space<vmem>>, vector<16xf32>,
    %dma_wait3A_1102 = arith.constant 7 : i32
    %dma_wait3A_1103 = arith.constant 0 : i32
    %dma_wait3A_1104 = tpu.memref_slice %arg8[%dma_wait3A_1102, %dma_wait3A_1103] : memref<8x128xi32, #tpu.memory_space<vmem>> -> memref<1x128xi32, #tpu.memory_space<vmem>>
    %dma_wait3A_1105 = tpu.memref_squeeze %dma_wait3A_1104 : memref<1x128xi32, #tpu.memory_space<vmem>> -> memref<128xi32, #tpu.memory_space<vmem>>
    %dma_wait3A_1106 = arith.constant 0 : i32
    %dma_wait3A_1107 = arith.constant 0 : i32
    %dma_wait3A_1108 = tpu.memref_slice %arg5[%dma_wait3A_1106, %dma_wait3A_1107] : memref<1000000x128xf32, #tpu.memory_space<hbm>> -> memref<1000000x128xf32, #tpu.memory_space<hbm>>
    tpu.wait_indirect_dma semaphore(%arg21 : memref<!tpu.dma_semaphore, #tpu.memory_space<semaphore_mem>>) src(%dma_wait3A_1108 : memref<1000000x128xf32, #tpu.memory_space<hbm>>) dst(%arg13 : memref<128x128xf32, #tpu.memory_space<vmem>>)
    %iota3A_1109 = tpu.iota {dimensions = array<i32: 0>} : vector<16xi32>
    %add3A_1110 = arith.constant 0 : i32
    %add3A_1111 = vector.broadcast %add3A_1110 : i32 to vector<16xi32>
    %add3A_1112 = arith.addi %iota3A_1109, %add3A_1111 : vector<16xi32>
    %add3A_1113 = arith.constant 64 : i32
    %add3A_1114 = vector.broadcast %add3A_1113 : i32 to vector<16xi32>
    %add3A_1115 = arith.addi %add3A_1112, %add3A_1114 : vector<16xi32>
    %add3A_1116 = arith.constant 64 : i32
    %add3A_1117 = vector.broadcast %add3A_1116 : i32 to vector<16xi32>
    %add3A_1118 = arith.addi %add3A_1112, %add3A_1117 : vector<16xi32>
    %broadcast_in_dim3A_1119 = arith.constant 0.000000e+00 : f32
    %broadcast_in_dim3A_1120 = vector.broadcast %broadcast_in_dim3A_1119 : f32 to vector<16xf32>
    %scan3A_1121 = arith.constant 0 : i32
    %scan3A_1122 = arith.constant 64 : i32
    %scan3A_1123 = arith.addi %scan3A_1121, %scan3A_1122 : i32
    %scan3A_1124 = arith.constant 1 : i32
    %scan3A_1125 = scf.for %scan3A_1189 = %scan3A_1121 to %scan3A_1123 step %scan3A_1124 iter_args(%scan3A_1190 = %broadcast_in_dim3A_1120) -> (vector<16xf32>)  : i32 {
      %mul3A_1191 = arith.constant 1 : i32
      %mul3A_1192 = arith.muli %scan3A_1189, %mul3A_1191 : i32
      %add3A_1193 = arith.constant 0 : i32
      %add3A_1194 = arith.addi %mul3A_1192, %add3A_1193 : i32
      %broadcast_in_dim3A_1195 = vector.broadcast %add3A_1194 : i32 to vector<16xi32>
      %iota3A_1196 = tpu.iota {dimensions = array<i32: 0>} : vector<16xi32>
      %add3A_1197 = arith.addi %broadcast_in_dim3A_1195, %iota3A_1196 : vector<16xi32>
      %and3A = arith.constant 63 : i32
      %and3A_1198 = vector.broadcast %and3A : i32 to vector<16xi32>
      %and3A_1199 = arith.andi %add3A_1197, %and3A_1198 : vector<16xi32>
      %add3A_1200 = arith.constant 64 : i32
      %add3A_1201 = vector.broadcast %add3A_1200 : i32 to vector<16xi32>
      %add3A_1202 = arith.addi %and3A_1199, %add3A_1201 : vector<16xi32>
      %gather3A = tpu.vector_load_idx %arg13[%add3A_1112, %and3A_1199] : memref<128x128xf32, #tpu.memory_space<vmem>>[vector<16xi32>, vector<16xi32>], vector<16xf32>,
      %gather3A_1203 = tpu.vector_load_idx %arg13[%add3A_1112, %add3A_1202] : memref<128x128xf32, #tpu.memory_space<vmem>>[vector<16xi32>, vector<16xi32>], vector<16xf32>,
      %gather3A_1204 = tpu.vector_load_idx %arg15[%add3A_1118, %and3A_1199] : memref<128x128xf32, #tpu.memory_space<vmem>>[vector<16xi32>, vector<16xi32>], vector<16xf32>,
      %gather3A_1205 = tpu.vector_load_idx %arg15[%add3A_1118, %add3A_1202] : memref<128x128xf32, #tpu.memory_space<vmem>>[vector<16xi32>, vector<16xi32>], vector<16xf32>,
      %gather3A_1206 = tpu.vector_load_idx %arg13[%add3A_1115, %and3A_1199] : memref<128x128xf32, #tpu.memory_space<vmem>>[vector<16xi32>, vector<16xi32>], vector<16xf32>,
      %gather3A_1207 = tpu.vector_load_idx %arg13[%add3A_1115, %add3A_1202] : memref<128x128xf32, #tpu.memory_space<vmem>>[vector<16xi32>, vector<16xi32>], vector<16xf32>,
      %mul3A_1208 = arith.mulf %gather3A_1204, %gather3A_1206 : vector<16xf32>
      %mul3A_1209 = arith.mulf %gather3A_1205, %gather3A_1207 : vector<16xf32>
      %add3A_1210 = arith.addf %mul3A_1208, %mul3A_1209 : vector<16xf32>
      %mul3A_1211 = arith.mulf %gather3A, %add3A_1210 : vector<16xf32>
      %mul3A_1212 = arith.mulf %gather3A_1204, %gather3A_1207 : vector<16xf32>
      %mul3A_1213 = arith.mulf %gather3A_1205, %gather3A_1206 : vector<16xf32>
      %sub3A = arith.subf %mul3A_1212, %mul3A_1213 : vector<16xf32>
      %mul3A_1214 = arith.mulf %gather3A_1203, %sub3A : vector<16xf32>
      %add3A_1215 = arith.addf %mul3A_1211, %mul3A_1214 : vector<16xf32>
      %add3A_1216 = arith.addf %scan3A_1190, %add3A_1215 : vector<16xf32>
      scf.yield %add3A_1216 : vector<16xf32>
    }
    %scan3A_1126 = arith.constant 64 : i32
    %swap3A_1127 = arith.constant 448 : index
    %swap3A_1128 = tpu.vector_load %arg16[%swap3A_1127] {strides = array<i32>} : memref<512xf32, #tpu.memory_space<vmem>>, vector<16xf32>,
    tpu.vector_store %arg16[%swap3A_1127], %scan3A_1125 {strides = array<i32>} : memref<512xf32, #tpu.memory_space<vmem>>, vector<16xf32>,
    %iota3A_1129 = tpu.iota {dimensions = array<i32: 0>} : vector<16xi32>
    %add3A_1130 = arith.constant 16 : i32
    %add3A_1131 = vector.broadcast %add3A_1130 : i32 to vector<16xi32>
    %add3A_1132 = arith.addi %iota3A_1129, %add3A_1131 : vector<16xi32>
    %add3A_1133 = arith.constant 64 : i32
    %add3A_1134 = vector.broadcast %add3A_1133 : i32 to vector<16xi32>
    %add3A_1135 = arith.addi %add3A_1132, %add3A_1134 : vector<16xi32>
    %add3A_1136 = arith.constant 64 : i32
    %add3A_1137 = vector.broadcast %add3A_1136 : i32 to vector<16xi32>
    %add3A_1138 = arith.addi %add3A_1132, %add3A_1137 : vector<16xi32>
    %broadcast_in_dim3A_1139 = arith.constant 0.000000e+00 : f32
    %broadcast_in_dim3A_1140 = vector.broadcast %broadcast_in_dim3A_1139 : f32 to vector<16xf32>
    %scan3A_1141 = arith.constant 0 : i32
    %scan3A_1142 = arith.constant 64 : i32
    %scan3A_1143 = arith.addi %scan3A_1141, %scan3A_1142 : i32
    %scan3A_1144 = arith.constant 1 : i32
    %scan3A_1145 = scf.for %scan3A_1189 = %scan3A_1141 to %scan3A_1143 step %scan3A_1144 iter_args(%scan3A_1190 = %broadcast_in_dim3A_1140) -> (vector<16xf32>)  : i32 {
      %mul3A_1191 = arith.constant 1 : i32
      %mul3A_1192 = arith.muli %scan3A_1189, %mul3A_1191 : i32
      %add3A_1193 = arith.constant 0 : i32
      %add3A_1194 = arith.addi %mul3A_1192, %add3A_1193 : i32
      %broadcast_in_dim3A_1195 = vector.broadcast %add3A_1194 : i32 to vector<16xi32>
      %iota3A_1196 = tpu.iota {dimensions = array<i32: 0>} : vector<16xi32>
      %add3A_1197 = arith.addi %broadcast_in_dim3A_1195, %iota3A_1196 : vector<16xi32>
      %and3A = arith.constant 63 : i32
      %and3A_1198 = vector.broadcast %and3A : i32 to vector<16xi32>
      %and3A_1199 = arith.andi %add3A_1197, %and3A_1198 : vector<16xi32>
      %add3A_1200 = arith.constant 64 : i32
      %add3A_1201 = vector.broadcast %add3A_1200 : i32 to vector<16xi32>
      %add3A_1202 = arith.addi %and3A_1199, %add3A_1201 : vector<16xi32>
      %gather3A = tpu.vector_load_idx %arg13[%add3A_1132, %and3A_1199] : memref<128x128xf32, #tpu.memory_space<vmem>>[vector<16xi32>, vector<16xi32>], vector<16xf32>,
      %gather3A_1203 = tpu.vector_load_idx %arg13[%add3A_1132, %add3A_1202] : memref<128x128xf32, #tpu.memory_space<vmem>>[vector<16xi32>, vector<16xi32>], vector<16xf32>,
      %gather3A_1204 = tpu.vector_load_idx %arg15[%add3A_1138, %and3A_1199] : memref<128x128xf32, #tpu.memory_space<vmem>>[vector<16xi32>, vector<16xi32>], vector<16xf32>,
      %gather3A_1205 = tpu.vector_load_idx %arg15[%add3A_1138, %add3A_1202] : memref<128x128xf32, #tpu.memory_space<vmem>>[vector<16xi32>, vector<16xi32>], vector<16xf32>,
      %gather3A_1206 = tpu.vector_load_idx %arg13[%add3A_1135, %and3A_1199] : memref<128x128xf32, #tpu.memory_space<vmem>>[vector<16xi32>, vector<16xi32>], vector<16xf32>,
      %gather3A_1207 = tpu.vector_load_idx %arg13[%add3A_1135, %add3A_1202] : memref<128x128xf32, #tpu.memory_space<vmem>>[vector<16xi32>, vector<16xi32>], vector<16xf32>,
      %mul3A_1208 = arith.mulf %gather3A_1204, %gather3A_1206 : vector<16xf32>
      %mul3A_1209 = arith.mulf %gather3A_1205, %gather3A_1207 : vector<16xf32>
      %add3A_1210 = arith.addf %mul3A_1208, %mul3A_1209 : vector<16xf32>
      %mul3A_1211 = arith.mulf %gather3A, %add3A_1210 : vector<16xf32>
      %mul3A_1212 = arith.mulf %gather3A_1204, %gather3A_1207 : vector<16xf32>
      %mul3A_1213 = arith.mulf %gather3A_1205, %gather3A_1206 : vector<16xf32>
      %sub3A = arith.subf %mul3A_1212, %mul3A_1213 : vector<16xf32>
      %mul3A_1214 = arith.mulf %gather3A_1203, %sub3A : vector<16xf32>
      %add3A_1215 = arith.addf %mul3A_1211, %mul3A_1214 : vector<16xf32>
      %add3A_1216 = arith.addf %scan3A_1190, %add3A_1215 : vector<16xf32>
      scf.yield %add3A_1216 : vector<16xf32>
    }
    %scan3A_1146 = arith.constant 64 : i32
    %swap3A_1147 = arith.constant 464 : index
    %swap3A_1148 = tpu.vector_load %arg16[%swap3A_1147] {strides = array<i32>} : memref<512xf32, #tpu.memory_space<vmem>>, vector<16xf32>,
    tpu.vector_store %arg16[%swap3A_1147], %scan3A_1145 {strides = array<i32>} : memref<512xf32, #tpu.memory_space<vmem>>, vector<16xf32>,
    %iota3A_1149 = tpu.iota {dimensions = array<i32: 0>} : vector<16xi32>
    %add3A_1150 = arith.constant 32 : i32
    %add3A_1151 = vector.broadcast %add3A_1150 : i32 to vector<16xi32>
    %add3A_1152 = arith.addi %iota3A_1149, %add3A_1151 : vector<16xi32>
    %add3A_1153 = arith.constant 64 : i32
    %add3A_1154 = vector.broadcast %add3A_1153 : i32 to vector<16xi32>
    %add3A_1155 = arith.addi %add3A_1152, %add3A_1154 : vector<16xi32>
    %add3A_1156 = arith.constant 64 : i32
    %add3A_1157 = vector.broadcast %add3A_1156 : i32 to vector<16xi32>
    %add3A_1158 = arith.addi %add3A_1152, %add3A_1157 : vector<16xi32>
    %broadcast_in_dim3A_1159 = arith.constant 0.000000e+00 : f32
    %broadcast_in_dim3A_1160 = vector.broadcast %broadcast_in_dim3A_1159 : f32 to vector<16xf32>
    %scan3A_1161 = arith.constant 0 : i32
    %scan3A_1162 = arith.constant 64 : i32
    %scan3A_1163 = arith.addi %scan3A_1161, %scan3A_1162 : i32
    %scan3A_1164 = arith.constant 1 : i32
    %scan3A_1165 = scf.for %scan3A_1189 = %scan3A_1161 to %scan3A_1163 step %scan3A_1164 iter_args(%scan3A_1190 = %broadcast_in_dim3A_1160) -> (vector<16xf32>)  : i32 {
      %mul3A_1191 = arith.constant 1 : i32
      %mul3A_1192 = arith.muli %scan3A_1189, %mul3A_1191 : i32
      %add3A_1193 = arith.constant 0 : i32
      %add3A_1194 = arith.addi %mul3A_1192, %add3A_1193 : i32
      %broadcast_in_dim3A_1195 = vector.broadcast %add3A_1194 : i32 to vector<16xi32>
      %iota3A_1196 = tpu.iota {dimensions = array<i32: 0>} : vector<16xi32>
      %add3A_1197 = arith.addi %broadcast_in_dim3A_1195, %iota3A_1196 : vector<16xi32>
      %and3A = arith.constant 63 : i32
      %and3A_1198 = vector.broadcast %and3A : i32 to vector<16xi32>
      %and3A_1199 = arith.andi %add3A_1197, %and3A_1198 : vector<16xi32>
      %add3A_1200 = arith.constant 64 : i32
      %add3A_1201 = vector.broadcast %add3A_1200 : i32 to vector<16xi32>
      %add3A_1202 = arith.addi %and3A_1199, %add3A_1201 : vector<16xi32>
      %gather3A = tpu.vector_load_idx %arg13[%add3A_1152, %and3A_1199] : memref<128x128xf32, #tpu.memory_space<vmem>>[vector<16xi32>, vector<16xi32>], vector<16xf32>,
      %gather3A_1203 = tpu.vector_load_idx %arg13[%add3A_1152, %add3A_1202] : memref<128x128xf32, #tpu.memory_space<vmem>>[vector<16xi32>, vector<16xi32>], vector<16xf32>,
      %gather3A_1204 = tpu.vector_load_idx %arg15[%add3A_1158, %and3A_1199] : memref<128x128xf32, #tpu.memory_space<vmem>>[vector<16xi32>, vector<16xi32>], vector<16xf32>,
      %gather3A_1205 = tpu.vector_load_idx %arg15[%add3A_1158, %add3A_1202] : memref<128x128xf32, #tpu.memory_space<vmem>>[vector<16xi32>, vector<16xi32>], vector<16xf32>,
      %gather3A_1206 = tpu.vector_load_idx %arg13[%add3A_1155, %and3A_1199] : memref<128x128xf32, #tpu.memory_space<vmem>>[vector<16xi32>, vector<16xi32>], vector<16xf32>,
      %gather3A_1207 = tpu.vector_load_idx %arg13[%add3A_1155, %add3A_1202] : memref<128x128xf32, #tpu.memory_space<vmem>>[vector<16xi32>, vector<16xi32>], vector<16xf32>,
      %mul3A_1208 = arith.mulf %gather3A_1204, %gather3A_1206 : vector<16xf32>
      %mul3A_1209 = arith.mulf %gather3A_1205, %gather3A_1207 : vector<16xf32>
      %add3A_1210 = arith.addf %mul3A_1208, %mul3A_1209 : vector<16xf32>
      %mul3A_1211 = arith.mulf %gather3A, %add3A_1210 : vector<16xf32>
      %mul3A_1212 = arith.mulf %gather3A_1204, %gather3A_1207 : vector<16xf32>
      %mul3A_1213 = arith.mulf %gather3A_1205, %gather3A_1206 : vector<16xf32>
      %sub3A = arith.subf %mul3A_1212, %mul3A_1213 : vector<16xf32>
      %mul3A_1214 = arith.mulf %gather3A_1203, %sub3A : vector<16xf32>
      %add3A_1215 = arith.addf %mul3A_1211, %mul3A_1214 : vector<16xf32>
      %add3A_1216 = arith.addf %scan3A_1190, %add3A_1215 : vector<16xf32>
      scf.yield %add3A_1216 : vector<16xf32>
    }
    %scan3A_1166 = arith.constant 64 : i32
    %swap3A_1167 = arith.constant 480 : index
    %swap3A_1168 = tpu.vector_load %arg16[%swap3A_1167] {strides = array<i32>} : memref<512xf32, #tpu.memory_space<vmem>>, vector<16xf32>,
    tpu.vector_store %arg16[%swap3A_1167], %scan3A_1165 {strides = array<i32>} : memref<512xf32, #tpu.memory_space<vmem>>, vector<16xf32>,
    %iota3A_1169 = tpu.iota {dimensions = array<i32: 0>} : vector<16xi32>
    %add3A_1170 = arith.constant 48 : i32
    %add3A_1171 = vector.broadcast %add3A_1170 : i32 to vector<16xi32>
    %add3A_1172 = arith.addi %iota3A_1169, %add3A_1171 : vector<16xi32>
    %add3A_1173 = arith.constant 64 : i32
    %add3A_1174 = vector.broadcast %add3A_1173 : i32 to vector<16xi32>
    %add3A_1175 = arith.addi %add3A_1172, %add3A_1174 : vector<16xi32>
    %add3A_1176 = arith.constant 64 : i32
    %add3A_1177 = vector.broadcast %add3A_1176 : i32 to vector<16xi32>
    %add3A_1178 = arith.addi %add3A_1172, %add3A_1177 : vector<16xi32>
    %broadcast_in_dim3A_1179 = arith.constant 0.000000e+00 : f32
    %broadcast_in_dim3A_1180 = vector.broadcast %broadcast_in_dim3A_1179 : f32 to vector<16xf32>
    %scan3A_1181 = arith.constant 0 : i32
    %scan3A_1182 = arith.constant 64 : i32
    %scan3A_1183 = arith.addi %scan3A_1181, %scan3A_1182 : i32
    %scan3A_1184 = arith.constant 1 : i32
    %scan3A_1185 = scf.for %scan3A_1189 = %scan3A_1181 to %scan3A_1183 step %scan3A_1184 iter_args(%scan3A_1190 = %broadcast_in_dim3A_1180) -> (vector<16xf32>)  : i32 {
      %mul3A_1191 = arith.constant 1 : i32
      %mul3A_1192 = arith.muli %scan3A_1189, %mul3A_1191 : i32
      %add3A_1193 = arith.constant 0 : i32
      %add3A_1194 = arith.addi %mul3A_1192, %add3A_1193 : i32
      %broadcast_in_dim3A_1195 = vector.broadcast %add3A_1194 : i32 to vector<16xi32>
      %iota3A_1196 = tpu.iota {dimensions = array<i32: 0>} : vector<16xi32>
      %add3A_1197 = arith.addi %broadcast_in_dim3A_1195, %iota3A_1196 : vector<16xi32>
      %and3A = arith.constant 63 : i32
      %and3A_1198 = vector.broadcast %and3A : i32 to vector<16xi32>
      %and3A_1199 = arith.andi %add3A_1197, %and3A_1198 : vector<16xi32>
      %add3A_1200 = arith.constant 64 : i32
      %add3A_1201 = vector.broadcast %add3A_1200 : i32 to vector<16xi32>
      %add3A_1202 = arith.addi %and3A_1199, %add3A_1201 : vector<16xi32>
      %gather3A = tpu.vector_load_idx %arg13[%add3A_1172, %and3A_1199] : memref<128x128xf32, #tpu.memory_space<vmem>>[vector<16xi32>, vector<16xi32>], vector<16xf32>,
      %gather3A_1203 = tpu.vector_load_idx %arg13[%add3A_1172, %add3A_1202] : memref<128x128xf32, #tpu.memory_space<vmem>>[vector<16xi32>, vector<16xi32>], vector<16xf32>,
      %gather3A_1204 = tpu.vector_load_idx %arg15[%add3A_1178, %and3A_1199] : memref<128x128xf32, #tpu.memory_space<vmem>>[vector<16xi32>, vector<16xi32>], vector<16xf32>,
      %gather3A_1205 = tpu.vector_load_idx %arg15[%add3A_1178, %add3A_1202] : memref<128x128xf32, #tpu.memory_space<vmem>>[vector<16xi32>, vector<16xi32>], vector<16xf32>,
      %gather3A_1206 = tpu.vector_load_idx %arg13[%add3A_1175, %and3A_1199] : memref<128x128xf32, #tpu.memory_space<vmem>>[vector<16xi32>, vector<16xi32>], vector<16xf32>,
      %gather3A_1207 = tpu.vector_load_idx %arg13[%add3A_1175, %add3A_1202] : memref<128x128xf32, #tpu.memory_space<vmem>>[vector<16xi32>, vector<16xi32>], vector<16xf32>,
      %mul3A_1208 = arith.mulf %gather3A_1204, %gather3A_1206 : vector<16xf32>
      %mul3A_1209 = arith.mulf %gather3A_1205, %gather3A_1207 : vector<16xf32>
      %add3A_1210 = arith.addf %mul3A_1208, %mul3A_1209 : vector<16xf32>
      %mul3A_1211 = arith.mulf %gather3A, %add3A_1210 : vector<16xf32>
      %mul3A_1212 = arith.mulf %gather3A_1204, %gather3A_1207 : vector<16xf32>
      %mul3A_1213 = arith.mulf %gather3A_1205, %gather3A_1206 : vector<16xf32>
      %sub3A = arith.subf %mul3A_1212, %mul3A_1213 : vector<16xf32>
      %mul3A_1214 = arith.mulf %gather3A_1203, %sub3A : vector<16xf32>
      %add3A_1215 = arith.addf %mul3A_1211, %mul3A_1214 : vector<16xf32>
      %add3A_1216 = arith.addf %scan3A_1190, %add3A_1215 : vector<16xf32>
      scf.yield %add3A_1216 : vector<16xf32>
    }
    %scan3A_1186 = arith.constant 64 : i32
    %swap3A_1187 = arith.constant 496 : index
    %swap3A_1188 = tpu.vector_load %arg16[%swap3A_1187] {strides = array<i32>} : memref<512xf32, #tpu.memory_space<vmem>>, vector<16xf32>,
    tpu.vector_store %arg16[%swap3A_1187], %scan3A_1185 {strides = array<i32>} : memref<512xf32, #tpu.memory_space<vmem>>, vector<16xf32>,
    "tpu.region"() ({
      %run_scoped3A = tpu.sem_alloc : memref<!tpu.dma_semaphore, #tpu.memory_space<semaphore_mem>>
      %dma_start3A_1189 = tpu.memref_slice %arg7[%mul3A_2] : memref<16384xf32, #tpu.memory_space<hbm>> -> memref<512xf32, #tpu.memory_space<hbm>>
      %dma_start3A_1190 = tpu.memref_slice %arg7[%mul3A_2] : memref<16384xf32, #tpu.memory_space<hbm>> -> memref<512xf32, #tpu.memory_space<hbm>>
      tpu.enqueue_dma source(%arg16 : memref<512xf32, #tpu.memory_space<vmem>>) target(%dma_start3A_1190 : memref<512xf32, #tpu.memory_space<hbm>>) target_semaphore(%run_scoped3A : memref<!tpu.dma_semaphore, #tpu.memory_space<semaphore_mem>>)
      %dma_wait3A_1191 = tpu.memref_slice %arg7[%mul3A_2] : memref<16384xf32, #tpu.memory_space<hbm>> -> memref<512xf32, #tpu.memory_space<hbm>>
      %dma_wait3A_1192 = tpu.memref_slice %arg7[%mul3A_2] : memref<16384xf32, #tpu.memory_space<hbm>> -> memref<512xf32, #tpu.memory_space<hbm>>
      tpu.wait_dma2 semaphore(%run_scoped3A : memref<!tpu.dma_semaphore, #tpu.memory_space<semaphore_mem>>) src(%arg16 : memref<512xf32, #tpu.memory_space<vmem>>) dst(%dma_wait3A_1192 : memref<512xf32, #tpu.memory_space<hbm>>)
      tpu.yield
    }) : () -> ()
    return
  }
}

</mosaic_0001>

<sc_bundles>
// kernel: _scores.3.cloned.1.call-start
scs
__scs_entry_jumppad:
0x0: {  	(pc) =	sbr.rel $0x88, $3  }
0x1: {  	(tag) =	ssettag $0x0;
	lr =	simm.s32 $0x1  }
0x2: {  	[smem:$0x3F9C] =	sst lr;
	_ =	strace $0xD0000000  }
0x3: {  	_ = 	snop  }
0x4: {  	_ = 	snop  }
0x5: {  	_ = 	snop  }
0x6: {  	_ = 	snop  }
0x7: {  	_ = 	snop  }
__scs_overlays_trampoline_lowered:
0x8: {  	[smem:$0x3FAB] =	sst s0  }
0x9: {  	[smem:$0x3FAC] =	sst s1  }
0xa: {  	[smem:$0x3FAD] =	sst s2  }
0xb: {  	[smem:$0x3FAE] =	sst s3  }
0xc: {  	[smem:$0x3FAF] =	sst s4  }
0xd: {  	[smem:$0x3FB0] =	sst s5  }
0xe: {  	[smem:$0x3FB1] =	sst s6  }
0xf: {  	[smem:$0x3FB2] =	sst s7  }
0x10: {  	[smem:$0x3FB3] =	sst s8  }
0x11: {  	[smem:$0x3FB4] =	sst s9;
	s0 =	simm.s32 @!p0 $0x0  }
0x12: {  	s1 =	sld [smem:$0x3F9A];
	s0 =	simm.s32 @p0 $0x1  }
0x13: {  	[smem:$0x3FB5] =	sst s0;
	s0 =	simm.s32 @!p1 $0x0  }
0x14: {  	s2 =	sld [smem:$0x3F99];
	s0 =	simm.s32 @p1 $0x1  }
0x15: {  	[smem:$0x3FB6] =	sst s0;
	s0 =	simm.s32 @!p2 $0x0  }
0x16: {  	s3 =	sld [smem:$0x3FDB];
	s0 =	simm.s32 @p2 $0x1  }
0x17: {  	s4 =	simm.s32 $0x1BF5;
	[smem:$0x3FB8] =	sst s0  }
0x18: {  	s0 =	sld [smem:$0x3F9B];
	_ =	swait.ge [sflag:s4], $0x0  }
0x19: {  	s7 =	sld [smem:$0x3F9C]  }
0x1a: {  	s8 =	sadd.s32 $0xFFFFE003, lr  }
0x1b: {  	s9 =	sadd.s32 $0xFFFFFEF7, lr;
	s5 =	simm.s32 $0xFFFFFFFF;
	p2 =	slt.u32 s8, $0xFFFFF086  }
0x1c: {  	p1 =	slt.u32 s9, $0xF7A;
	s5 =	simm.s32 @!p2 $0x0  }
0x1d: {  	s5 =	simm.s32 @p1 $0x1;
	p0 =	seq.s32 s7, s2  }
0x1e: {  	s7 =	smul.u32 @!p0 $0xF7A, s2;
	p2 =	seq.s32 @!p0 s5, $0x0  }
0x1f: {  	s9 =	smul.u32 $0xF7A, s1;
	s8 =	simm.s32 @!p0 $0x1BF5;
	p2 =	por !p2, p0  }
0x20: {  	[sflag:s8] =	ssyncset.s32 @!p0 $0xFFFFF086;
	s6 =	sadd.s32 @!p0 s3, s7;
	s7 =	simm.s32 @!p0 $0x108  }
0x21: {  	s3 =	sadd.s32 s3, s9;
	s6 =	sadd.s32 @!p0 $0x88, s6;
	s7 =	simm.s32 @p2 $0x1082  }
0x22: {  	[simem:s7], [sflag:s8] =	dma.local @!p0 [hbm:s6], $0xF7A  }
0x23: {  	s9 =	sor.u32 $0xD0000000, s2;
	s6 =	simm.s32 $0x108;
	_ =	swait.ge @!p0 [sflag:s8], $0x0  }
0x24: {  	s3 =	sadd.s32 $0x88, s3;
	s6 =	simm.s32 @!p1 $0x1082;
	[sflag:s4] =	ssyncset.s32 $0xFFFFF086  }
0x25: {  	[simem:s6], [sflag:s4] =	dma.local [hbm:s3], $0xF7A  }
0x26: {  	[smem:$0x3F9C] =	sst s1;
	(tag) =	ssettag s2;
	_ =	strace s9  }
0x27: {  	s1 =	sld [smem:$0x3FAC]  }
0x28: {  	s2 =	sld [smem:$0x3FAD]  }
0x29: {  	s4 =	sld [smem:$0x3FAF]  }
0x2a: {  	p0 =	seq.s32 s5, $0x0;
	s5 =	sld [smem:$0x3FB0]  }
0x2b: {  	s6 =	sld [smem:$0x3FB1]  }
0x2c: {  	s7 =	sld [smem:$0x3FB2]  }
0x2d: {  	s3 =	simm.s32 $0x108;
	s8 =	sld [smem:$0x3FB3]  }
0x2e: {  	s3 =	simm.s32 @!p0 $0x1082;
	s9 =	sld [smem:$0x3FB4]  }
0x2f: {  	lr =	sadd.s32 s0, s3;
	s0 =	sld [smem:$0x3FAB]  }
0x30: {  	s3 =	sld [smem:$0x3FAE]  }
0x31: {  	[smem:$0x3FB7] =	sst s10  }
0x32: {  	s10 =	sld [smem:$0x3FB5];
	_ =	sdelay $0x3  }
0x33: {  	p0 =	seq.s32 s10, $0x1;
	s10 =	sld [smem:$0x3FB7];
	_ =	sdelay $0x3  }
0x34: {  	[smem:$0x3FB7] =	sst s10  }
0x35: {  	s10 =	sld [smem:$0x3FB6];
	_ =	sdelay $0x3  }
0x36: {  	p1 =	seq.s32 s10, $0x1;
	s10 =	sld [smem:$0x3FB7];
	_ =	sdelay $0x3  }
0x37: {  	[smem:$0x3FB7] =	sst s10  }
0x38: {  	s10 =	sld [smem:$0x3FB8]  }
0x39: {  	_ = 	snop;
	(pc) =	sbr.ind lr, $3  }
0x3a: {  	_ = 	snop  }
0x3b: {  	_ = 	snop  }
0x3c: {  	p2 =	seq.s32 s10, $0x1;
	s10 =	sld [smem:$0x3FB7]  }
0x3d: {  	_ =	shalt  }
0x3e: {  	_ =	shalt  }
0x3f: {  	_ =	shalt  }
0x40: {  	_ =	shalt  }
0x41: {  	_ =	shalt  }
0x42: {  	_ =	shalt  }
0x43: {  	_ =	shalt  }
0x44: {  	_ =	shalt  }
0x45: {  	_ =	shalt  }
0x46: {  	_ =	shalt  }
0x47: {  	_ =	shalt  }
0x48: {  	_ =	shalt  }
0x49: {  	_ =	shalt  }
0x4a: {  	_ =	shalt  }
0x4b: {  	_ =	shalt  }
0x4c: {  	_ =	shalt  }
0x4d: {  	_ =	shalt  }
0x4e: {  	_ =	shalt  }
0x4f: {  	_ =	shalt  }
0x50: {  	_ =	shalt  }
0x51: {  	_ =	shalt  }
0x52: {  	_ =	shalt  }
0x53: {  	_ =	shalt  }
0x54: {  	_ =	shalt  }
0x55: {  	_ =	shalt  }
0x56: {  	_ =	shalt  }
0x57: {  	_ =	shalt  }
0x58: {  	_ =	shalt  }
0x59: {  	_ =	shalt  }
0x5a: {  	_ =	shalt  }
0x5b: {  	_ =	shalt  }
0x5c: {  	_ =	shalt  }
0x5d: {  	_ =	shalt  }
0x5e: {  	_ =	shalt  }
0x5f: {  	_ =	shalt  }
0x60: {  	_ =	shalt  }
0x61: {  	_ =	shalt  }
0x62: {  	_ =	shalt  }
0x63: {  	_ =	shalt  }
0x64: {  	_ =	shalt  }
0x65: {  	_ =	shalt  }
0x66: {  	_ =	shalt  }
0x67: {  	_ =	shalt  }
0x68: {  	_ =	shalt  }
0x69: {  	_ =	shalt  }
0x6a: {  	_ =	shalt  }
0x6b: {  	_ =	shalt  }
0x6c: {  	_ =	shalt  }
0x6d: {  	_ =	shalt  }
0x6e: {  	_ =	shalt  }
0x6f: {  	_ =	shalt  }
0x70: {  	_ =	shalt  }
0x71: {  	_ =	shalt  }
0x72: {  	_ =	shalt  }
0x73: {  	_ =	shalt  }
0x74: {  	_ =	shalt  }
0x75: {  	_ =	shalt  }
0x76: {  	_ =	shalt  }
0x77: {  	_ =	shalt  }
0x78: {  	_ =	shalt  }
0x79: {  	_ =	shalt  }
0x7a: {  	_ =	shalt  }
0x7b: {  	_ =	shalt  }
0x7c: {  	_ =	shalt  }
0x7d: {  	_ =	shalt  }
0x7e: {  	_ =	shalt  }
0x7f: {  	_ =	shalt  }
0x80: {  	_ =	shalt  }
0x81: {  	_ =	shalt  }
0x82: {  	_ =	shalt  }
0x83: {  	_ =	shalt  }
0x84: {  	_ =	shalt  }
0x85: {  	_ =	shalt  }
0x86: {  	_ =	shalt  }
0x87: {  	_ =	shalt  }
.Lfunc_end0:
.L_simem_size_0:
called_computation_lowered:
.L_overlay_start_0:
0x88: {  	s2 =	sld [smem:$0x3FD9]  }
0x89: {  	s3 =	sld [smem:$0x3FFE];
	_ =	sdelay $0x1  }
0x8a: {  	s1 =	srdreg.scid  }
0x8b: {  	s0 =	sand.u32 $0x1, s1  }
0x8c: {  	s18 =	sshll.u32 s0, $0xA;
	s2 =	sadd.s32 s3, s2  }
0x8d: {  	s2 =	sadd.s32 s2, s18  }
0x8e: {  	[smem:$0x3FC3] =	sst s2  }
0x8f: {  	_ = 	snop  }
0x90: {  	s2 =	sld [smem:$0x3FC9]  }
0x91: {  	s19 =	sld [smem:$0x3FC8]  }
0x92: {  	s4 =	sld [smem:$0x3FC7]  }
0x93: {  	s5 =	sld [smem:$0x3FC6]  }
0x94: {  	s6 =	sld [smem:$0x3FC5]  }
0x95: {  	s7 =	sld [smem:$0x3FD0];
	(tm) =	ssettm $0x1  }
0x96: {  	s8 =	sld [smem:$0x3FFB];
	_ =	sdelay $0x3  }
0x97: {  	_ =	strace s8  }
0x98: {  	s8 =	sld [smem:$0x3FFC];
	_ =	sdelay $0x3  }
0x99: {  	_ =	strace s8  }
0x9a: {  	s8 =	sld [smem:$0x3FFD];
	_ =	sdelay $0x3  }
0x9b: {  	_ =	strace s8  }
0x9c: {  	_ =	strace $0x8FFFFFFF  }
0x9d: {  	s20 =	sld [smem:$0x3FDB];
	_ =	sdelay $0x1  }
0x9e: {  	s9 =	simm.s32 $_scs_section_size  }
0x9f: {  	s10 =	simm.s32 $_size__tile_overlayer_lowered;
	s11 =	simm.s32 $_tile_overlayer_lowered  }
0xa0: {  	s23 =	simm.s32 $0x1BFF;
	s22 =	sshll.u32 s11, $0x1;
	s8 =	sadd.s32 s9, s20  }
0xa1: {  	s12 =	simm.s32 $0x0;
	s21 =	sshll.u32 s10, $0x1;
	s10 =	sadd.s32 s22, s8  }
0xa2: {  	[timem:s12], [sflag:s23] =	dma.local [hbm:s10], s21  }
0xa3: {  	_ =	swait.ge [sflag:s23], s21  }
0xa4: {  	s9 =	ssub.s32 $0x0, s21;
	[sflag:s23] =	ssyncset.done $0x0  }
0xa5: {  	[sflag:s23] =	ssyncadd.s32 s9;
	_ =	sdelay $0x1  }
0xa6: {  	s24 =	simm.s32 $0x1B8B  }
0xa7: {  	_ =	swait.ge [sflag:s24], $0x1  }
0xa8: {  	[sflag:s24] =	ssyncset.done $0x0  }
0xa9: {  	s25 =	simm.s32 $0x1B8E;
	[sflag:s24] =	ssyncadd.s32 $0xFFFFFFFF  }
0xaa: {  	s26 =	simm.s32 $execute0_lowered;
	[smem:$0x3FD2] =	sst s25  }
0xab: {  	s9 =	sshll.u32 s26, $0x1;
	_ =	strace $0x80000046;
	[dreg:$0x1] =	wrdreg $0xFFFFFFFF  }
0xac: {  	s28 =	simm.s32 $_size_execute0_lowered;
	s8 =	sadd.s32 s8, s9;
	[dreg:$0x0] =	wrdreg $0x0  }
0xad: {  	s9 =	sshll.u32 s28, $0x1;
	[dreg:$0x2] =	wrdreg s8  }
0xae: {  	[dreg:$0x3] =	wrdreg s9  }
0xaf: {  	[dreg:$0x4] =	wrdreg $0xC0  }
0xb0: {  	_ =	task [dreg:s12], $0x5FFFF  }
0xb1: {  	[dreg:$0x1] =	wrdreg $0xFFFFFFFF  }
0xb2: {  	[dreg:$0x0] =	wrdreg $0x60  }
0xb3: {  	[dreg:$0x2] =	wrdreg s2  }
0xb4: {  	[dreg:$0x3] =	wrdreg s19  }
0xb5: {  	[dreg:$0x4] =	wrdreg s4  }
0xb6: {  	[dreg:$0x5] =	wrdreg s5  }
0xb7: {  	[dreg:$0x6] =	wrdreg s6  }
0xb8: {  	[dreg:$0x7] =	wrdreg s7  }
0xb9: {  	[dreg:$0x8] =	wrdreg $0x9  }
0xba: {  	_ =	task.clear_ibuf [dreg:s12], $0x9FFFF;
	_ =	strace $0x90000046  }
0xbb: {  	s29 =	simm.s32 $0x9;
	_ =	strace $0x80000048  }
0xbc: {  	_ =	swait.ge [sflag:s29], $0x1  }
0xbd: {  	[sflag:s29] =	ssyncadd.s32 $0xFFFFFFFF  }
0xbe: {  	_ =	strace $0x90000048  }
0xbf: {  	_ =	sfence  }
0xc0: {  	s30 =	sld [smem:$0x0];
	_ =	sdelay $0x2  }
0xc1: {  	s31 =	sshll.u32 s1, $0xD;
	s1 =	sshrl.u32 s1, $0x2  }
0xc2: {  	s3 =	sand.u32 $0x4000, s31;
	s1 =	sadd.s32 s1, s30  }
0xc3: {  	s0 =	sor.u32 s3, s0;
	s1 =	sshll.u32 s1, $0x11  }
0xc4: {  	s0 =	sor.u32 s1, s0  }
0xc5: {  	s0 =	sadd.s32 $0x8F2B, s0  }
0xc6: {  	[sflag:s0] =	ssyncadd.remote.s32 $0x1  }
0xc7: {  	_ =	sfence.sel $0xFFFF  }
0xc8: {  	[dreg:$0x0] =	wrdreg $0xFFFFFFFF;
	(pc) =	sbr.abs _section_cstart, $3  }
0xc9: {  	[dreg:$0x1] =	wrdreg $0xFFFFFFFF  }
0xca: {  	_ =	task.clear_ibuf [dreg:s12], $0x2FFFF;
	_ =	strace $0x9FFFFFFF  }
0xcb: {  	(tm) =	ssettm $0x7FFFFFFF  }
tec
execute0_lowered:
.L_overlay_start_1:
0x0: {  	(tag) =	ssettag $0x1  }
0x1: {  	s0 =	rddreg [dreg:$0x0]  }
0x2: {  	s4 =	rddreg [dreg:$0x1]  }
0x3: {  	s5 =	rddreg [dreg:$0x2];
	s3 =	srdreg.scid  }
0x4: {  	s1 =	rddreg [dreg:$0x3];
	s8 =	stileid.u32;
	s3 =	sand.u32 $0x1, s3  }
0x5: {  	s2 =	rddreg [dreg:$0x4];
	s8 =	sshll.u32 s8, $0x6;
	s7 =	sshll.u32 s3, $0xA  }
0x6: {  	s6 =	ssub.s32 $0x2, s3;
	s3 =	simm.s32 $0x0;
	s7 =	sor.u32 s8, s7  }
0x7: {  	[smem:$0x7FF] =	sst s3;
	s23 =	sadd.s32 s0, s7  }
0x8: {  	s24 =	sadd.s32 s5, s7;
	[dreg:$0x7] =	wrdreg s23  }
0x9: {  	s8 =	sor.u32 $0x8, s7;
	[dreg:$0x8] =	wrdreg s24  }
0xa: {  	s25 =	sadd.s32 s0, s8;
	s24 =	rddreg [dreg:$0x5]  }
0xb: {  	s26 =	sor.u32 $0x10, s7;
	s8 =	sadd.s32 s5, s8;
	[dreg:$0x9] =	wrdreg s25  }
0xc: {  	s9 =	sshrl.u32 s6, $0x1;
	s10 =	sadd.s32 s0, s26;
	[dreg:$0xa] =	wrdreg s8  }
0xd: {  	s12 =	sor.u32 $0x18, s7;
	s13 =	sadd.s32 s5, s26;
	[dreg:$0xb] =	wrdreg s10  }
0xe: {  	s6 =	ssub.s32 s6, s9;
	s14 =	sadd.s32 s0, s12;
	[dreg:$0xc] =	wrdreg s13  }
0xf: {  	s15 =	sor.u32 $0x20, s7;
	s9 =	sadd.s32 s5, s12;
	[dreg:$0xd] =	wrdreg s14  }
0x10: {  	s29 =	simm.s32 $0x80;
	s11 =	sadd.s32 s0, s15;
	[dreg:$0xe] =	wrdreg s9  }
0x11: {  	s16 =	sor.u32 $0x28, s7;
	s17 =	sadd.s32 s5, s15;
	[dreg:$0xf] =	wrdreg s11  }
0x12: {  	s19 =	sor.u32 $0x30, s7;
	s18 =	sadd.s32 s0, s16;
	[dreg:$0x10] =	wrdreg s17  }
0x13: {  	s20 =	sor.u32 $0x38, s7;
	s12 =	sadd.s32 s0, s19;
	[dreg:$0x11] =	wrdreg s18  }
0x14: {  	s31 =	simm.s32 $0x1;
	s0 =	sadd.s32 s0, s20;
	[dreg:$0x13] =	wrdreg s12  }
0x15: {  	s30 =	simm.s32 $0x4600;
	s21 =	sadd.s32 s5, s20;
	[dreg:$0x14] =	wrdreg s0  }
0x16: {  	s28 =	simm.s32 $0x8600;
	s22 =	sadd.s32 s5, s19;
	[dreg:$0x15] =	wrdreg s21  }
0x17: {  	s23 =	sadd.s32 s4, s26;
	s26 =	sadd.s32 s4, s19;
	[dreg:$0x16] =	wrdreg s22  }
0x18: {  	v0 =	vlaneseq.u32;
	s10 =	sadd.s32 s5, s16;
	[dreg:$0x17] =	wrdreg s23;
	s25 =	sadd.s32 s4, s15  }
0x19: {  	v1 =	vmul.u32 $0x80, v0;
	[dreg:$0x19] =	wrdreg s26;
	s4 =	sadd.s32 s4, s7;
	s26 =	smax.u32 s6, $0x1  }
0x1a: {  	s0 =	simm.s32 $0x600;
	s18 =	simm.s32 $0x10600;
	s5 =	simm.s32 $0xC600  }
0x1b: {  	v2 =	vor.u32 $0x40, v1;
	v3 =	vor.u32 $0x2000, v1;
	v4 =	vor.u32 $0x2040, v1;
	s6 =	simm.s32 $0x6;
	s8 =	simm.s32 $0x3;
	s9 =	simm.s32 $0x7  }
0x1c: {  	v5 =	vor.u32 $0x800, v1;
	v6 =	vor.u32 $0x840, v1;
	v7 =	vor.u32 $0x2800, v1;
	s11 =	simm.s32 $0x5;
	s12 =	simm.s32 $0x8;
	[dreg:$0x12] =	wrdreg s10  }
0x1d: {  	v8 =	vor.u32 $0x2840, v1;
	v9 =	vor.u32 $0x1000, v1;
	v10 =	vor.u32 $0x1040, v1;
	s13 =	simm.s32 $0x0;
	s23 =	simm.s32 $0x480;
	[dreg:$0x18] =	wrdreg s25  }
0x1e: {  	v11 =	vor.u32 $0x3000, v1;
	v12 =	vor.u32 $0x3040, v1;
	v13 =	vor.u32 $0x1800, v1;
	[dreg:$0x1a] =	wrdreg s4;
	s25 =	sadd.s32 s24, s7;
	s4 =	simm.s32 $0x14600  }
0x1f: {  	v14 =	vor.u32 $0x1840, v1;
	v15 =	vor.u32 $0x3800, v1;
	v16 =	vor.u32 $0x3840, v1;
	s7 =	simm.s32 $0x2;
	s10 =	simm.s32 $0x4;
	_ =	strace $0x80000047  }
.LBB2_1:
0x20: {  	s14 =	rddreg [dreg:$0x7]  }
0x21: {  	[tilespmem:s3], [sflag:$0x1] =	stream.linear.gather [hbm4b:s14+s3], $0x40, $0x38;
	[tilespmem:$0x18800] =	vst v63  }
0x22: {  	s22 =	rddreg [dreg:$0x8];
	s15 =	simm.s32 $0x40  }
0x23: {  	[tilespmem:s15], [sflag:$0x1] =	stream.linear.gather [hbm4b:s22+s3], $0x40, $0x38;
	[tilespmem:$0x18800] =	vst v63  }
0x24: {  	s24 =	rddreg [dreg:$0x9]  }
0x25: {  	[tilespmem:s29], [sflag:$0x1] =	stream.linear.gather [hbm4b:s24+s3], $0x40, $0x38;
	[tilespmem:$0x18800] =	vst v63  }
0x26: {  	s16 =	simm.s32 $0xC0;
	s15 =	rddreg [dreg:$0xa]  }
0x27: {  	[tilespmem:s16], [sflag:$0x1] =	stream.linear.gather [hbm4b:s15+s3], $0x40, $0x38;
	[tilespmem:$0x18800] =	vst v63  }
0x28: {  	s17 =	rddreg [dreg:$0xb];
	s15 =	simm.s32 $0x100  }
0x29: {  	[tilespmem:s15], [sflag:$0x1] =	stream.linear.gather [hbm4b:s17+s3], $0x40, $0x38;
	[tilespmem:$0x18800] =	vst v63  }
0x2a: {  	s19 =	rddreg [dreg:$0xc];
	s16 =	simm.s32 $0x140  }
0x2b: {  	[tilespmem:s16], [sflag:$0x1] =	stream.linear.gather [hbm4b:s19+s3], $0x40, $0x38;
	[tilespmem:$0x18800] =	vst v63  }
0x2c: {  	s20 =	rddreg [dreg:$0xd];
	s16 =	simm.s32 $0x180  }
0x2d: {  	[tilespmem:s16], [sflag:$0x1] =	stream.linear.gather [hbm4b:s20+s3], $0x40, $0x38;
	[tilespmem:$0x18800] =	vst v63  }
0x2e: {  	s21 =	rddreg [dreg:$0xe];
	s17 =	simm.s32 $0x1C0  }
0x2f: {  	[tilespmem:s17], [sflag:$0x1] =	stream.linear.gather [hbm4b:s21+s3], $0x40, $0x38;
	[tilespmem:$0x18800] =	vst v63  }
0x30: {  	s22 =	rddreg [dreg:$0xf];
	s17 =	simm.s32 $0x200  }
0x31: {  	[tilespmem:s17], [sflag:$0x1] =	stream.linear.gather [hbm4b:s22+s3], $0x40, $0x38;
	[tilespmem:$0x18800] =	vst v63  }
0x32: {  	s24 =	rddreg [dreg:$0x10];
	s19 =	simm.s32 $0x240  }
0x33: {  	[tilespmem:s19], [sflag:$0x1] =	stream.linear.gather [hbm4b:s24+s3], $0x40, $0x38;
	[tilespmem:$0x18800] =	vst v63  }
0x34: {  	s20 =	rddreg [dreg:$0x11];
	s19 =	simm.s32 $0x280  }
0x35: {  	[tilespmem:s19], [sflag:$0x1] =	stream.linear.gather [hbm4b:s20+s3], $0x40, $0x38;
	[tilespmem:$0x18800] =	vst v63  }
0x36: {  	s21 =	rddreg [dreg:$0x12];
	s20 =	simm.s32 $0x2C0  }
0x37: {  	[tilespmem:s20], [sflag:$0x1] =	stream.linear.gather [hbm4b:s21+s3], $0x40, $0x38;
	[tilespmem:$0x18800] =	vst v63  }
0x38: {  	s22 =	rddreg [dreg:$0x13];
	s20 =	simm.s32 $0x300  }
0x39: {  	[tilespmem:s20], [sflag:$0x1] =	stream.linear.gather [hbm4b:s22+s3], $0x40, $0x38;
	[tilespmem:$0x18800] =	vst v63  }
0x3a: {  	s24 =	rddreg [dreg:$0x16];
	s21 =	simm.s32 $0x340  }
0x3b: {  	[tilespmem:s21], [sflag:$0x1] =	stream.linear.gather [hbm4b:s24+s3], $0x40, $0x38;
	[tilespmem:$0x18800] =	vst v63  }
0x3c: {  	s22 =	rddreg [dreg:$0x14];
	s21 =	simm.s32 $0x380  }
0x3d: {  	[tilespmem:s21], [sflag:$0x1] =	stream.linear.gather [hbm4b:s22+s3], $0x40, $0x38;
	[tilespmem:$0x18800] =	vst v63  }
0x3e: {  	s24 =	rddreg [dreg:$0x15];
	s22 =	simm.s32 $0x3C0  }
0x3f: {  	[tilespmem:s22], [sflag:$0x1] =	stream.linear.gather [hbm4b:s24+s3], $0x40, $0x38;
	[tilespmem:$0x18800] =	vst v63  }
0x40: {  	s22 =	simm.s32 $0x400;
	s24 =	rddreg [dreg:$0x1a]  }
0x41: {  	[tilespmem:s22], [sflag:$0x1] =	stream.linear.gather [hbm4b:s24+s3], $0x80, $0x38;
	[tilespmem:$0x18800] =	vst v63  }
0x42: {  	s24 =	rddreg [dreg:$0x17]  }
0x43: {  	[tilespmem:s23], [sflag:$0x1] =	stream.linear.gather [hbm4b:s24+s3], $0x80, $0x38;
	[tilespmem:$0x18800] =	vst v63  }
0x44: {  	s14 =	rddreg [dreg:$0x18];
	s24 =	simm.s32 $0x500  }
0x45: {  	[tilespmem:s24], [sflag:$0x1] =	stream.linear.gather [hbm4b:s14+s3], $0x80, $0x38;
	[tilespmem:$0x18800] =	vst v63  }
0x46: {  	s24 =	simm.s32 $0x580;
	s14 =	rddreg [dreg:$0x19]  }
0x47: {  	[tilespmem:s24], [sflag:$0x1] =	stream.linear.gather [hbm4b:s14+s3], $0x80, $0x38;
	[tilespmem:$0x18800] =	vst v63  }
0x48: {  	_ =	swait.ge [sflag:s31], $0x40  }
0x49: {  	[sflag:s31] =	ssyncset.done $0x0  }
0x4a: {  	[sflag:s31] =	ssyncadd.s32 $0xFFFFFFC0  }
0x4b: {  	_ =	swait.ge [sflag:s31], $0x40  }
0x4c: {  	[sflag:s31] =	ssyncset.done $0x0  }
0x4d: {  	[sflag:s31] =	ssyncadd.s32 $0xFFFFFFC0  }
0x4e: {  	_ =	swait.ge [sflag:s31], $0x40  }
0x4f: {  	[sflag:s31] =	ssyncset.done $0x0  }
0x50: {  	[sflag:s31] =	ssyncadd.s32 $0xFFFFFFC0  }
0x51: {  	_ =	swait.ge [sflag:s31], $0x40  }
0x52: {  	[sflag:s31] =	ssyncset.done $0x0  }
0x53: {  	[sflag:s31] =	ssyncadd.s32 $0xFFFFFFC0  }
0x54: {  	_ =	swait.ge [sflag:s31], $0x40  }
0x55: {  	[sflag:s31] =	ssyncset.done $0x0  }
0x56: {  	[sflag:s31] =	ssyncadd.s32 $0xFFFFFFC0  }
0x57: {  	_ =	swait.ge [sflag:s31], $0x40  }
0x58: {  	[sflag:s31] =	ssyncset.done $0x0  }
0x59: {  	[sflag:s31] =	ssyncadd.s32 $0xFFFFFFC0  }
0x5a: {  	_ =	swait.ge [sflag:s31], $0x40  }
0x5b: {  	[sflag:s31] =	ssyncset.done $0x0  }
0x5c: {  	[sflag:s31] =	ssyncadd.s32 $0xFFFFFFC0  }
0x5d: {  	_ =	swait.ge [sflag:s31], $0x40  }
0x5e: {  	[sflag:s31] =	ssyncset.done $0x0  }
0x5f: {  	[sflag:s31] =	ssyncadd.s32 $0xFFFFFFC0  }
0x60: {  	_ =	swait.ge [sflag:s31], $0x40  }
0x61: {  	[sflag:s31] =	ssyncset.done $0x0  }
0x62: {  	[sflag:s31] =	ssyncadd.s32 $0xFFFFFFC0  }
0x63: {  	_ =	swait.ge [sflag:s31], $0x40  }
0x64: {  	[sflag:s31] =	ssyncset.done $0x0  }
0x65: {  	[sflag:s31] =	ssyncadd.s32 $0xFFFFFFC0  }
0x66: {  	_ =	swait.ge [sflag:s31], $0x40  }
0x67: {  	[sflag:s31] =	ssyncset.done $0x0  }
0x68: {  	[sflag:s31] =	ssyncadd.s32 $0xFFFFFFC0  }
0x69: {  	_ =	swait.ge [sflag:s31], $0x40  }
0x6a: {  	[sflag:s31] =	ssyncset.done $0x0  }
0x6b: {  	[sflag:s31] =	ssyncadd.s32 $0xFFFFFFC0  }
0x6c: {  	_ =	swait.ge [sflag:s31], $0x40  }
0x6d: {  	[sflag:s31] =	ssyncset.done $0x0  }
0x6e: {  	[sflag:s31] =	ssyncadd.s32 $0xFFFFFFC0  }
0x6f: {  	_ =	swait.ge [sflag:s31], $0x40  }
0x70: {  	[sflag:s31] =	ssyncset.done $0x0  }
0x71: {  	[sflag:s31] =	ssyncadd.s32 $0xFFFFFFC0  }
0x72: {  	_ =	swait.ge [sflag:s31], $0x40  }
0x73: {  	[sflag:s31] =	ssyncset.done $0x0  }
0x74: {  	[sflag:s31] =	ssyncadd.s32 $0xFFFFFFC0  }
0x75: {  	_ =	swait.ge [sflag:s31], $0x40  }
0x76: {  	[sflag:s31] =	ssyncset.done $0x0  }
0x77: {  	[sflag:s31] =	ssyncadd.s32 $0xFFFFFFC0  }
0x78: {  	_ =	swait.ge [sflag:s31], $0x80  }
0x79: {  	[sflag:s31] =	ssyncset.done $0x0  }
0x7a: {  	[sflag:s31] =	ssyncadd.s32 $0xFFFFFF80  }
0x7b: {  	_ =	swait.ge [sflag:s31], $0x80  }
0x7c: {  	[sflag:s31] =	ssyncset.done $0x0  }
0x7d: {  	[sflag:s31] =	ssyncadd.s32 $0xFFFFFF80  }
0x7e: {  	_ =	swait.ge [sflag:s31], $0x80  }
0x7f: {  	[sflag:s31] =	ssyncset.done $0x0  }
0x80: {  	[sflag:s31] =	ssyncadd.s32 $0xFFFFFF80  }
0x81: {  	_ =	swait.ge [sflag:s31], $0x80  }
0x82: {  	[sflag:s31] =	ssyncset.done $0x0  }
0x83: {  	[sflag:s31] =	ssyncadd.s32 $0xFFFFFF80  }
0x84: {  	[tilespmem:s0], [sflag:$0x2] =	stream.indirect.gather [hbm4b:s1+s29], $0x80, s3, s29, $0xb8;
	[tilespmem:$0x18800] =	vst v63  }
0x85: {  	_ = 	snop  }
0x86: {  	[tilespmem:s30], [sflag:$0x3] =	stream.indirect.gather [hbm4b:s1+s29], $0x80, s29, s29, $0xb8;
	[tilespmem:$0x18800] =	vst v63  }
0x87: {  	_ = 	snop  }
0x88: {  	[tilespmem:s28], [sflag:$0x4] =	stream.indirect.gather [hbm4b:s1+s29], $0x80, s15, s29, $0xb8;
	[tilespmem:$0x18800] =	vst v63  }
0x89: {  	_ = 	snop  }
0x8a: {  	[tilespmem:s18], [sflag:$0x6] =	stream.indirect.gather [hbm4b:s2+s29], $0x80, s22, s29, $0xb8;
	[tilespmem:$0x18800] =	vst v63  }
0x8b: {  	_ = 	snop  }
0x8c: {  	[tilespmem:s4], [sflag:$0x7] =	stream.indirect.gather [hbm4b:s2+s29], $0x80, s23, s29, $0xb8;
	[tilespmem:$0x18800] =	vst v63  }
0x8d: {  	_ = 	snop  }
0x8e: {  	[tilespmem:s5], [sflag:$0x5] =	stream.indirect.gather [hbm4b:s1+s29], $0x80, s16, s29, $0xb8;
	[tilespmem:$0x18800] =	vst v63  }
0x8f: {  	v17 =	vadd.s32 s3, v0;
	_ =	swait.ge [sflag:s6], $0x4000  }
0x90: {  	v19 =	vor.u32 v2, v17;
	[sflag:s6] =	ssyncset.done $0x0  }
0x91: {  	v20 =	vor.u32 v4, v17;
	v17 =	vand.u32 $0x3F, v17;
	[sflag:s6] =	ssyncadd.s32 $0xFFFFC000  }
0x92: {  	v23 =	vor.u32 v1, v17;
	_ =	swait.ge [sflag:s7], $0x4000  }
0x93: {  	v17 =	vor.u32 v3, v17;
	[sflag:s7] =	ssyncset.done $0x0  }
0x94: {  	s16 =	simm.s32 $0x1;
	[sflag:s7] =	ssyncadd.s32 $0xFFFFC000  }
0x95: {  	v21 =	vadd.s32 s16, v0;
	v26 =	vld.idx.msk [tilespmem:v19+s18+$0x0], $0xffff  }
0x96: {  	v18 =	vor.u32 v2, v21;
	v31 =	vld.idx.msk [tilespmem:v20+s0+$0x0], $0xffff  }
0x97: {  	v22 =	vor.u32 v4, v21;
	v32 =	vld.idx.msk [tilespmem:v23+s18+$0x0], $0xffff  }
0x98: {  	v21 =	vand.u32 $0x3F, v21;
	v34 =	vld.idx.msk [tilespmem:v17+s0+$0x0], $0xffff  }
0x99: {  	v20 =	vor.u32 v1, v21  }
0x9a: {  	s22 =	simm.s32 $0x2;
	v24 =	vor.u32 v3, v21;
	v28 =	vld.idx.msk [tilespmem:v19+s0+$0x0], $0xffff  }
0x9b: {  	v33 =	vadd.s32 s22, v0;
	v19 =	vld.idx.msk [tilespmem:v18+s18+$0x0], $0xffff  }
0x9c: {  	v21 =	vld.idx.msk [tilespmem:v22+s0+$0x0], $0xffff;
	v22 =	vor.u32 v2, v33  }
0x9d: {  	v27 =	vor.u32 v4, v33;
	v25 =	vld.idx.msk [tilespmem:v23+s0+$0x0], $0xffff;
	v29 =	vmul.f32 v34, v32;
	v30 =	vmul.f32 v31, v26  }
0x9e: {  	v33 =	vand.u32 $0x3F, v33;
	v23 =	vld.idx.msk [tilespmem:v20+s18+$0x0], $0xffff;
	v31 =	vmul.f32 v31, v32;
	v32 =	vmul.f32 v34, v26  }
0x9f: {  	s14 =	simm.s32 $0x3;
	v17 =	vimm.f32 $0.0e+00;
	v24 =	vld.idx.msk [tilespmem:v24+s0+$0x0], $0xffff;
	v26 =	vor.u32 v1, v33  }
.LBB2_2:
0xa0: {  	p0 =	sne.s32 s14, $0x3F;
	v34 =	vor.u32 v3, v33;
	v35 =	vld.idx.msk [tilespmem:v18+s0+$0x0], $0xffff;
	v29 =	vadd.f32 v30, v29;
	v30 =	vsub.f32 v31, v32  }
0xa1: {  	v32 =	vmov v19;
	v31 =	vmov v21;
	v18 =	vmov v22;
	v19 =	vld.idx.msk [tilespmem:v22+s18+$0x0], $0xffff  }
.Ltmp0:
0xa2: {  	v33 =	vadd.s32 s14, v0;
	v21 =	vld.idx.msk [tilespmem:v27+s0+$0x0], $0xffff;
	v36 =	vmul.f32 v29, v25;
	v28 =	vmul.f32 v30, v28;
	(pc) =	sbr.rel @p0 .LBB2_2-.Ltmp0, $4  }
0xa3: {  	v22 =	vor.u32 v2, v33;
	v27 =	vor.u32 v4, v33;
	v37 =	vmovc v23;
	v25 =	vld.idx.msk [tilespmem:v20+s0+$0x0], $0xffff;
	v20 =	vmov v26  }
0xa4: {  	v30 =	vmul.f32 v31, v32;
	v29 =	vmul.f32 v24, v37;
	v23 =	vld.idx.msk [tilespmem:v26+s18+$0x0], $0xffff;
	v36 =	vadd.f32 v28, v36  }
0xa5: {  	v33 =	vand.u32 $0x3F, v33;
	v31 =	vmul.f32 v31, v37;
	v32 =	vmul.f32 v24, v32;
	v24 =	vld.idx.msk [tilespmem:v34+s0+$0x0], $0xffff  }
0xa6: {  	s14 =	sadd.s32 $0x1, s14;
	v26 =	vor.u32 v1, v33;
	v17 =	vadd.f32 v36, v17;
	v28 =	vmov v35  }
0xa7: {  	_ =	sdelay $0x1  }
0xa8: {  	v33 =	vor.u32 v3, v33;
	_ =	sdelay $0x1  }
0xa9: {  	v34 =	vld.idx.msk [tilespmem:v22+s18+$0x0], $0xffff  }
0xaa: {  	v27 =	vld.idx.msk [tilespmem:v27+s0+$0x0], $0xffff;
	v29 =	vadd.f32 v30, v29;
	v30 =	vsub.f32 v31, v32  }
0xab: {  	v35 =	vld.idx.msk [tilespmem:v26+s18+$0x0], $0xffff  }
0xac: {  	v25 =	vmul.f32 v29, v25;
	v28 =	vmul.f32 v30, v28;
	v31 =	vld.idx.msk [tilespmem:v33+s0+$0x0], $0xffff  }
0xad: {  	v20 =	vld.idx.msk [tilespmem:v20+s0+$0x0], $0xffff;
	v30 =	vmul.f32 v21, v19;
	v29 =	vmul.f32 v24, v23  }
0xae: {  	v18 =	vld.idx.msk [tilespmem:v18+s0+$0x0], $0xffff;
	v21 =	vmul.f32 v21, v23;
	v19 =	vmul.f32 v24, v19  }
0xaf: {  	v22 =	vld.idx.msk [tilespmem:v22+s0+$0x0], $0xffff;
	v23 =	vadd.f32 v30, v29  }
0xb0: {  	v24 =	vld.idx.msk [tilespmem:v26+s0+$0x0], $0xffff;
	v29 =	vmul.f32 v27, v34;
	v19 =	vsub.f32 v21, v19;
	v21 =	vmul.f32 v27, v35  }
0xb1: {  	v26 =	vmul.f32 v31, v35;
	v27 =	vmul.f32 v31, v34  }
0xb2: {  	v25 =	vadd.f32 v28, v25;
	v20 =	vmul.f32 v23, v20  }
0xb3: {  	v18 =	vmul.f32 v19, v18;
	v19 =	vadd.f32 v29, v26;
	v21 =	vsub.f32 v21, v27  }
0xb4: {  	v17 =	vadd.f32 v25, v17  }
0xb5: {  	s14 =	simm.s32 $0x0;
	v18 =	vadd.f32 v18, v20;
	v19 =	vmul.f32 v19, v24;
	v20 =	vmul.f32 v21, v22  }
0xb6: {  	v21 =	vadd.s32 s14, v0  }
0xb7: {  	v17 =	vadd.f32 v18, v17;
	v18 =	vadd.f32 v20, v19;
	v19 =	vor.u32 v6, v21  }
0xb8: {  	v20 =	vor.u32 v8, v21;
	v21 =	vand.u32 $0x3F, v21  }
0xb9: {  	v23 =	vor.u32 v5, v21;
	v17 =	vadd.f32 v18, v17  }
0xba: {  	v21 =	vor.u32 v7, v21  }
0xbb: {  	s16 =	simm.s32 $0x1;
	[tilespmem:$0x18600] =	vst v17  }
0xbc: {  	v17 =	vadd.s32 s16, v0;
	v26 =	vld.idx.msk [tilespmem:v19+s18+$0x0], $0xffff  }
0xbd: {  	v18 =	vor.u32 v6, v17;
	v31 =	vld.idx.msk [tilespmem:v20+s0+$0x0], $0xffff  }
0xbe: {  	v22 =	vor.u32 v8, v17;
	v61 =	vld.idx.msk [tilespmem:v23+s18+$0x0], $0xffff  }
0xbf: {  	v17 =	vand.u32 $0x3F, v17;
	v62 =	vld.idx.msk [tilespmem:v21+s0+$0x0], $0xffff  }
0xc0: {  	v20 =	vor.u32 v5, v17  }
0xc1: {  	s22 =	simm.s32 $0x2;
	v28 =	vld.idx.msk [tilespmem:v19+s0+$0x0], $0xffff;
	v24 =	vor.u32 v7, v17  }
0xc2: {  	v63 =	vadd.s32 s22, v0;
	v19 =	vld.idx.msk [tilespmem:v18+s18+$0x0], $0xffff  }
0xc3: {  	v21 =	vld.idx.msk [tilespmem:v22+s0+$0x0], $0xffff;
	v22 =	vor.u32 v6, v63  }
0xc4: {  	v27 =	vor.u32 v8, v63;
	v25 =	vld.idx.msk [tilespmem:v23+s0+$0x0], $0xffff;
	v30 =	vmul.f32 v31, v26;
	v29 =	vmul.f32 v62, v61  }
0xc5: {  	v33 =	vand.u32 $0x3F, v63;
	v23 =	vld.idx.msk [tilespmem:v20+s18+$0x0], $0xffff;
	v31 =	vmul.f32 v31, v61;
	v32 =	vmul.f32 v62, v26  }
0xc6: {  	s14 =	simm.s32 $0x3;
	v17 =	vimm.f32 $0.0e+00;
	v24 =	vld.idx.msk [tilespmem:v24+s0+$0x0], $0xffff;
	v26 =	vor.u32 v5, v33  }
.LBB2_4:
0xc7: {  	p0 =	sne.s32 s14, $0x3F;
	v34 =	vor.u32 v7, v33;
	v35 =	vld.idx.msk [tilespmem:v18+s0+$0x0], $0xffff;
	v29 =	vadd.f32 v30, v29;
	v30 =	vsub.f32 v31, v32  }
0xc8: {  	v32 =	vmov v19;
	v31 =	vmov v21;
	v18 =	vmov v22;
	v19 =	vld.idx.msk [tilespmem:v22+s18+$0x0], $0xffff  }
.Ltmp1:
0xc9: {  	v33 =	vadd.s32 s14, v0;
	v21 =	vld.idx.msk [tilespmem:v27+s0+$0x0], $0xffff;
	v36 =	vmul.f32 v29, v25;
	v28 =	vmul.f32 v30, v28;
	(pc) =	sbr.rel @p0 .LBB2_4-.Ltmp1, $4  }
0xca: {  	v22 =	vor.u32 v6, v33;
	v27 =	vor.u32 v8, v33;
	v37 =	vmovc v23;
	v25 =	vld.idx.msk [tilespmem:v20+s0+$0x0], $0xffff;
	v20 =	vmov v26  }
0xcb: {  	v30 =	vmul.f32 v31, v32;
	v29 =	vmul.f32 v24, v37;
	v23 =	vld.idx.msk [tilespmem:v26+s18+$0x0], $0xffff;
	v36 =	vadd.f32 v28, v36  }
0xcc: {  	v33 =	vand.u32 $0x3F, v33;
	v31 =	vmul.f32 v31, v37;
	v32 =	vmul.f32 v24, v32;
	v24 =	vld.idx.msk [tilespmem:v34+s0+$0x0], $0xffff  }
0xcd: {  	s14 =	sadd.s32 $0x1, s14;
	v26 =	vor.u32 v5, v33;
	v17 =	vadd.f32 v36, v17;
	v28 =	vmov v35  }
0xce: {  	_ =	sdelay $0x1  }
0xcf: {  	v33 =	vor.u32 v7, v33;
	_ =	sdelay $0x1  }
0xd0: {  	v34 =	vld.idx.msk [tilespmem:v22+s18+$0x0], $0xffff  }
0xd1: {  	v27 =	vld.idx.msk [tilespmem:v27+s0+$0x0], $0xffff;
	v29 =	vadd.f32 v30, v29;
	v30 =	vsub.f32 v31, v32  }
0xd2: {  	v35 =	vld.idx.msk [tilespmem:v26+s18+$0x0], $0xffff  }
0xd3: {  	v25 =	vmul.f32 v29, v25;
	v28 =	vmul.f32 v30, v28;
	v31 =	vld.idx.msk [tilespmem:v33+s0+$0x0], $0xffff  }
0xd4: {  	v20 =	vld.idx.msk [tilespmem:v20+s0+$0x0], $0xffff;
	v30 =	vmul.f32 v21, v19;
	v29 =	vmul.f32 v24, v23  }
0xd5: {  	v18 =	vld.idx.msk [tilespmem:v18+s0+$0x0], $0xffff;
	v21 =	vmul.f32 v21, v23;
	v19 =	vmul.f32 v24, v19  }
0xd6: {  	v22 =	vld.idx.msk [tilespmem:v22+s0+$0x0], $0xffff;
	v23 =	vadd.f32 v30, v29  }
0xd7: {  	v24 =	vld.idx.msk [tilespmem:v26+s0+$0x0], $0xffff;
	v29 =	vmul.f32 v27, v34;
	v19 =	vsub.f32 v21, v19;
	v21 =	vmul.f32 v27, v35  }
0xd8: {  	v26 =	vmul.f32 v31, v35;
	v27 =	vmul.f32 v31, v34  }
0xd9: {  	v25 =	vadd.f32 v28, v25;
	v20 =	vmul.f32 v23, v20  }
0xda: {  	v18 =	vmul.f32 v19, v18;
	v19 =	vadd.f32 v29, v26;
	v21 =	vsub.f32 v21, v27  }
0xdb: {  	v17 =	vadd.f32 v25, v17  }
0xdc: {  	s14 =	simm.s32 $0x0;
	v18 =	vadd.f32 v18, v20;
	v19 =	vmul.f32 v19, v24;
	v20 =	vmul.f32 v21, v22  }
0xdd: {  	v21 =	vadd.s32 s14, v0  }
0xde: {  	v17 =	vadd.f32 v18, v17;
	v18 =	vadd.f32 v20, v19;
	v19 =	vor.u32 v10, v21  }
0xdf: {  	v20 =	vor.u32 v12, v21;
	v21 =	vand.u32 $0x3F, v21  }
0xe0: {  	v23 =	vor.u32 v9, v21;
	v17 =	vadd.f32 v18, v17  }
0xe1: {  	v21 =	vor.u32 v11, v21  }
0xe2: {  	s16 =	simm.s32 $0x1;
	[tilespmem:$0x18610] =	vst v17  }
0xe3: {  	v17 =	vadd.s32 s16, v0;
	v26 =	vld.idx.msk [tilespmem:v19+s18+$0x0], $0xffff  }
0xe4: {  	v18 =	vor.u32 v10, v17;
	v31 =	vld.idx.msk [tilespmem:v20+s0+$0x0], $0xffff  }
0xe5: {  	v22 =	vor.u32 v12, v17;
	v61 =	vld.idx.msk [tilespmem:v23+s18+$0x0], $0xffff  }
0xe6: {  	v17 =	vand.u32 $0x3F, v17;
	v62 =	vld.idx.msk [tilespmem:v21+s0+$0x0], $0xffff  }
0xe7: {  	v20 =	vor.u32 v9, v17  }
0xe8: {  	s22 =	simm.s32 $0x2;
	v28 =	vld.idx.msk [tilespmem:v19+s0+$0x0], $0xffff;
	v24 =	vor.u32 v11, v17  }
0xe9: {  	v63 =	vadd.s32 s22, v0;
	v19 =	vld.idx.msk [tilespmem:v18+s18+$0x0], $0xffff  }
0xea: {  	v21 =	vld.idx.msk [tilespmem:v22+s0+$0x0], $0xffff;
	v22 =	vor.u32 v10, v63  }
0xeb: {  	v27 =	vor.u32 v12, v63;
	v25 =	vld.idx.msk [tilespmem:v23+s0+$0x0], $0xffff;
	v30 =	vmul.f32 v31, v26;
	v29 =	vmul.f32 v62, v61  }
0xec: {  	v33 =	vand.u32 $0x3F, v63;
	v23 =	vld.idx.msk [tilespmem:v20+s18+$0x0], $0xffff;
	v31 =	vmul.f32 v31, v61;
	v32 =	vmul.f32 v62, v26  }
0xed: {  	s14 =	simm.s32 $0x3;
	v17 =	vimm.f32 $0.0e+00;
	v24 =	vld.idx.msk [tilespmem:v24+s0+$0x0], $0xffff;
	v26 =	vor.u32 v9, v33  }
.LBB2_6:
0xee: {  	p0 =	sne.s32 s14, $0x3F;
	v34 =	vor.u32 v11, v33;
	v35 =	vld.idx.msk [tilespmem:v18+s0+$0x0], $0xffff;
	v29 =	vadd.f32 v30, v29;
	v30 =	vsub.f32 v31, v32  }
0xef: {  	v32 =	vmov v19;
	v31 =	vmov v21;
	v18 =	vmov v22;
	v19 =	vld.idx.msk [tilespmem:v22+s18+$0x0], $0xffff  }
.Ltmp2:
0xf0: {  	v33 =	vadd.s32 s14, v0;
	v21 =	vld.idx.msk [tilespmem:v27+s0+$0x0], $0xffff;
	v36 =	vmul.f32 v29, v25;
	v28 =	vmul.f32 v30, v28;
	(pc) =	sbr.rel @p0 .LBB2_6-.Ltmp2, $4  }
0xf1: {  	v22 =	vor.u32 v10, v33;
	v27 =	vor.u32 v12, v33;
	v37 =	vmovc v23;
	v25 =	vld.idx.msk [tilespmem:v20+s0+$0x0], $0xffff;
	v20 =	vmov v26  }
0xf2: {  	v30 =	vmul.f32 v31, v32;
	v29 =	vmul.f32 v24, v37;
	v23 =	vld.idx.msk [tilespmem:v26+s18+$0x0], $0xffff;
	v36 =	vadd.f32 v28, v36  }
0xf3: {  	v33 =	vand.u32 $0x3F, v33;
	v31 =	vmul.f32 v31, v37;
	v32 =	vmul.f32 v24, v32;
	v24 =	vld.idx.msk [tilespmem:v34+s0+$0x0], $0xffff  }
0xf4: {  	s14 =	sadd.s32 $0x1, s14;
	v26 =	vor.u32 v9, v33;
	v17 =	vadd.f32 v36, v17;
	v28 =	vmov v35  }
0xf5: {  	_ =	sdelay $0x1  }
0xf6: {  	v33 =	vor.u32 v11, v33;
	_ =	sdelay $0x1  }
0xf7: {  	v34 =	vld.idx.msk [tilespmem:v22+s18+$0x0], $0xffff  }
0xf8: {  	v27 =	vld.idx.msk [tilespmem:v27+s0+$0x0], $0xffff;
	v29 =	vadd.f32 v30, v29;
	v30 =	vsub.f32 v31, v32  }
0xf9: {  	v35 =	vld.idx.msk [tilespmem:v26+s18+$0x0], $0xffff  }
0xfa: {  	v25 =	vmul.f32 v29, v25;
	v28 =	vmul.f32 v30, v28;
	v31 =	vld.idx.msk [tilespmem:v33+s0+$0x0], $0xffff  }
0xfb: {  	v20 =	vld.idx.msk [tilespmem:v20+s0+$0x0], $0xffff;
	v30 =	vmul.f32 v21, v19;
	v29 =	vmul.f32 v24, v23  }
0xfc: {  	v18 =	vld.idx.msk [tilespmem:v18+s0+$0x0], $0xffff;
	v21 =	vmul.f32 v21, v23;
	v19 =	vmul.f32 v24, v19  }
0xfd: {  	v22 =	vld.idx.msk [tilespmem:v22+s0+$0x0], $0xffff;
	v23 =	vadd.f32 v30, v29  }
0xfe: {  	v24 =	vld.idx.msk [tilespmem:v26+s0+$0x0], $0xffff;
	v29 =	vmul.f32 v27, v34;
	v19 =	vsub.f32 v21, v19;
	v21 =	vmul.f32 v27, v35  }
0xff: {  	v26 =	vmul.f32 v31, v35;
	v27 =	vmul.f32 v31, v34  }
0x100: {  	v25 =	vadd.f32 v28, v25;
	v20 =	vmul.f32 v23, v20  }
0x101: {  	v18 =	vmul.f32 v19, v18;
	v19 =	vadd.f32 v29, v26;
	v21 =	vsub.f32 v21, v27  }
0x102: {  	v17 =	vadd.f32 v25, v17  }
0x103: {  	s14 =	simm.s32 $0x0;
	v18 =	vadd.f32 v18, v20;
	v19 =	vmul.f32 v19, v24;
	v20 =	vmul.f32 v21, v22  }
0x104: {  	v21 =	vadd.s32 s14, v0  }
0x105: {  	v17 =	vadd.f32 v18, v17;
	v18 =	vadd.f32 v20, v19;
	v19 =	vor.u32 v14, v21  }
0x106: {  	v20 =	vor.u32 v16, v21;
	v21 =	vand.u32 $0x3F, v21  }
0x107: {  	v23 =	vor.u32 v13, v21;
	v17 =	vadd.f32 v18, v17  }
0x108: {  	v21 =	vor.u32 v15, v21  }
0x109: {  	s16 =	simm.s32 $0x1;
	[tilespmem:$0x18620] =	vst v17  }
0x10a: {  	v17 =	vadd.s32 s16, v0;
	v26 =	vld.idx.msk [tilespmem:v19+s18+$0x0], $0xffff  }
0x10b: {  	v18 =	vor.u32 v14, v17;
	v31 =	vld.idx.msk [tilespmem:v20+s0+$0x0], $0xffff  }
0x10c: {  	v22 =	vor.u32 v16, v17;
	v61 =	vld.idx.msk [tilespmem:v23+s18+$0x0], $0xffff  }
0x10d: {  	v17 =	vand.u32 $0x3F, v17;
	v62 =	vld.idx.msk [tilespmem:v21+s0+$0x0], $0xffff  }
0x10e: {  	v20 =	vor.u32 v13, v17  }
0x10f: {  	s22 =	simm.s32 $0x2;
	v28 =	vld.idx.msk [tilespmem:v19+s0+$0x0], $0xffff;
	v24 =	vor.u32 v15, v17  }
0x110: {  	v63 =	vadd.s32 s22, v0;
	v19 =	vld.idx.msk [tilespmem:v18+s18+$0x0], $0xffff  }
0x111: {  	v21 =	vld.idx.msk [tilespmem:v22+s0+$0x0], $0xffff;
	v22 =	vor.u32 v14, v63  }
0x112: {  	v27 =	vor.u32 v16, v63;
	v25 =	vld.idx.msk [tilespmem:v23+s0+$0x0], $0xffff;
	v30 =	vmul.f32 v31, v26;
	v29 =	vmul.f32 v62, v61  }
0x113: {  	v33 =	vand.u32 $0x3F, v63;
	v23 =	vld.idx.msk [tilespmem:v20+s18+$0x0], $0xffff;
	v31 =	vmul.f32 v31, v61;
	v32 =	vmul.f32 v62, v26  }
0x114: {  	s14 =	simm.s32 $0x3;
	v17 =	vimm.f32 $0.0e+00;
	v24 =	vld.idx.msk [tilespmem:v24+s0+$0x0], $0xffff;
	v26 =	vor.u32 v13, v33  }
.LBB2_8:
0x115: {  	p0 =	sne.s32 s14, $0x3F;
	v34 =	vor.u32 v15, v33;
	v35 =	vld.idx.msk [tilespmem:v18+s0+$0x0], $0xffff;
	v29 =	vadd.f32 v30, v29;
	v30 =	vsub.f32 v31, v32  }
0x116: {  	v32 =	vmov v19;
	v31 =	vmov v21;
	v18 =	vmov v22;
	v19 =	vld.idx.msk [tilespmem:v22+s18+$0x0], $0xffff  }
.Ltmp3:
0x117: {  	v33 =	vadd.s32 s14, v0;
	v21 =	vld.idx.msk [tilespmem:v27+s0+$0x0], $0xffff;
	v36 =	vmul.f32 v29, v25;
	v28 =	vmul.f32 v30, v28;
	(pc) =	sbr.rel @p0 .LBB2_8-.Ltmp3, $4  }
0x118: {  	v22 =	vor.u32 v14, v33;
	v27 =	vor.u32 v16, v33;
	v37 =	vmovc v23;
	v25 =	vld.idx.msk [tilespmem:v20+s0+$0x0], $0xffff;
	v20 =	vmov v26  }
0x119: {  	v30 =	vmul.f32 v31, v32;
	v29 =	vmul.f32 v24, v37;
	v23 =	vld.idx.msk [tilespmem:v26+s18+$0x0], $0xffff;
	v36 =	vadd.f32 v28, v36  }
0x11a: {  	v33 =	vand.u32 $0x3F, v33;
	v31 =	vmul.f32 v31, v37;
	v32 =	vmul.f32 v24, v32;
	v24 =	vld.idx.msk [tilespmem:v34+s0+$0x0], $0xffff  }
0x11b: {  	s14 =	sadd.s32 $0x1, s14;
	v26 =	vor.u32 v13, v33;
	v17 =	vadd.f32 v36, v17;
	v28 =	vmov v35  }
0x11c: {  	_ =	sdelay $0x1  }
0x11d: {  	v33 =	vor.u32 v15, v33;
	_ =	sdelay $0x1  }
0x11e: {  	v34 =	vld.idx.msk [tilespmem:v22+s18+$0x0], $0xffff  }
0x11f: {  	v27 =	vld.idx.msk [tilespmem:v27+s0+$0x0], $0xffff;
	v29 =	vadd.f32 v30, v29;
	v30 =	vsub.f32 v31, v32  }
0x120: {  	v35 =	vld.idx.msk [tilespmem:v26+s18+$0x0], $0xffff  }
0x121: {  	v25 =	vmul.f32 v29, v25;
	v28 =	vmul.f32 v30, v28;
	v31 =	vld.idx.msk [tilespmem:v33+s0+$0x0], $0xffff  }
0x122: {  	v20 =	vld.idx.msk [tilespmem:v20+s0+$0x0], $0xffff;
	v30 =	vmul.f32 v21, v19;
	v29 =	vmul.f32 v24, v23  }
0x123: {  	v18 =	vld.idx.msk [tilespmem:v18+s0+$0x0], $0xffff;
	v21 =	vmul.f32 v21, v23;
	v19 =	vmul.f32 v24, v19  }
0x124: {  	v22 =	vld.idx.msk [tilespmem:v22+s0+$0x0], $0xffff;
	v23 =	vadd.f32 v30, v29  }
0x125: {  	v24 =	vld.idx.msk [tilespmem:v26+s0+$0x0], $0xffff;
	v29 =	vmul.f32 v27, v34;
	v19 =	vsub.f32 v21, v19;
	v21 =	vmul.f32 v27, v35  }
0x126: {  	v26 =	vmul.f32 v31, v35;
	v27 =	vmul.f32 v31, v34  }
0x127: {  	v25 =	vadd.f32 v28, v25;
	v20 =	vmul.f32 v23, v20  }
0x128: {  	v18 =	vmul.f32 v19, v18;
	v19 =	vadd.f32 v29, v26;
	v21 =	vsub.f32 v21, v27  }
0x129: {  	v17 =	vadd.f32 v25, v17  }
0x12a: {  	v18 =	vadd.f32 v18, v20;
	v19 =	vmul.f32 v19, v24;
	v20 =	vmul.f32 v21, v22;
	_ =	sdelay $0x1  }
0x12b: {  	v17 =	vadd.f32 v18, v17;
	v18 =	vadd.f32 v20, v19;
	_ =	sdelay $0x1  }
0x12c: {  	s14 =	simm.s32 $0x0;
	v17 =	vadd.f32 v18, v17  }
0x12d: {  	v18 =	vadd.s32 s14, v0  }
0x12e: {  	[tilespmem:$0x18630] =	vst v17;
	v17 =	vor.u32 v4, v18  }
0x12f: {  	v19 =	vand.u32 $0x3F, v18;
	[tilespmem:s0], [sflag:$0x2] =	stream.indirect.gather [hbm4b:s1+s29], $0x80, s17, s29, $0xb8;
	[tilespmem:$0x18800] =	vst v63  }
0x130: {  	v20 =	vor.u32 v3, v19;
	_ =	swait.ge [sflag:s8], $0x4000  }
0x131: {  	s17 =	simm.s32 $0x1;
	[sflag:s8] =	ssyncset.done $0x0  }
0x132: {  	v18 =	vor.u32 v2, v18;
	v21 =	vadd.s32 s17, v0;
	[sflag:s8] =	ssyncadd.s32 $0xFFFFC000  }
0x133: {  	v22 =	vor.u32 v4, v21;
	v29 =	vld.idx.msk [tilespmem:v17+s18+$0x0], $0xffff  }
0x134: {  	v60 =	vld.idx.msk [tilespmem:v17+s30+$0x0], $0xffff  }
0x135: {  	v61 =	vld.idx.msk [tilespmem:v20+s18+$0x0], $0xffff  }
0x136: {  	v23 =	vor.u32 v1, v19;
	v28 =	vand.u32 $0x3F, v21;
	v62 =	vld.idx.msk [tilespmem:v20+s30+$0x0], $0xffff  }
0x137: {  	v63 =	vor.u32 v3, v28;
	v26 =	vld.idx.msk [tilespmem:v18+s30+$0x0], $0xffff  }
0x138: {  	s22 =	simm.s32 $0x2;
	v18 =	vld.idx.msk [tilespmem:v22+s18+$0x0], $0xffff  }
0x139: {  	v24 =	vadd.s32 s22, v0;
	v19 =	vld.idx.msk [tilespmem:v22+s30+$0x0], $0xffff;
	v22 =	vor.u32 v2, v21  }
0x13a: {  	v27 =	vor.u32 v4, v24  }
0x13b: {  	v25 =	vand.u32 $0x3F, v24;
	v23 =	vld.idx.msk [tilespmem:v23+s30+$0x0], $0xffff;
	v30 =	vmul.f32 v62, v61;
	v31 =	vmul.f32 v60, v29  }
0x13c: {  	v28 =	vor.u32 v1, v28;
	v20 =	vld.idx.msk [tilespmem:v63+s18+$0x0], $0xffff;
	v32 =	vmul.f32 v60, v61;
	v33 =	vmul.f32 v62, v29  }
0x13d: {  	s14 =	simm.s32 $0x3;
	v17 =	vimm.f32 $0.0e+00;
	v21 =	vld.idx.msk [tilespmem:v63+s30+$0x0], $0xffff;
	v29 =	vor.u32 v3, v25  }
.LBB2_10:
0x13e: {  	p0 =	sne.s32 s14, $0x3F;
	v34 =	vld.idx.msk [tilespmem:v22+s30+$0x0], $0xffff;
	v30 =	vadd.f32 v31, v30;
	v31 =	vsub.f32 v32, v33;
	v33 =	vmov v18  }
0x13f: {  	v38 =	vadd.s32 s14, v0;
	v35 =	vmov v19;
	v18 =	vld.idx.msk [tilespmem:v27+s18+$0x0], $0xffff  }
.Ltmp4:
0x140: {  	v22 =	vor.u32 v2, v24;
	v19 =	vld.idx.msk [tilespmem:v27+s30+$0x0], $0xffff;
	v36 =	vmul.f32 v30, v23;
	v26 =	vmul.f32 v31, v26;
	(pc) =	sbr.rel @p0 .LBB2_10-.Ltmp4, $4  }
0x141: {  	v37 =	vand.u32 $0x3F, v38;
	v24 =	vmovc v38;
	v27 =	vor.u32 v4, v38;
	v32 =	vmov v20;
	v23 =	vld.idx.msk [tilespmem:v28+s30+$0x0], $0xffff  }
0x142: {  	v31 =	vmul.f32 v35, v33;
	v30 =	vmul.f32 v21, v32;
	v20 =	vld.idx.msk [tilespmem:v29+s18+$0x0], $0xffff;
	v36 =	vadd.f32 v26, v36  }
0x143: {  	v28 =	vor.u32 v1, v25;
	v32 =	vmul.f32 v35, v32;
	v33 =	vmul.f32 v21, v33;
	v21 =	vld.idx.msk [tilespmem:v29+s30+$0x0], $0xffff  }
0x144: {  	s14 =	sadd.s32 $0x1, s14;
	v25 =	vmovc v37;
	v29 =	vor.u32 v3, v37;
	v17 =	vadd.f32 v36, v17;
	v26 =	vmov v34  }
0x145: {  	_ =	sdelay $0x3  }
0x146: {  	v34 =	vld.idx.msk [tilespmem:v27+s18+$0x0], $0xffff  }
0x147: {  	v27 =	vld.idx.msk [tilespmem:v27+s30+$0x0], $0xffff  }
0x148: {  	v24 =	vor.u32 v2, v24;
	v35 =	vld.idx.msk [tilespmem:v29+s18+$0x0], $0xffff  }
0x149: {  	v30 =	vadd.f32 v31, v30;
	v31 =	vsub.f32 v32, v33;
	v25 =	vor.u32 v1, v25;
	v29 =	vld.idx.msk [tilespmem:v29+s30+$0x0], $0xffff;
	_ =	sdelay $0x1  }
0x14a: {  	v28 =	vld.idx.msk [tilespmem:v28+s30+$0x0], $0xffff;
	v23 =	vmul.f32 v30, v23;
	v26 =	vmul.f32 v31, v26  }
0x14b: {  	v22 =	vld.idx.msk [tilespmem:v22+s30+$0x0], $0xffff;
	v31 =	vmul.f32 v19, v18;
	v30 =	vmul.f32 v21, v20  }
0x14c: {  	v19 =	vmul.f32 v19, v20;
	v18 =	vmul.f32 v21, v18;
	v20 =	vld.idx.msk [tilespmem:v24+s30+$0x0], $0xffff  }
0x14d: {  	v21 =	vadd.f32 v31, v30;
	v24 =	vld.idx.msk [tilespmem:v25+s30+$0x0], $0xffff;
	v25 =	vmul.f32 v29, v35;
	v30 =	vmul.f32 v27, v34  }
0x14e: {  	v18 =	vsub.f32 v19, v18;
	v19 =	vmul.f32 v27, v35;
	v27 =	vmul.f32 v29, v34  }
0x14f: {  	v23 =	vadd.f32 v26, v23;
	v21 =	vmul.f32 v21, v28  }
0x150: {  	v18 =	vmul.f32 v18, v22;
	v22 =	vadd.f32 v30, v25;
	v19 =	vsub.f32 v19, v27  }
0x151: {  	v17 =	vadd.f32 v23, v17  }
0x152: {  	s14 =	simm.s32 $0x0;
	v18 =	vadd.f32 v18, v21;
	v21 =	vmul.f32 v22, v24;
	v19 =	vmul.f32 v19, v20  }
0x153: {  	v20 =	vadd.s32 s14, v0  }
0x154: {  	v17 =	vadd.f32 v18, v17;
	v18 =	vadd.f32 v19, v21;
	v19 =	vor.u32 v8, v20  }
0x155: {  	v21 =	vand.u32 $0x3F, v20  }
0x156: {  	v17 =	vadd.f32 v18, v17;
	v18 =	vor.u32 v7, v21;
	_ =	sdelay $0x1  }
0x157: {  	s17 =	simm.s32 $0x1;
	[tilespmem:$0x18640] =	vst v17  }
0x158: {  	v22 =	vadd.s32 s17, v0;
	v21 =	vor.u32 v5, v21;
	v29 =	vld.idx.msk [tilespmem:v19+s18+$0x0], $0xffff  }
0x159: {  	v17 =	vor.u32 v6, v20;
	v20 =	vor.u32 v8, v22;
	v60 =	vld.idx.msk [tilespmem:v19+s30+$0x0], $0xffff  }
0x15a: {  	v61 =	vld.idx.msk [tilespmem:v18+s18+$0x0], $0xffff  }
0x15b: {  	v28 =	vand.u32 $0x3F, v22;
	v62 =	vld.idx.msk [tilespmem:v18+s30+$0x0], $0xffff  }
0x15c: {  	v63 =	vor.u32 v7, v28  }
0x15d: {  	s22 =	simm.s32 $0x2;
	v23 =	vld.idx.msk [tilespmem:v21+s30+$0x0], $0xffff  }
0x15e: {  	v24 =	vadd.s32 s22, v0;
	v22 =	vor.u32 v6, v22;
	v18 =	vld.idx.msk [tilespmem:v20+s18+$0x0], $0xffff  }
0x15f: {  	v27 =	vor.u32 v8, v24;
	v19 =	vld.idx.msk [tilespmem:v20+s30+$0x0], $0xffff  }
0x160: {  	v25 =	vand.u32 $0x3F, v24;
	v26 =	vld.idx.msk [tilespmem:v17+s30+$0x0], $0xffff;
	v31 =	vmul.f32 v60, v29;
	v30 =	vmul.f32 v62, v61  }
0x161: {  	v28 =	vor.u32 v5, v28;
	v20 =	vld.idx.msk [tilespmem:v63+s18+$0x0], $0xffff;
	v32 =	vmul.f32 v60, v61;
	v33 =	vmul.f32 v62, v29  }
0x162: {  	s14 =	simm.s32 $0x3;
	v21 =	vld.idx.msk [tilespmem:v63+s30+$0x0], $0xffff;
	v17 =	vimm.f32 $0.0e+00;
	v29 =	vor.u32 v7, v25  }
.LBB2_12:
0x163: {  	p0 =	sne.s32 s14, $0x3F;
	v34 =	vld.idx.msk [tilespmem:v22+s30+$0x0], $0xffff;
	v30 =	vadd.f32 v31, v30;
	v31 =	vsub.f32 v32, v33;
	v33 =	vmov v18  }
0x164: {  	v38 =	vadd.s32 s14, v0;
	v35 =	vmov v19;
	v18 =	vld.idx.msk [tilespmem:v27+s18+$0x0], $0xffff  }
.Ltmp5:
0x165: {  	v22 =	vor.u32 v6, v24;
	v19 =	vld.idx.msk [tilespmem:v27+s30+$0x0], $0xffff;
	v36 =	vmul.f32 v30, v23;
	v26 =	vmul.f32 v31, v26;
	(pc) =	sbr.rel @p0 .LBB2_12-.Ltmp5, $4  }
0x166: {  	v37 =	vand.u32 $0x3F, v38;
	v24 =	vmovc v38;
	v27 =	vor.u32 v8, v38;
	v32 =	vmov v20;
	v23 =	vld.idx.msk [tilespmem:v28+s30+$0x0], $0xffff  }
0x167: {  	v31 =	vmul.f32 v35, v33;
	v30 =	vmul.f32 v21, v32;
	v20 =	vld.idx.msk [tilespmem:v29+s18+$0x0], $0xffff;
	v36 =	vadd.f32 v26, v36  }
0x168: {  	v28 =	vor.u32 v5, v25;
	v32 =	vmul.f32 v35, v32;
	v33 =	vmul.f32 v21, v33;
	v21 =	vld.idx.msk [tilespmem:v29+s30+$0x0], $0xffff  }
0x169: {  	s14 =	sadd.s32 $0x1, s14;
	v25 =	vmovc v37;
	v29 =	vor.u32 v7, v37;
	v17 =	vadd.f32 v36, v17;
	v26 =	vmov v34  }
0x16a: {  	_ =	sdelay $0x3  }
0x16b: {  	v34 =	vld.idx.msk [tilespmem:v27+s18+$0x0], $0xffff  }
0x16c: {  	v27 =	vld.idx.msk [tilespmem:v27+s30+$0x0], $0xffff  }
0x16d: {  	v24 =	vor.u32 v6, v24;
	v35 =	vld.idx.msk [tilespmem:v29+s18+$0x0], $0xffff  }
0x16e: {  	v30 =	vadd.f32 v31, v30;
	v31 =	vsub.f32 v32, v33;
	v25 =	vor.u32 v5, v25;
	v29 =	vld.idx.msk [tilespmem:v29+s30+$0x0], $0xffff;
	_ =	sdelay $0x1  }
0x16f: {  	v28 =	vld.idx.msk [tilespmem:v28+s30+$0x0], $0xffff;
	v23 =	vmul.f32 v30, v23;
	v26 =	vmul.f32 v31, v26  }
0x170: {  	v22 =	vld.idx.msk [tilespmem:v22+s30+$0x0], $0xffff;
	v31 =	vmul.f32 v19, v18;
	v30 =	vmul.f32 v21, v20  }
0x171: {  	v19 =	vmul.f32 v19, v20;
	v18 =	vmul.f32 v21, v18;
	v20 =	vld.idx.msk [tilespmem:v24+s30+$0x0], $0xffff  }
0x172: {  	v21 =	vadd.f32 v31, v30;
	v24 =	vld.idx.msk [tilespmem:v25+s30+$0x0], $0xffff;
	v25 =	vmul.f32 v29, v35;
	v30 =	vmul.f32 v27, v34  }
0x173: {  	v18 =	vsub.f32 v19, v18;
	v19 =	vmul.f32 v27, v35;
	v27 =	vmul.f32 v29, v34  }
0x174: {  	v23 =	vadd.f32 v26, v23;
	v21 =	vmul.f32 v21, v28  }
0x175: {  	v18 =	vmul.f32 v18, v22;
	v22 =	vadd.f32 v30, v25;
	v19 =	vsub.f32 v19, v27  }
0x176: {  	v17 =	vadd.f32 v23, v17  }
0x177: {  	s14 =	simm.s32 $0x0;
	v18 =	vadd.f32 v18, v21;
	v21 =	vmul.f32 v22, v24;
	v19 =	vmul.f32 v19, v20  }
0x178: {  	v20 =	vadd.s32 s14, v0  }
0x179: {  	v17 =	vadd.f32 v18, v17;
	v18 =	vadd.f32 v19, v21;
	v19 =	vor.u32 v12, v20  }
0x17a: {  	v21 =	vand.u32 $0x3F, v20  }
0x17b: {  	v17 =	vadd.f32 v18, v17;
	v18 =	vor.u32 v11, v21;
	_ =	sdelay $0x1  }
0x17c: {  	s17 =	simm.s32 $0x1;
	[tilespmem:$0x18650] =	vst v17  }
0x17d: {  	v22 =	vadd.s32 s17, v0;
	v21 =	vor.u32 v9, v21;
	v29 =	vld.idx.msk [tilespmem:v19+s18+$0x0], $0xffff  }
0x17e: {  	v17 =	vor.u32 v10, v20;
	v20 =	vor.u32 v12, v22;
	v60 =	vld.idx.msk [tilespmem:v19+s30+$0x0], $0xffff  }
0x17f: {  	v61 =	vld.idx.msk [tilespmem:v18+s18+$0x0], $0xffff  }
0x180: {  	v28 =	vand.u32 $0x3F, v22;
	v62 =	vld.idx.msk [tilespmem:v18+s30+$0x0], $0xffff  }
0x181: {  	v63 =	vor.u32 v11, v28  }
0x182: {  	s22 =	simm.s32 $0x2;
	v23 =	vld.idx.msk [tilespmem:v21+s30+$0x0], $0xffff  }
0x183: {  	v24 =	vadd.s32 s22, v0;
	v22 =	vor.u32 v10, v22;
	v18 =	vld.idx.msk [tilespmem:v20+s18+$0x0], $0xffff  }
0x184: {  	v27 =	vor.u32 v12, v24;
	v19 =	vld.idx.msk [tilespmem:v20+s30+$0x0], $0xffff  }
0x185: {  	v25 =	vand.u32 $0x3F, v24;
	v26 =	vld.idx.msk [tilespmem:v17+s30+$0x0], $0xffff;
	v31 =	vmul.f32 v60, v29;
	v30 =	vmul.f32 v62, v61  }
0x186: {  	v28 =	vor.u32 v9, v28;
	v20 =	vld.idx.msk [tilespmem:v63+s18+$0x0], $0xffff;
	v32 =	vmul.f32 v60, v61;
	v33 =	vmul.f32 v62, v29  }
0x187: {  	s14 =	simm.s32 $0x3;
	v21 =	vld.idx.msk [tilespmem:v63+s30+$0x0], $0xffff;
	v17 =	vimm.f32 $0.0e+00;
	v29 =	vor.u32 v11, v25  }
.LBB2_14:
0x188: {  	p0 =	sne.s32 s14, $0x3F;
	v34 =	vld.idx.msk [tilespmem:v22+s30+$0x0], $0xffff;
	v30 =	vadd.f32 v31, v30;
	v31 =	vsub.f32 v32, v33;
	v33 =	vmov v18  }
0x189: {  	v38 =	vadd.s32 s14, v0;
	v35 =	vmov v19;
	v18 =	vld.idx.msk [tilespmem:v27+s18+$0x0], $0xffff  }
.Ltmp6:
0x18a: {  	v22 =	vor.u32 v10, v24;
	v19 =	vld.idx.msk [tilespmem:v27+s30+$0x0], $0xffff;
	v36 =	vmul.f32 v30, v23;
	v26 =	vmul.f32 v31, v26;
	(pc) =	sbr.rel @p0 .LBB2_14-.Ltmp6, $4  }
0x18b: {  	v37 =	vand.u32 $0x3F, v38;
	v24 =	vmovc v38;
	v27 =	vor.u32 v12, v38;
	v32 =	vmov v20;
	v23 =	vld.idx.msk [tilespmem:v28+s30+$0x0], $0xffff  }
0x18c: {  	v31 =	vmul.f32 v35, v33;
	v30 =	vmul.f32 v21, v32;
	v20 =	vld.idx.msk [tilespmem:v29+s18+$0x0], $0xffff;
	v36 =	vadd.f32 v26, v36  }
0x18d: {  	v28 =	vor.u32 v9, v25;
	v32 =	vmul.f32 v35, v32;
	v33 =	vmul.f32 v21, v33;
	v21 =	vld.idx.msk [tilespmem:v29+s30+$0x0], $0xffff  }
0x18e: {  	s14 =	sadd.s32 $0x1, s14;
	v25 =	vmovc v37;
	v29 =	vor.u32 v11, v37;
	v17 =	vadd.f32 v36, v17;
	v26 =	vmov v34  }
0x18f: {  	_ =	sdelay $0x3  }
0x190: {  	v34 =	vld.idx.msk [tilespmem:v27+s18+$0x0], $0xffff  }
0x191: {  	v27 =	vld.idx.msk [tilespmem:v27+s30+$0x0], $0xffff  }
0x192: {  	v24 =	vor.u32 v10, v24;
	v35 =	vld.idx.msk [tilespmem:v29+s18+$0x0], $0xffff  }
0x193: {  	v30 =	vadd.f32 v31, v30;
	v31 =	vsub.f32 v32, v33;
	v25 =	vor.u32 v9, v25;
	v29 =	vld.idx.msk [tilespmem:v29+s30+$0x0], $0xffff;
	_ =	sdelay $0x1  }
0x194: {  	v28 =	vld.idx.msk [tilespmem:v28+s30+$0x0], $0xffff;
	v23 =	vmul.f32 v30, v23;
	v26 =	vmul.f32 v31, v26  }
0x195: {  	v22 =	vld.idx.msk [tilespmem:v22+s30+$0x0], $0xffff;
	v31 =	vmul.f32 v19, v18;
	v30 =	vmul.f32 v21, v20  }
0x196: {  	v19 =	vmul.f32 v19, v20;
	v18 =	vmul.f32 v21, v18;
	v20 =	vld.idx.msk [tilespmem:v24+s30+$0x0], $0xffff  }
0x197: {  	v21 =	vadd.f32 v31, v30;
	v24 =	vld.idx.msk [tilespmem:v25+s30+$0x0], $0xffff;
	v25 =	vmul.f32 v29, v35;
	v30 =	vmul.f32 v27, v34  }
0x198: {  	v18 =	vsub.f32 v19, v18;
	v19 =	vmul.f32 v27, v35;
	v27 =	vmul.f32 v29, v34  }
0x199: {  	v23 =	vadd.f32 v26, v23;
	v21 =	vmul.f32 v21, v28  }
0x19a: {  	v18 =	vmul.f32 v18, v22;
	v22 =	vadd.f32 v30, v25;
	v19 =	vsub.f32 v19, v27  }
0x19b: {  	v17 =	vadd.f32 v23, v17  }
0x19c: {  	s14 =	simm.s32 $0x0;
	v18 =	vadd.f32 v18, v21;
	v21 =	vmul.f32 v22, v24;
	v19 =	vmul.f32 v19, v20  }
0x19d: {  	v20 =	vadd.s32 s14, v0  }
0x19e: {  	v17 =	vadd.f32 v18, v17;
	v18 =	vadd.f32 v19, v21;
	v19 =	vor.u32 v16, v20  }
0x19f: {  	v21 =	vand.u32 $0x3F, v20  }
0x1a0: {  	v17 =	vadd.f32 v18, v17;
	v18 =	vor.u32 v15, v21;
	_ =	sdelay $0x1  }
0x1a1: {  	s17 =	simm.s32 $0x1;
	[tilespmem:$0x18660] =	vst v17  }
0x1a2: {  	v22 =	vadd.s32 s17, v0;
	v21 =	vor.u32 v13, v21;
	v29 =	vld.idx.msk [tilespmem:v19+s18+$0x0], $0xffff  }
0x1a3: {  	v17 =	vor.u32 v14, v20;
	v20 =	vor.u32 v16, v22;
	v60 =	vld.idx.msk [tilespmem:v19+s30+$0x0], $0xffff  }
0x1a4: {  	v61 =	vld.idx.msk [tilespmem:v18+s18+$0x0], $0xffff  }
0x1a5: {  	v28 =	vand.u32 $0x3F, v22;
	v62 =	vld.idx.msk [tilespmem:v18+s30+$0x0], $0xffff  }
0x1a6: {  	v63 =	vor.u32 v15, v28  }
0x1a7: {  	s22 =	simm.s32 $0x2;
	v23 =	vld.idx.msk [tilespmem:v21+s30+$0x0], $0xffff  }
0x1a8: {  	v24 =	vadd.s32 s22, v0;
	v22 =	vor.u32 v14, v22;
	v18 =	vld.idx.msk [tilespmem:v20+s18+$0x0], $0xffff  }
0x1a9: {  	v27 =	vor.u32 v16, v24;
	v19 =	vld.idx.msk [tilespmem:v20+s30+$0x0], $0xffff  }
0x1aa: {  	v25 =	vand.u32 $0x3F, v24;
	v26 =	vld.idx.msk [tilespmem:v17+s30+$0x0], $0xffff;
	v31 =	vmul.f32 v60, v29;
	v30 =	vmul.f32 v62, v61  }
0x1ab: {  	v28 =	vor.u32 v13, v28;
	v20 =	vld.idx.msk [tilespmem:v63+s18+$0x0], $0xffff;
	v32 =	vmul.f32 v60, v61;
	v33 =	vmul.f32 v62, v29  }
0x1ac: {  	s14 =	simm.s32 $0x3;
	v21 =	vld.idx.msk [tilespmem:v63+s30+$0x0], $0xffff;
	v17 =	vimm.f32 $0.0e+00;
	v29 =	vor.u32 v15, v25  }
.LBB2_16:
0x1ad: {  	p0 =	sne.s32 s14, $0x3F;
	v34 =	vld.idx.msk [tilespmem:v22+s30+$0x0], $0xffff;
	v30 =	vadd.f32 v31, v30;
	v31 =	vsub.f32 v32, v33;
	v33 =	vmov v18  }
0x1ae: {  	v38 =	vadd.s32 s14, v0;
	v35 =	vmov v19;
	v18 =	vld.idx.msk [tilespmem:v27+s18+$0x0], $0xffff  }
.Ltmp7:
0x1af: {  	v22 =	vor.u32 v14, v24;
	v19 =	vld.idx.msk [tilespmem:v27+s30+$0x0], $0xffff;
	v36 =	vmul.f32 v30, v23;
	v26 =	vmul.f32 v31, v26;
	(pc) =	sbr.rel @p0 .LBB2_16-.Ltmp7, $4  }
0x1b0: {  	v37 =	vand.u32 $0x3F, v38;
	v24 =	vmovc v38;
	v27 =	vor.u32 v16, v38;
	v32 =	vmov v20;
	v23 =	vld.idx.msk [tilespmem:v28+s30+$0x0], $0xffff  }
0x1b1: {  	v31 =	vmul.f32 v35, v33;
	v30 =	vmul.f32 v21, v32;
	v20 =	vld.idx.msk [tilespmem:v29+s18+$0x0], $0xffff;
	v36 =	vadd.f32 v26, v36  }
0x1b2: {  	v28 =	vor.u32 v13, v25;
	v32 =	vmul.f32 v35, v32;
	v33 =	vmul.f32 v21, v33;
	v21 =	vld.idx.msk [tilespmem:v29+s30+$0x0], $0xffff  }
0x1b3: {  	s14 =	sadd.s32 $0x1, s14;
	v25 =	vmovc v37;
	v29 =	vor.u32 v15, v37;
	v17 =	vadd.f32 v36, v17;
	v26 =	vmov v34  }
0x1b4: {  	_ =	sdelay $0x3  }
0x1b5: {  	v34 =	vld.idx.msk [tilespmem:v27+s18+$0x0], $0xffff  }
0x1b6: {  	v27 =	vld.idx.msk [tilespmem:v27+s30+$0x0], $0xffff  }
0x1b7: {  	v24 =	vor.u32 v14, v24;
	v35 =	vld.idx.msk [tilespmem:v29+s18+$0x0], $0xffff  }
0x1b8: {  	v30 =	vadd.f32 v31, v30;
	v31 =	vsub.f32 v32, v33;
	v25 =	vor.u32 v13, v25;
	v29 =	vld.idx.msk [tilespmem:v29+s30+$0x0], $0xffff;
	_ =	sdelay $0x1  }
0x1b9: {  	v28 =	vld.idx.msk [tilespmem:v28+s30+$0x0], $0xffff;
	v23 =	vmul.f32 v30, v23;
	v26 =	vmul.f32 v31, v26  }
0x1ba: {  	v22 =	vld.idx.msk [tilespmem:v22+s30+$0x0], $0xffff;
	v31 =	vmul.f32 v19, v18;
	v30 =	vmul.f32 v21, v20  }
0x1bb: {  	v19 =	vmul.f32 v19, v20;
	v18 =	vmul.f32 v21, v18;
	v20 =	vld.idx.msk [tilespmem:v24+s30+$0x0], $0xffff  }
0x1bc: {  	v21 =	vadd.f32 v31, v30;
	v24 =	vld.idx.msk [tilespmem:v25+s30+$0x0], $0xffff;
	v25 =	vmul.f32 v29, v35;
	v30 =	vmul.f32 v27, v34  }
0x1bd: {  	v18 =	vsub.f32 v19, v18;
	v19 =	vmul.f32 v27, v35;
	v27 =	vmul.f32 v29, v34  }
0x1be: {  	v23 =	vadd.f32 v26, v23;
	v21 =	vmul.f32 v21, v28  }
0x1bf: {  	v18 =	vmul.f32 v18, v22;
	v22 =	vadd.f32 v30, v25;
	v19 =	vsub.f32 v19, v27  }
0x1c0: {  	v17 =	vadd.f32 v23, v17  }
0x1c1: {  	v18 =	vadd.f32 v18, v21;
	v21 =	vmul.f32 v22, v24;
	v19 =	vmul.f32 v19, v20;
	_ =	sdelay $0x1  }
0x1c2: {  	v17 =	vadd.f32 v18, v17;
	v18 =	vadd.f32 v19, v21;
	_ =	sdelay $0x1  }
0x1c3: {  	v17 =	vadd.f32 v18, v17;
	_ =	sdelay $0x1  }
0x1c4: {  	s14 =	simm.s32 $0x500;
	[tilespmem:$0x18670] =	vst v17  }
0x1c5: {  	[tilespmem:s18], [sflag:$0x6] =	stream.indirect.gather [hbm4b:s2+s29], $0x80, s14, s29, $0xb8;
	[tilespmem:$0x18800] =	vst v63  }
0x1c6: {  	s17 =	simm.s32 $0x0  }
0x1c7: {  	[tilespmem:s30], [sflag:$0x3] =	stream.indirect.gather [hbm4b:s1+s29], $0x80, s19, s29, $0xb8;
	[tilespmem:$0x18800] =	vst v63  }
0x1c8: {  	v17 =	vadd.s32 s17, v0;
	_ =	swait.ge [sflag:s9], $0x4000  }
0x1c9: {  	v19 =	vor.u32 v2, v17;
	[sflag:s9] =	ssyncset.done $0x0  }
0x1ca: {  	v20 =	vor.u32 v4, v17;
	v17 =	vand.u32 $0x3F, v17;
	[sflag:s9] =	ssyncadd.s32 $0xFFFFC000  }
0x1cb: {  	v23 =	vor.u32 v1, v17;
	_ =	swait.ge [sflag:s10], $0x4000  }
0x1cc: {  	v17 =	vor.u32 v3, v17;
	[sflag:s10] =	ssyncset.done $0x0  }
0x1cd: {  	s19 =	simm.s32 $0x1;
	[sflag:s10] =	ssyncadd.s32 $0xFFFFC000  }
0x1ce: {  	v21 =	vadd.s32 s19, v0;
	v26 =	vld.idx.msk [tilespmem:v19+s4+$0x0], $0xffff  }
0x1cf: {  	v18 =	vor.u32 v2, v21;
	v31 =	vld.idx.msk [tilespmem:v20+s28+$0x0], $0xffff  }
0x1d0: {  	v22 =	vor.u32 v4, v21;
	v61 =	vld.idx.msk [tilespmem:v23+s4+$0x0], $0xffff  }
0x1d1: {  	v21 =	vand.u32 $0x3F, v21;
	v62 =	vld.idx.msk [tilespmem:v17+s28+$0x0], $0xffff  }
0x1d2: {  	v20 =	vor.u32 v1, v21  }
0x1d3: {  	s22 =	simm.s32 $0x2;
	v24 =	vor.u32 v3, v21;
	v28 =	vld.idx.msk [tilespmem:v19+s28+$0x0], $0xffff  }
0x1d4: {  	v63 =	vadd.s32 s22, v0;
	v19 =	vld.idx.msk [tilespmem:v18+s4+$0x0], $0xffff  }
0x1d5: {  	v21 =	vld.idx.msk [tilespmem:v22+s28+$0x0], $0xffff;
	v22 =	vor.u32 v2, v63  }
0x1d6: {  	v27 =	vor.u32 v4, v63;
	v25 =	vld.idx.msk [tilespmem:v23+s28+$0x0], $0xffff;
	v29 =	vmul.f32 v62, v61;
	v30 =	vmul.f32 v31, v26  }
0x1d7: {  	v33 =	vand.u32 $0x3F, v63;
	v23 =	vld.idx.msk [tilespmem:v20+s4+$0x0], $0xffff;
	v31 =	vmul.f32 v31, v61;
	v32 =	vmul.f32 v62, v26  }
0x1d8: {  	s14 =	simm.s32 $0x3;
	v17 =	vimm.f32 $0.0e+00;
	v24 =	vld.idx.msk [tilespmem:v24+s28+$0x0], $0xffff;
	v26 =	vor.u32 v1, v33  }
.LBB2_18:
0x1d9: {  	p0 =	sne.s32 s14, $0x3F;
	v34 =	vor.u32 v3, v33;
	v35 =	vld.idx.msk [tilespmem:v18+s28+$0x0], $0xffff;
	v29 =	vadd.f32 v30, v29;
	v30 =	vsub.f32 v31, v32  }
0x1da: {  	v32 =	vmov v19;
	v31 =	vmov v21;
	v18 =	vmov v22;
	v19 =	vld.idx.msk [tilespmem:v22+s4+$0x0], $0xffff  }
.Ltmp8:
0x1db: {  	v33 =	vadd.s32 s14, v0;
	v21 =	vld.idx.msk [tilespmem:v27+s28+$0x0], $0xffff;
	v36 =	vmul.f32 v29, v25;
	v28 =	vmul.f32 v30, v28;
	(pc) =	sbr.rel @p0 .LBB2_18-.Ltmp8, $4  }
0x1dc: {  	v22 =	vor.u32 v2, v33;
	v27 =	vor.u32 v4, v33;
	v37 =	vmovc v23;
	v25 =	vld.idx.msk [tilespmem:v20+s28+$0x0], $0xffff;
	v20 =	vmov v26  }
0x1dd: {  	v30 =	vmul.f32 v31, v32;
	v29 =	vmul.f32 v24, v37;
	v23 =	vld.idx.msk [tilespmem:v26+s4+$0x0], $0xffff;
	v36 =	vadd.f32 v28, v36  }
0x1de: {  	v33 =	vand.u32 $0x3F, v33;
	v31 =	vmul.f32 v31, v37;
	v32 =	vmul.f32 v24, v32;
	v24 =	vld.idx.msk [tilespmem:v34+s28+$0x0], $0xffff  }
0x1df: {  	s14 =	sadd.s32 $0x1, s14;
	v26 =	vor.u32 v1, v33;
	v17 =	vadd.f32 v36, v17;
	v28 =	vmov v35  }
0x1e0: {  	_ =	sdelay $0x1  }
0x1e1: {  	v33 =	vor.u32 v3, v33;
	_ =	sdelay $0x1  }
0x1e2: {  	v34 =	vld.idx.msk [tilespmem:v22+s4+$0x0], $0xffff  }
0x1e3: {  	v27 =	vld.idx.msk [tilespmem:v27+s28+$0x0], $0xffff;
	v29 =	vadd.f32 v30, v29;
	v30 =	vsub.f32 v31, v32  }
0x1e4: {  	v35 =	vld.idx.msk [tilespmem:v26+s4+$0x0], $0xffff  }
0x1e5: {  	v25 =	vmul.f32 v29, v25;
	v28 =	vmul.f32 v30, v28;
	v31 =	vld.idx.msk [tilespmem:v33+s28+$0x0], $0xffff  }
0x1e6: {  	v20 =	vld.idx.msk [tilespmem:v20+s28+$0x0], $0xffff;
	v30 =	vmul.f32 v21, v19;
	v29 =	vmul.f32 v24, v23  }
0x1e7: {  	v18 =	vld.idx.msk [tilespmem:v18+s28+$0x0], $0xffff;
	v21 =	vmul.f32 v21, v23;
	v19 =	vmul.f32 v24, v19  }
0x1e8: {  	v22 =	vld.idx.msk [tilespmem:v22+s28+$0x0], $0xffff;
	v23 =	vadd.f32 v30, v29  }
0x1e9: {  	v24 =	vld.idx.msk [tilespmem:v26+s28+$0x0], $0xffff;
	v29 =	vmul.f32 v27, v34;
	v19 =	vsub.f32 v21, v19;
	v21 =	vmul.f32 v27, v35  }
0x1ea: {  	v26 =	vmul.f32 v31, v35;
	v27 =	vmul.f32 v31, v34  }
0x1eb: {  	v25 =	vadd.f32 v28, v25;
	v20 =	vmul.f32 v23, v20  }
0x1ec: {  	v18 =	vmul.f32 v19, v18;
	v19 =	vadd.f32 v29, v26;
	v21 =	vsub.f32 v21, v27  }
0x1ed: {  	v17 =	vadd.f32 v25, v17  }
0x1ee: {  	s14 =	simm.s32 $0x0;
	v18 =	vadd.f32 v18, v20;
	v19 =	vmul.f32 v19, v24;
	v20 =	vmul.f32 v21, v22  }
0x1ef: {  	v21 =	vadd.s32 s14, v0  }
0x1f0: {  	v17 =	vadd.f32 v18, v17;
	v18 =	vadd.f32 v20, v19;
	v19 =	vor.u32 v6, v21  }
0x1f1: {  	v20 =	vor.u32 v8, v21;
	v21 =	vand.u32 $0x3F, v21  }
0x1f2: {  	v23 =	vor.u32 v5, v21;
	v17 =	vadd.f32 v18, v17  }
0x1f3: {  	v21 =	vor.u32 v7, v21  }
0x1f4: {  	s19 =	simm.s32 $0x1;
	[tilespmem:$0x18680] =	vst v17  }
0x1f5: {  	v17 =	vadd.s32 s19, v0;
	v26 =	vld.idx.msk [tilespmem:v19+s4+$0x0], $0xffff  }
0x1f6: {  	v18 =	vor.u32 v6, v17;
	v31 =	vld.idx.msk [tilespmem:v20+s28+$0x0], $0xffff  }
0x1f7: {  	v22 =	vor.u32 v8, v17;
	v61 =	vld.idx.msk [tilespmem:v23+s4+$0x0], $0xffff  }
0x1f8: {  	v17 =	vand.u32 $0x3F, v17;
	v62 =	vld.idx.msk [tilespmem:v21+s28+$0x0], $0xffff  }
0x1f9: {  	v20 =	vor.u32 v5, v17  }
0x1fa: {  	s22 =	simm.s32 $0x2;
	v28 =	vld.idx.msk [tilespmem:v19+s28+$0x0], $0xffff;
	v24 =	vor.u32 v7, v17  }
0x1fb: {  	v63 =	vadd.s32 s22, v0;
	v19 =	vld.idx.msk [tilespmem:v18+s4+$0x0], $0xffff  }
0x1fc: {  	v21 =	vld.idx.msk [tilespmem:v22+s28+$0x0], $0xffff;
	v22 =	vor.u32 v6, v63  }
0x1fd: {  	v27 =	vor.u32 v8, v63;
	v25 =	vld.idx.msk [tilespmem:v23+s28+$0x0], $0xffff;
	v30 =	vmul.f32 v31, v26;
	v29 =	vmul.f32 v62, v61  }
0x1fe: {  	v33 =	vand.u32 $0x3F, v63;
	v23 =	vld.idx.msk [tilespmem:v20+s4+$0x0], $0xffff;
	v31 =	vmul.f32 v31, v61;
	v32 =	vmul.f32 v62, v26  }
0x1ff: {  	s14 =	simm.s32 $0x3;
	v17 =	vimm.f32 $0.0e+00;
	v24 =	vld.idx.msk [tilespmem:v24+s28+$0x0], $0xffff;
	v26 =	vor.u32 v5, v33  }
.LBB2_20:
0x200: {  	p0 =	sne.s32 s14, $0x3F;
	v34 =	vor.u32 v7, v33;
	v35 =	vld.idx.msk [tilespmem:v18+s28+$0x0], $0xffff;
	v29 =	vadd.f32 v30, v29;
	v30 =	vsub.f32 v31, v32  }
0x201: {  	v32 =	vmov v19;
	v31 =	vmov v21;
	v18 =	vmov v22;
	v19 =	vld.idx.msk [tilespmem:v22+s4+$0x0], $0xffff  }
.Ltmp9:
0x202: {  	v33 =	vadd.s32 s14, v0;
	v21 =	vld.idx.msk [tilespmem:v27+s28+$0x0], $0xffff;
	v36 =	vmul.f32 v29, v25;
	v28 =	vmul.f32 v30, v28;
	(pc) =	sbr.rel @p0 .LBB2_20-.Ltmp9, $4  }
0x203: {  	v22 =	vor.u32 v6, v33;
	v27 =	vor.u32 v8, v33;
	v37 =	vmovc v23;
	v25 =	vld.idx.msk [tilespmem:v20+s28+$0x0], $0xffff;
	v20 =	vmov v26  }
0x204: {  	v30 =	vmul.f32 v31, v32;
	v29 =	vmul.f32 v24, v37;
	v23 =	vld.idx.msk [tilespmem:v26+s4+$0x0], $0xffff;
	v36 =	vadd.f32 v28, v36  }
0x205: {  	v33 =	vand.u32 $0x3F, v33;
	v31 =	vmul.f32 v31, v37;
	v32 =	vmul.f32 v24, v32;
	v24 =	vld.idx.msk [tilespmem:v34+s28+$0x0], $0xffff  }
0x206: {  	s14 =	sadd.s32 $0x1, s14;
	v26 =	vor.u32 v5, v33;
	v17 =	vadd.f32 v36, v17;
	v28 =	vmov v35  }
0x207: {  	_ =	sdelay $0x1  }
0x208: {  	v33 =	vor.u32 v7, v33;
	_ =	sdelay $0x1  }
0x209: {  	v34 =	vld.idx.msk [tilespmem:v22+s4+$0x0], $0xffff  }
0x20a: {  	v27 =	vld.idx.msk [tilespmem:v27+s28+$0x0], $0xffff;
	v29 =	vadd.f32 v30, v29;
	v30 =	vsub.f32 v31, v32  }
0x20b: {  	v35 =	vld.idx.msk [tilespmem:v26+s4+$0x0], $0xffff  }
0x20c: {  	v25 =	vmul.f32 v29, v25;
	v28 =	vmul.f32 v30, v28;
	v31 =	vld.idx.msk [tilespmem:v33+s28+$0x0], $0xffff  }
0x20d: {  	v20 =	vld.idx.msk [tilespmem:v20+s28+$0x0], $0xffff;
	v30 =	vmul.f32 v21, v19;
	v29 =	vmul.f32 v24, v23  }
0x20e: {  	v18 =	vld.idx.msk [tilespmem:v18+s28+$0x0], $0xffff;
	v21 =	vmul.f32 v21, v23;
	v19 =	vmul.f32 v24, v19  }
0x20f: {  	v22 =	vld.idx.msk [tilespmem:v22+s28+$0x0], $0xffff;
	v23 =	vadd.f32 v30, v29  }
0x210: {  	v24 =	vld.idx.msk [tilespmem:v26+s28+$0x0], $0xffff;
	v29 =	vmul.f32 v27, v34;
	v19 =	vsub.f32 v21, v19;
	v21 =	vmul.f32 v27, v35  }
0x211: {  	v26 =	vmul.f32 v31, v35;
	v27 =	vmul.f32 v31, v34  }
0x212: {  	v25 =	vadd.f32 v28, v25;
	v20 =	vmul.f32 v23, v20  }
0x213: {  	v18 =	vmul.f32 v19, v18;
	v19 =	vadd.f32 v29, v26;
	v21 =	vsub.f32 v21, v27  }
0x214: {  	v17 =	vadd.f32 v25, v17  }
0x215: {  	s14 =	simm.s32 $0x0;
	v18 =	vadd.f32 v18, v20;
	v19 =	vmul.f32 v19, v24;
	v20 =	vmul.f32 v21, v22  }
0x216: {  	v21 =	vadd.s32 s14, v0  }
0x217: {  	v17 =	vadd.f32 v18, v17;
	v18 =	vadd.f32 v20, v19;
	v19 =	vor.u32 v10, v21  }
0x218: {  	v20 =	vor.u32 v12, v21;
	v21 =	vand.u32 $0x3F, v21  }
0x219: {  	v23 =	vor.u32 v9, v21;
	v17 =	vadd.f32 v18, v17  }
0x21a: {  	v21 =	vor.u32 v11, v21  }
0x21b: {  	s19 =	simm.s32 $0x1;
	[tilespmem:$0x18690] =	vst v17  }
0x21c: {  	v17 =	vadd.s32 s19, v0;
	v26 =	vld.idx.msk [tilespmem:v19+s4+$0x0], $0xffff  }
0x21d: {  	v18 =	vor.u32 v10, v17;
	v31 =	vld.idx.msk [tilespmem:v20+s28+$0x0], $0xffff  }
0x21e: {  	v22 =	vor.u32 v12, v17;
	v61 =	vld.idx.msk [tilespmem:v23+s4+$0x0], $0xffff  }
0x21f: {  	v17 =	vand.u32 $0x3F, v17;
	v62 =	vld.idx.msk [tilespmem:v21+s28+$0x0], $0xffff  }
0x220: {  	v20 =	vor.u32 v9, v17  }
0x221: {  	s22 =	simm.s32 $0x2;
	v28 =	vld.idx.msk [tilespmem:v19+s28+$0x0], $0xffff;
	v24 =	vor.u32 v11, v17  }
0x222: {  	v63 =	vadd.s32 s22, v0;
	v19 =	vld.idx.msk [tilespmem:v18+s4+$0x0], $0xffff  }
0x223: {  	v21 =	vld.idx.msk [tilespmem:v22+s28+$0x0], $0xffff;
	v22 =	vor.u32 v10, v63  }
0x224: {  	v27 =	vor.u32 v12, v63;
	v25 =	vld.idx.msk [tilespmem:v23+s28+$0x0], $0xffff;
	v30 =	vmul.f32 v31, v26;
	v29 =	vmul.f32 v62, v61  }
0x225: {  	v33 =	vand.u32 $0x3F, v63;
	v23 =	vld.idx.msk [tilespmem:v20+s4+$0x0], $0xffff;
	v31 =	vmul.f32 v31, v61;
	v32 =	vmul.f32 v62, v26  }
0x226: {  	s14 =	simm.s32 $0x3;
	v17 =	vimm.f32 $0.0e+00;
	v24 =	vld.idx.msk [tilespmem:v24+s28+$0x0], $0xffff;
	v26 =	vor.u32 v9, v33  }
.LBB2_22:
0x227: {  	p0 =	sne.s32 s14, $0x3F;
	v34 =	vor.u32 v11, v33;
	v35 =	vld.idx.msk [tilespmem:v18+s28+$0x0], $0xffff;
	v29 =	vadd.f32 v30, v29;
	v30 =	vsub.f32 v31, v32  }
0x228: {  	v32 =	vmov v19;
	v31 =	vmov v21;
	v18 =	vmov v22;
	v19 =	vld.idx.msk [tilespmem:v22+s4+$0x0], $0xffff  }
.Ltmp10:
0x229: {  	v33 =	vadd.s32 s14, v0;
	v21 =	vld.idx.msk [tilespmem:v27+s28+$0x0], $0xffff;
	v36 =	vmul.f32 v29, v25;
	v28 =	vmul.f32 v30, v28;
	(pc) =	sbr.rel @p0 .LBB2_22-.Ltmp10, $4  }
0x22a: {  	v22 =	vor.u32 v10, v33;
	v27 =	vor.u32 v12, v33;
	v37 =	vmovc v23;
	v25 =	vld.idx.msk [tilespmem:v20+s28+$0x0], $0xffff;
	v20 =	vmov v26  }
0x22b: {  	v30 =	vmul.f32 v31, v32;
	v29 =	vmul.f32 v24, v37;
	v23 =	vld.idx.msk [tilespmem:v26+s4+$0x0], $0xffff;
	v36 =	vadd.f32 v28, v36  }
0x22c: {  	v33 =	vand.u32 $0x3F, v33;
	v31 =	vmul.f32 v31, v37;
	v32 =	vmul.f32 v24, v32;
	v24 =	vld.idx.msk [tilespmem:v34+s28+$0x0], $0xffff  }
0x22d: {  	s14 =	sadd.s32 $0x1, s14;
	v26 =	vor.u32 v9, v33;
	v17 =	vadd.f32 v36, v17;
	v28 =	vmov v35  }
0x22e: {  	_ =	sdelay $0x1  }
0x22f: {  	v33 =	vor.u32 v11, v33;
	_ =	sdelay $0x1  }
0x230: {  	v34 =	vld.idx.msk [tilespmem:v22+s4+$0x0], $0xffff  }
0x231: {  	v27 =	vld.idx.msk [tilespmem:v27+s28+$0x0], $0xffff;
	v29 =	vadd.f32 v30, v29;
	v30 =	vsub.f32 v31, v32  }
0x232: {  	v35 =	vld.idx.msk [tilespmem:v26+s4+$0x0], $0xffff  }
0x233: {  	v25 =	vmul.f32 v29, v25;
	v28 =	vmul.f32 v30, v28;
	v31 =	vld.idx.msk [tilespmem:v33+s28+$0x0], $0xffff  }
0x234: {  	v20 =	vld.idx.msk [tilespmem:v20+s28+$0x0], $0xffff;
	v30 =	vmul.f32 v21, v19;
	v29 =	vmul.f32 v24, v23  }
0x235: {  	v18 =	vld.idx.msk [tilespmem:v18+s28+$0x0], $0xffff;
	v21 =	vmul.f32 v21, v23;
	v19 =	vmul.f32 v24, v19  }
0x236: {  	v22 =	vld.idx.msk [tilespmem:v22+s28+$0x0], $0xffff;
	v23 =	vadd.f32 v30, v29  }
0x237: {  	v24 =	vld.idx.msk [tilespmem:v26+s28+$0x0], $0xffff;
	v29 =	vmul.f32 v27, v34;
	v19 =	vsub.f32 v21, v19;
	v21 =	vmul.f32 v27, v35  }
0x238: {  	v26 =	vmul.f32 v31, v35;
	v27 =	vmul.f32 v31, v34  }
0x239: {  	v25 =	vadd.f32 v28, v25;
	v20 =	vmul.f32 v23, v20  }
0x23a: {  	v18 =	vmul.f32 v19, v18;
	v19 =	vadd.f32 v29, v26;
	v21 =	vsub.f32 v21, v27  }
0x23b: {  	v17 =	vadd.f32 v25, v17  }
0x23c: {  	s14 =	simm.s32 $0x0;
	v18 =	vadd.f32 v18, v20;
	v19 =	vmul.f32 v19, v24;
	v20 =	vmul.f32 v21, v22  }
0x23d: {  	v21 =	vadd.s32 s14, v0  }
0x23e: {  	v17 =	vadd.f32 v18, v17;
	v18 =	vadd.f32 v20, v19;
	v19 =	vor.u32 v14, v21  }
0x23f: {  	v20 =	vor.u32 v16, v21;
	v21 =	vand.u32 $0x3F, v21  }
0x240: {  	v23 =	vor.u32 v13, v21;
	v17 =	vadd.f32 v18, v17  }
0x241: {  	v21 =	vor.u32 v15, v21  }
0x242: {  	s19 =	simm.s32 $0x1;
	[tilespmem:$0x186A0] =	vst v17  }
0x243: {  	v17 =	vadd.s32 s19, v0;
	v26 =	vld.idx.msk [tilespmem:v19+s4+$0x0], $0xffff  }
0x244: {  	v18 =	vor.u32 v14, v17;
	v31 =	vld.idx.msk [tilespmem:v20+s28+$0x0], $0xffff  }
0x245: {  	v22 =	vor.u32 v16, v17;
	v61 =	vld.idx.msk [tilespmem:v23+s4+$0x0], $0xffff  }
0x246: {  	v17 =	vand.u32 $0x3F, v17;
	v62 =	vld.idx.msk [tilespmem:v21+s28+$0x0], $0xffff  }
0x247: {  	v20 =	vor.u32 v13, v17  }
0x248: {  	s22 =	simm.s32 $0x2;
	v28 =	vld.idx.msk [tilespmem:v19+s28+$0x0], $0xffff;
	v24 =	vor.u32 v15, v17  }
0x249: {  	v63 =	vadd.s32 s22, v0;
	v19 =	vld.idx.msk [tilespmem:v18+s4+$0x0], $0xffff  }
0x24a: {  	v21 =	vld.idx.msk [tilespmem:v22+s28+$0x0], $0xffff;
	v22 =	vor.u32 v14, v63  }
0x24b: {  	v27 =	vor.u32 v16, v63;
	v25 =	vld.idx.msk [tilespmem:v23+s28+$0x0], $0xffff;
	v30 =	vmul.f32 v31, v26;
	v29 =	vmul.f32 v62, v61  }
0x24c: {  	v33 =	vand.u32 $0x3F, v63;
	v23 =	vld.idx.msk [tilespmem:v20+s4+$0x0], $0xffff;
	v31 =	vmul.f32 v31, v61;
	v32 =	vmul.f32 v62, v26  }
0x24d: {  	s14 =	simm.s32 $0x3;
	v17 =	vimm.f32 $0.0e+00;
	v24 =	vld.idx.msk [tilespmem:v24+s28+$0x0], $0xffff;
	v26 =	vor.u32 v13, v33  }
.LBB2_24:
0x24e: {  	p0 =	sne.s32 s14, $0x3F;
	v34 =	vor.u32 v15, v33;
	v35 =	vld.idx.msk [tilespmem:v18+s28+$0x0], $0xffff;
	v29 =	vadd.f32 v30, v29;
	v30 =	vsub.f32 v31, v32  }
0x24f: {  	v32 =	vmov v19;
	v31 =	vmov v21;
	v18 =	vmov v22;
	v19 =	vld.idx.msk [tilespmem:v22+s4+$0x0], $0xffff  }
.Ltmp11:
0x250: {  	v33 =	vadd.s32 s14, v0;
	v21 =	vld.idx.msk [tilespmem:v27+s28+$0x0], $0xffff;
	v36 =	vmul.f32 v29, v25;
	v28 =	vmul.f32 v30, v28;
	(pc) =	sbr.rel @p0 .LBB2_24-.Ltmp11, $4  }
0x251: {  	v22 =	vor.u32 v14, v33;
	v27 =	vor.u32 v16, v33;
	v37 =	vmovc v23;
	v25 =	vld.idx.msk [tilespmem:v20+s28+$0x0], $0xffff;
	v20 =	vmov v26  }
0x252: {  	v30 =	vmul.f32 v31, v32;
	v29 =	vmul.f32 v24, v37;
	v23 =	vld.idx.msk [tilespmem:v26+s4+$0x0], $0xffff;
	v36 =	vadd.f32 v28, v36  }
0x253: {  	v33 =	vand.u32 $0x3F, v33;
	v31 =	vmul.f32 v31, v37;
	v32 =	vmul.f32 v24, v32;
	v24 =	vld.idx.msk [tilespmem:v34+s28+$0x0], $0xffff  }
0x254: {  	s14 =	sadd.s32 $0x1, s14;
	v26 =	vor.u32 v13, v33;
	v17 =	vadd.f32 v36, v17;
	v28 =	vmov v35  }
0x255: {  	_ =	sdelay $0x1  }
0x256: {  	v33 =	vor.u32 v15, v33;
	_ =	sdelay $0x1  }
0x257: {  	v34 =	vld.idx.msk [tilespmem:v22+s4+$0x0], $0xffff  }
0x258: {  	v27 =	vld.idx.msk [tilespmem:v27+s28+$0x0], $0xffff;
	v29 =	vadd.f32 v30, v29;
	v30 =	vsub.f32 v31, v32  }
0x259: {  	v35 =	vld.idx.msk [tilespmem:v26+s4+$0x0], $0xffff  }
0x25a: {  	v25 =	vmul.f32 v29, v25;
	v28 =	vmul.f32 v30, v28;
	v31 =	vld.idx.msk [tilespmem:v33+s28+$0x0], $0xffff  }
0x25b: {  	v20 =	vld.idx.msk [tilespmem:v20+s28+$0x0], $0xffff;
	v30 =	vmul.f32 v21, v19;
	v29 =	vmul.f32 v24, v23  }
0x25c: {  	v18 =	vld.idx.msk [tilespmem:v18+s28+$0x0], $0xffff;
	v21 =	vmul.f32 v21, v23;
	v19 =	vmul.f32 v24, v19  }
0x25d: {  	v22 =	vld.idx.msk [tilespmem:v22+s28+$0x0], $0xffff;
	v23 =	vadd.f32 v30, v29  }
0x25e: {  	v24 =	vld.idx.msk [tilespmem:v26+s28+$0x0], $0xffff;
	v29 =	vmul.f32 v27, v34;
	v19 =	vsub.f32 v21, v19;
	v21 =	vmul.f32 v27, v35  }
0x25f: {  	v26 =	vmul.f32 v31, v35;
	v27 =	vmul.f32 v31, v34  }
0x260: {  	v25 =	vadd.f32 v28, v25;
	v20 =	vmul.f32 v23, v20  }
0x261: {  	v18 =	vmul.f32 v19, v18;
	v19 =	vadd.f32 v29, v26;
	v21 =	vsub.f32 v21, v27  }
0x262: {  	v17 =	vadd.f32 v25, v17  }
0x263: {  	v18 =	vadd.f32 v18, v20;
	v19 =	vmul.f32 v19, v24;
	v20 =	vmul.f32 v21, v22;
	_ =	sdelay $0x1  }
0x264: {  	v17 =	vadd.f32 v18, v17;
	v18 =	vadd.f32 v20, v19;
	_ =	sdelay $0x1  }
0x265: {  	s14 =	simm.s32 $0x0;
	v17 =	vadd.f32 v18, v17  }
0x266: {  	v18 =	vadd.s32 s14, v0  }
0x267: {  	[tilespmem:$0x186B0] =	vst v17;
	v17 =	vor.u32 v4, v18  }
0x268: {  	v19 =	vand.u32 $0x3F, v18;
	[tilespmem:s28], [sflag:$0x4] =	stream.indirect.gather [hbm4b:s1+s29], $0x80, s20, s29, $0xb8;
	[tilespmem:$0x18800] =	vst v63  }
0x269: {  	v20 =	vor.u32 v3, v19;
	_ =	swait.ge [sflag:s11], $0x4000  }
0x26a: {  	s20 =	simm.s32 $0x1;
	[sflag:s11] =	ssyncset.done $0x0  }
0x26b: {  	v18 =	vor.u32 v2, v18;
	v21 =	vadd.s32 s20, v0;
	[sflag:s11] =	ssyncadd.s32 $0xFFFFC000  }
0x26c: {  	v22 =	vor.u32 v4, v21;
	v29 =	vld.idx.msk [tilespmem:v17+s4+$0x0], $0xffff  }
0x26d: {  	v60 =	vld.idx.msk [tilespmem:v17+s5+$0x0], $0xffff  }
0x26e: {  	v61 =	vld.idx.msk [tilespmem:v20+s4+$0x0], $0xffff  }
0x26f: {  	v23 =	vor.u32 v1, v19;
	v28 =	vand.u32 $0x3F, v21;
	v62 =	vld.idx.msk [tilespmem:v20+s5+$0x0], $0xffff  }
0x270: {  	v63 =	vor.u32 v3, v28;
	v26 =	vld.idx.msk [tilespmem:v18+s5+$0x0], $0xffff  }
0x271: {  	s22 =	simm.s32 $0x2;
	v18 =	vld.idx.msk [tilespmem:v22+s4+$0x0], $0xffff  }
0x272: {  	v24 =	vadd.s32 s22, v0;
	v19 =	vld.idx.msk [tilespmem:v22+s5+$0x0], $0xffff;
	v22 =	vor.u32 v2, v21  }
0x273: {  	v27 =	vor.u32 v4, v24  }
0x274: {  	v25 =	vand.u32 $0x3F, v24;
	v23 =	vld.idx.msk [tilespmem:v23+s5+$0x0], $0xffff;
	v30 =	vmul.f32 v62, v61;
	v31 =	vmul.f32 v60, v29  }
0x275: {  	v28 =	vor.u32 v1, v28;
	v20 =	vld.idx.msk [tilespmem:v63+s4+$0x0], $0xffff;
	v32 =	vmul.f32 v60, v61;
	v33 =	vmul.f32 v62, v29  }
0x276: {  	s14 =	simm.s32 $0x3;
	v17 =	vimm.f32 $0.0e+00;
	v21 =	vld.idx.msk [tilespmem:v63+s5+$0x0], $0xffff;
	v29 =	vor.u32 v3, v25  }
.LBB2_26:
0x277: {  	p0 =	sne.s32 s14, $0x3F;
	v34 =	vld.idx.msk [tilespmem:v22+s5+$0x0], $0xffff;
	v30 =	vadd.f32 v31, v30;
	v31 =	vsub.f32 v32, v33;
	v33 =	vmov v18  }
0x278: {  	v38 =	vadd.s32 s14, v0;
	v35 =	vmov v19;
	v18 =	vld.idx.msk [tilespmem:v27+s4+$0x0], $0xffff  }
.Ltmp12:
0x279: {  	v22 =	vor.u32 v2, v24;
	v19 =	vld.idx.msk [tilespmem:v27+s5+$0x0], $0xffff;
	v36 =	vmul.f32 v30, v23;
	v26 =	vmul.f32 v31, v26;
	(pc) =	sbr.rel @p0 .LBB2_26-.Ltmp12, $4  }
0x27a: {  	v37 =	vand.u32 $0x3F, v38;
	v24 =	vmovc v38;
	v27 =	vor.u32 v4, v38;
	v32 =	vmov v20;
	v23 =	vld.idx.msk [tilespmem:v28+s5+$0x0], $0xffff  }
0x27b: {  	v31 =	vmul.f32 v35, v33;
	v30 =	vmul.f32 v21, v32;
	v20 =	vld.idx.msk [tilespmem:v29+s4+$0x0], $0xffff;
	v36 =	vadd.f32 v26, v36  }
0x27c: {  	v28 =	vor.u32 v1, v25;
	v32 =	vmul.f32 v35, v32;
	v33 =	vmul.f32 v21, v33;
	v21 =	vld.idx.msk [tilespmem:v29+s5+$0x0], $0xffff  }
0x27d: {  	s14 =	sadd.s32 $0x1, s14;
	v25 =	vmovc v37;
	v29 =	vor.u32 v3, v37;
	v17 =	vadd.f32 v36, v17;
	v26 =	vmov v34  }
0x27e: {  	_ =	sdelay $0x3  }
0x27f: {  	v34 =	vld.idx.msk [tilespmem:v27+s4+$0x0], $0xffff  }
0x280: {  	v27 =	vld.idx.msk [tilespmem:v27+s5+$0x0], $0xffff  }
0x281: {  	v24 =	vor.u32 v2, v24;
	v35 =	vld.idx.msk [tilespmem:v29+s4+$0x0], $0xffff  }
0x282: {  	v30 =	vadd.f32 v31, v30;
	v31 =	vsub.f32 v32, v33;
	v25 =	vor.u32 v1, v25;
	v29 =	vld.idx.msk [tilespmem:v29+s5+$0x0], $0xffff;
	_ =	sdelay $0x1  }
0x283: {  	v28 =	vld.idx.msk [tilespmem:v28+s5+$0x0], $0xffff;
	v23 =	vmul.f32 v30, v23;
	v26 =	vmul.f32 v31, v26  }
0x284: {  	v22 =	vld.idx.msk [tilespmem:v22+s5+$0x0], $0xffff;
	v31 =	vmul.f32 v19, v18;
	v30 =	vmul.f32 v21, v20  }
0x285: {  	v19 =	vmul.f32 v19, v20;
	v18 =	vmul.f32 v21, v18;
	v20 =	vld.idx.msk [tilespmem:v24+s5+$0x0], $0xffff  }
0x286: {  	v21 =	vadd.f32 v31, v30;
	v24 =	vld.idx.msk [tilespmem:v25+s5+$0x0], $0xffff;
	v25 =	vmul.f32 v29, v35;
	v30 =	vmul.f32 v27, v34  }
0x287: {  	v18 =	vsub.f32 v19, v18;
	v19 =	vmul.f32 v27, v35;
	v27 =	vmul.f32 v29, v34  }
0x288: {  	v23 =	vadd.f32 v26, v23;
	v21 =	vmul.f32 v21, v28  }
0x289: {  	v18 =	vmul.f32 v18, v22;
	v22 =	vadd.f32 v30, v25;
	v19 =	vsub.f32 v19, v27  }
0x28a: {  	v17 =	vadd.f32 v23, v17  }
0x28b: {  	s14 =	simm.s32 $0x0;
	v18 =	vadd.f32 v18, v21;
	v21 =	vmul.f32 v22, v24;
	v19 =	vmul.f32 v19, v20  }
0x28c: {  	v20 =	vadd.s32 s14, v0  }
0x28d: {  	v17 =	vadd.f32 v18, v17;
	v18 =	vadd.f32 v19, v21;
	v19 =	vor.u32 v8, v20  }
0x28e: {  	v21 =	vand.u32 $0x3F, v20  }
0x28f: {  	v17 =	vadd.f32 v18, v17;
	v18 =	vor.u32 v7, v21;
	_ =	sdelay $0x1  }
0x290: {  	s20 =	simm.s32 $0x1;
	[tilespmem:$0x186C0] =	vst v17  }
0x291: {  	v22 =	vadd.s32 s20, v0;
	v21 =	vor.u32 v5, v21;
	v29 =	vld.idx.msk [tilespmem:v19+s4+$0x0], $0xffff  }
0x292: {  	v17 =	vor.u32 v6, v20;
	v20 =	vor.u32 v8, v22;
	v60 =	vld.idx.msk [tilespmem:v19+s5+$0x0], $0xffff  }
0x293: {  	v61 =	vld.idx.msk [tilespmem:v18+s4+$0x0], $0xffff  }
0x294: {  	v28 =	vand.u32 $0x3F, v22;
	v62 =	vld.idx.msk [tilespmem:v18+s5+$0x0], $0xffff  }
0x295: {  	v63 =	vor.u32 v7, v28  }
0x296: {  	s22 =	simm.s32 $0x2;
	v23 =	vld.idx.msk [tilespmem:v21+s5+$0x0], $0xffff  }
0x297: {  	v24 =	vadd.s32 s22, v0;
	v22 =	vor.u32 v6, v22;
	v18 =	vld.idx.msk [tilespmem:v20+s4+$0x0], $0xffff  }
0x298: {  	v27 =	vor.u32 v8, v24;
	v19 =	vld.idx.msk [tilespmem:v20+s5+$0x0], $0xffff  }
0x299: {  	v25 =	vand.u32 $0x3F, v24;
	v26 =	vld.idx.msk [tilespmem:v17+s5+$0x0], $0xffff;
	v31 =	vmul.f32 v60, v29;
	v30 =	vmul.f32 v62, v61  }
0x29a: {  	v28 =	vor.u32 v5, v28;
	v20 =	vld.idx.msk [tilespmem:v63+s4+$0x0], $0xffff;
	v32 =	vmul.f32 v60, v61;
	v33 =	vmul.f32 v62, v29  }
0x29b: {  	s14 =	simm.s32 $0x3;
	v21 =	vld.idx.msk [tilespmem:v63+s5+$0x0], $0xffff;
	v17 =	vimm.f32 $0.0e+00;
	v29 =	vor.u32 v7, v25  }
.LBB2_28:
0x29c: {  	p0 =	sne.s32 s14, $0x3F;
	v34 =	vld.idx.msk [tilespmem:v22+s5+$0x0], $0xffff;
	v30 =	vadd.f32 v31, v30;
	v31 =	vsub.f32 v32, v33;
	v33 =	vmov v18  }
0x29d: {  	v38 =	vadd.s32 s14, v0;
	v35 =	vmov v19;
	v18 =	vld.idx.msk [tilespmem:v27+s4+$0x0], $0xffff  }
.Ltmp13:
0x29e: {  	v22 =	vor.u32 v6, v24;
	v19 =	vld.idx.msk [tilespmem:v27+s5+$0x0], $0xffff;
	v36 =	vmul.f32 v30, v23;
	v26 =	vmul.f32 v31, v26;
	(pc) =	sbr.rel @p0 .LBB2_28-.Ltmp13, $4  }
0x29f: {  	v37 =	vand.u32 $0x3F, v38;
	v24 =	vmovc v38;
	v27 =	vor.u32 v8, v38;
	v32 =	vmov v20;
	v23 =	vld.idx.msk [tilespmem:v28+s5+$0x0], $0xffff  }
0x2a0: {  	v31 =	vmul.f32 v35, v33;
	v30 =	vmul.f32 v21, v32;
	v20 =	vld.idx.msk [tilespmem:v29+s4+$0x0], $0xffff;
	v36 =	vadd.f32 v26, v36  }
0x2a1: {  	v28 =	vor.u32 v5, v25;
	v32 =	vmul.f32 v35, v32;
	v33 =	vmul.f32 v21, v33;
	v21 =	vld.idx.msk [tilespmem:v29+s5+$0x0], $0xffff  }
0x2a2: {  	s14 =	sadd.s32 $0x1, s14;
	v25 =	vmovc v37;
	v29 =	vor.u32 v7, v37;
	v17 =	vadd.f32 v36, v17;
	v26 =	vmov v34  }
0x2a3: {  	_ =	sdelay $0x3  }
0x2a4: {  	v34 =	vld.idx.msk [tilespmem:v27+s4+$0x0], $0xffff  }
0x2a5: {  	v27 =	vld.idx.msk [tilespmem:v27+s5+$0x0], $0xffff  }
0x2a6: {  	v24 =	vor.u32 v6, v24;
	v35 =	vld.idx.msk [tilespmem:v29+s4+$0x0], $0xffff  }
0x2a7: {  	v30 =	vadd.f32 v31, v30;
	v31 =	vsub.f32 v32, v33;
	v25 =	vor.u32 v5, v25;
	v29 =	vld.idx.msk [tilespmem:v29+s5+$0x0], $0xffff;
	_ =	sdelay $0x1  }
0x2a8: {  	v28 =	vld.idx.msk [tilespmem:v28+s5+$0x0], $0xffff;
	v23 =	vmul.f32 v30, v23;
	v26 =	vmul.f32 v31, v26  }
0x2a9: {  	v22 =	vld.idx.msk [tilespmem:v22+s5+$0x0], $0xffff;
	v31 =	vmul.f32 v19, v18;
	v30 =	vmul.f32 v21, v20  }
0x2aa: {  	v19 =	vmul.f32 v19, v20;
	v18 =	vmul.f32 v21, v18;
	v20 =	vld.idx.msk [tilespmem:v24+s5+$0x0], $0xffff  }
0x2ab: {  	v21 =	vadd.f32 v31, v30;
	v24 =	vld.idx.msk [tilespmem:v25+s5+$0x0], $0xffff;
	v25 =	vmul.f32 v29, v35;
	v30 =	vmul.f32 v27, v34  }
0x2ac: {  	v18 =	vsub.f32 v19, v18;
	v19 =	vmul.f32 v27, v35;
	v27 =	vmul.f32 v29, v34  }
0x2ad: {  	v23 =	vadd.f32 v26, v23;
	v21 =	vmul.f32 v21, v28  }
0x2ae: {  	v18 =	vmul.f32 v18, v22;
	v22 =	vadd.f32 v30, v25;
	v19 =	vsub.f32 v19, v27  }
0x2af: {  	v17 =	vadd.f32 v23, v17  }
0x2b0: {  	s14 =	simm.s32 $0x0;
	v18 =	vadd.f32 v18, v21;
	v21 =	vmul.f32 v22, v24;
	v19 =	vmul.f32 v19, v20  }
0x2b1: {  	v20 =	vadd.s32 s14, v0  }
0x2b2: {  	v17 =	vadd.f32 v18, v17;
	v18 =	vadd.f32 v19, v21;
	v19 =	vor.u32 v12, v20  }
0x2b3: {  	v21 =	vand.u32 $0x3F, v20  }
0x2b4: {  	v17 =	vadd.f32 v18, v17;
	v18 =	vor.u32 v11, v21;
	_ =	sdelay $0x1  }
0x2b5: {  	s20 =	simm.s32 $0x1;
	[tilespmem:$0x186D0] =	vst v17  }
0x2b6: {  	v22 =	vadd.s32 s20, v0;
	v21 =	vor.u32 v9, v21;
	v29 =	vld.idx.msk [tilespmem:v19+s4+$0x0], $0xffff  }
0x2b7: {  	v17 =	vor.u32 v10, v20;
	v20 =	vor.u32 v12, v22;
	v60 =	vld.idx.msk [tilespmem:v19+s5+$0x0], $0xffff  }
0x2b8: {  	v61 =	vld.idx.msk [tilespmem:v18+s4+$0x0], $0xffff  }
0x2b9: {  	v28 =	vand.u32 $0x3F, v22;
	v62 =	vld.idx.msk [tilespmem:v18+s5+$0x0], $0xffff  }
0x2ba: {  	v63 =	vor.u32 v11, v28  }
0x2bb: {  	s22 =	simm.s32 $0x2;
	v23 =	vld.idx.msk [tilespmem:v21+s5+$0x0], $0xffff  }
0x2bc: {  	v24 =	vadd.s32 s22, v0;
	v22 =	vor.u32 v10, v22;
	v18 =	vld.idx.msk [tilespmem:v20+s4+$0x0], $0xffff  }
0x2bd: {  	v27 =	vor.u32 v12, v24;
	v19 =	vld.idx.msk [tilespmem:v20+s5+$0x0], $0xffff  }
0x2be: {  	v25 =	vand.u32 $0x3F, v24;
	v26 =	vld.idx.msk [tilespmem:v17+s5+$0x0], $0xffff;
	v31 =	vmul.f32 v60, v29;
	v30 =	vmul.f32 v62, v61  }
0x2bf: {  	v28 =	vor.u32 v9, v28;
	v20 =	vld.idx.msk [tilespmem:v63+s4+$0x0], $0xffff;
	v32 =	vmul.f32 v60, v61;
	v33 =	vmul.f32 v62, v29  }
0x2c0: {  	s14 =	simm.s32 $0x3;
	v21 =	vld.idx.msk [tilespmem:v63+s5+$0x0], $0xffff;
	v17 =	vimm.f32 $0.0e+00;
	v29 =	vor.u32 v11, v25  }
.LBB2_30:
0x2c1: {  	p0 =	sne.s32 s14, $0x3F;
	v34 =	vld.idx.msk [tilespmem:v22+s5+$0x0], $0xffff;
	v30 =	vadd.f32 v31, v30;
	v31 =	vsub.f32 v32, v33;
	v33 =	vmov v18  }
0x2c2: {  	v38 =	vadd.s32 s14, v0;
	v35 =	vmov v19;
	v18 =	vld.idx.msk [tilespmem:v27+s4+$0x0], $0xffff  }
.Ltmp14:
0x2c3: {  	v22 =	vor.u32 v10, v24;
	v19 =	vld.idx.msk [tilespmem:v27+s5+$0x0], $0xffff;
	v36 =	vmul.f32 v30, v23;
	v26 =	vmul.f32 v31, v26;
	(pc) =	sbr.rel @p0 .LBB2_30-.Ltmp14, $4  }
0x2c4: {  	v37 =	vand.u32 $0x3F, v38;
	v24 =	vmovc v38;
	v27 =	vor.u32 v12, v38;
	v32 =	vmov v20;
	v23 =	vld.idx.msk [tilespmem:v28+s5+$0x0], $0xffff  }
0x2c5: {  	v31 =	vmul.f32 v35, v33;
	v30 =	vmul.f32 v21, v32;
	v20 =	vld.idx.msk [tilespmem:v29+s4+$0x0], $0xffff;
	v36 =	vadd.f32 v26, v36  }
0x2c6: {  	v28 =	vor.u32 v9, v25;
	v32 =	vmul.f32 v35, v32;
	v33 =	vmul.f32 v21, v33;
	v21 =	vld.idx.msk [tilespmem:v29+s5+$0x0], $0xffff  }
0x2c7: {  	s14 =	sadd.s32 $0x1, s14;
	v25 =	vmovc v37;
	v29 =	vor.u32 v11, v37;
	v17 =	vadd.f32 v36, v17;
	v26 =	vmov v34  }
0x2c8: {  	_ =	sdelay $0x3  }
0x2c9: {  	v34 =	vld.idx.msk [tilespmem:v27+s4+$0x0], $0xffff  }
0x2ca: {  	v27 =	vld.idx.msk [tilespmem:v27+s5+$0x0], $0xffff  }
0x2cb: {  	v24 =	vor.u32 v10, v24;
	v35 =	vld.idx.msk [tilespmem:v29+s4+$0x0], $0xffff  }
0x2cc: {  	v30 =	vadd.f32 v31, v30;
	v31 =	vsub.f32 v32, v33;
	v25 =	vor.u32 v9, v25;
	v29 =	vld.idx.msk [tilespmem:v29+s5+$0x0], $0xffff;
	_ =	sdelay $0x1  }
0x2cd: {  	v28 =	vld.idx.msk [tilespmem:v28+s5+$0x0], $0xffff;
	v23 =	vmul.f32 v30, v23;
	v26 =	vmul.f32 v31, v26  }
0x2ce: {  	v22 =	vld.idx.msk [tilespmem:v22+s5+$0x0], $0xffff;
	v31 =	vmul.f32 v19, v18;
	v30 =	vmul.f32 v21, v20  }
0x2cf: {  	v19 =	vmul.f32 v19, v20;
	v18 =	vmul.f32 v21, v18;
	v20 =	vld.idx.msk [tilespmem:v24+s5+$0x0], $0xffff  }
0x2d0: {  	v21 =	vadd.f32 v31, v30;
	v24 =	vld.idx.msk [tilespmem:v25+s5+$0x0], $0xffff;
	v25 =	vmul.f32 v29, v35;
	v30 =	vmul.f32 v27, v34  }
0x2d1: {  	v18 =	vsub.f32 v19, v18;
	v19 =	vmul.f32 v27, v35;
	v27 =	vmul.f32 v29, v34  }
0x2d2: {  	v23 =	vadd.f32 v26, v23;
	v21 =	vmul.f32 v21, v28  }
0x2d3: {  	v18 =	vmul.f32 v18, v22;
	v22 =	vadd.f32 v30, v25;
	v19 =	vsub.f32 v19, v27  }
0x2d4: {  	v17 =	vadd.f32 v23, v17  }
0x2d5: {  	s14 =	simm.s32 $0x0;
	v18 =	vadd.f32 v18, v21;
	v21 =	vmul.f32 v22, v24;
	v19 =	vmul.f32 v19, v20  }
0x2d6: {  	v20 =	vadd.s32 s14, v0  }
0x2d7: {  	v17 =	vadd.f32 v18, v17;
	v18 =	vadd.f32 v19, v21;
	v19 =	vor.u32 v16, v20  }
0x2d8: {  	v21 =	vand.u32 $0x3F, v20  }
0x2d9: {  	v17 =	vadd.f32 v18, v17;
	v18 =	vor.u32 v15, v21;
	_ =	sdelay $0x1  }
0x2da: {  	s20 =	simm.s32 $0x1;
	[tilespmem:$0x186E0] =	vst v17  }
0x2db: {  	v22 =	vadd.s32 s20, v0;
	v21 =	vor.u32 v13, v21;
	v29 =	vld.idx.msk [tilespmem:v19+s4+$0x0], $0xffff  }
0x2dc: {  	v17 =	vor.u32 v14, v20;
	v20 =	vor.u32 v16, v22;
	v60 =	vld.idx.msk [tilespmem:v19+s5+$0x0], $0xffff  }
0x2dd: {  	v61 =	vld.idx.msk [tilespmem:v18+s4+$0x0], $0xffff  }
0x2de: {  	v28 =	vand.u32 $0x3F, v22;
	v62 =	vld.idx.msk [tilespmem:v18+s5+$0x0], $0xffff  }
0x2df: {  	v63 =	vor.u32 v15, v28  }
0x2e0: {  	s22 =	simm.s32 $0x2;
	v23 =	vld.idx.msk [tilespmem:v21+s5+$0x0], $0xffff  }
0x2e1: {  	v24 =	vadd.s32 s22, v0;
	v22 =	vor.u32 v14, v22;
	v18 =	vld.idx.msk [tilespmem:v20+s4+$0x0], $0xffff  }
0x2e2: {  	v27 =	vor.u32 v16, v24;
	v19 =	vld.idx.msk [tilespmem:v20+s5+$0x0], $0xffff  }
0x2e3: {  	v25 =	vand.u32 $0x3F, v24;
	v26 =	vld.idx.msk [tilespmem:v17+s5+$0x0], $0xffff;
	v31 =	vmul.f32 v60, v29;
	v30 =	vmul.f32 v62, v61  }
0x2e4: {  	v28 =	vor.u32 v13, v28;
	v20 =	vld.idx.msk [tilespmem:v63+s4+$0x0], $0xffff;
	v32 =	vmul.f32 v60, v61;
	v33 =	vmul.f32 v62, v29  }
0x2e5: {  	s14 =	simm.s32 $0x3;
	v21 =	vld.idx.msk [tilespmem:v63+s5+$0x0], $0xffff;
	v17 =	vimm.f32 $0.0e+00;
	v29 =	vor.u32 v15, v25  }
.LBB2_32:
0x2e6: {  	p0 =	sne.s32 s14, $0x3F;
	v34 =	vld.idx.msk [tilespmem:v22+s5+$0x0], $0xffff;
	v30 =	vadd.f32 v31, v30;
	v31 =	vsub.f32 v32, v33;
	v33 =	vmov v18  }
0x2e7: {  	v38 =	vadd.s32 s14, v0;
	v35 =	vmov v19;
	v18 =	vld.idx.msk [tilespmem:v27+s4+$0x0], $0xffff  }
.Ltmp15:
0x2e8: {  	v22 =	vor.u32 v14, v24;
	v19 =	vld.idx.msk [tilespmem:v27+s5+$0x0], $0xffff;
	v36 =	vmul.f32 v30, v23;
	v26 =	vmul.f32 v31, v26;
	(pc) =	sbr.rel @p0 .LBB2_32-.Ltmp15, $4  }
0x2e9: {  	v37 =	vand.u32 $0x3F, v38;
	v24 =	vmovc v38;
	v27 =	vor.u32 v16, v38;
	v32 =	vmov v20;
	v23 =	vld.idx.msk [tilespmem:v28+s5+$0x0], $0xffff  }
0x2ea: {  	v31 =	vmul.f32 v35, v33;
	v30 =	vmul.f32 v21, v32;
	v20 =	vld.idx.msk [tilespmem:v29+s4+$0x0], $0xffff;
	v36 =	vadd.f32 v26, v36  }
0x2eb: {  	v28 =	vor.u32 v13, v25;
	v32 =	vmul.f32 v35, v32;
	v33 =	vmul.f32 v21, v33;
	v21 =	vld.idx.msk [tilespmem:v29+s5+$0x0], $0xffff  }
0x2ec: {  	s14 =	sadd.s32 $0x1, s14;
	v25 =	vmovc v37;
	v29 =	vor.u32 v15, v37;
	v17 =	vadd.f32 v36, v17;
	v26 =	vmov v34  }
0x2ed: {  	_ =	sdelay $0x3  }
0x2ee: {  	v34 =	vld.idx.msk [tilespmem:v27+s4+$0x0], $0xffff  }
0x2ef: {  	v27 =	vld.idx.msk [tilespmem:v27+s5+$0x0], $0xffff  }
0x2f0: {  	v24 =	vor.u32 v14, v24;
	v35 =	vld.idx.msk [tilespmem:v29+s4+$0x0], $0xffff  }
0x2f1: {  	v30 =	vadd.f32 v31, v30;
	v31 =	vsub.f32 v32, v33;
	v25 =	vor.u32 v13, v25;
	v29 =	vld.idx.msk [tilespmem:v29+s5+$0x0], $0xffff;
	_ =	sdelay $0x1  }
0x2f2: {  	v28 =	vld.idx.msk [tilespmem:v28+s5+$0x0], $0xffff;
	v23 =	vmul.f32 v30, v23;
	v26 =	vmul.f32 v31, v26  }
0x2f3: {  	v22 =	vld.idx.msk [tilespmem:v22+s5+$0x0], $0xffff;
	v31 =	vmul.f32 v19, v18;
	v30 =	vmul.f32 v21, v20  }
0x2f4: {  	v19 =	vmul.f32 v19, v20;
	v18 =	vmul.f32 v21, v18;
	v20 =	vld.idx.msk [tilespmem:v24+s5+$0x0], $0xffff  }
0x2f5: {  	v21 =	vadd.f32 v31, v30;
	v24 =	vld.idx.msk [tilespmem:v25+s5+$0x0], $0xffff;
	v25 =	vmul.f32 v29, v35;
	v30 =	vmul.f32 v27, v34  }
0x2f6: {  	v18 =	vsub.f32 v19, v18;
	v19 =	vmul.f32 v27, v35;
	v27 =	vmul.f32 v29, v34  }
0x2f7: {  	v23 =	vadd.f32 v26, v23;
	v21 =	vmul.f32 v21, v28  }
0x2f8: {  	v18 =	vmul.f32 v18, v22;
	v22 =	vadd.f32 v30, v25;
	v19 =	vsub.f32 v19, v27  }
0x2f9: {  	v17 =	vadd.f32 v23, v17  }
0x2fa: {  	v18 =	vadd.f32 v18, v21;
	v21 =	vmul.f32 v22, v24;
	v19 =	vmul.f32 v19, v20;
	_ =	sdelay $0x1  }
0x2fb: {  	v17 =	vadd.f32 v18, v17;
	v18 =	vadd.f32 v19, v21;
	_ =	sdelay $0x1  }
0x2fc: {  	v17 =	vadd.f32 v18, v17;
	_ =	sdelay $0x1  }
0x2fd: {  	[tilespmem:$0x186F0] =	vst v17  }
0x2fe: {  	[tilespmem:s4], [sflag:$0x7] =	stream.indirect.gather [hbm4b:s2+s29], $0x80, s24, s29, $0xb8;
	[tilespmem:$0x18800] =	vst v63  }
0x2ff: {  	s14 =	simm.s32 $0x0  }
0x300: {  	[tilespmem:s5], [sflag:$0x5] =	stream.indirect.gather [hbm4b:s1+s29], $0x80, s21, s29, $0xb8;
	[tilespmem:$0x18800] =	vst v63  }
0x301: {  	v17 =	vadd.s32 s14, v0;
	_ =	swait.ge [sflag:s6], $0x4000  }
0x302: {  	v19 =	vor.u32 v2, v17;
	[sflag:s6] =	ssyncset.done $0x0  }
0x303: {  	v20 =	vor.u32 v4, v17;
	v17 =	vand.u32 $0x3F, v17;
	[sflag:s6] =	ssyncadd.s32 $0xFFFFC000  }
0x304: {  	v23 =	vor.u32 v1, v17;
	_ =	swait.ge [sflag:s7], $0x4000  }
0x305: {  	v17 =	vor.u32 v3, v17;
	[sflag:s7] =	ssyncset.done $0x0  }
0x306: {  	s22 =	simm.s32 $0x1;
	[sflag:s7] =	ssyncadd.s32 $0xFFFFC000  }
0x307: {  	v21 =	vadd.s32 s22, v0;
	v26 =	vld.idx.msk [tilespmem:v19+s18+$0x0], $0xffff  }
0x308: {  	v18 =	vor.u32 v2, v21;
	v31 =	vld.idx.msk [tilespmem:v20+s0+$0x0], $0xffff  }
0x309: {  	v22 =	vor.u32 v4, v21;
	v61 =	vld.idx.msk [tilespmem:v23+s18+$0x0], $0xffff  }
0x30a: {  	v21 =	vand.u32 $0x3F, v21;
	v62 =	vld.idx.msk [tilespmem:v17+s0+$0x0], $0xffff  }
0x30b: {  	v20 =	vor.u32 v1, v21  }
0x30c: {  	v24 =	vor.u32 v3, v21;
	s24 =	simm.s32 $0x2;
	v28 =	vld.idx.msk [tilespmem:v19+s0+$0x0], $0xffff  }
0x30d: {  	v63 =	vadd.s32 s24, v0;
	v19 =	vld.idx.msk [tilespmem:v18+s18+$0x0], $0xffff  }
0x30e: {  	v21 =	vld.idx.msk [tilespmem:v22+s0+$0x0], $0xffff;
	v22 =	vor.u32 v2, v63  }
0x30f: {  	v27 =	vor.u32 v4, v63;
	v25 =	vld.idx.msk [tilespmem:v23+s0+$0x0], $0xffff;
	v29 =	vmul.f32 v62, v61;
	v30 =	vmul.f32 v31, v26  }
0x310: {  	v33 =	vand.u32 $0x3F, v63;
	v23 =	vld.idx.msk [tilespmem:v20+s18+$0x0], $0xffff;
	v31 =	vmul.f32 v31, v61;
	v32 =	vmul.f32 v62, v26  }
0x311: {  	s14 =	simm.s32 $0x3;
	v17 =	vimm.f32 $0.0e+00;
	v24 =	vld.idx.msk [tilespmem:v24+s0+$0x0], $0xffff;
	v26 =	vor.u32 v1, v33  }
.LBB2_34:
0x312: {  	p0 =	sne.s32 s14, $0x3F;
	v34 =	vor.u32 v3, v33;
	v35 =	vld.idx.msk [tilespmem:v18+s0+$0x0], $0xffff;
	v29 =	vadd.f32 v30, v29;
	v30 =	vsub.f32 v31, v32  }
0x313: {  	v32 =	vmov v19;
	v31 =	vmov v21;
	v18 =	vmov v22;
	v19 =	vld.idx.msk [tilespmem:v22+s18+$0x0], $0xffff  }
.Ltmp16:
0x314: {  	v33 =	vadd.s32 s14, v0;
	v21 =	vld.idx.msk [tilespmem:v27+s0+$0x0], $0xffff;
	v36 =	vmul.f32 v29, v25;
	v28 =	vmul.f32 v30, v28;
	(pc) =	sbr.rel @p0 .LBB2_34-.Ltmp16, $4  }
0x315: {  	v22 =	vor.u32 v2, v33;
	v27 =	vor.u32 v4, v33;
	v37 =	vmovc v23;
	v25 =	vld.idx.msk [tilespmem:v20+s0+$0x0], $0xffff;
	v20 =	vmov v26  }
0x316: {  	v30 =	vmul.f32 v31, v32;
	v29 =	vmul.f32 v24, v37;
	v23 =	vld.idx.msk [tilespmem:v26+s18+$0x0], $0xffff;
	v36 =	vadd.f32 v28, v36  }
0x317: {  	v33 =	vand.u32 $0x3F, v33;
	v31 =	vmul.f32 v31, v37;
	v32 =	vmul.f32 v24, v32;
	v24 =	vld.idx.msk [tilespmem:v34+s0+$0x0], $0xffff  }
0x318: {  	s14 =	sadd.s32 $0x1, s14;
	v26 =	vor.u32 v1, v33;
	v17 =	vadd.f32 v36, v17;
	v28 =	vmov v35  }
0x319: {  	_ =	sdelay $0x1  }
0x31a: {  	v33 =	vor.u32 v3, v33;
	_ =	sdelay $0x1  }
0x31b: {  	v34 =	vld.idx.msk [tilespmem:v22+s18+$0x0], $0xffff  }
0x31c: {  	v27 =	vld.idx.msk [tilespmem:v27+s0+$0x0], $0xffff;
	v29 =	vadd.f32 v30, v29;
	v30 =	vsub.f32 v31, v32  }
0x31d: {  	v35 =	vld.idx.msk [tilespmem:v26+s18+$0x0], $0xffff  }
0x31e: {  	v25 =	vmul.f32 v29, v25;
	v28 =	vmul.f32 v30, v28;
	v31 =	vld.idx.msk [tilespmem:v33+s0+$0x0], $0xffff  }
0x31f: {  	v20 =	vld.idx.msk [tilespmem:v20+s0+$0x0], $0xffff;
	v30 =	vmul.f32 v21, v19;
	v29 =	vmul.f32 v24, v23  }
0x320: {  	v18 =	vld.idx.msk [tilespmem:v18+s0+$0x0], $0xffff;
	v21 =	vmul.f32 v21, v23;
	v19 =	vmul.f32 v24, v19  }
0x321: {  	v22 =	vld.idx.msk [tilespmem:v22+s0+$0x0], $0xffff;
	v23 =	vadd.f32 v30, v29  }
0x322: {  	v24 =	vld.idx.msk [tilespmem:v26+s0+$0x0], $0xffff;
	v29 =	vmul.f32 v27, v34;
	v19 =	vsub.f32 v21, v19;
	v21 =	vmul.f32 v27, v35  }
0x323: {  	v26 =	vmul.f32 v31, v35;
	v27 =	vmul.f32 v31, v34  }
0x324: {  	v25 =	vadd.f32 v28, v25;
	v20 =	vmul.f32 v23, v20  }
0x325: {  	v18 =	vmul.f32 v19, v18;
	v19 =	vadd.f32 v29, v26;
	v21 =	vsub.f32 v21, v27  }
0x326: {  	v17 =	vadd.f32 v25, v17  }
0x327: {  	s14 =	simm.s32 $0x0;
	v18 =	vadd.f32 v18, v20;
	v19 =	vmul.f32 v19, v24;
	v20 =	vmul.f32 v21, v22  }
0x328: {  	v21 =	vadd.s32 s14, v0  }
0x329: {  	v17 =	vadd.f32 v18, v17;
	v18 =	vadd.f32 v20, v19;
	v19 =	vor.u32 v6, v21  }
0x32a: {  	v20 =	vor.u32 v8, v21;
	v21 =	vand.u32 $0x3F, v21  }
0x32b: {  	v23 =	vor.u32 v5, v21;
	v17 =	vadd.f32 v18, v17  }
0x32c: {  	v21 =	vor.u32 v7, v21  }
0x32d: {  	s22 =	simm.s32 $0x1;
	[tilespmem:$0x18700] =	vst v17  }
0x32e: {  	v17 =	vadd.s32 s22, v0;
	v26 =	vld.idx.msk [tilespmem:v19+s18+$0x0], $0xffff  }
0x32f: {  	v18 =	vor.u32 v6, v17;
	v31 =	vld.idx.msk [tilespmem:v20+s0+$0x0], $0xffff  }
0x330: {  	v22 =	vor.u32 v8, v17;
	v61 =	vld.idx.msk [tilespmem:v23+s18+$0x0], $0xffff  }
0x331: {  	v17 =	vand.u32 $0x3F, v17;
	v62 =	vld.idx.msk [tilespmem:v21+s0+$0x0], $0xffff  }
0x332: {  	v20 =	vor.u32 v5, v17  }
0x333: {  	s24 =	simm.s32 $0x2;
	v28 =	vld.idx.msk [tilespmem:v19+s0+$0x0], $0xffff;
	v24 =	vor.u32 v7, v17  }
0x334: {  	v63 =	vadd.s32 s24, v0;
	v19 =	vld.idx.msk [tilespmem:v18+s18+$0x0], $0xffff  }
0x335: {  	v21 =	vld.idx.msk [tilespmem:v22+s0+$0x0], $0xffff;
	v22 =	vor.u32 v6, v63  }
0x336: {  	v27 =	vor.u32 v8, v63;
	v25 =	vld.idx.msk [tilespmem:v23+s0+$0x0], $0xffff;
	v30 =	vmul.f32 v31, v26;
	v29 =	vmul.f32 v62, v61  }
0x337: {  	v33 =	vand.u32 $0x3F, v63;
	v23 =	vld.idx.msk [tilespmem:v20+s18+$0x0], $0xffff;
	v31 =	vmul.f32 v31, v61;
	v32 =	vmul.f32 v62, v26  }
0x338: {  	s14 =	simm.s32 $0x3;
	v17 =	vimm.f32 $0.0e+00;
	v24 =	vld.idx.msk [tilespmem:v24+s0+$0x0], $0xffff;
	v26 =	vor.u32 v5, v33  }
.LBB2_36:
0x339: {  	p0 =	sne.s32 s14, $0x3F;
	v34 =	vor.u32 v7, v33;
	v35 =	vld.idx.msk [tilespmem:v18+s0+$0x0], $0xffff;
	v29 =	vadd.f32 v30, v29;
	v30 =	vsub.f32 v31, v32  }
0x33a: {  	v32 =	vmov v19;
	v31 =	vmov v21;
	v18 =	vmov v22;
	v19 =	vld.idx.msk [tilespmem:v22+s18+$0x0], $0xffff  }
.Ltmp17:
0x33b: {  	v33 =	vadd.s32 s14, v0;
	v21 =	vld.idx.msk [tilespmem:v27+s0+$0x0], $0xffff;
	v36 =	vmul.f32 v29, v25;
	v28 =	vmul.f32 v30, v28;
	(pc) =	sbr.rel @p0 .LBB2_36-.Ltmp17, $4  }
0x33c: {  	v22 =	vor.u32 v6, v33;
	v27 =	vor.u32 v8, v33;
	v37 =	vmovc v23;
	v25 =	vld.idx.msk [tilespmem:v20+s0+$0x0], $0xffff;
	v20 =	vmov v26  }
0x33d: {  	v30 =	vmul.f32 v31, v32;
	v29 =	vmul.f32 v24, v37;
	v23 =	vld.idx.msk [tilespmem:v26+s18+$0x0], $0xffff;
	v36 =	vadd.f32 v28, v36  }
0x33e: {  	v33 =	vand.u32 $0x3F, v33;
	v31 =	vmul.f32 v31, v37;
	v32 =	vmul.f32 v24, v32;
	v24 =	vld.idx.msk [tilespmem:v34+s0+$0x0], $0xffff  }
0x33f: {  	s14 =	sadd.s32 $0x1, s14;
	v26 =	vor.u32 v5, v33;
	v17 =	vadd.f32 v36, v17;
	v28 =	vmov v35  }
0x340: {  	_ =	sdelay $0x1  }
0x341: {  	v33 =	vor.u32 v7, v33;
	_ =	sdelay $0x1  }
0x342: {  	v34 =	vld.idx.msk [tilespmem:v22+s18+$0x0], $0xffff  }
0x343: {  	v27 =	vld.idx.msk [tilespmem:v27+s0+$0x0], $0xffff;
	v29 =	vadd.f32 v30, v29;
	v30 =	vsub.f32 v31, v32  }
0x344: {  	v35 =	vld.idx.msk [tilespmem:v26+s18+$0x0], $0xffff  }
0x345: {  	v25 =	vmul.f32 v29, v25;
	v28 =	vmul.f32 v30, v28;
	v31 =	vld.idx.msk [tilespmem:v33+s0+$0x0], $0xffff  }
0x346: {  	v20 =	vld.idx.msk [tilespmem:v20+s0+$0x0], $0xffff;
	v30 =	vmul.f32 v21, v19;
	v29 =	vmul.f32 v24, v23  }
0x347: {  	v18 =	vld.idx.msk [tilespmem:v18+s0+$0x0], $0xffff;
	v21 =	vmul.f32 v21, v23;
	v19 =	vmul.f32 v24, v19  }
0x348: {  	v22 =	vld.idx.msk [tilespmem:v22+s0+$0x0], $0xffff;
	v23 =	vadd.f32 v30, v29  }
0x349: {  	v24 =	vld.idx.msk [tilespmem:v26+s0+$0x0], $0xffff;
	v29 =	vmul.f32 v27, v34;
	v19 =	vsub.f32 v21, v19;
	v21 =	vmul.f32 v27, v35  }
0x34a: {  	v26 =	vmul.f32 v31, v35;
	v27 =	vmul.f32 v31, v34  }
0x34b: {  	v25 =	vadd.f32 v28, v25;
	v20 =	vmul.f32 v23, v20  }
0x34c: {  	v18 =	vmul.f32 v19, v18;
	v19 =	vadd.f32 v29, v26;
	v21 =	vsub.f32 v21, v27  }
0x34d: {  	v17 =	vadd.f32 v25, v17  }
0x34e: {  	s14 =	simm.s32 $0x0;
	v18 =	vadd.f32 v18, v20;
	v19 =	vmul.f32 v19, v24;
	v20 =	vmul.f32 v21, v22  }
0x34f: {  	v21 =	vadd.s32 s14, v0  }
0x350: {  	v17 =	vadd.f32 v18, v17;
	v18 =	vadd.f32 v20, v19;
	v19 =	vor.u32 v10, v21  }
0x351: {  	v20 =	vor.u32 v12, v21;
	v21 =	vand.u32 $0x3F, v21  }
0x352: {  	v23 =	vor.u32 v9, v21;
	v17 =	vadd.f32 v18, v17  }
0x353: {  	v21 =	vor.u32 v11, v21  }
0x354: {  	s22 =	simm.s32 $0x1;
	[tilespmem:$0x18710] =	vst v17  }
0x355: {  	v17 =	vadd.s32 s22, v0;
	v26 =	vld.idx.msk [tilespmem:v19+s18+$0x0], $0xffff  }
0x356: {  	v18 =	vor.u32 v10, v17;
	v31 =	vld.idx.msk [tilespmem:v20+s0+$0x0], $0xffff  }
0x357: {  	v22 =	vor.u32 v12, v17;
	v61 =	vld.idx.msk [tilespmem:v23+s18+$0x0], $0xffff  }
0x358: {  	v17 =	vand.u32 $0x3F, v17;
	v62 =	vld.idx.msk [tilespmem:v21+s0+$0x0], $0xffff  }
0x359: {  	v20 =	vor.u32 v9, v17  }
0x35a: {  	s24 =	simm.s32 $0x2;
	v28 =	vld.idx.msk [tilespmem:v19+s0+$0x0], $0xffff;
	v24 =	vor.u32 v11, v17  }
0x35b: {  	v63 =	vadd.s32 s24, v0;
	v19 =	vld.idx.msk [tilespmem:v18+s18+$0x0], $0xffff  }
0x35c: {  	v21 =	vld.idx.msk [tilespmem:v22+s0+$0x0], $0xffff;
	v22 =	vor.u32 v10, v63  }
0x35d: {  	v27 =	vor.u32 v12, v63;
	v25 =	vld.idx.msk [tilespmem:v23+s0+$0x0], $0xffff;
	v30 =	vmul.f32 v31, v26;
	v29 =	vmul.f32 v62, v61  }
0x35e: {  	v33 =	vand.u32 $0x3F, v63;
	v23 =	vld.idx.msk [tilespmem:v20+s18+$0x0], $0xffff;
	v31 =	vmul.f32 v31, v61;
	v32 =	vmul.f32 v62, v26  }
0x35f: {  	s14 =	simm.s32 $0x3;
	v17 =	vimm.f32 $0.0e+00;
	v24 =	vld.idx.msk [tilespmem:v24+s0+$0x0], $0xffff;
	v26 =	vor.u32 v9, v33  }
.LBB2_38:
0x360: {  	p0 =	sne.s32 s14, $0x3F;
	v34 =	vor.u32 v11, v33;
	v35 =	vld.idx.msk [tilespmem:v18+s0+$0x0], $0xffff;
	v29 =	vadd.f32 v30, v29;
	v30 =	vsub.f32 v31, v32  }
0x361: {  	v32 =	vmov v19;
	v31 =	vmov v21;
	v18 =	vmov v22;
	v19 =	vld.idx.msk [tilespmem:v22+s18+$0x0], $0xffff  }
.Ltmp18:
0x362: {  	v33 =	vadd.s32 s14, v0;
	v21 =	vld.idx.msk [tilespmem:v27+s0+$0x0], $0xffff;
	v36 =	vmul.f32 v29, v25;
	v28 =	vmul.f32 v30, v28;
	(pc) =	sbr.rel @p0 .LBB2_38-.Ltmp18, $4  }
0x363: {  	v22 =	vor.u32 v10, v33;
	v27 =	vor.u32 v12, v33;
	v37 =	vmovc v23;
	v25 =	vld.idx.msk [tilespmem:v20+s0+$0x0], $0xffff;
	v20 =	vmov v26  }
0x364: {  	v30 =	vmul.f32 v31, v32;
	v29 =	vmul.f32 v24, v37;
	v23 =	vld.idx.msk [tilespmem:v26+s18+$0x0], $0xffff;
	v36 =	vadd.f32 v28, v36  }
0x365: {  	v33 =	vand.u32 $0x3F, v33;
	v31 =	vmul.f32 v31, v37;
	v32 =	vmul.f32 v24, v32;
	v24 =	vld.idx.msk [tilespmem:v34+s0+$0x0], $0xffff  }
0x366: {  	s14 =	sadd.s32 $0x1, s14;
	v26 =	vor.u32 v9, v33;
	v17 =	vadd.f32 v36, v17;
	v28 =	vmov v35  }
0x367: {  	_ =	sdelay $0x1  }
0x368: {  	v33 =	vor.u32 v11, v33;
	_ =	sdelay $0x1  }
0x369: {  	v34 =	vld.idx.msk [tilespmem:v22+s18+$0x0], $0xffff  }
0x36a: {  	v27 =	vld.idx.msk [tilespmem:v27+s0+$0x0], $0xffff;
	v29 =	vadd.f32 v30, v29;
	v30 =	vsub.f32 v31, v32  }
0x36b: {  	v35 =	vld.idx.msk [tilespmem:v26+s18+$0x0], $0xffff  }
0x36c: {  	v25 =	vmul.f32 v29, v25;
	v28 =	vmul.f32 v30, v28;
	v31 =	vld.idx.msk [tilespmem:v33+s0+$0x0], $0xffff  }
0x36d: {  	v20 =	vld.idx.msk [tilespmem:v20+s0+$0x0], $0xffff;
	v30 =	vmul.f32 v21, v19;
	v29 =	vmul.f32 v24, v23  }
0x36e: {  	v18 =	vld.idx.msk [tilespmem:v18+s0+$0x0], $0xffff;
	v21 =	vmul.f32 v21, v23;
	v19 =	vmul.f32 v24, v19  }
0x36f: {  	v22 =	vld.idx.msk [tilespmem:v22+s0+$0x0], $0xffff;
	v23 =	vadd.f32 v30, v29  }
0x370: {  	v24 =	vld.idx.msk [tilespmem:v26+s0+$0x0], $0xffff;
	v29 =	vmul.f32 v27, v34;
	v19 =	vsub.f32 v21, v19;
	v21 =	vmul.f32 v27, v35  }
0x371: {  	v26 =	vmul.f32 v31, v35;
	v27 =	vmul.f32 v31, v34  }
0x372: {  	v25 =	vadd.f32 v28, v25;
	v20 =	vmul.f32 v23, v20  }
0x373: {  	v18 =	vmul.f32 v19, v18;
	v19 =	vadd.f32 v29, v26;
	v21 =	vsub.f32 v21, v27  }
0x374: {  	v17 =	vadd.f32 v25, v17  }
0x375: {  	s14 =	simm.s32 $0x0;
	v18 =	vadd.f32 v18, v20;
	v19 =	vmul.f32 v19, v24;
	v20 =	vmul.f32 v21, v22  }
0x376: {  	v21 =	vadd.s32 s14, v0  }
0x377: {  	v17 =	vadd.f32 v18, v17;
	v18 =	vadd.f32 v20, v19;
	v19 =	vor.u32 v14, v21  }
0x378: {  	v20 =	vor.u32 v16, v21;
	v21 =	vand.u32 $0x3F, v21  }
0x379: {  	v23 =	vor.u32 v13, v21;
	v17 =	vadd.f32 v18, v17  }
0x37a: {  	v21 =	vor.u32 v15, v21  }
0x37b: {  	s22 =	simm.s32 $0x1;
	[tilespmem:$0x18720] =	vst v17  }
0x37c: {  	v17 =	vadd.s32 s22, v0;
	v26 =	vld.idx.msk [tilespmem:v19+s18+$0x0], $0xffff  }
0x37d: {  	v18 =	vor.u32 v14, v17;
	v31 =	vld.idx.msk [tilespmem:v20+s0+$0x0], $0xffff  }
0x37e: {  	v22 =	vor.u32 v16, v17;
	v61 =	vld.idx.msk [tilespmem:v23+s18+$0x0], $0xffff  }
0x37f: {  	v17 =	vand.u32 $0x3F, v17;
	v62 =	vld.idx.msk [tilespmem:v21+s0+$0x0], $0xffff  }
0x380: {  	v20 =	vor.u32 v13, v17  }
0x381: {  	s24 =	simm.s32 $0x2;
	v28 =	vld.idx.msk [tilespmem:v19+s0+$0x0], $0xffff;
	v24 =	vor.u32 v15, v17  }
0x382: {  	v63 =	vadd.s32 s24, v0;
	v19 =	vld.idx.msk [tilespmem:v18+s18+$0x0], $0xffff  }
0x383: {  	v21 =	vld.idx.msk [tilespmem:v22+s0+$0x0], $0xffff;
	v22 =	vor.u32 v14, v63  }
0x384: {  	v27 =	vor.u32 v16, v63;
	v25 =	vld.idx.msk [tilespmem:v23+s0+$0x0], $0xffff;
	v30 =	vmul.f32 v31, v26;
	v29 =	vmul.f32 v62, v61  }
0x385: {  	v33 =	vand.u32 $0x3F, v63;
	v23 =	vld.idx.msk [tilespmem:v20+s18+$0x0], $0xffff;
	v31 =	vmul.f32 v31, v61;
	v32 =	vmul.f32 v62, v26  }
0x386: {  	s14 =	simm.s32 $0x3;
	v17 =	vimm.f32 $0.0e+00;
	v24 =	vld.idx.msk [tilespmem:v24+s0+$0x0], $0xffff;
	v26 =	vor.u32 v13, v33  }
.LBB2_40:
0x387: {  	p0 =	sne.s32 s14, $0x3F;
	v34 =	vor.u32 v15, v33;
	v35 =	vld.idx.msk [tilespmem:v18+s0+$0x0], $0xffff;
	v29 =	vadd.f32 v30, v29;
	v30 =	vsub.f32 v31, v32  }
0x388: {  	v32 =	vmov v19;
	v31 =	vmov v21;
	v18 =	vmov v22;
	v19 =	vld.idx.msk [tilespmem:v22+s18+$0x0], $0xffff  }
.Ltmp19:
0x389: {  	v33 =	vadd.s32 s14, v0;
	v21 =	vld.idx.msk [tilespmem:v27+s0+$0x0], $0xffff;
	v36 =	vmul.f32 v29, v25;
	v28 =	vmul.f32 v30, v28;
	(pc) =	sbr.rel @p0 .LBB2_40-.Ltmp19, $4  }
0x38a: {  	v22 =	vor.u32 v14, v33;
	v27 =	vor.u32 v16, v33;
	v37 =	vmovc v23;
	v25 =	vld.idx.msk [tilespmem:v20+s0+$0x0], $0xffff;
	v20 =	vmov v26  }
0x38b: {  	v30 =	vmul.f32 v31, v32;
	v29 =	vmul.f32 v24, v37;
	v23 =	vld.idx.msk [tilespmem:v26+s18+$0x0], $0xffff;
	v36 =	vadd.f32 v28, v36  }
0x38c: {  	v33 =	vand.u32 $0x3F, v33;
	v31 =	vmul.f32 v31, v37;
	v32 =	vmul.f32 v24, v32;
	v24 =	vld.idx.msk [tilespmem:v34+s0+$0x0], $0xffff  }
0x38d: {  	s14 =	sadd.s32 $0x1, s14;
	v26 =	vor.u32 v13, v33;
	v17 =	vadd.f32 v36, v17;
	v28 =	vmov v35  }
0x38e: {  	_ =	sdelay $0x1  }
0x38f: {  	v33 =	vor.u32 v15, v33;
	_ =	sdelay $0x1  }
0x390: {  	v34 =	vld.idx.msk [tilespmem:v22+s18+$0x0], $0xffff  }
0x391: {  	v27 =	vld.idx.msk [tilespmem:v27+s0+$0x0], $0xffff;
	v29 =	vadd.f32 v30, v29;
	v30 =	vsub.f32 v31, v32  }
0x392: {  	v35 =	vld.idx.msk [tilespmem:v26+s18+$0x0], $0xffff  }
0x393: {  	v25 =	vmul.f32 v29, v25;
	v28 =	vmul.f32 v30, v28;
	v31 =	vld.idx.msk [tilespmem:v33+s0+$0x0], $0xffff  }
0x394: {  	v20 =	vld.idx.msk [tilespmem:v20+s0+$0x0], $0xffff;
	v30 =	vmul.f32 v21, v19;
	v29 =	vmul.f32 v24, v23  }
0x395: {  	v18 =	vld.idx.msk [tilespmem:v18+s0+$0x0], $0xffff;
	v21 =	vmul.f32 v21, v23;
	v19 =	vmul.f32 v24, v19  }
0x396: {  	v22 =	vld.idx.msk [tilespmem:v22+s0+$0x0], $0xffff;
	v23 =	vadd.f32 v30, v29  }
0x397: {  	v24 =	vld.idx.msk [tilespmem:v26+s0+$0x0], $0xffff;
	v29 =	vmul.f32 v27, v34;
	v19 =	vsub.f32 v21, v19;
	v21 =	vmul.f32 v27, v35  }
0x398: {  	v26 =	vmul.f32 v31, v35;
	v27 =	vmul.f32 v31, v34  }
0x399: {  	v25 =	vadd.f32 v28, v25;
	v20 =	vmul.f32 v23, v20  }
0x39a: {  	v18 =	vmul.f32 v19, v18;
	v19 =	vadd.f32 v29, v26;
	v21 =	vsub.f32 v21, v27  }
0x39b: {  	v17 =	vadd.f32 v25, v17  }
0x39c: {  	v18 =	vadd.f32 v18, v20;
	v19 =	vmul.f32 v19, v24;
	v20 =	vmul.f32 v21, v22;
	_ =	sdelay $0x1  }
0x39d: {  	v17 =	vadd.f32 v18, v17;
	v18 =	vadd.f32 v20, v19  }
0x39e: {  	s14 =	simm.s32 $0x0  }
0x39f: {  	v17 =	vadd.f32 v18, v17;
	v18 =	vadd.s32 s14, v0  }
0x3a0: {  	v19 =	vor.u32 v4, v18  }
0x3a1: {  	[tilespmem:$0x18730] =	vst v17;
	v17 =	vand.u32 $0x3F, v18  }
0x3a2: {  	s22 =	simm.s32 $0x1;
	_ =	swait.ge [sflag:s8], $0x4000;
	v20 =	vor.u32 v3, v17  }
0x3a3: {  	v21 =	vadd.s32 s22, v0;
	[sflag:s8] =	ssyncset.done $0x0  }
0x3a4: {  	v22 =	vor.u32 v4, v21;
	[sflag:s8] =	ssyncadd.s32 $0xFFFFC000  }
0x3a5: {  	v18 =	vor.u32 v2, v18;
	v29 =	vld.idx.msk [tilespmem:v19+s18+$0x0], $0xffff  }
0x3a6: {  	v60 =	vld.idx.msk [tilespmem:v19+s30+$0x0], $0xffff  }
0x3a7: {  	v61 =	vld.idx.msk [tilespmem:v20+s18+$0x0], $0xffff  }
0x3a8: {  	v28 =	vand.u32 $0x3F, v21;
	v23 =	vor.u32 v1, v17;
	v62 =	vld.idx.msk [tilespmem:v20+s30+$0x0], $0xffff  }
0x3a9: {  	v63 =	vor.u32 v3, v28;
	v19 =	vld.idx.msk [tilespmem:v22+s30+$0x0], $0xffff  }
0x3aa: {  	s24 =	simm.s32 $0x2;
	v26 =	vld.idx.msk [tilespmem:v18+s30+$0x0], $0xffff  }
0x3ab: {  	v24 =	vadd.s32 s24, v0;
	v18 =	vld.idx.msk [tilespmem:v22+s18+$0x0], $0xffff;
	v22 =	vor.u32 v2, v21  }
0x3ac: {  	v27 =	vor.u32 v4, v24  }
0x3ad: {  	v25 =	vand.u32 $0x3F, v24;
	v23 =	vld.idx.msk [tilespmem:v23+s30+$0x0], $0xffff;
	v31 =	vmul.f32 v60, v29;
	v30 =	vmul.f32 v62, v61  }
0x3ae: {  	v28 =	vor.u32 v1, v28;
	v20 =	vld.idx.msk [tilespmem:v63+s18+$0x0], $0xffff;
	v32 =	vmul.f32 v60, v61;
	v33 =	vmul.f32 v62, v29  }
0x3af: {  	s14 =	simm.s32 $0x3;
	v17 =	vimm.f32 $0.0e+00;
	v21 =	vld.idx.msk [tilespmem:v63+s30+$0x0], $0xffff;
	v29 =	vor.u32 v3, v25  }
.LBB2_42:
0x3b0: {  	p0 =	sne.s32 s14, $0x3F;
	v34 =	vld.idx.msk [tilespmem:v22+s30+$0x0], $0xffff;
	v30 =	vadd.f32 v31, v30;
	v31 =	vsub.f32 v32, v33;
	v33 =	vmov v18  }
0x3b1: {  	v38 =	vadd.s32 s14, v0;
	v35 =	vmov v19;
	v18 =	vld.idx.msk [tilespmem:v27+s18+$0x0], $0xffff  }
.Ltmp20:
0x3b2: {  	v22 =	vor.u32 v2, v24;
	v19 =	vld.idx.msk [tilespmem:v27+s30+$0x0], $0xffff;
	v36 =	vmul.f32 v30, v23;
	v26 =	vmul.f32 v31, v26;
	(pc) =	sbr.rel @p0 .LBB2_42-.Ltmp20, $4  }
0x3b3: {  	v37 =	vand.u32 $0x3F, v38;
	v24 =	vmovc v38;
	v27 =	vor.u32 v4, v38;
	v32 =	vmov v20;
	v23 =	vld.idx.msk [tilespmem:v28+s30+$0x0], $0xffff  }
0x3b4: {  	v31 =	vmul.f32 v35, v33;
	v30 =	vmul.f32 v21, v32;
	v20 =	vld.idx.msk [tilespmem:v29+s18+$0x0], $0xffff;
	v36 =	vadd.f32 v26, v36  }
0x3b5: {  	v28 =	vor.u32 v1, v25;
	v32 =	vmul.f32 v35, v32;
	v33 =	vmul.f32 v21, v33;
	v21 =	vld.idx.msk [tilespmem:v29+s30+$0x0], $0xffff  }
0x3b6: {  	s14 =	sadd.s32 $0x1, s14;
	v25 =	vmovc v37;
	v29 =	vor.u32 v3, v37;
	v17 =	vadd.f32 v36, v17;
	v26 =	vmov v34  }
0x3b7: {  	_ =	sdelay $0x3  }
0x3b8: {  	v34 =	vld.idx.msk [tilespmem:v27+s18+$0x0], $0xffff  }
0x3b9: {  	v27 =	vld.idx.msk [tilespmem:v27+s30+$0x0], $0xffff  }
0x3ba: {  	v24 =	vor.u32 v2, v24;
	v35 =	vld.idx.msk [tilespmem:v29+s18+$0x0], $0xffff  }
0x3bb: {  	v30 =	vadd.f32 v31, v30;
	v31 =	vsub.f32 v32, v33;
	v25 =	vor.u32 v1, v25;
	v29 =	vld.idx.msk [tilespmem:v29+s30+$0x0], $0xffff;
	_ =	sdelay $0x1  }
0x3bc: {  	v28 =	vld.idx.msk [tilespmem:v28+s30+$0x0], $0xffff;
	v23 =	vmul.f32 v30, v23;
	v26 =	vmul.f32 v31, v26  }
0x3bd: {  	v22 =	vld.idx.msk [tilespmem:v22+s30+$0x0], $0xffff;
	v31 =	vmul.f32 v19, v18;
	v30 =	vmul.f32 v21, v20  }
0x3be: {  	v19 =	vmul.f32 v19, v20;
	v18 =	vmul.f32 v21, v18;
	v20 =	vld.idx.msk [tilespmem:v24+s30+$0x0], $0xffff  }
0x3bf: {  	v21 =	vadd.f32 v31, v30;
	v24 =	vld.idx.msk [tilespmem:v25+s30+$0x0], $0xffff;
	v25 =	vmul.f32 v29, v35;
	v30 =	vmul.f32 v27, v34  }
0x3c0: {  	v18 =	vsub.f32 v19, v18;
	v19 =	vmul.f32 v27, v35;
	v27 =	vmul.f32 v29, v34  }
0x3c1: {  	v23 =	vadd.f32 v26, v23;
	v21 =	vmul.f32 v21, v28  }
0x3c2: {  	v18 =	vmul.f32 v18, v22;
	v22 =	vadd.f32 v30, v25;
	v19 =	vsub.f32 v19, v27  }
0x3c3: {  	v17 =	vadd.f32 v23, v17  }
0x3c4: {  	s14 =	simm.s32 $0x0;
	v18 =	vadd.f32 v18, v21;
	v21 =	vmul.f32 v22, v24;
	v19 =	vmul.f32 v19, v20  }
0x3c5: {  	v20 =	vadd.s32 s14, v0  }
0x3c6: {  	v17 =	vadd.f32 v18, v17;
	v18 =	vadd.f32 v19, v21;
	v19 =	vor.u32 v8, v20  }
0x3c7: {  	v21 =	vand.u32 $0x3F, v20  }
0x3c8: {  	v17 =	vadd.f32 v18, v17;
	v18 =	vor.u32 v7, v21;
	_ =	sdelay $0x1  }
0x3c9: {  	s22 =	simm.s32 $0x1;
	[tilespmem:$0x18740] =	vst v17  }
0x3ca: {  	v22 =	vadd.s32 s22, v0;
	v21 =	vor.u32 v5, v21;
	v29 =	vld.idx.msk [tilespmem:v19+s18+$0x0], $0xffff  }
0x3cb: {  	v17 =	vor.u32 v6, v20;
	v20 =	vor.u32 v8, v22;
	v60 =	vld.idx.msk [tilespmem:v19+s30+$0x0], $0xffff  }
0x3cc: {  	v61 =	vld.idx.msk [tilespmem:v18+s18+$0x0], $0xffff  }
0x3cd: {  	v28 =	vand.u32 $0x3F, v22;
	v62 =	vld.idx.msk [tilespmem:v18+s30+$0x0], $0xffff  }
0x3ce: {  	v63 =	vor.u32 v7, v28  }
0x3cf: {  	s24 =	simm.s32 $0x2;
	v23 =	vld.idx.msk [tilespmem:v21+s30+$0x0], $0xffff  }
0x3d0: {  	v24 =	vadd.s32 s24, v0;
	v22 =	vor.u32 v6, v22;
	v18 =	vld.idx.msk [tilespmem:v20+s18+$0x0], $0xffff  }
0x3d1: {  	v27 =	vor.u32 v8, v24;
	v19 =	vld.idx.msk [tilespmem:v20+s30+$0x0], $0xffff  }
0x3d2: {  	v25 =	vand.u32 $0x3F, v24;
	v26 =	vld.idx.msk [tilespmem:v17+s30+$0x0], $0xffff;
	v31 =	vmul.f32 v60, v29;
	v30 =	vmul.f32 v62, v61  }
0x3d3: {  	v28 =	vor.u32 v5, v28;
	v20 =	vld.idx.msk [tilespmem:v63+s18+$0x0], $0xffff;
	v32 =	vmul.f32 v60, v61;
	v33 =	vmul.f32 v62, v29  }
0x3d4: {  	s14 =	simm.s32 $0x3;
	v21 =	vld.idx.msk [tilespmem:v63+s30+$0x0], $0xffff;
	v17 =	vimm.f32 $0.0e+00;
	v29 =	vor.u32 v7, v25  }
.LBB2_44:
0x3d5: {  	p0 =	sne.s32 s14, $0x3F;
	v34 =	vld.idx.msk [tilespmem:v22+s30+$0x0], $0xffff;
	v30 =	vadd.f32 v31, v30;
	v31 =	vsub.f32 v32, v33;
	v33 =	vmov v18  }
0x3d6: {  	v38 =	vadd.s32 s14, v0;
	v35 =	vmov v19;
	v18 =	vld.idx.msk [tilespmem:v27+s18+$0x0], $0xffff  }
.Ltmp21:
0x3d7: {  	v22 =	vor.u32 v6, v24;
	v19 =	vld.idx.msk [tilespmem:v27+s30+$0x0], $0xffff;
	v36 =	vmul.f32 v30, v23;
	v26 =	vmul.f32 v31, v26;
	(pc) =	sbr.rel @p0 .LBB2_44-.Ltmp21, $4  }
0x3d8: {  	v37 =	vand.u32 $0x3F, v38;
	v24 =	vmovc v38;
	v27 =	vor.u32 v8, v38;
	v32 =	vmov v20;
	v23 =	vld.idx.msk [tilespmem:v28+s30+$0x0], $0xffff  }
0x3d9: {  	v31 =	vmul.f32 v35, v33;
	v30 =	vmul.f32 v21, v32;
	v20 =	vld.idx.msk [tilespmem:v29+s18+$0x0], $0xffff;
	v36 =	vadd.f32 v26, v36  }
0x3da: {  	v28 =	vor.u32 v5, v25;
	v32 =	vmul.f32 v35, v32;
	v33 =	vmul.f32 v21, v33;
	v21 =	vld.idx.msk [tilespmem:v29+s30+$0x0], $0xffff  }
0x3db: {  	s14 =	sadd.s32 $0x1, s14;
	v25 =	vmovc v37;
	v29 =	vor.u32 v7, v37;
	v17 =	vadd.f32 v36, v17;
	v26 =	vmov v34  }
0x3dc: {  	_ =	sdelay $0x3  }
0x3dd: {  	v34 =	vld.idx.msk [tilespmem:v27+s18+$0x0], $0xffff  }
0x3de: {  	v27 =	vld.idx.msk [tilespmem:v27+s30+$0x0], $0xffff  }
0x3df: {  	v24 =	vor.u32 v6, v24;
	v35 =	vld.idx.msk [tilespmem:v29+s18+$0x0], $0xffff  }
0x3e0: {  	v30 =	vadd.f32 v31, v30;
	v31 =	vsub.f32 v32, v33;
	v25 =	vor.u32 v5, v25;
	v29 =	vld.idx.msk [tilespmem:v29+s30+$0x0], $0xffff;
	_ =	sdelay $0x1  }
0x3e1: {  	v28 =	vld.idx.msk [tilespmem:v28+s30+$0x0], $0xffff;
	v23 =	vmul.f32 v30, v23;
	v26 =	vmul.f32 v31, v26  }
0x3e2: {  	v22 =	vld.idx.msk [tilespmem:v22+s30+$0x0], $0xffff;
	v31 =	vmul.f32 v19, v18;
	v30 =	vmul.f32 v21, v20  }
0x3e3: {  	v19 =	vmul.f32 v19, v20;
	v18 =	vmul.f32 v21, v18;
	v20 =	vld.idx.msk [tilespmem:v24+s30+$0x0], $0xffff  }
0x3e4: {  	v21 =	vadd.f32 v31, v30;
	v24 =	vld.idx.msk [tilespmem:v25+s30+$0x0], $0xffff;
	v25 =	vmul.f32 v29, v35;
	v30 =	vmul.f32 v27, v34  }
0x3e5: {  	v18 =	vsub.f32 v19, v18;
	v19 =	vmul.f32 v27, v35;
	v27 =	vmul.f32 v29, v34  }
0x3e6: {  	v23 =	vadd.f32 v26, v23;
	v21 =	vmul.f32 v21, v28  }
0x3e7: {  	v18 =	vmul.f32 v18, v22;
	v22 =	vadd.f32 v30, v25;
	v19 =	vsub.f32 v19, v27  }
0x3e8: {  	v17 =	vadd.f32 v23, v17  }
0x3e9: {  	s14 =	simm.s32 $0x0;
	v18 =	vadd.f32 v18, v21;
	v21 =	vmul.f32 v22, v24;
	v19 =	vmul.f32 v19, v20  }
0x3ea: {  	v20 =	vadd.s32 s14, v0  }
0x3eb: {  	v17 =	vadd.f32 v18, v17;
	v18 =	vadd.f32 v19, v21;
	v19 =	vor.u32 v12, v20  }
0x3ec: {  	v21 =	vand.u32 $0x3F, v20  }
0x3ed: {  	v17 =	vadd.f32 v18, v17;
	v18 =	vor.u32 v11, v21;
	_ =	sdelay $0x1  }
0x3ee: {  	s22 =	simm.s32 $0x1;
	[tilespmem:$0x18750] =	vst v17  }
0x3ef: {  	v22 =	vadd.s32 s22, v0;
	v21 =	vor.u32 v9, v21;
	v29 =	vld.idx.msk [tilespmem:v19+s18+$0x0], $0xffff  }
0x3f0: {  	v17 =	vor.u32 v10, v20;
	v20 =	vor.u32 v12, v22;
	v60 =	vld.idx.msk [tilespmem:v19+s30+$0x0], $0xffff  }
0x3f1: {  	v61 =	vld.idx.msk [tilespmem:v18+s18+$0x0], $0xffff  }
0x3f2: {  	v28 =	vand.u32 $0x3F, v22;
	v62 =	vld.idx.msk [tilespmem:v18+s30+$0x0], $0xffff  }
0x3f3: {  	v63 =	vor.u32 v11, v28  }
0x3f4: {  	s24 =	simm.s32 $0x2;
	v23 =	vld.idx.msk [tilespmem:v21+s30+$0x0], $0xffff  }
0x3f5: {  	v24 =	vadd.s32 s24, v0;
	v22 =	vor.u32 v10, v22;
	v18 =	vld.idx.msk [tilespmem:v20+s18+$0x0], $0xffff  }
0x3f6: {  	v27 =	vor.u32 v12, v24;
	v19 =	vld.idx.msk [tilespmem:v20+s30+$0x0], $0xffff  }
0x3f7: {  	v25 =	vand.u32 $0x3F, v24;
	v26 =	vld.idx.msk [tilespmem:v17+s30+$0x0], $0xffff;
	v31 =	vmul.f32 v60, v29;
	v30 =	vmul.f32 v62, v61  }
0x3f8: {  	v28 =	vor.u32 v9, v28;
	v20 =	vld.idx.msk [tilespmem:v63+s18+$0x0], $0xffff;
	v32 =	vmul.f32 v60, v61;
	v33 =	vmul.f32 v62, v29  }
0x3f9: {  	s14 =	simm.s32 $0x3;
	v21 =	vld.idx.msk [tilespmem:v63+s30+$0x0], $0xffff;
	v17 =	vimm.f32 $0.0e+00;
	v29 =	vor.u32 v11, v25  }
.LBB2_46:
0x3fa: {  	p0 =	sne.s32 s14, $0x3F;
	v34 =	vld.idx.msk [tilespmem:v22+s30+$0x0], $0xffff;
	v30 =	vadd.f32 v31, v30;
	v31 =	vsub.f32 v32, v33;
	v33 =	vmov v18  }
0x3fb: {  	v38 =	vadd.s32 s14, v0;
	v35 =	vmov v19;
	v18 =	vld.idx.msk [tilespmem:v27+s18+$0x0], $0xffff  }
.Ltmp22:
0x3fc: {  	v22 =	vor.u32 v10, v24;
	v19 =	vld.idx.msk [tilespmem:v27+s30+$0x0], $0xffff;
	v36 =	vmul.f32 v30, v23;
	v26 =	vmul.f32 v31, v26;
	(pc) =	sbr.rel @p0 .LBB2_46-.Ltmp22, $4  }
0x3fd: {  	v37 =	vand.u32 $0x3F, v38;
	v24 =	vmovc v38;
	v27 =	vor.u32 v12, v38;
	v32 =	vmov v20;
	v23 =	vld.idx.msk [tilespmem:v28+s30+$0x0], $0xffff  }
0x3fe: {  	v31 =	vmul.f32 v35, v33;
	v30 =	vmul.f32 v21, v32;
	v20 =	vld.idx.msk [tilespmem:v29+s18+$0x0], $0xffff;
	v36 =	vadd.f32 v26, v36  }
0x3ff: {  	v28 =	vor.u32 v9, v25;
	v32 =	vmul.f32 v35, v32;
	v33 =	vmul.f32 v21, v33;
	v21 =	vld.idx.msk [tilespmem:v29+s30+$0x0], $0xffff  }
0x400: {  	s14 =	sadd.s32 $0x1, s14;
	v25 =	vmovc v37;
	v29 =	vor.u32 v11, v37;
	v17 =	vadd.f32 v36, v17;
	v26 =	vmov v34  }
0x401: {  	_ =	sdelay $0x3  }
0x402: {  	v34 =	vld.idx.msk [tilespmem:v27+s18+$0x0], $0xffff  }
0x403: {  	v27 =	vld.idx.msk [tilespmem:v27+s30+$0x0], $0xffff  }
0x404: {  	v24 =	vor.u32 v10, v24;
	v35 =	vld.idx.msk [tilespmem:v29+s18+$0x0], $0xffff  }
0x405: {  	v30 =	vadd.f32 v31, v30;
	v31 =	vsub.f32 v32, v33;
	v25 =	vor.u32 v9, v25;
	v29 =	vld.idx.msk [tilespmem:v29+s30+$0x0], $0xffff;
	_ =	sdelay $0x1  }
0x406: {  	v28 =	vld.idx.msk [tilespmem:v28+s30+$0x0], $0xffff;
	v23 =	vmul.f32 v30, v23;
	v26 =	vmul.f32 v31, v26  }
0x407: {  	v22 =	vld.idx.msk [tilespmem:v22+s30+$0x0], $0xffff;
	v31 =	vmul.f32 v19, v18;
	v30 =	vmul.f32 v21, v20  }
0x408: {  	v19 =	vmul.f32 v19, v20;
	v18 =	vmul.f32 v21, v18;
	v20 =	vld.idx.msk [tilespmem:v24+s30+$0x0], $0xffff  }
0x409: {  	v21 =	vadd.f32 v31, v30;
	v24 =	vld.idx.msk [tilespmem:v25+s30+$0x0], $0xffff;
	v25 =	vmul.f32 v29, v35;
	v30 =	vmul.f32 v27, v34  }
0x40a: {  	v18 =	vsub.f32 v19, v18;
	v19 =	vmul.f32 v27, v35;
	v27 =	vmul.f32 v29, v34  }
0x40b: {  	v23 =	vadd.f32 v26, v23;
	v21 =	vmul.f32 v21, v28  }
0x40c: {  	v18 =	vmul.f32 v18, v22;
	v22 =	vadd.f32 v30, v25;
	v19 =	vsub.f32 v19, v27  }
0x40d: {  	v17 =	vadd.f32 v23, v17  }
0x40e: {  	s14 =	simm.s32 $0x0;
	v18 =	vadd.f32 v18, v21;
	v21 =	vmul.f32 v22, v24;
	v19 =	vmul.f32 v19, v20  }
0x40f: {  	v20 =	vadd.s32 s14, v0  }
0x410: {  	v17 =	vadd.f32 v18, v17;
	v18 =	vadd.f32 v19, v21;
	v19 =	vor.u32 v16, v20  }
0x411: {  	v21 =	vand.u32 $0x3F, v20  }
0x412: {  	v17 =	vadd.f32 v18, v17;
	v18 =	vor.u32 v15, v21;
	_ =	sdelay $0x1  }
0x413: {  	s22 =	simm.s32 $0x1;
	[tilespmem:$0x18760] =	vst v17  }
0x414: {  	v22 =	vadd.s32 s22, v0;
	v21 =	vor.u32 v13, v21;
	v29 =	vld.idx.msk [tilespmem:v19+s18+$0x0], $0xffff  }
0x415: {  	v17 =	vor.u32 v14, v20;
	v20 =	vor.u32 v16, v22;
	v60 =	vld.idx.msk [tilespmem:v19+s30+$0x0], $0xffff  }
0x416: {  	v61 =	vld.idx.msk [tilespmem:v18+s18+$0x0], $0xffff  }
0x417: {  	v28 =	vand.u32 $0x3F, v22;
	v62 =	vld.idx.msk [tilespmem:v18+s30+$0x0], $0xffff  }
0x418: {  	v63 =	vor.u32 v15, v28  }
0x419: {  	s24 =	simm.s32 $0x2;
	v23 =	vld.idx.msk [tilespmem:v21+s30+$0x0], $0xffff  }
0x41a: {  	v24 =	vadd.s32 s24, v0;
	v22 =	vor.u32 v14, v22;
	v18 =	vld.idx.msk [tilespmem:v20+s18+$0x0], $0xffff  }
0x41b: {  	v27 =	vor.u32 v16, v24;
	v19 =	vld.idx.msk [tilespmem:v20+s30+$0x0], $0xffff  }
0x41c: {  	v25 =	vand.u32 $0x3F, v24;
	v26 =	vld.idx.msk [tilespmem:v17+s30+$0x0], $0xffff;
	v31 =	vmul.f32 v60, v29;
	v30 =	vmul.f32 v62, v61  }
0x41d: {  	v28 =	vor.u32 v13, v28;
	v20 =	vld.idx.msk [tilespmem:v63+s18+$0x0], $0xffff;
	v32 =	vmul.f32 v60, v61;
	v33 =	vmul.f32 v62, v29  }
0x41e: {  	s14 =	simm.s32 $0x3;
	v21 =	vld.idx.msk [tilespmem:v63+s30+$0x0], $0xffff;
	v17 =	vimm.f32 $0.0e+00;
	v29 =	vor.u32 v15, v25  }
.LBB2_48:
0x41f: {  	p0 =	sne.s32 s14, $0x3F;
	v34 =	vld.idx.msk [tilespmem:v22+s30+$0x0], $0xffff;
	v30 =	vadd.f32 v31, v30;
	v31 =	vsub.f32 v32, v33;
	v33 =	vmov v18  }
0x420: {  	v38 =	vadd.s32 s14, v0;
	v35 =	vmov v19;
	v18 =	vld.idx.msk [tilespmem:v27+s18+$0x0], $0xffff  }
.Ltmp23:
0x421: {  	v22 =	vor.u32 v14, v24;
	v19 =	vld.idx.msk [tilespmem:v27+s30+$0x0], $0xffff;
	v36 =	vmul.f32 v30, v23;
	v26 =	vmul.f32 v31, v26;
	(pc) =	sbr.rel @p0 .LBB2_48-.Ltmp23, $4  }
0x422: {  	v37 =	vand.u32 $0x3F, v38;
	v24 =	vmovc v38;
	v27 =	vor.u32 v16, v38;
	v32 =	vmov v20;
	v23 =	vld.idx.msk [tilespmem:v28+s30+$0x0], $0xffff  }
0x423: {  	v31 =	vmul.f32 v35, v33;
	v30 =	vmul.f32 v21, v32;
	v20 =	vld.idx.msk [tilespmem:v29+s18+$0x0], $0xffff;
	v36 =	vadd.f32 v26, v36  }
0x424: {  	v28 =	vor.u32 v13, v25;
	v32 =	vmul.f32 v35, v32;
	v33 =	vmul.f32 v21, v33;
	v21 =	vld.idx.msk [tilespmem:v29+s30+$0x0], $0xffff  }
0x425: {  	s14 =	sadd.s32 $0x1, s14;
	v25 =	vmovc v37;
	v29 =	vor.u32 v15, v37;
	v17 =	vadd.f32 v36, v17;
	v26 =	vmov v34  }
0x426: {  	_ =	sdelay $0x3  }
0x427: {  	v34 =	vld.idx.msk [tilespmem:v27+s18+$0x0], $0xffff  }
0x428: {  	v27 =	vld.idx.msk [tilespmem:v27+s30+$0x0], $0xffff  }
0x429: {  	v24 =	vor.u32 v14, v24;
	v35 =	vld.idx.msk [tilespmem:v29+s18+$0x0], $0xffff  }
0x42a: {  	v30 =	vadd.f32 v31, v30;
	v31 =	vsub.f32 v32, v33;
	v25 =	vor.u32 v13, v25;
	v29 =	vld.idx.msk [tilespmem:v29+s30+$0x0], $0xffff;
	_ =	sdelay $0x1  }
0x42b: {  	v28 =	vld.idx.msk [tilespmem:v28+s30+$0x0], $0xffff;
	v23 =	vmul.f32 v30, v23;
	v26 =	vmul.f32 v31, v26  }
0x42c: {  	v22 =	vld.idx.msk [tilespmem:v22+s30+$0x0], $0xffff;
	v31 =	vmul.f32 v19, v18;
	v30 =	vmul.f32 v21, v20  }
0x42d: {  	v19 =	vmul.f32 v19, v20;
	v18 =	vmul.f32 v21, v18;
	v20 =	vld.idx.msk [tilespmem:v24+s30+$0x0], $0xffff  }
0x42e: {  	v21 =	vadd.f32 v31, v30;
	v24 =	vld.idx.msk [tilespmem:v25+s30+$0x0], $0xffff;
	v25 =	vmul.f32 v29, v35;
	v30 =	vmul.f32 v27, v34  }
0x42f: {  	v18 =	vsub.f32 v19, v18;
	v19 =	vmul.f32 v27, v35;
	v27 =	vmul.f32 v29, v34  }
0x430: {  	v23 =	vadd.f32 v26, v23;
	v21 =	vmul.f32 v21, v28  }
0x431: {  	v18 =	vmul.f32 v18, v22;
	v22 =	vadd.f32 v30, v25;
	v19 =	vsub.f32 v19, v27  }
0x432: {  	v17 =	vadd.f32 v23, v17  }
0x433: {  	v18 =	vadd.f32 v18, v21;
	v21 =	vmul.f32 v22, v24;
	v19 =	vmul.f32 v19, v20;
	_ =	sdelay $0x1  }
0x434: {  	v17 =	vadd.f32 v18, v17;
	v18 =	vadd.f32 v19, v21;
	_ =	sdelay $0x1  }
0x435: {  	v17 =	vadd.f32 v18, v17;
	_ =	sdelay $0x1  }
0x436: {  	s14 =	simm.s32 $0x0;
	[tilespmem:$0x18770] =	vst v17  }
0x437: {  	v17 =	vadd.s32 s14, v0;
	_ =	swait.ge [sflag:s9], $0x4000  }
0x438: {  	v19 =	vor.u32 v2, v17;
	[sflag:s9] =	ssyncset.done $0x0  }
0x439: {  	v20 =	vor.u32 v4, v17;
	v17 =	vand.u32 $0x3F, v17;
	[sflag:s9] =	ssyncadd.s32 $0xFFFFC000  }
0x43a: {  	v23 =	vor.u32 v1, v17;
	_ =	swait.ge [sflag:s10], $0x4000  }
0x43b: {  	v17 =	vor.u32 v3, v17;
	[sflag:s10] =	ssyncset.done $0x0  }
0x43c: {  	s22 =	simm.s32 $0x1;
	[sflag:s10] =	ssyncadd.s32 $0xFFFFC000  }
0x43d: {  	v21 =	vadd.s32 s22, v0;
	v26 =	vld.idx.msk [tilespmem:v19+s4+$0x0], $0xffff  }
0x43e: {  	v18 =	vor.u32 v2, v21;
	v31 =	vld.idx.msk [tilespmem:v20+s28+$0x0], $0xffff  }
0x43f: {  	v22 =	vor.u32 v4, v21;
	v61 =	vld.idx.msk [tilespmem:v23+s4+$0x0], $0xffff  }
0x440: {  	v21 =	vand.u32 $0x3F, v21;
	v62 =	vld.idx.msk [tilespmem:v17+s28+$0x0], $0xffff  }
0x441: {  	v20 =	vor.u32 v1, v21  }
0x442: {  	s24 =	simm.s32 $0x2;
	v24 =	vor.u32 v3, v21;
	v28 =	vld.idx.msk [tilespmem:v19+s28+$0x0], $0xffff  }
0x443: {  	v63 =	vadd.s32 s24, v0;
	v19 =	vld.idx.msk [tilespmem:v18+s4+$0x0], $0xffff  }
0x444: {  	v21 =	vld.idx.msk [tilespmem:v22+s28+$0x0], $0xffff;
	v22 =	vor.u32 v2, v63  }
0x445: {  	v27 =	vor.u32 v4, v63;
	v25 =	vld.idx.msk [tilespmem:v23+s28+$0x0], $0xffff;
	v29 =	vmul.f32 v62, v61;
	v30 =	vmul.f32 v31, v26  }
0x446: {  	v33 =	vand.u32 $0x3F, v63;
	v23 =	vld.idx.msk [tilespmem:v20+s4+$0x0], $0xffff;
	v31 =	vmul.f32 v31, v61;
	v32 =	vmul.f32 v62, v26  }
0x447: {  	s14 =	simm.s32 $0x3;
	v17 =	vimm.f32 $0.0e+00;
	v24 =	vld.idx.msk [tilespmem:v24+s28+$0x0], $0xffff;
	v26 =	vor.u32 v1, v33  }
.LBB2_50:
0x448: {  	p0 =	sne.s32 s14, $0x3F;
	v34 =	vor.u32 v3, v33;
	v35 =	vld.idx.msk [tilespmem:v18+s28+$0x0], $0xffff;
	v29 =	vadd.f32 v30, v29;
	v30 =	vsub.f32 v31, v32  }
0x449: {  	v32 =	vmov v19;
	v31 =	vmov v21;
	v18 =	vmov v22;
	v19 =	vld.idx.msk [tilespmem:v22+s4+$0x0], $0xffff  }
.Ltmp24:
0x44a: {  	v33 =	vadd.s32 s14, v0;
	v21 =	vld.idx.msk [tilespmem:v27+s28+$0x0], $0xffff;
	v36 =	vmul.f32 v29, v25;
	v28 =	vmul.f32 v30, v28;
	(pc) =	sbr.rel @p0 .LBB2_50-.Ltmp24, $4  }
0x44b: {  	v22 =	vor.u32 v2, v33;
	v27 =	vor.u32 v4, v33;
	v37 =	vmovc v23;
	v25 =	vld.idx.msk [tilespmem:v20+s28+$0x0], $0xffff;
	v20 =	vmov v26  }
0x44c: {  	v30 =	vmul.f32 v31, v32;
	v29 =	vmul.f32 v24, v37;
	v23 =	vld.idx.msk [tilespmem:v26+s4+$0x0], $0xffff;
	v36 =	vadd.f32 v28, v36  }
0x44d: {  	v33 =	vand.u32 $0x3F, v33;
	v31 =	vmul.f32 v31, v37;
	v32 =	vmul.f32 v24, v32;
	v24 =	vld.idx.msk [tilespmem:v34+s28+$0x0], $0xffff  }
0x44e: {  	s14 =	sadd.s32 $0x1, s14;
	v26 =	vor.u32 v1, v33;
	v17 =	vadd.f32 v36, v17;
	v28 =	vmov v35  }
0x44f: {  	_ =	sdelay $0x1  }
0x450: {  	v33 =	vor.u32 v3, v33;
	_ =	sdelay $0x1  }
0x451: {  	v34 =	vld.idx.msk [tilespmem:v22+s4+$0x0], $0xffff  }
0x452: {  	v27 =	vld.idx.msk [tilespmem:v27+s28+$0x0], $0xffff;
	v29 =	vadd.f32 v30, v29;
	v30 =	vsub.f32 v31, v32  }
0x453: {  	v35 =	vld.idx.msk [tilespmem:v26+s4+$0x0], $0xffff  }
0x454: {  	v25 =	vmul.f32 v29, v25;
	v28 =	vmul.f32 v30, v28;
	v31 =	vld.idx.msk [tilespmem:v33+s28+$0x0], $0xffff  }
0x455: {  	v20 =	vld.idx.msk [tilespmem:v20+s28+$0x0], $0xffff;
	v30 =	vmul.f32 v21, v19;
	v29 =	vmul.f32 v24, v23  }
0x456: {  	v18 =	vld.idx.msk [tilespmem:v18+s28+$0x0], $0xffff;
	v21 =	vmul.f32 v21, v23;
	v19 =	vmul.f32 v24, v19  }
0x457: {  	v22 =	vld.idx.msk [tilespmem:v22+s28+$0x0], $0xffff;
	v23 =	vadd.f32 v30, v29  }
0x458: {  	v24 =	vld.idx.msk [tilespmem:v26+s28+$0x0], $0xffff;
	v29 =	vmul.f32 v27, v34;
	v19 =	vsub.f32 v21, v19;
	v21 =	vmul.f32 v27, v35  }
0x459: {  	v26 =	vmul.f32 v31, v35;
	v27 =	vmul.f32 v31, v34  }
0x45a: {  	v25 =	vadd.f32 v28, v25;
	v20 =	vmul.f32 v23, v20  }
0x45b: {  	v18 =	vmul.f32 v19, v18;
	v19 =	vadd.f32 v29, v26;
	v21 =	vsub.f32 v21, v27  }
0x45c: {  	v17 =	vadd.f32 v25, v17  }
0x45d: {  	s14 =	simm.s32 $0x0;
	v18 =	vadd.f32 v18, v20;
	v19 =	vmul.f32 v19, v24;
	v20 =	vmul.f32 v21, v22  }
0x45e: {  	v21 =	vadd.s32 s14, v0  }
0x45f: {  	v17 =	vadd.f32 v18, v17;
	v18 =	vadd.f32 v20, v19;
	v19 =	vor.u32 v6, v21  }
0x460: {  	v20 =	vor.u32 v8, v21;
	v21 =	vand.u32 $0x3F, v21  }
0x461: {  	v23 =	vor.u32 v5, v21;
	v17 =	vadd.f32 v18, v17  }
0x462: {  	v21 =	vor.u32 v7, v21  }
0x463: {  	s22 =	simm.s32 $0x1;
	[tilespmem:$0x18780] =	vst v17  }
0x464: {  	v17 =	vadd.s32 s22, v0;
	v26 =	vld.idx.msk [tilespmem:v19+s4+$0x0], $0xffff  }
0x465: {  	v18 =	vor.u32 v6, v17;
	v31 =	vld.idx.msk [tilespmem:v20+s28+$0x0], $0xffff  }
0x466: {  	v22 =	vor.u32 v8, v17;
	v61 =	vld.idx.msk [tilespmem:v23+s4+$0x0], $0xffff  }
0x467: {  	v17 =	vand.u32 $0x3F, v17;
	v62 =	vld.idx.msk [tilespmem:v21+s28+$0x0], $0xffff  }
0x468: {  	v20 =	vor.u32 v5, v17  }
0x469: {  	s24 =	simm.s32 $0x2;
	v28 =	vld.idx.msk [tilespmem:v19+s28+$0x0], $0xffff;
	v24 =	vor.u32 v7, v17  }
0x46a: {  	v63 =	vadd.s32 s24, v0;
	v19 =	vld.idx.msk [tilespmem:v18+s4+$0x0], $0xffff  }
0x46b: {  	v21 =	vld.idx.msk [tilespmem:v22+s28+$0x0], $0xffff;
	v22 =	vor.u32 v6, v63  }
0x46c: {  	v27 =	vor.u32 v8, v63;
	v25 =	vld.idx.msk [tilespmem:v23+s28+$0x0], $0xffff;
	v30 =	vmul.f32 v31, v26;
	v29 =	vmul.f32 v62, v61  }
0x46d: {  	v33 =	vand.u32 $0x3F, v63;
	v23 =	vld.idx.msk [tilespmem:v20+s4+$0x0], $0xffff;
	v31 =	vmul.f32 v31, v61;
	v32 =	vmul.f32 v62, v26  }
0x46e: {  	s14 =	simm.s32 $0x3;
	v17 =	vimm.f32 $0.0e+00;
	v24 =	vld.idx.msk [tilespmem:v24+s28+$0x0], $0xffff;
	v26 =	vor.u32 v5, v33  }
.LBB2_52:
0x46f: {  	p0 =	sne.s32 s14, $0x3F;
	v34 =	vor.u32 v7, v33;
	v35 =	vld.idx.msk [tilespmem:v18+s28+$0x0], $0xffff;
	v29 =	vadd.f32 v30, v29;
	v30 =	vsub.f32 v31, v32  }
0x470: {  	v32 =	vmov v19;
	v31 =	vmov v21;
	v18 =	vmov v22;
	v19 =	vld.idx.msk [tilespmem:v22+s4+$0x0], $0xffff  }
.Ltmp25:
0x471: {  	v33 =	vadd.s32 s14, v0;
	v21 =	vld.idx.msk [tilespmem:v27+s28+$0x0], $0xffff;
	v36 =	vmul.f32 v29, v25;
	v28 =	vmul.f32 v30, v28;
	(pc) =	sbr.rel @p0 .LBB2_52-.Ltmp25, $4  }
0x472: {  	v22 =	vor.u32 v6, v33;
	v27 =	vor.u32 v8, v33;
	v37 =	vmovc v23;
	v25 =	vld.idx.msk [tilespmem:v20+s28+$0x0], $0xffff;
	v20 =	vmov v26  }
0x473: {  	v30 =	vmul.f32 v31, v32;
	v29 =	vmul.f32 v24, v37;
	v23 =	vld.idx.msk [tilespmem:v26+s4+$0x0], $0xffff;
	v36 =	vadd.f32 v28, v36  }
0x474: {  	v33 =	vand.u32 $0x3F, v33;
	v31 =	vmul.f32 v31, v37;
	v32 =	vmul.f32 v24, v32;
	v24 =	vld.idx.msk [tilespmem:v34+s28+$0x0], $0xffff  }
0x475: {  	s14 =	sadd.s32 $0x1, s14;
	v26 =	vor.u32 v5, v33;
	v17 =	vadd.f32 v36, v17;
	v28 =	vmov v35  }
0x476: {  	_ =	sdelay $0x1  }
0x477: {  	v33 =	vor.u32 v7, v33;
	_ =	sdelay $0x1  }
0x478: {  	v34 =	vld.idx.msk [tilespmem:v22+s4+$0x0], $0xffff  }
0x479: {  	v27 =	vld.idx.msk [tilespmem:v27+s28+$0x0], $0xffff;
	v29 =	vadd.f32 v30, v29;
	v30 =	vsub.f32 v31, v32  }
0x47a: {  	v35 =	vld.idx.msk [tilespmem:v26+s4+$0x0], $0xffff  }
0x47b: {  	v25 =	vmul.f32 v29, v25;
	v28 =	vmul.f32 v30, v28;
	v31 =	vld.idx.msk [tilespmem:v33+s28+$0x0], $0xffff  }
0x47c: {  	v20 =	vld.idx.msk [tilespmem:v20+s28+$0x0], $0xffff;
	v30 =	vmul.f32 v21, v19;
	v29 =	vmul.f32 v24, v23  }
0x47d: {  	v18 =	vld.idx.msk [tilespmem:v18+s28+$0x0], $0xffff;
	v21 =	vmul.f32 v21, v23;
	v19 =	vmul.f32 v24, v19  }
0x47e: {  	v22 =	vld.idx.msk [tilespmem:v22+s28+$0x0], $0xffff;
	v23 =	vadd.f32 v30, v29  }
0x47f: {  	v24 =	vld.idx.msk [tilespmem:v26+s28+$0x0], $0xffff;
	v29 =	vmul.f32 v27, v34;
	v19 =	vsub.f32 v21, v19;
	v21 =	vmul.f32 v27, v35  }
0x480: {  	v26 =	vmul.f32 v31, v35;
	v27 =	vmul.f32 v31, v34  }
0x481: {  	v25 =	vadd.f32 v28, v25;
	v20 =	vmul.f32 v23, v20  }
0x482: {  	v18 =	vmul.f32 v19, v18;
	v19 =	vadd.f32 v29, v26;
	v21 =	vsub.f32 v21, v27  }
0x483: {  	v17 =	vadd.f32 v25, v17  }
0x484: {  	s14 =	simm.s32 $0x0;
	v18 =	vadd.f32 v18, v20;
	v19 =	vmul.f32 v19, v24;
	v20 =	vmul.f32 v21, v22  }
0x485: {  	v21 =	vadd.s32 s14, v0  }
0x486: {  	v17 =	vadd.f32 v18, v17;
	v18 =	vadd.f32 v20, v19;
	v19 =	vor.u32 v10, v21  }
0x487: {  	v20 =	vor.u32 v12, v21;
	v21 =	vand.u32 $0x3F, v21  }
0x488: {  	v23 =	vor.u32 v9, v21;
	v17 =	vadd.f32 v18, v17  }
0x489: {  	v21 =	vor.u32 v11, v21  }
0x48a: {  	s22 =	simm.s32 $0x1;
	[tilespmem:$0x18790] =	vst v17  }
0x48b: {  	v17 =	vadd.s32 s22, v0;
	v26 =	vld.idx.msk [tilespmem:v19+s4+$0x0], $0xffff  }
0x48c: {  	v18 =	vor.u32 v10, v17;
	v31 =	vld.idx.msk [tilespmem:v20+s28+$0x0], $0xffff  }
0x48d: {  	v22 =	vor.u32 v12, v17;
	v61 =	vld.idx.msk [tilespmem:v23+s4+$0x0], $0xffff  }
0x48e: {  	v17 =	vand.u32 $0x3F, v17;
	v62 =	vld.idx.msk [tilespmem:v21+s28+$0x0], $0xffff  }
0x48f: {  	v20 =	vor.u32 v9, v17  }
0x490: {  	s24 =	simm.s32 $0x2;
	v28 =	vld.idx.msk [tilespmem:v19+s28+$0x0], $0xffff;
	v24 =	vor.u32 v11, v17  }
0x491: {  	v63 =	vadd.s32 s24, v0;
	v19 =	vld.idx.msk [tilespmem:v18+s4+$0x0], $0xffff  }
0x492: {  	v21 =	vld.idx.msk [tilespmem:v22+s28+$0x0], $0xffff;
	v22 =	vor.u32 v10, v63  }
0x493: {  	v27 =	vor.u32 v12, v63;
	v25 =	vld.idx.msk [tilespmem:v23+s28+$0x0], $0xffff;
	v30 =	vmul.f32 v31, v26;
	v29 =	vmul.f32 v62, v61  }
0x494: {  	v33 =	vand.u32 $0x3F, v63;
	v23 =	vld.idx.msk [tilespmem:v20+s4+$0x0], $0xffff;
	v31 =	vmul.f32 v31, v61;
	v32 =	vmul.f32 v62, v26  }
0x495: {  	s14 =	simm.s32 $0x3;
	v17 =	vimm.f32 $0.0e+00;
	v24 =	vld.idx.msk [tilespmem:v24+s28+$0x0], $0xffff;
	v26 =	vor.u32 v9, v33  }
.LBB2_54:
0x496: {  	p0 =	sne.s32 s14, $0x3F;
	v34 =	vor.u32 v11, v33;
	v35 =	vld.idx.msk [tilespmem:v18+s28+$0x0], $0xffff;
	v29 =	vadd.f32 v30, v29;
	v30 =	vsub.f32 v31, v32  }
0x497: {  	v32 =	vmov v19;
	v31 =	vmov v21;
	v18 =	vmov v22;
	v19 =	vld.idx.msk [tilespmem:v22+s4+$0x0], $0xffff  }
.Ltmp26:
0x498: {  	v33 =	vadd.s32 s14, v0;
	v21 =	vld.idx.msk [tilespmem:v27+s28+$0x0], $0xffff;
	v36 =	vmul.f32 v29, v25;
	v28 =	vmul.f32 v30, v28;
	(pc) =	sbr.rel @p0 .LBB2_54-.Ltmp26, $4  }
0x499: {  	v22 =	vor.u32 v10, v33;
	v27 =	vor.u32 v12, v33;
	v37 =	vmovc v23;
	v25 =	vld.idx.msk [tilespmem:v20+s28+$0x0], $0xffff;
	v20 =	vmov v26  }
0x49a: {  	v30 =	vmul.f32 v31, v32;
	v29 =	vmul.f32 v24, v37;
	v23 =	vld.idx.msk [tilespmem:v26+s4+$0x0], $0xffff;
	v36 =	vadd.f32 v28, v36  }
0x49b: {  	v33 =	vand.u32 $0x3F, v33;
	v31 =	vmul.f32 v31, v37;
	v32 =	vmul.f32 v24, v32;
	v24 =	vld.idx.msk [tilespmem:v34+s28+$0x0], $0xffff  }
0x49c: {  	s14 =	sadd.s32 $0x1, s14;
	v26 =	vor.u32 v9, v33;
	v17 =	vadd.f32 v36, v17;
	v28 =	vmov v35  }
0x49d: {  	_ =	sdelay $0x1  }
0x49e: {  	v33 =	vor.u32 v11, v33;
	_ =	sdelay $0x1  }
0x49f: {  	v34 =	vld.idx.msk [tilespmem:v22+s4+$0x0], $0xffff  }
0x4a0: {  	v27 =	vld.idx.msk [tilespmem:v27+s28+$0x0], $0xffff;
	v29 =	vadd.f32 v30, v29;
	v30 =	vsub.f32 v31, v32  }
0x4a1: {  	v35 =	vld.idx.msk [tilespmem:v26+s4+$0x0], $0xffff  }
0x4a2: {  	v25 =	vmul.f32 v29, v25;
	v28 =	vmul.f32 v30, v28;
	v31 =	vld.idx.msk [tilespmem:v33+s28+$0x0], $0xffff  }
0x4a3: {  	v20 =	vld.idx.msk [tilespmem:v20+s28+$0x0], $0xffff;
	v30 =	vmul.f32 v21, v19;
	v29 =	vmul.f32 v24, v23  }
0x4a4: {  	v18 =	vld.idx.msk [tilespmem:v18+s28+$0x0], $0xffff;
	v21 =	vmul.f32 v21, v23;
	v19 =	vmul.f32 v24, v19  }
0x4a5: {  	v22 =	vld.idx.msk [tilespmem:v22+s28+$0x0], $0xffff;
	v23 =	vadd.f32 v30, v29  }
0x4a6: {  	v24 =	vld.idx.msk [tilespmem:v26+s28+$0x0], $0xffff;
	v29 =	vmul.f32 v27, v34;
	v19 =	vsub.f32 v21, v19;
	v21 =	vmul.f32 v27, v35  }
0x4a7: {  	v26 =	vmul.f32 v31, v35;
	v27 =	vmul.f32 v31, v34  }
0x4a8: {  	v25 =	vadd.f32 v28, v25;
	v20 =	vmul.f32 v23, v20  }
0x4a9: {  	v18 =	vmul.f32 v19, v18;
	v19 =	vadd.f32 v29, v26;
	v21 =	vsub.f32 v21, v27  }
0x4aa: {  	v17 =	vadd.f32 v25, v17  }
0x4ab: {  	s14 =	simm.s32 $0x0;
	v18 =	vadd.f32 v18, v20;
	v19 =	vmul.f32 v19, v24;
	v20 =	vmul.f32 v21, v22  }
0x4ac: {  	v21 =	vadd.s32 s14, v0  }
0x4ad: {  	v17 =	vadd.f32 v18, v17;
	v18 =	vadd.f32 v20, v19;
	v19 =	vor.u32 v14, v21  }
0x4ae: {  	v20 =	vor.u32 v16, v21;
	v21 =	vand.u32 $0x3F, v21  }
0x4af: {  	v23 =	vor.u32 v13, v21;
	v17 =	vadd.f32 v18, v17  }
0x4b0: {  	v21 =	vor.u32 v15, v21  }
0x4b1: {  	s22 =	simm.s32 $0x1;
	[tilespmem:$0x187A0] =	vst v17  }
0x4b2: {  	v17 =	vadd.s32 s22, v0;
	v26 =	vld.idx.msk [tilespmem:v19+s4+$0x0], $0xffff  }
0x4b3: {  	v18 =	vor.u32 v14, v17;
	v31 =	vld.idx.msk [tilespmem:v20+s28+$0x0], $0xffff  }
0x4b4: {  	v22 =	vor.u32 v16, v17;
	v61 =	vld.idx.msk [tilespmem:v23+s4+$0x0], $0xffff  }
0x4b5: {  	v17 =	vand.u32 $0x3F, v17;
	v62 =	vld.idx.msk [tilespmem:v21+s28+$0x0], $0xffff  }
0x4b6: {  	v20 =	vor.u32 v13, v17  }
0x4b7: {  	s24 =	simm.s32 $0x2;
	v28 =	vld.idx.msk [tilespmem:v19+s28+$0x0], $0xffff;
	v24 =	vor.u32 v15, v17  }
0x4b8: {  	v63 =	vadd.s32 s24, v0;
	v19 =	vld.idx.msk [tilespmem:v18+s4+$0x0], $0xffff  }
0x4b9: {  	v21 =	vld.idx.msk [tilespmem:v22+s28+$0x0], $0xffff;
	v22 =	vor.u32 v14, v63  }
0x4ba: {  	v27 =	vor.u32 v16, v63;
	v25 =	vld.idx.msk [tilespmem:v23+s28+$0x0], $0xffff;
	v30 =	vmul.f32 v31, v26;
	v29 =	vmul.f32 v62, v61  }
0x4bb: {  	v33 =	vand.u32 $0x3F, v63;
	v23 =	vld.idx.msk [tilespmem:v20+s4+$0x0], $0xffff;
	v31 =	vmul.f32 v31, v61;
	v32 =	vmul.f32 v62, v26  }
0x4bc: {  	s14 =	simm.s32 $0x3;
	v17 =	vimm.f32 $0.0e+00;
	v24 =	vld.idx.msk [tilespmem:v24+s28+$0x0], $0xffff;
	v26 =	vor.u32 v13, v33  }
.LBB2_56:
0x4bd: {  	p0 =	sne.s32 s14, $0x3F;
	v34 =	vor.u32 v15, v33;
	v35 =	vld.idx.msk [tilespmem:v18+s28+$0x0], $0xffff;
	v29 =	vadd.f32 v30, v29;
	v30 =	vsub.f32 v31, v32  }
0x4be: {  	v32 =	vmov v19;
	v31 =	vmov v21;
	v18 =	vmov v22;
	v19 =	vld.idx.msk [tilespmem:v22+s4+$0x0], $0xffff  }
.Ltmp27:
0x4bf: {  	v33 =	vadd.s32 s14, v0;
	v21 =	vld.idx.msk [tilespmem:v27+s28+$0x0], $0xffff;
	v36 =	vmul.f32 v29, v25;
	v28 =	vmul.f32 v30, v28;
	(pc) =	sbr.rel @p0 .LBB2_56-.Ltmp27, $4  }
0x4c0: {  	v22 =	vor.u32 v14, v33;
	v27 =	vor.u32 v16, v33;
	v37 =	vmovc v23;
	v25 =	vld.idx.msk [tilespmem:v20+s28+$0x0], $0xffff;
	v20 =	vmov v26  }
0x4c1: {  	v30 =	vmul.f32 v31, v32;
	v29 =	vmul.f32 v24, v37;
	v23 =	vld.idx.msk [tilespmem:v26+s4+$0x0], $0xffff;
	v36 =	vadd.f32 v28, v36  }
0x4c2: {  	v33 =	vand.u32 $0x3F, v33;
	v31 =	vmul.f32 v31, v37;
	v32 =	vmul.f32 v24, v32;
	v24 =	vld.idx.msk [tilespmem:v34+s28+$0x0], $0xffff  }
0x4c3: {  	s14 =	sadd.s32 $0x1, s14;
	v26 =	vor.u32 v13, v33;
	v17 =	vadd.f32 v36, v17;
	v28 =	vmov v35  }
0x4c4: {  	_ =	sdelay $0x1  }
0x4c5: {  	v33 =	vor.u32 v15, v33;
	_ =	sdelay $0x1  }
0x4c6: {  	v34 =	vld.idx.msk [tilespmem:v22+s4+$0x0], $0xffff  }
0x4c7: {  	v27 =	vld.idx.msk [tilespmem:v27+s28+$0x0], $0xffff;
	v29 =	vadd.f32 v30, v29;
	v30 =	vsub.f32 v31, v32  }
0x4c8: {  	v35 =	vld.idx.msk [tilespmem:v26+s4+$0x0], $0xffff  }
0x4c9: {  	v25 =	vmul.f32 v29, v25;
	v28 =	vmul.f32 v30, v28;
	v31 =	vld.idx.msk [tilespmem:v33+s28+$0x0], $0xffff  }
0x4ca: {  	v20 =	vld.idx.msk [tilespmem:v20+s28+$0x0], $0xffff;
	v30 =	vmul.f32 v21, v19;
	v29 =	vmul.f32 v24, v23  }
0x4cb: {  	v18 =	vld.idx.msk [tilespmem:v18+s28+$0x0], $0xffff;
	v21 =	vmul.f32 v21, v23;
	v19 =	vmul.f32 v24, v19  }
0x4cc: {  	v22 =	vld.idx.msk [tilespmem:v22+s28+$0x0], $0xffff;
	v23 =	vadd.f32 v30, v29  }
0x4cd: {  	v24 =	vld.idx.msk [tilespmem:v26+s28+$0x0], $0xffff;
	v29 =	vmul.f32 v27, v34;
	v19 =	vsub.f32 v21, v19;
	v21 =	vmul.f32 v27, v35  }
0x4ce: {  	v26 =	vmul.f32 v31, v35;
	v27 =	vmul.f32 v31, v34  }
0x4cf: {  	v25 =	vadd.f32 v28, v25;
	v20 =	vmul.f32 v23, v20  }
0x4d0: {  	v18 =	vmul.f32 v19, v18;
	v19 =	vadd.f32 v29, v26;
	v21 =	vsub.f32 v21, v27  }
0x4d1: {  	v17 =	vadd.f32 v25, v17  }
0x4d2: {  	v18 =	vadd.f32 v18, v20;
	v19 =	vmul.f32 v19, v24;
	v20 =	vmul.f32 v21, v22;
	_ =	sdelay $0x1  }
0x4d3: {  	v17 =	vadd.f32 v18, v17;
	v18 =	vadd.f32 v20, v19  }
0x4d4: {  	s14 =	simm.s32 $0x0  }
0x4d5: {  	v17 =	vadd.f32 v18, v17;
	v18 =	vadd.s32 s14, v0  }
0x4d6: {  	v19 =	vor.u32 v4, v18  }
0x4d7: {  	[tilespmem:$0x187B0] =	vst v17;
	v17 =	vand.u32 $0x3F, v18  }
0x4d8: {  	s22 =	simm.s32 $0x1;
	_ =	swait.ge [sflag:s11], $0x4000;
	v20 =	vor.u32 v3, v17  }
0x4d9: {  	v21 =	vadd.s32 s22, v0;
	[sflag:s11] =	ssyncset.done $0x0  }
0x4da: {  	v22 =	vor.u32 v4, v21;
	[sflag:s11] =	ssyncadd.s32 $0xFFFFC000  }
0x4db: {  	v18 =	vor.u32 v2, v18;
	v29 =	vld.idx.msk [tilespmem:v19+s4+$0x0], $0xffff  }
0x4dc: {  	v60 =	vld.idx.msk [tilespmem:v19+s5+$0x0], $0xffff  }
0x4dd: {  	v61 =	vld.idx.msk [tilespmem:v20+s4+$0x0], $0xffff  }
0x4de: {  	v28 =	vand.u32 $0x3F, v21;
	v23 =	vor.u32 v1, v17;
	v62 =	vld.idx.msk [tilespmem:v20+s5+$0x0], $0xffff  }
0x4df: {  	v63 =	vor.u32 v3, v28;
	v19 =	vld.idx.msk [tilespmem:v22+s5+$0x0], $0xffff  }
0x4e0: {  	s24 =	simm.s32 $0x2;
	v26 =	vld.idx.msk [tilespmem:v18+s5+$0x0], $0xffff  }
0x4e1: {  	v24 =	vadd.s32 s24, v0;
	v18 =	vld.idx.msk [tilespmem:v22+s4+$0x0], $0xffff;
	v22 =	vor.u32 v2, v21  }
0x4e2: {  	v27 =	vor.u32 v4, v24  }
0x4e3: {  	v25 =	vand.u32 $0x3F, v24;
	v23 =	vld.idx.msk [tilespmem:v23+s5+$0x0], $0xffff;
	v31 =	vmul.f32 v60, v29;
	v30 =	vmul.f32 v62, v61  }
0x4e4: {  	v28 =	vor.u32 v1, v28;
	v20 =	vld.idx.msk [tilespmem:v63+s4+$0x0], $0xffff;
	v32 =	vmul.f32 v60, v61;
	v33 =	vmul.f32 v62, v29  }
0x4e5: {  	s14 =	simm.s32 $0x3;
	v17 =	vimm.f32 $0.0e+00;
	v21 =	vld.idx.msk [tilespmem:v63+s5+$0x0], $0xffff;
	v29 =	vor.u32 v3, v25  }
.LBB2_58:
0x4e6: {  	p0 =	sne.s32 s14, $0x3F;
	v34 =	vld.idx.msk [tilespmem:v22+s5+$0x0], $0xffff;
	v30 =	vadd.f32 v31, v30;
	v31 =	vsub.f32 v32, v33;
	v33 =	vmov v18  }
0x4e7: {  	v38 =	vadd.s32 s14, v0;
	v35 =	vmov v19;
	v18 =	vld.idx.msk [tilespmem:v27+s4+$0x0], $0xffff  }
.Ltmp28:
0x4e8: {  	v22 =	vor.u32 v2, v24;
	v19 =	vld.idx.msk [tilespmem:v27+s5+$0x0], $0xffff;
	v36 =	vmul.f32 v30, v23;
	v26 =	vmul.f32 v31, v26;
	(pc) =	sbr.rel @p0 .LBB2_58-.Ltmp28, $4  }
0x4e9: {  	v37 =	vand.u32 $0x3F, v38;
	v24 =	vmovc v38;
	v27 =	vor.u32 v4, v38;
	v32 =	vmov v20;
	v23 =	vld.idx.msk [tilespmem:v28+s5+$0x0], $0xffff  }
0x4ea: {  	v31 =	vmul.f32 v35, v33;
	v30 =	vmul.f32 v21, v32;
	v20 =	vld.idx.msk [tilespmem:v29+s4+$0x0], $0xffff;
	v36 =	vadd.f32 v26, v36  }
0x4eb: {  	v28 =	vor.u32 v1, v25;
	v32 =	vmul.f32 v35, v32;
	v33 =	vmul.f32 v21, v33;
	v21 =	vld.idx.msk [tilespmem:v29+s5+$0x0], $0xffff  }
0x4ec: {  	s14 =	sadd.s32 $0x1, s14;
	v25 =	vmovc v37;
	v29 =	vor.u32 v3, v37;
	v17 =	vadd.f32 v36, v17;
	v26 =	vmov v34  }
0x4ed: {  	_ =	sdelay $0x3  }
0x4ee: {  	v34 =	vld.idx.msk [tilespmem:v27+s4+$0x0], $0xffff  }
0x4ef: {  	v27 =	vld.idx.msk [tilespmem:v27+s5+$0x0], $0xffff  }
0x4f0: {  	v24 =	vor.u32 v2, v24;
	v35 =	vld.idx.msk [tilespmem:v29+s4+$0x0], $0xffff  }
0x4f1: {  	v30 =	vadd.f32 v31, v30;
	v31 =	vsub.f32 v32, v33;
	v25 =	vor.u32 v1, v25;
	v29 =	vld.idx.msk [tilespmem:v29+s5+$0x0], $0xffff;
	_ =	sdelay $0x1  }
0x4f2: {  	v28 =	vld.idx.msk [tilespmem:v28+s5+$0x0], $0xffff;
	v23 =	vmul.f32 v30, v23;
	v26 =	vmul.f32 v31, v26  }
0x4f3: {  	v22 =	vld.idx.msk [tilespmem:v22+s5+$0x0], $0xffff;
	v31 =	vmul.f32 v19, v18;
	v30 =	vmul.f32 v21, v20  }
0x4f4: {  	v19 =	vmul.f32 v19, v20;
	v18 =	vmul.f32 v21, v18;
	v20 =	vld.idx.msk [tilespmem:v24+s5+$0x0], $0xffff  }
0x4f5: {  	v21 =	vadd.f32 v31, v30;
	v24 =	vld.idx.msk [tilespmem:v25+s5+$0x0], $0xffff;
	v25 =	vmul.f32 v29, v35;
	v30 =	vmul.f32 v27, v34  }
0x4f6: {  	v18 =	vsub.f32 v19, v18;
	v19 =	vmul.f32 v27, v35;
	v27 =	vmul.f32 v29, v34  }
0x4f7: {  	v23 =	vadd.f32 v26, v23;
	v21 =	vmul.f32 v21, v28  }
0x4f8: {  	v18 =	vmul.f32 v18, v22;
	v22 =	vadd.f32 v30, v25;
	v19 =	vsub.f32 v19, v27  }
0x4f9: {  	v17 =	vadd.f32 v23, v17  }
0x4fa: {  	s14 =	simm.s32 $0x0;
	v18 =	vadd.f32 v18, v21;
	v21 =	vmul.f32 v22, v24;
	v19 =	vmul.f32 v19, v20  }
0x4fb: {  	v20 =	vadd.s32 s14, v0  }
0x4fc: {  	v17 =	vadd.f32 v18, v17;
	v18 =	vadd.f32 v19, v21;
	v19 =	vor.u32 v8, v20  }
0x4fd: {  	v21 =	vand.u32 $0x3F, v20  }
0x4fe: {  	v17 =	vadd.f32 v18, v17;
	v18 =	vor.u32 v7, v21;
	_ =	sdelay $0x1  }
0x4ff: {  	s22 =	simm.s32 $0x1;
	[tilespmem:$0x187C0] =	vst v17  }
0x500: {  	v22 =	vadd.s32 s22, v0;
	v21 =	vor.u32 v5, v21;
	v29 =	vld.idx.msk [tilespmem:v19+s4+$0x0], $0xffff  }
0x501: {  	v17 =	vor.u32 v6, v20;
	v20 =	vor.u32 v8, v22;
	v60 =	vld.idx.msk [tilespmem:v19+s5+$0x0], $0xffff  }
0x502: {  	v61 =	vld.idx.msk [tilespmem:v18+s4+$0x0], $0xffff  }
0x503: {  	v28 =	vand.u32 $0x3F, v22;
	v62 =	vld.idx.msk [tilespmem:v18+s5+$0x0], $0xffff  }
0x504: {  	v63 =	vor.u32 v7, v28  }
0x505: {  	s24 =	simm.s32 $0x2;
	v23 =	vld.idx.msk [tilespmem:v21+s5+$0x0], $0xffff  }
0x506: {  	v24 =	vadd.s32 s24, v0;
	v22 =	vor.u32 v6, v22;
	v18 =	vld.idx.msk [tilespmem:v20+s4+$0x0], $0xffff  }
0x507: {  	v27 =	vor.u32 v8, v24;
	v19 =	vld.idx.msk [tilespmem:v20+s5+$0x0], $0xffff  }
0x508: {  	v25 =	vand.u32 $0x3F, v24;
	v26 =	vld.idx.msk [tilespmem:v17+s5+$0x0], $0xffff;
	v31 =	vmul.f32 v60, v29;
	v30 =	vmul.f32 v62, v61  }
0x509: {  	v28 =	vor.u32 v5, v28;
	v20 =	vld.idx.msk [tilespmem:v63+s4+$0x0], $0xffff;
	v32 =	vmul.f32 v60, v61;
	v33 =	vmul.f32 v62, v29  }
0x50a: {  	s14 =	simm.s32 $0x3;
	v21 =	vld.idx.msk [tilespmem:v63+s5+$0x0], $0xffff;
	v17 =	vimm.f32 $0.0e+00;
	v29 =	vor.u32 v7, v25  }
.LBB2_60:
0x50b: {  	p0 =	sne.s32 s14, $0x3F;
	v34 =	vld.idx.msk [tilespmem:v22+s5+$0x0], $0xffff;
	v30 =	vadd.f32 v31, v30;
	v31 =	vsub.f32 v32, v33;
	v33 =	vmov v18  }
0x50c: {  	v38 =	vadd.s32 s14, v0;
	v35 =	vmov v19;
	v18 =	vld.idx.msk [tilespmem:v27+s4+$0x0], $0xffff  }
.Ltmp29:
0x50d: {  	v22 =	vor.u32 v6, v24;
	v19 =	vld.idx.msk [tilespmem:v27+s5+$0x0], $0xffff;
	v36 =	vmul.f32 v30, v23;
	v26 =	vmul.f32 v31, v26;
	(pc) =	sbr.rel @p0 .LBB2_60-.Ltmp29, $4  }
0x50e: {  	v37 =	vand.u32 $0x3F, v38;
	v24 =	vmovc v38;
	v27 =	vor.u32 v8, v38;
	v32 =	vmov v20;
	v23 =	vld.idx.msk [tilespmem:v28+s5+$0x0], $0xffff  }
0x50f: {  	v31 =	vmul.f32 v35, v33;
	v30 =	vmul.f32 v21, v32;
	v20 =	vld.idx.msk [tilespmem:v29+s4+$0x0], $0xffff;
	v36 =	vadd.f32 v26, v36  }
0x510: {  	v28 =	vor.u32 v5, v25;
	v32 =	vmul.f32 v35, v32;
	v33 =	vmul.f32 v21, v33;
	v21 =	vld.idx.msk [tilespmem:v29+s5+$0x0], $0xffff  }
0x511: {  	s14 =	sadd.s32 $0x1, s14;
	v25 =	vmovc v37;
	v29 =	vor.u32 v7, v37;
	v17 =	vadd.f32 v36, v17;
	v26 =	vmov v34  }
0x512: {  	_ =	sdelay $0x3  }
0x513: {  	v34 =	vld.idx.msk [tilespmem:v27+s4+$0x0], $0xffff  }
0x514: {  	v27 =	vld.idx.msk [tilespmem:v27+s5+$0x0], $0xffff  }
0x515: {  	v24 =	vor.u32 v6, v24;
	v35 =	vld.idx.msk [tilespmem:v29+s4+$0x0], $0xffff  }
0x516: {  	v30 =	vadd.f32 v31, v30;
	v31 =	vsub.f32 v32, v33;
	v25 =	vor.u32 v5, v25;
	v29 =	vld.idx.msk [tilespmem:v29+s5+$0x0], $0xffff;
	_ =	sdelay $0x1  }
0x517: {  	v28 =	vld.idx.msk [tilespmem:v28+s5+$0x0], $0xffff;
	v23 =	vmul.f32 v30, v23;
	v26 =	vmul.f32 v31, v26  }
0x518: {  	v22 =	vld.idx.msk [tilespmem:v22+s5+$0x0], $0xffff;
	v31 =	vmul.f32 v19, v18;
	v30 =	vmul.f32 v21, v20  }
0x519: {  	v19 =	vmul.f32 v19, v20;
	v18 =	vmul.f32 v21, v18;
	v20 =	vld.idx.msk [tilespmem:v24+s5+$0x0], $0xffff  }
0x51a: {  	v21 =	vadd.f32 v31, v30;
	v24 =	vld.idx.msk [tilespmem:v25+s5+$0x0], $0xffff;
	v25 =	vmul.f32 v29, v35;
	v30 =	vmul.f32 v27, v34  }
0x51b: {  	v18 =	vsub.f32 v19, v18;
	v19 =	vmul.f32 v27, v35;
	v27 =	vmul.f32 v29, v34  }
0x51c: {  	v23 =	vadd.f32 v26, v23;
	v21 =	vmul.f32 v21, v28  }
0x51d: {  	v18 =	vmul.f32 v18, v22;
	v22 =	vadd.f32 v30, v25;
	v19 =	vsub.f32 v19, v27  }
0x51e: {  	v17 =	vadd.f32 v23, v17  }
0x51f: {  	s14 =	simm.s32 $0x0;
	v18 =	vadd.f32 v18, v21;
	v21 =	vmul.f32 v22, v24;
	v19 =	vmul.f32 v19, v20  }
0x520: {  	v20 =	vadd.s32 s14, v0  }
0x521: {  	v17 =	vadd.f32 v18, v17;
	v18 =	vadd.f32 v19, v21;
	v19 =	vor.u32 v12, v20  }
0x522: {  	v21 =	vand.u32 $0x3F, v20  }
0x523: {  	v17 =	vadd.f32 v18, v17;
	v18 =	vor.u32 v11, v21;
	_ =	sdelay $0x1  }
0x524: {  	s22 =	simm.s32 $0x1;
	[tilespmem:$0x187D0] =	vst v17  }
0x525: {  	v22 =	vadd.s32 s22, v0;
	v21 =	vor.u32 v9, v21;
	v29 =	vld.idx.msk [tilespmem:v19+s4+$0x0], $0xffff  }
0x526: {  	v17 =	vor.u32 v10, v20;
	v20 =	vor.u32 v12, v22;
	v60 =	vld.idx.msk [tilespmem:v19+s5+$0x0], $0xffff  }
0x527: {  	v61 =	vld.idx.msk [tilespmem:v18+s4+$0x0], $0xffff  }
0x528: {  	v28 =	vand.u32 $0x3F, v22;
	v62 =	vld.idx.msk [tilespmem:v18+s5+$0x0], $0xffff  }
0x529: {  	v63 =	vor.u32 v11, v28  }
0x52a: {  	s24 =	simm.s32 $0x2;
	v23 =	vld.idx.msk [tilespmem:v21+s5+$0x0], $0xffff  }
0x52b: {  	v24 =	vadd.s32 s24, v0;
	v22 =	vor.u32 v10, v22;
	v18 =	vld.idx.msk [tilespmem:v20+s4+$0x0], $0xffff  }
0x52c: {  	v27 =	vor.u32 v12, v24;
	v19 =	vld.idx.msk [tilespmem:v20+s5+$0x0], $0xffff  }
0x52d: {  	v25 =	vand.u32 $0x3F, v24;
	v26 =	vld.idx.msk [tilespmem:v17+s5+$0x0], $0xffff;
	v31 =	vmul.f32 v60, v29;
	v30 =	vmul.f32 v62, v61  }
0x52e: {  	v28 =	vor.u32 v9, v28;
	v20 =	vld.idx.msk [tilespmem:v63+s4+$0x0], $0xffff;
	v32 =	vmul.f32 v60, v61;
	v33 =	vmul.f32 v62, v29  }
0x52f: {  	s14 =	simm.s32 $0x3;
	v21 =	vld.idx.msk [tilespmem:v63+s5+$0x0], $0xffff;
	v17 =	vimm.f32 $0.0e+00;
	v29 =	vor.u32 v11, v25  }
.LBB2_62:
0x530: {  	p0 =	sne.s32 s14, $0x3F;
	v34 =	vld.idx.msk [tilespmem:v22+s5+$0x0], $0xffff;
	v30 =	vadd.f32 v31, v30;
	v31 =	vsub.f32 v32, v33;
	v33 =	vmov v18  }
0x531: {  	v38 =	vadd.s32 s14, v0;
	v35 =	vmov v19;
	v18 =	vld.idx.msk [tilespmem:v27+s4+$0x0], $0xffff  }
.Ltmp30:
0x532: {  	v22 =	vor.u32 v10, v24;
	v19 =	vld.idx.msk [tilespmem:v27+s5+$0x0], $0xffff;
	v36 =	vmul.f32 v30, v23;
	v26 =	vmul.f32 v31, v26;
	(pc) =	sbr.rel @p0 .LBB2_62-.Ltmp30, $4  }
0x533: {  	v37 =	vand.u32 $0x3F, v38;
	v24 =	vmovc v38;
	v27 =	vor.u32 v12, v38;
	v32 =	vmov v20;
	v23 =	vld.idx.msk [tilespmem:v28+s5+$0x0], $0xffff  }
0x534: {  	v31 =	vmul.f32 v35, v33;
	v30 =	vmul.f32 v21, v32;
	v20 =	vld.idx.msk [tilespmem:v29+s4+$0x0], $0xffff;
	v36 =	vadd.f32 v26, v36  }
0x535: {  	v28 =	vor.u32 v9, v25;
	v32 =	vmul.f32 v35, v32;
	v33 =	vmul.f32 v21, v33;
	v21 =	vld.idx.msk [tilespmem:v29+s5+$0x0], $0xffff  }
0x536: {  	s14 =	sadd.s32 $0x1, s14;
	v25 =	vmovc v37;
	v29 =	vor.u32 v11, v37;
	v17 =	vadd.f32 v36, v17;
	v26 =	vmov v34  }
0x537: {  	_ =	sdelay $0x3  }
0x538: {  	v34 =	vld.idx.msk [tilespmem:v27+s4+$0x0], $0xffff  }
0x539: {  	v27 =	vld.idx.msk [tilespmem:v27+s5+$0x0], $0xffff  }
0x53a: {  	v24 =	vor.u32 v10, v24;
	v35 =	vld.idx.msk [tilespmem:v29+s4+$0x0], $0xffff  }
0x53b: {  	v30 =	vadd.f32 v31, v30;
	v31 =	vsub.f32 v32, v33;
	v25 =	vor.u32 v9, v25;
	v29 =	vld.idx.msk [tilespmem:v29+s5+$0x0], $0xffff;
	_ =	sdelay $0x1  }
0x53c: {  	v28 =	vld.idx.msk [tilespmem:v28+s5+$0x0], $0xffff;
	v23 =	vmul.f32 v30, v23;
	v26 =	vmul.f32 v31, v26  }
0x53d: {  	v22 =	vld.idx.msk [tilespmem:v22+s5+$0x0], $0xffff;
	v31 =	vmul.f32 v19, v18;
	v30 =	vmul.f32 v21, v20  }
0x53e: {  	v19 =	vmul.f32 v19, v20;
	v18 =	vmul.f32 v21, v18;
	v20 =	vld.idx.msk [tilespmem:v24+s5+$0x0], $0xffff  }
0x53f: {  	v21 =	vadd.f32 v31, v30;
	v24 =	vld.idx.msk [tilespmem:v25+s5+$0x0], $0xffff;
	v25 =	vmul.f32 v29, v35;
	v30 =	vmul.f32 v27, v34  }
0x540: {  	v18 =	vsub.f32 v19, v18;
	v19 =	vmul.f32 v27, v35;
	v27 =	vmul.f32 v29, v34  }
0x541: {  	v23 =	vadd.f32 v26, v23;
	v21 =	vmul.f32 v21, v28  }
0x542: {  	v18 =	vmul.f32 v18, v22;
	v22 =	vadd.f32 v30, v25;
	v19 =	vsub.f32 v19, v27  }
0x543: {  	v17 =	vadd.f32 v23, v17  }
0x544: {  	s14 =	simm.s32 $0x0;
	v18 =	vadd.f32 v18, v21;
	v21 =	vmul.f32 v22, v24;
	v19 =	vmul.f32 v19, v20  }
0x545: {  	v20 =	vadd.s32 s14, v0  }
0x546: {  	v17 =	vadd.f32 v18, v17;
	v18 =	vadd.f32 v19, v21;
	v19 =	vor.u32 v16, v20  }
0x547: {  	v21 =	vand.u32 $0x3F, v20  }
0x548: {  	v17 =	vadd.f32 v18, v17;
	v18 =	vor.u32 v15, v21;
	_ =	sdelay $0x1  }
0x549: {  	s22 =	simm.s32 $0x1;
	[tilespmem:$0x187E0] =	vst v17  }
0x54a: {  	v22 =	vadd.s32 s22, v0;
	v21 =	vor.u32 v13, v21;
	v29 =	vld.idx.msk [tilespmem:v19+s4+$0x0], $0xffff  }
0x54b: {  	v17 =	vor.u32 v14, v20;
	v20 =	vor.u32 v16, v22;
	v60 =	vld.idx.msk [tilespmem:v19+s5+$0x0], $0xffff  }
0x54c: {  	v61 =	vld.idx.msk [tilespmem:v18+s4+$0x0], $0xffff  }
0x54d: {  	v28 =	vand.u32 $0x3F, v22;
	v62 =	vld.idx.msk [tilespmem:v18+s5+$0x0], $0xffff  }
0x54e: {  	v63 =	vor.u32 v15, v28  }
0x54f: {  	s24 =	simm.s32 $0x2;
	v23 =	vld.idx.msk [tilespmem:v21+s5+$0x0], $0xffff  }
0x550: {  	v24 =	vadd.s32 s24, v0;
	v22 =	vor.u32 v14, v22;
	v18 =	vld.idx.msk [tilespmem:v20+s4+$0x0], $0xffff  }
0x551: {  	v27 =	vor.u32 v16, v24;
	v19 =	vld.idx.msk [tilespmem:v20+s5+$0x0], $0xffff  }
0x552: {  	v25 =	vand.u32 $0x3F, v24;
	v26 =	vld.idx.msk [tilespmem:v17+s5+$0x0], $0xffff;
	v31 =	vmul.f32 v60, v29;
	v30 =	vmul.f32 v62, v61  }
0x553: {  	v28 =	vor.u32 v13, v28;
	v20 =	vld.idx.msk [tilespmem:v63+s4+$0x0], $0xffff;
	v32 =	vmul.f32 v60, v61;
	v33 =	vmul.f32 v62, v29  }
0x554: {  	s14 =	simm.s32 $0x3;
	v21 =	vld.idx.msk [tilespmem:v63+s5+$0x0], $0xffff;
	v17 =	vimm.f32 $0.0e+00;
	v29 =	vor.u32 v15, v25  }
.LBB2_64:
0x555: {  	p0 =	sne.s32 s14, $0x3F;
	v34 =	vld.idx.msk [tilespmem:v22+s5+$0x0], $0xffff;
	v30 =	vadd.f32 v31, v30;
	v31 =	vsub.f32 v32, v33;
	v33 =	vmov v18  }
0x556: {  	v38 =	vadd.s32 s14, v0;
	v35 =	vmov v19;
	v18 =	vld.idx.msk [tilespmem:v27+s4+$0x0], $0xffff  }
.Ltmp31:
0x557: {  	v22 =	vor.u32 v14, v24;
	v19 =	vld.idx.msk [tilespmem:v27+s5+$0x0], $0xffff;
	v36 =	vmul.f32 v30, v23;
	v26 =	vmul.f32 v31, v26;
	(pc) =	sbr.rel @p0 .LBB2_64-.Ltmp31, $4  }
0x558: {  	v37 =	vand.u32 $0x3F, v38;
	v24 =	vmovc v38;
	v27 =	vor.u32 v16, v38;
	v32 =	vmov v20;
	v23 =	vld.idx.msk [tilespmem:v28+s5+$0x0], $0xffff  }
0x559: {  	v31 =	vmul.f32 v35, v33;
	v30 =	vmul.f32 v21, v32;
	v20 =	vld.idx.msk [tilespmem:v29+s4+$0x0], $0xffff;
	v36 =	vadd.f32 v26, v36  }
0x55a: {  	v28 =	vor.u32 v13, v25;
	v32 =	vmul.f32 v35, v32;
	v33 =	vmul.f32 v21, v33;
	v21 =	vld.idx.msk [tilespmem:v29+s5+$0x0], $0xffff  }
0x55b: {  	s14 =	sadd.s32 $0x1, s14;
	v25 =	vmovc v37;
	v29 =	vor.u32 v15, v37;
	v17 =	vadd.f32 v36, v17;
	v26 =	vmov v34  }
0x55c: {  	_ =	sdelay $0x3  }
0x55d: {  	v34 =	vld.idx.msk [tilespmem:v27+s4+$0x0], $0xffff  }
0x55e: {  	v51 =	vld.idx.msk [tilespmem:v27+s5+$0x0], $0xffff  }
0x55f: {  	v24 =	vor.u32 v14, v24;
	v35 =	vld.idx.msk [tilespmem:v29+s4+$0x0], $0xffff  }
0x560: {  	v30 =	vadd.f32 v31, v30;
	v25 =	vor.u32 v13, v25;
	v53 =	vld.idx.msk [tilespmem:v29+s5+$0x0], $0xffff  }
0x561: {  	v52 =	vsub.f32 v32, v33  }
0x562: {  	v28 =	vld.idx.msk [tilespmem:v28+s5+$0x0], $0xffff;
	v55 =	vmul.f32 v19, v18;
	v23 =	vmul.f32 v30, v23  }
0x563: {  	v22 =	vld.idx.msk [tilespmem:v22+s5+$0x0], $0xffff;
	v26 =	vmul.f32 v52, v26;
	v54 =	vmul.f32 v21, v20  }
0x564: {  	v19 =	vmul.f32 v19, v20;
	v18 =	vmul.f32 v21, v18;
	v56 =	vld.idx.msk [tilespmem:v24+s5+$0x0], $0xffff  }
0x565: {  	v57 =	vadd.f32 v55, v54;
	v58 =	vld.idx.msk [tilespmem:v25+s5+$0x0], $0xffff;
	v59 =	vmul.f32 v53, v35;
	v60 =	vmul.f32 v51, v34  }
0x566: {  	v18 =	vsub.f32 v19, v18;
	v19 =	vmul.f32 v51, v35;
	v61 =	vmul.f32 v53, v34  }
0x567: {  	v23 =	vadd.f32 v26, v23;
	v21 =	vmul.f32 v57, v28  }
0x568: {  	v18 =	vmul.f32 v18, v22;
	v62 =	vadd.f32 v60, v59;
	v19 =	vsub.f32 v19, v61  }
0x569: {  	v17 =	vadd.f32 v23, v17  }
0x56a: {  	v18 =	vadd.f32 v18, v21;
	v63 =	vmul.f32 v62, v58;
	v19 =	vmul.f32 v19, v56;
	_ =	sdelay $0x1  }
0x56b: {  	v17 =	vadd.f32 v18, v17;
	v18 =	vadd.f32 v19, v63;
	_ =	sdelay $0x1  }
0x56c: {  	s13 =	sadd.s32 $0x1, s13;
	v17 =	vadd.f32 v18, v17  }
0x56d: {  	p0 =	sne.s32 s13, s26  }
.Ltmp32:
0x56e: {  	s14 =	simm.s32 $0x18600;
	[tilespmem:$0x187F0] =	vst v17;
	(pc) =	sbr.rel @p0 .LBB2_1-.Ltmp32, $4  }
0x56f: {  	[hbm4b:s25+s3] =	stream.linear.scatter [tilespmem:s14], [sflag:$0x8], $0x200, $0x38;
	[tilespmem:$0x18800] =	vst v63  }
0x570: {  	_ =	swait.ge [sflag:s12], $0x200  }
0x571: {  	[sflag:s12] =	ssyncset.done $0x0  }
0x572: {  	[sflag:s12] =	ssyncadd.s32 $0xFFFFFE00  }
0x573: {  	_ =	sfence.sel $0x180000  }
0x574: {  	[bflag:$0x0] =	sbarrier.arrive $0xFFFF  }
0x575: {  	_ =	strace $0x90000047  }
0x576: {  	s0 =	stileid.u32;
	[bflag:$0x2] =	sbarrier.arrive $0xFFFF  }
0x577: {  	p0 =	sne.s32 s0, $0x0;
	s0 =	rddreg [dreg:$0x6]  }
0x578: {  	s0 =	sadd.s32 @!p0 $0x100000, s0  }
0x579: {  	[sflag:s0] =	ssyncadd.tile.s32 @!p0 $0x1;
	_ =	shalt  }
.Lfunc_end2:
_tile_overlayer_lowered:
.L_overlay_start_2:
0x57a: {  	(tag) =	ssettag $0x2  }
0x57b: {  	s0 =	rddreg [dreg:$0x0];
	s2 =	stileid.u32  }
0x57c: {  	s1 =	rddreg [dreg:$0x1];
	p0 =	sne.s32 s2, $0x0  }
0x57d: {  	s3 =	rddreg [dreg:$0x2];
	[bflag:$0x3] =	sbarrier.arrive $0xFFFF;
	s2 =	simm.s32 @!p0 $0x1C08  }
0x57e: {  	[timem:s3], [sflag:s2] =	dma.local @!p0 [hbm:s0], s1  }
0x57f: {  	s0 =	simm.s32 @!p0 $0x8  }
0x580: {  	_ =	swait.ge @!p0 [sflag:s0], s1  }
0x581: {  	s1 =	ssub.s32 @!p0 $0x0, s1;
	[sflag:s0] =	ssyncset.done @!p0 $0x0  }
0x582: {  	[sflag:s0] =	ssyncadd.s32 @!p0 s1  }
0x583: {  	[bflag:$0x3] =	sbarrier.arrive $0xFFFF  }
0x584: {  	_ =	shalt  }

</sc_bundles>
